<compile_context>
chip_gen: v7x
topology: tpu7x:2x2x1
jax: 0.10.2.dev20260603
libtpu: 0.0.44.dev20260713+nightly
codegen_flags: <defaults>
</compile_context>

<pallas_src>
import functools

import jax
import jax.numpy as jnp
from jax import lax
from jax.experimental import pallas as pl
from jax.experimental.pallas import tpu as pltpu
from jax.experimental.pallas import tpu_sc as plsc

NC = 2
NS = 16


def _mesh():
    return plsc.VectorSubcoreMesh(core_axis_name="c", subcore_axis_name="s")


def _sc_degrees(src, dst, zeros1d):
    e = src.shape[0]
    n = zeros1d.shape[0]
    per_tile = e // (NC * NS)

    @functools.partial(
        pl.kernel,
        mesh=_mesh(),
        compiler_params=pltpu.CompilerParams(needs_layout_passes=False),
        out_type=(
            jax.ShapeDtypeStruct((NC * NS * n,), jnp.float32),
            jax.ShapeDtypeStruct((NC * NS * n,), jnp.float32),
        ),
        scratch_types=[
            pltpu.VMEM((e // (NC * NS),), jnp.int32),
            pltpu.VMEM((e // (NC * NS),), jnp.int32),
            pltpu.VMEM((n,), jnp.float32),
            pltpu.VMEM((n,), jnp.float32),
        ],
    )
    def deg_kernel(src_hbm, dst_hbm, z_hbm, outa_hbm, outb_hbm,
                   idx_s, idx_d, ha, hb):
        cid = lax.axis_index("c")
        sid = lax.axis_index("s")
        wid = cid * NS + sid
        pltpu.sync_copy(z_hbm, ha)
        pltpu.sync_copy(z_hbm, hb)
        base = wid * per_tile
        ones = jnp.full((16,), 1.0, jnp.float32)

        pltpu.sync_copy(src_hbm.at[pl.ds(base, per_tile)], idx_s)
        pltpu.sync_copy(dst_hbm.at[pl.ds(base, per_tile)], idx_d)

        def body(j, carry):
            plsc.addupdate_scatter(ha, [idx_s[pl.ds(j * 16, 16)]], ones)
            plsc.addupdate_scatter(hb, [idx_d[pl.ds(j * 16, 16)]], ones)
            return carry

        lax.fori_loop(0, per_tile // 16, body, 0)
        pltpu.sync_copy(ha, outa_hbm.at[pl.ds(wid * n, n)])
        pltpu.sync_copy(hb, outb_hbm.at[pl.ds(wid * n, n)])

    return deg_kernel(src, dst, zeros1d)


def _sc_gather_scatter(table, src_flat, dst3, zeros128):
    nw, steps, chunk = dst3.shape
    pt = steps * chunk
    n, d = zeros128.shape
    s0 = (n // (8 * NS)) * 8
    tail = n - NS * s0
    assert steps % 2 == 0

    @functools.partial(
        pl.kernel,
        mesh=_mesh(),
        out_type=jax.ShapeDtypeStruct((NC, n, d), jnp.float32),
        scratch_types=[
            pltpu.VMEM((pt,), jnp.int32),
            pltpu.VMEM((steps, chunk), jnp.int32),
            pltpu.VMEM((chunk, d), jnp.float32),
            pltpu.VMEM((chunk, d), jnp.float32),
            pltpu.SemaphoreType.DMA,
            pltpu.SemaphoreType.DMA,
            pltpu.VMEM_SHARED((n, d), jnp.float32),
        ],
    )
    def gs_kernel(tab_hbm, src_hbm, dst_hbm, z_hbm, out_hbm,
                  idx_s, idx_d, r0, r1, sem0, sem1, acc):
        cid = lax.axis_index("c")
        sid = lax.axis_index("s")
        wid = cid * NS + sid

        def each_stripe(fn):
            fn(pl.ds(sid * s0, s0))
            if tail:
                @pl.when(sid == NS - 1)
                def _():
                    fn(pl.ds(NS * s0, tail))

        each_stripe(lambda st: pltpu.sync_copy(z_hbm.at[st], acc.at[st]))
        pltpu.sync_copy(src_hbm.at[pl.ds(wid * pt, pt)], idx_s)
        pltpu.sync_copy(dst_hbm.at[wid], idx_d)
        plsc.subcore_barrier()

        def start(j, rb, sem):
            pltpu.async_copy(tab_hbm.at[idx_s.at[pl.ds(j * chunk, chunk)]], rb, sem)

        def drain(j, rb, sem):
            pltpu.make_async_copy(
                tab_hbm.at[idx_s.at[pl.ds(j * chunk, chunk)]], rb, sem).wait()

        start(0, r0, sem0)

        def body(jj, carry):
            j0 = 2 * jj
            j1 = j0 + 1
            start(j1, r1, sem1)
            drain(j0, r0, sem0)
            pltpu.sync_copy(r0, acc.at[idx_d.at[j0]], add=True)
            start(j0 + 2, r0, sem0)
            drain(j1, r1, sem1)
            pltpu.sync_copy(r1, acc.at[idx_d.at[j1]], add=True)
            return carry

        lax.fori_loop(0, steps // 2 - 1, body, 0)
        start(steps - 1, r1, sem1)
        drain(steps - 2, r0, sem0)
        pltpu.sync_copy(r0, acc.at[idx_d.at[steps - 2]], add=True)
        drain(steps - 1, r1, sem1)
        pltpu.sync_copy(r1, acc.at[idx_d.at[steps - 1]], add=True)

        plsc.subcore_barrier()
        each_stripe(
            lambda st: pltpu.sync_copy(acc.at[st], out_hbm.at[cid].at[st]))

    return gs_kernel(table, src_flat, dst3, zeros128)


def _sc_edge_dots(hn, src_flat, dst_flat, steps, chunk):
    pt = steps * chunk
    e_pad = NC * NS * pt
    n8, d = hn.shape
    nsub = d // 16
    rows_per_chunk = chunk // 8
    s0s = (n8 // (8 * NS)) * 8
    tail = n8 - NS * s0s
    assert steps % 2 == 0 and chunk % 16 == 0

    @functools.partial(
        pl.kernel,
        mesh=_mesh(),
        compiler_params=pltpu.CompilerParams(needs_layout_passes=False),
        out_type=jax.ShapeDtypeStruct((e_pad // 8, 128), jnp.float32),
        scratch_types=[
            pltpu.VMEM((pt,), jnp.int32),
            pltpu.VMEM((pt,), jnp.int32),
            pltpu.VMEM((chunk, d), jnp.float32),
            pltpu.VMEM((chunk, d), jnp.float32),
            pltpu.VMEM((chunk, d), jnp.float32),
            pltpu.VMEM((chunk, d), jnp.float32),
            pltpu.VMEM((2 * rows_per_chunk, 128), jnp.float32),
            pltpu.SemaphoreType.DMA,
            pltpu.SemaphoreType.DMA,
            pltpu.VMEM_SHARED((n8, d), jnp.float32),
        ],
    )
    def dot_kernel(hn_hbm, src_hbm, dst_hbm, out_hbm,
                   idx_s, idx_d, s0b, d0b, s1b, d1b, res2, sem0, sem1, tab_s):
        cid = lax.axis_index("c")
        sid = lax.axis_index("s")
        wid = cid * NS + sid
        base = wid * pt
        row_base = wid * (pt // 8)
        st = pl.ds(sid * s0s, s0s)
        pltpu.sync_copy(hn_hbm.at[st], tab_s.at[st])
        if tail:
            @pl.when(sid == NS - 1)
            def _():
                st2 = pl.ds(NS * s0s, tail)
                pltpu.sync_copy(hn_hbm.at[st2], tab_s.at[st2])
        pltpu.sync_copy(src_hbm.at[pl.ds(base, pt)], idx_s)
        pltpu.sync_copy(dst_hbm.at[pl.ds(base, pt)], idx_d)
        plsc.subcore_barrier()

        def start(j, sb, db, sem):
            sl = pl.ds(j * chunk, chunk)
            pltpu.async_copy(tab_s.at[idx_s.at[sl]], sb, sem)
            pltpu.async_copy(tab_s.at[idx_d.at[sl]], db, sem)

        def drain(j, sb, db, sem):
            sl = pl.ds(j * chunk, chunk)
            pltpu.make_async_copy(tab_s.at[idx_s.at[sl]], sb, sem).wait()
            pltpu.make_async_copy(tab_s.at[idx_d.at[sl]], db, sem).wait()

        def compute(parity, sb, db):
            def block(g8, c2):
                row = parity * rows_per_chunk + g8
                for u in range(8):
                    ei = g8 * 8 + u
                    ta = sb[ei, pl.ds(0, 16)] * db[ei, pl.ds(0, 16)]
                    tb = sb[ei, pl.ds(16, 16)] * db[ei, pl.ds(16, 16)]
                    for k in range(2, nsub, 2):
                        ta = ta + sb[ei, pl.ds(16 * k, 16)] * db[ei, pl.ds(16 * k, 16)]
                        tb = tb + sb[ei, pl.ds(16 * (k + 1), 16)] * db[ei, pl.ds(16 * (k + 1), 16)]
                    res2[row, pl.ds(u * 16, 16)] = ta + tb
                return c2

            lax.fori_loop(0, rows_per_chunk, block, 0)

        def flush(jj):
            pltpu.sync_copy(
                res2,
                out_hbm.at[pl.ds(row_base + jj * 2 * rows_per_chunk,
                                 2 * rows_per_chunk)])

        start(0, s0b, d0b, sem0)

        def body(jj, carry):
            j0 = 2 * jj
            j1 = j0 + 1
            start(j1, s1b, d1b, sem1)
            drain(j0, s0b, d0b, sem0)
            compute(0, s0b, d0b)
            start(j0 + 2, s0b, d0b, sem0)
            drain(j1, s1b, d1b, sem1)
            compute(1, s1b, d1b)
            flush(jj)
            return carry

        lax.fori_loop(0, steps // 2 - 1, body, 0)
        start(steps - 1, s1b, d1b, sem1)
        drain(steps - 2, s0b, d0b, sem0)
        compute(0, s0b, d0b)
        drain(steps - 1, s1b, d1b, sem1)
        compute(1, s1b, d1b)
        flush(steps // 2 - 1)

    return dot_kernel(hn, src_flat, dst_flat)


def _tc_scale_src(x, hsT, hdT):
    n, d = x.shape

    def f(x_ref, hs_ref, hd_ref, o_ref, ns_ref, nd_ref):
        ns = lax.rsqrt(jnp.maximum(jnp.sum(hs_ref[...], axis=1, keepdims=True), 1.0))
        nd = lax.rsqrt(jnp.maximum(jnp.sum(hd_ref[...], axis=1, keepdims=True), 1.0))
        ns_ref[...] = ns
        nd_ref[...] = nd
        o_ref[:n, :] = x_ref[...] * ns
        o_ref[n:, :] = jnp.zeros((8, d), jnp.float32)

    return pl.pallas_call(
        f,
        out_shape=(
            jax.ShapeDtypeStruct((n + 8, d), jnp.float32),
            jax.ShapeDtypeStruct((n, 1), jnp.float32),
            jax.ShapeDtypeStruct((n, 1), jnp.float32),
        ),
    )(x, hsT, hdT)


def _tc_combine_mid(p0, p1, nd_col, ns_col, W, b):
    n, d = p0.shape

    def f(p0_ref, p1_ref, nd_ref, ns_ref, w_ref, b_ref, o_ref):
        agg = (p0_ref[...] + p1_ref[...]) * nd_ref[...]
        h = jnp.dot(agg, w_ref[...], preferred_element_type=jnp.float32) + b_ref[...]
        o_ref[:n, :] = h * ns_ref[...]
        o_ref[n:, :] = jnp.zeros((8, d), jnp.float32)

    return pl.pallas_call(
        f, out_shape=jax.ShapeDtypeStruct((n + 8, d), jnp.float32)
    )(p0, p1, nd_col, ns_col, W, b)


def _tc_combine_final(q0, q1, nd_col, W, b):
    n, d = q0.shape

    def f(q0_ref, q1_ref, nd_ref, w_ref, b_ref, o_ref):
        agg = (q0_ref[...] + q1_ref[...]) * nd_ref[...]
        h = jnp.dot(agg, w_ref[...], preferred_element_type=jnp.float32) + b_ref[...]
        nrm = jnp.sqrt(jnp.sum(h * h, axis=1, keepdims=True))
        o_ref[:n, :] = h / jnp.maximum(nrm, 1e-8)
        o_ref[n:, :] = jnp.zeros((8, d), jnp.float32)

    return pl.pallas_call(
        f, out_shape=jax.ShapeDtypeStruct((n + 8, d), jnp.float32)
    )(q0, q1, nd_col, W, b)


def _tc_pack_reduce(part_rows, sel):
    def f(p_ref, s_ref, o_ref):
        o_ref[...] = jnp.dot(p_ref[...], s_ref[...],
                             preferred_element_type=jnp.float32)

    r = part_rows.shape[0]
    return pl.pallas_call(
        f, out_shape=jax.ShapeDtypeStruct((r, 8), jnp.float32)
    )(part_rows, sel)


def kernel(x, edge_index, W1, b1, W2, b2):
    n, d = x.shape
    src = edge_index[0].astype(jnp.int32)
    dst = edge_index[1].astype(jnp.int32)
    e = src.shape[0]
    nw = NC * NS
    pt = e // nw
    ch = 96
    steps = -(-pt // ch)
    if steps % 2:
        steps += 1
    pt_pad = steps * ch
    pad = pt_pad - pt
    src2 = src.reshape(nw, pt)
    dst2 = dst.reshape(nw, pt)
    src_flat = jnp.pad(src2, ((0, 0), (0, pad)), constant_values=n).reshape(-1)
    dst_flat = jnp.pad(dst2, ((0, 0), (0, pad))).reshape(-1)
    dst3 = jnp.pad(dst2, ((0, 0), (0, pad))).reshape(nw, steps, ch)

    zeros1d = jnp.zeros((n,), jnp.float32)
    zeros128 = jnp.zeros((n, d), jnp.float32)
    b1r = b1.reshape(1, d)
    b2r = b2.reshape(1, d)

    hs_flat, hd_flat = _sc_degrees(src, dst, zeros1d)
    xs_pad, ns_col, nd_col = _tc_scale_src(
        x, hs_flat.reshape(NC * NS, n).T, hd_flat.reshape(NC * NS, n).T)

    p = _sc_gather_scatter(xs_pad, src_flat, dst3, zeros128)
    h1s_pad = _tc_combine_mid(p[0], p[1], nd_col, ns_col, W1, b1r)

    q = _sc_gather_scatter(h1s_pad, src_flat, dst3, zeros128)
    hn_pad = _tc_combine_final(q[0], q[1], nd_col, W2, b2r)

    ch_d = 32
    steps_d = -(-pt // ch_d)
    if steps_d % 2:
        steps_d += 1
    ptd_pad = steps_d * ch_d
    pad_d = ptd_pad - pt
    srcd_flat = jnp.pad(src2, ((0, 0), (0, pad_d))).reshape(-1)
    dstd_flat = jnp.pad(dst2, ((0, 0), (0, pad_d))).reshape(-1)
    part_rows = _sc_edge_dots(hn_pad, srcd_flat, dstd_flat, steps_d, ch_d)
    sel = (jnp.arange(128)[:, None] // 16 == jnp.arange(8)[None, :]).astype(
        jnp.float32)
    dots8 = _tc_pack_reduce(part_rows, sel)
    return dots8.reshape(nw, ptd_pad)[:, :pt].reshape(-1)

# --- scband reference (transcript-rebuilt; emitter-appended) ---
"""Pipeline reference for scband-net-43851616092221 (READ-ONLY COPY).

The authoritative reference and input builder live on the scoring server;
editing this copy changes nothing except your own understanding.
"""

import jax, jax.numpy as jnp
import numpy as np

N_NODES = 10000
N_EDGES = 320000
IN_DIM = 128
HID_DIM = 128


def setup_inputs(seed: int = 0) -> dict:
    key = jax.random.key(seed)
    k1, k2, k3, k4, k5, k6 = jax.random.split(key, 6)
    x = jax.random.normal(k1, (N_NODES, IN_DIM), dtype=jnp.float32)
    edge_index = jax.random.randint(k2, (2, N_EDGES), 0, N_NODES, dtype=jnp.int64)
    W1 = jax.random.normal(k3, (IN_DIM, HID_DIM), dtype=jnp.float32) * (1.0 / np.sqrt(IN_DIM))
    b1 = jnp.zeros((HID_DIM,), dtype=jnp.float32)
    W2 = jax.random.normal(k4, (HID_DIM, HID_DIM), dtype=jnp.float32) * (1.0 / np.sqrt(HID_DIM))
    b2 = jnp.zeros((HID_DIM,), dtype=jnp.float32)
    return {"x": x, "edge_index": edge_index, "W1": W1, "b1": b1, "W2": W2, "b2": b2}


def _graph_conv(h, src, dst, W, b, n_nodes):
    # DGL GraphConv, norm='both': D_dst^{-1/2} A D_src^{-1/2} H W + b
    e = src.shape[0]
    ones = jnp.ones((e,), dtype=h.dtype)
    deg_out = jax.ops.segment_sum(ones, src, num_segments=n_nodes)
    deg_in = jax.ops.segment_sum(ones, dst, num_segments=n_nodes)
    norm_src = jnp.power(jnp.clip(deg_out, 1.0, None), -0.5)
    norm_dst = jnp.power(jnp.clip(deg_in, 1.0, None), -0.5)
    h = h * norm_src[:, None]
    msgs = jnp.take(h, src, axis=0)
    agg = jax.ops.segment_sum(msgs, dst, num_segments=n_nodes)
    agg = agg * norm_dst[:, None]
    return agg @ W + b


def reference(x, edge_index, W1, b1, W2, b2):
    src = edge_index[0]
    dst = edge_index[1]
    n_nodes = x.shape[0]
    h = _graph_conv(x, src, dst, W1, b1, n_nodes)
    h = _graph_conv(h, src, dst, W2, b2, n_nodes)
    # calc_score: cosine similarity between h[src] and h[dst] over all edges
    s = jnp.take(h, src, axis=0)
    d = jnp.take(h, dst, axis=0)
    eps = 1e-8
    num = jnp.sum(s * d, axis=1)
    ns = jnp.maximum(jnp.linalg.norm(s, axis=1), eps)
    nd = jnp.maximum(jnp.linalg.norm(d, axis=1), eps)
    return num / (ns * nd)

if __name__ == "__main__":
    import jax
    _d = setup_inputs()
    print(jax.jit(kernel)(*tuple(_d.values())))

</pallas_src>

<mosaic_0001>
#map = affine_map<(d0, d1) -> (0, 0)>
#map1 = affine_map<(d0, d1) -> (0)>
#map2 = affine_map<(d0, d1) -> (0, 0, 0)>
module attributes {stable_mosaic.version = 14 : i64} {
  func.func @gs_kernel(%arg0: i32, %arg1: i32, %arg2: memref<10008x128xf32, #tpu.memory_space<hbm>>, %arg3: memref<325632xi32, #tpu.memory_space<hbm>>, %arg4: memref<32x106x96xi32, #tpu.memory_space<hbm>>, %arg5: memref<10000x128xf32, #tpu.memory_space<hbm>>, %arg6: memref<2x10000x128xf32, #tpu.memory_space<hbm>>, %arg7: memref<10176xi32, #tpu.memory_space<vmem>>, %arg8: memref<106x96xi32, #tpu.memory_space<vmem>>, %arg9: memref<96x128xf32, #tpu.memory_space<vmem>>, %arg10: memref<96x128xf32, #tpu.memory_space<vmem>>, %arg11: memref<!tpu.dma_semaphore, #tpu.memory_space<semaphore_mem>>, %arg12: memref<!tpu.dma_semaphore, #tpu.memory_space<semaphore_mem>>, %arg13: memref<10000x128xf32, #tpu.memory_space<vmem_shared>>) attributes {dimension_semantics = [#tpu.dimension_semantics<core_parallel>, #tpu.dimension_semantics<subcore_parallel>], iteration_bounds = array<i64: 2, 16>, scalar_prefetch = 0 : i64, scratch_operands = 7 : i64, tpu.core_type = #tpu.core_type<sc_vector_subcore>, window_params = [{transform_indices = #map}, {transform_indices = #map1}, {transform_indices = #map2}, {transform_indices = #map}, {transform_indices = #map2}]} {
    %mul3A = arith.constant 16 : i32
    %mul3A_0 = arith.muli %arg0, %mul3A : i32
    %add3A = arith.addi %mul3A_0, %arg1 : i32
    %mul3A_1 = arith.constant 624 : i32
    %mul3A_2 = arith.muli %arg1, %mul3A_1 : i32
    "tpu.region"() ({
      %run_scoped3A_39 = tpu.sem_alloc : memref<!tpu.dma_semaphore, #tpu.memory_space<semaphore_mem>>
      %dma_start3A_40 = arith.constant 0 : i32
      %dma_start3A_41 = tpu.memref_slice %arg13[%mul3A_2, %dma_start3A_40] : memref<10000x128xf32, #tpu.memory_space<vmem_shared>> -> memref<624x128xf32, #tpu.memory_space<vmem_shared>>
      %dma_start3A_42 = arith.constant 0 : i32
      %dma_start3A_43 = tpu.memref_slice %arg5[%mul3A_2, %dma_start3A_42] : memref<10000x128xf32, #tpu.memory_space<hbm>> -> memref<624x128xf32, #tpu.memory_space<hbm>>
      tpu.enqueue_dma source(%dma_start3A_43 : memref<624x128xf32, #tpu.memory_space<hbm>>) target(%dma_start3A_41 : memref<624x128xf32, #tpu.memory_space<vmem_shared>>) target_semaphore(%run_scoped3A_39 : memref<!tpu.dma_semaphore, #tpu.memory_space<semaphore_mem>>)
      %dma_wait3A_44 = arith.constant 0 : i32
      %dma_wait3A_45 = tpu.memref_slice %arg13[%mul3A_2, %dma_wait3A_44] : memref<10000x128xf32, #tpu.memory_space<vmem_shared>> -> memref<624x128xf32, #tpu.memory_space<vmem_shared>>
      %dma_wait3A_46 = arith.constant 0 : i32
      %dma_wait3A_47 = tpu.memref_slice %arg5[%mul3A_2, %dma_wait3A_46] : memref<10000x128xf32, #tpu.memory_space<hbm>> -> memref<624x128xf32, #tpu.memory_space<hbm>>
      tpu.wait_dma2 semaphore(%run_scoped3A_39 : memref<!tpu.dma_semaphore, #tpu.memory_space<semaphore_mem>>) src(%dma_wait3A_47 : memref<624x128xf32, #tpu.memory_space<hbm>>) dst(%dma_wait3A_45 : memref<624x128xf32, #tpu.memory_space<vmem_shared>>)
      tpu.yield
    }) : () -> ()
    %eq3A = arith.constant 15 : i32
    %eq3A_3 = arith.cmpi eq, %arg1, %eq3A : i32
    %convert_element_type3A = arith.extui %eq3A_3 : i1 to i32
    %cond3A = arith.constant 0 : i32
    %cond3A_4 = arith.cmpi ne, %convert_element_type3A, %cond3A : i32
    scf.if %cond3A_4 {
      "tpu.region"() ({
        %run_scoped3A_39 = tpu.sem_alloc : memref<!tpu.dma_semaphore, #tpu.memory_space<semaphore_mem>>
        %dma_start3A_40 = arith.constant 9984 : i32
        %dma_start3A_41 = arith.constant 0 : i32
        %dma_start3A_42 = tpu.memref_slice %arg13[%dma_start3A_40, %dma_start3A_41] : memref<10000x128xf32, #tpu.memory_space<vmem_shared>> -> memref<16x128xf32, #tpu.memory_space<vmem_shared>>
        %dma_start3A_43 = arith.constant 9984 : i32
        %dma_start3A_44 = arith.constant 0 : i32
        %dma_start3A_45 = tpu.memref_slice %arg5[%dma_start3A_43, %dma_start3A_44] : memref<10000x128xf32, #tpu.memory_space<hbm>> -> memref<16x128xf32, #tpu.memory_space<hbm>>
        tpu.enqueue_dma source(%dma_start3A_45 : memref<16x128xf32, #tpu.memory_space<hbm>>) target(%dma_start3A_42 : memref<16x128xf32, #tpu.memory_space<vmem_shared>>) target_semaphore(%run_scoped3A_39 : memref<!tpu.dma_semaphore, #tpu.memory_space<semaphore_mem>>)
        %dma_wait3A_46 = arith.constant 9984 : i32
        %dma_wait3A_47 = arith.constant 0 : i32
        %dma_wait3A_48 = tpu.memref_slice %arg13[%dma_wait3A_46, %dma_wait3A_47] : memref<10000x128xf32, #tpu.memory_space<vmem_shared>> -> memref<16x128xf32, #tpu.memory_space<vmem_shared>>
        %dma_wait3A_49 = arith.constant 9984 : i32
        %dma_wait3A_50 = arith.constant 0 : i32
        %dma_wait3A_51 = tpu.memref_slice %arg5[%dma_wait3A_49, %dma_wait3A_50] : memref<10000x128xf32, #tpu.memory_space<hbm>> -> memref<16x128xf32, #tpu.memory_space<hbm>>
        tpu.wait_dma2 semaphore(%run_scoped3A_39 : memref<!tpu.dma_semaphore, #tpu.memory_space<semaphore_mem>>) src(%dma_wait3A_51 : memref<16x128xf32, #tpu.memory_space<hbm>>) dst(%dma_wait3A_48 : memref<16x128xf32, #tpu.memory_space<vmem_shared>>)
        tpu.yield
      }) : () -> ()
    } else {
    }
    %mul3A_5 = arith.constant 10176 : i32
    %mul3A_6 = arith.muli %add3A, %mul3A_5 : i32
    "tpu.region"() ({
      %run_scoped3A_39 = tpu.sem_alloc : memref<!tpu.dma_semaphore, #tpu.memory_space<semaphore_mem>>
      %dma_start3A_40 = tpu.memref_slice %arg3[%mul3A_6] : memref<325632xi32, #tpu.memory_space<hbm>> -> memref<10176xi32, #tpu.memory_space<hbm>>
      %dma_start3A_41 = tpu.memref_slice %arg3[%mul3A_6] : memref<325632xi32, #tpu.memory_space<hbm>> -> memref<10176xi32, #tpu.memory_space<hbm>>
      tpu.enqueue_dma source(%dma_start3A_41 : memref<10176xi32, #tpu.memory_space<hbm>>) target(%arg7 : memref<10176xi32, #tpu.memory_space<vmem>>) target_semaphore(%run_scoped3A_39 : memref<!tpu.dma_semaphore, #tpu.memory_space<semaphore_mem>>)
      %dma_wait3A_42 = tpu.memref_slice %arg3[%mul3A_6] : memref<325632xi32, #tpu.memory_space<hbm>> -> memref<10176xi32, #tpu.memory_space<hbm>>
      %dma_wait3A_43 = tpu.memref_slice %arg3[%mul3A_6] : memref<325632xi32, #tpu.memory_space<hbm>> -> memref<10176xi32, #tpu.memory_space<hbm>>
      tpu.wait_dma2 semaphore(%run_scoped3A_39 : memref<!tpu.dma_semaphore, #tpu.memory_space<semaphore_mem>>) src(%dma_wait3A_43 : memref<10176xi32, #tpu.memory_space<hbm>>) dst(%arg7 : memref<10176xi32, #tpu.memory_space<vmem>>)
      tpu.yield
    }) : () -> ()
    "tpu.region"() ({
      %run_scoped3A_39 = tpu.sem_alloc : memref<!tpu.dma_semaphore, #tpu.memory_space<semaphore_mem>>
      %dma_start3A_40 = arith.constant 0 : i32
      %dma_start3A_41 = arith.constant 0 : i32
      %dma_start3A_42 = tpu.memref_slice %arg4[%add3A, %dma_start3A_40, %dma_start3A_41] : memref<32x106x96xi32, #tpu.memory_space<hbm>> -> memref<1x106x96xi32, #tpu.memory_space<hbm>>
      %dma_start3A_43 = tpu.memref_squeeze %dma_start3A_42 : memref<1x106x96xi32, #tpu.memory_space<hbm>> -> memref<106x96xi32, #tpu.memory_space<hbm>>
      %dma_start3A_44 = arith.constant 0 : i32
      %dma_start3A_45 = arith.constant 0 : i32
      %dma_start3A_46 = tpu.memref_slice %arg4[%add3A, %dma_start3A_44, %dma_start3A_45] : memref<32x106x96xi32, #tpu.memory_space<hbm>> -> memref<1x106x96xi32, #tpu.memory_space<hbm>>
      %dma_start3A_47 = tpu.memref_squeeze %dma_start3A_46 : memref<1x106x96xi32, #tpu.memory_space<hbm>> -> memref<106x96xi32, #tpu.memory_space<hbm>>
      tpu.enqueue_dma source(%dma_start3A_47 : memref<106x96xi32, #tpu.memory_space<hbm>>) target(%arg8 : memref<106x96xi32, #tpu.memory_space<vmem>>) target_semaphore(%run_scoped3A_39 : memref<!tpu.dma_semaphore, #tpu.memory_space<semaphore_mem>>)
      %dma_wait3A_48 = arith.constant 0 : i32
      %dma_wait3A_49 = arith.constant 0 : i32
      %dma_wait3A_50 = tpu.memref_slice %arg4[%add3A, %dma_wait3A_48, %dma_wait3A_49] : memref<32x106x96xi32, #tpu.memory_space<hbm>> -> memref<1x106x96xi32, #tpu.memory_space<hbm>>
      %dma_wait3A_51 = tpu.memref_squeeze %dma_wait3A_50 : memref<1x106x96xi32, #tpu.memory_space<hbm>> -> memref<106x96xi32, #tpu.memory_space<hbm>>
      %dma_wait3A_52 = arith.constant 0 : i32
      %dma_wait3A_53 = arith.constant 0 : i32
      %dma_wait3A_54 = tpu.memref_slice %arg4[%add3A, %dma_wait3A_52, %dma_wait3A_53] : memref<32x106x96xi32, #tpu.memory_space<hbm>> -> memref<1x106x96xi32, #tpu.memory_space<hbm>>
      %dma_wait3A_55 = tpu.memref_squeeze %dma_wait3A_54 : memref<1x106x96xi32, #tpu.memory_space<hbm>> -> memref<106x96xi32, #tpu.memory_space<hbm>>
      tpu.wait_dma2 semaphore(%run_scoped3A_39 : memref<!tpu.dma_semaphore, #tpu.memory_space<semaphore_mem>>) src(%dma_wait3A_55 : memref<106x96xi32, #tpu.memory_space<hbm>>) dst(%arg8 : memref<106x96xi32, #tpu.memory_space<vmem>>)
      tpu.yield
    }) : () -> ()
    %barrier3A = arith.constant 0 : index
    tpu.barrier barrier_id(%barrier3A)
    %dma_start3A = arith.constant 0 : i32
    %dma_start3A_7 = tpu.memref_slice %arg7[%dma_start3A] : memref<10176xi32, #tpu.memory_space<vmem>> -> memref<96xi32, #tpu.memory_space<vmem>>
    %dma_start3A_8 = arith.constant 0 : i32
    %dma_start3A_9 = arith.constant 0 : i32
    %dma_start3A_10 = tpu.memref_slice %arg2[%dma_start3A_8, %dma_start3A_9] : memref<10008x128xf32, #tpu.memory_space<hbm>> -> memref<10008x128xf32, #tpu.memory_space<hbm>>
    tpu.enqueue_indirect_dma source(%dma_start3A_10 : memref<10008x128xf32, #tpu.memory_space<hbm>>) target(%arg9 : memref<96x128xf32, #tpu.memory_space<vmem>>) offsets(%dma_start3A_7 : memref<96xi32, #tpu.memory_space<vmem>>) semaphore(%arg11 : memref<!tpu.dma_semaphore, #tpu.memory_space<semaphore_mem>>)
    %scan3A = arith.constant 0 : i32
    %scan3A_11 = arith.constant 0 : i32
    %scan3A_12 = arith.constant 52 : i32
    %scan3A_13 = arith.addi %scan3A_11, %scan3A_12 : i32
    %scan3A_14 = arith.constant 1 : i32
    scf.for %scan3A_39 = %scan3A_11 to %scan3A_13 step %scan3A_14  : i32 {
      %mul3A_40 = arith.constant 2 : i32
      %mul3A_41 = arith.muli %mul3A_40, %scan3A_39 : i32
      %add3A_42 = arith.constant 1 : i32
      %add3A_43 = arith.addi %mul3A_41, %add3A_42 : i32
      %mul3A_44 = arith.constant 96 : i32
      %mul3A_45 = arith.muli %add3A_43, %mul3A_44 : i32
      %dma_start3A_46 = tpu.memref_slice %arg7[%mul3A_45] : memref<10176xi32, #tpu.memory_space<vmem>> -> memref<96xi32, #tpu.memory_space<vmem>>
      %dma_start3A_47 = arith.constant 0 : i32
      %dma_start3A_48 = arith.constant 0 : i32
      %dma_start3A_49 = tpu.memref_slice %arg2[%dma_start3A_47, %dma_start3A_48] : memref<10008x128xf32, #tpu.memory_space<hbm>> -> memref<10008x128xf32, #tpu.memory_space<hbm>>
      tpu.enqueue_indirect_dma source(%dma_start3A_49 : memref<10008x128xf32, #tpu.memory_space<hbm>>) target(%arg10 : memref<96x128xf32, #tpu.memory_space<vmem>>) offsets(%dma_start3A_46 : memref<96xi32, #tpu.memory_space<vmem>>) semaphore(%arg12 : memref<!tpu.dma_semaphore, #tpu.memory_space<semaphore_mem>>)
      %mul3A_50 = arith.constant 96 : i32
      %mul3A_51 = arith.muli %mul3A_41, %mul3A_50 : i32
      %dma_wait3A_52 = tpu.memref_slice %arg7[%mul3A_51] : memref<10176xi32, #tpu.memory_space<vmem>> -> memref<96xi32, #tpu.memory_space<vmem>>
      %dma_wait3A_53 = arith.constant 0 : i32
      %dma_wait3A_54 = arith.constant 0 : i32
      %dma_wait3A_55 = tpu.memref_slice %arg2[%dma_wait3A_53, %dma_wait3A_54] : memref<10008x128xf32, #tpu.memory_space<hbm>> -> memref<10008x128xf32, #tpu.memory_space<hbm>>
      tpu.wait_indirect_dma semaphore(%arg11 : memref<!tpu.dma_semaphore, #tpu.memory_space<semaphore_mem>>) src(%dma_wait3A_55 : memref<10008x128xf32, #tpu.memory_space<hbm>>) dst(%arg9 : memref<96x128xf32, #tpu.memory_space<vmem>>)
      "tpu.region"() ({
        %run_scoped3A_70 = tpu.sem_alloc : memref<!tpu.dma_semaphore, #tpu.memory_space<semaphore_mem>>
        %dma_start3A_71 = arith.constant 0 : i32
        %dma_start3A_72 = tpu.memref_slice %arg8[%mul3A_41, %dma_start3A_71] : memref<106x96xi32, #tpu.memory_space<vmem>> -> memref<1x96xi32, #tpu.memory_space<vmem>>
        %dma_start3A_73 = tpu.memref_squeeze %dma_start3A_72 : memref<1x96xi32, #tpu.memory_space<vmem>> -> memref<96xi32, #tpu.memory_space<vmem>>
        %dma_start3A_74 = arith.constant 0 : i32
        %dma_start3A_75 = arith.constant 0 : i32
        %dma_start3A_76 = tpu.memref_slice %arg13[%dma_start3A_74, %dma_start3A_75] : memref<10000x128xf32, #tpu.memory_space<vmem_shared>> -> memref<10000x128xf32, #tpu.memory_space<vmem_shared>>
        tpu.enqueue_indirect_dma source(%arg9 : memref<96x128xf32, #tpu.memory_space<vmem>>) target(%dma_start3A_76 : memref<10000x128xf32, #tpu.memory_space<vmem_shared>>) offsets(%dma_start3A_73 : memref<96xi32, #tpu.memory_space<vmem>>) semaphore(%run_scoped3A_70 : memref<!tpu.dma_semaphore, #tpu.memory_space<semaphore_mem>>) {add = true}
        %dma_wait3A_77 = arith.constant 0 : i32
        %dma_wait3A_78 = tpu.memref_slice %arg8[%mul3A_41, %dma_wait3A_77] : memref<106x96xi32, #tpu.memory_space<vmem>> -> memref<1x96xi32, #tpu.memory_space<vmem>>
        %dma_wait3A_79 = tpu.memref_squeeze %dma_wait3A_78 : memref<1x96xi32, #tpu.memory_space<vmem>> -> memref<96xi32, #tpu.memory_space<vmem>>
        %dma_wait3A_80 = arith.constant 0 : i32
        %dma_wait3A_81 = arith.constant 0 : i32
        %dma_wait3A_82 = tpu.memref_slice %arg13[%dma_wait3A_80, %dma_wait3A_81] : memref<10000x128xf32, #tpu.memory_space<vmem_shared>> -> memref<10000x128xf32, #tpu.memory_space<vmem_shared>>
        tpu.wait_indirect_dma semaphore(%run_scoped3A_70 : memref<!tpu.dma_semaphore, #tpu.memory_space<semaphore_mem>>) src(%arg9 : memref<96x128xf32, #tpu.memory_space<vmem>>) dst(%dma_wait3A_82 : memref<10000x128xf32, #tpu.memory_space<vmem_shared>>)
        tpu.yield
      }) : () -> ()
      %add3A_56 = arith.constant 2 : i32
      %add3A_57 = arith.addi %mul3A_41, %add3A_56 : i32
      %mul3A_58 = arith.constant 96 : i32
      %mul3A_59 = arith.muli %add3A_57, %mul3A_58 : i32
      %dma_start3A_60 = tpu.memref_slice %arg7[%mul3A_59] : memref<10176xi32, #tpu.memory_space<vmem>> -> memref<96xi32, #tpu.memory_space<vmem>>
      %dma_start3A_61 = arith.constant 0 : i32
      %dma_start3A_62 = arith.constant 0 : i32
      %dma_start3A_63 = tpu.memref_slice %arg2[%dma_start3A_61, %dma_start3A_62] : memref<10008x128xf32, #tpu.memory_space<hbm>> -> memref<10008x128xf32, #tpu.memory_space<hbm>>
      tpu.enqueue_indirect_dma source(%dma_start3A_63 : memref<10008x128xf32, #tpu.memory_space<hbm>>) target(%arg9 : memref<96x128xf32, #tpu.memory_space<vmem>>) offsets(%dma_start3A_60 : memref<96xi32, #tpu.memory_space<vmem>>) semaphore(%arg11 : memref<!tpu.dma_semaphore, #tpu.memory_space<semaphore_mem>>)
      %mul3A_64 = arith.constant 96 : i32
      %mul3A_65 = arith.muli %add3A_43, %mul3A_64 : i32
      %dma_wait3A_66 = tpu.memref_slice %arg7[%mul3A_65] : memref<10176xi32, #tpu.memory_space<vmem>> -> memref<96xi32, #tpu.memory_space<vmem>>
      %dma_wait3A_67 = arith.constant 0 : i32
      %dma_wait3A_68 = arith.constant 0 : i32
      %dma_wait3A_69 = tpu.memref_slice %arg2[%dma_wait3A_67, %dma_wait3A_68] : memref<10008x128xf32, #tpu.memory_space<hbm>> -> memref<10008x128xf32, #tpu.memory_space<hbm>>
      tpu.wait_indirect_dma semaphore(%arg12 : memref<!tpu.dma_semaphore, #tpu.memory_space<semaphore_mem>>) src(%dma_wait3A_69 : memref<10008x128xf32, #tpu.memory_space<hbm>>) dst(%arg10 : memref<96x128xf32, #tpu.memory_space<vmem>>)
      "tpu.region"() ({
        %run_scoped3A_70 = tpu.sem_alloc : memref<!tpu.dma_semaphore, #tpu.memory_space<semaphore_mem>>
        %dma_start3A_71 = arith.constant 0 : i32
        %dma_start3A_72 = tpu.memref_slice %arg8[%add3A_43, %dma_start3A_71] : memref<106x96xi32, #tpu.memory_space<vmem>> -> memref<1x96xi32, #tpu.memory_space<vmem>>
        %dma_start3A_73 = tpu.memref_squeeze %dma_start3A_72 : memref<1x96xi32, #tpu.memory_space<vmem>> -> memref<96xi32, #tpu.memory_space<vmem>>
        %dma_start3A_74 = arith.constant 0 : i32
        %dma_start3A_75 = arith.constant 0 : i32
        %dma_start3A_76 = tpu.memref_slice %arg13[%dma_start3A_74, %dma_start3A_75] : memref<10000x128xf32, #tpu.memory_space<vmem_shared>> -> memref<10000x128xf32, #tpu.memory_space<vmem_shared>>
        tpu.enqueue_indirect_dma source(%arg10 : memref<96x128xf32, #tpu.memory_space<vmem>>) target(%dma_start3A_76 : memref<10000x128xf32, #tpu.memory_space<vmem_shared>>) offsets(%dma_start3A_73 : memref<96xi32, #tpu.memory_space<vmem>>) semaphore(%run_scoped3A_70 : memref<!tpu.dma_semaphore, #tpu.memory_space<semaphore_mem>>) {add = true}
        %dma_wait3A_77 = arith.constant 0 : i32
        %dma_wait3A_78 = tpu.memref_slice %arg8[%add3A_43, %dma_wait3A_77] : memref<106x96xi32, #tpu.memory_space<vmem>> -> memref<1x96xi32, #tpu.memory_space<vmem>>
        %dma_wait3A_79 = tpu.memref_squeeze %dma_wait3A_78 : memref<1x96xi32, #tpu.memory_space<vmem>> -> memref<96xi32, #tpu.memory_space<vmem>>
        %dma_wait3A_80 = arith.constant 0 : i32
        %dma_wait3A_81 = arith.constant 0 : i32
        %dma_wait3A_82 = tpu.memref_slice %arg13[%dma_wait3A_80, %dma_wait3A_81] : memref<10000x128xf32, #tpu.memory_space<vmem_shared>> -> memref<10000x128xf32, #tpu.memory_space<vmem_shared>>
        tpu.wait_indirect_dma semaphore(%run_scoped3A_70 : memref<!tpu.dma_semaphore, #tpu.memory_space<semaphore_mem>>) src(%arg10 : memref<96x128xf32, #tpu.memory_space<vmem>>) dst(%dma_wait3A_82 : memref<10000x128xf32, #tpu.memory_space<vmem_shared>>)
        tpu.yield
      }) : () -> ()
    }
    %scan3A_15 = arith.constant 52 : i32
    %dma_start3A_16 = arith.constant 10080 : i32
    %dma_start3A_17 = tpu.memref_slice %arg7[%dma_start3A_16] : memref<10176xi32, #tpu.memory_space<vmem>> -> memref<96xi32, #tpu.memory_space<vmem>>
    %dma_start3A_18 = arith.constant 0 : i32
    %dma_start3A_19 = arith.constant 0 : i32
    %dma_start3A_20 = tpu.memref_slice %arg2[%dma_start3A_18, %dma_start3A_19] : memref<10008x128xf32, #tpu.memory_space<hbm>> -> memref<10008x128xf32, #tpu.memory_space<hbm>>
    tpu.enqueue_indirect_dma source(%dma_start3A_20 : memref<10008x128xf32, #tpu.memory_space<hbm>>) target(%arg10 : memref<96x128xf32, #tpu.memory_space<vmem>>) offsets(%dma_start3A_17 : memref<96xi32, #tpu.memory_space<vmem>>) semaphore(%arg12 : memref<!tpu.dma_semaphore, #tpu.memory_space<semaphore_mem>>)
    %dma_wait3A = arith.constant 9984 : i32
    %dma_wait3A_21 = tpu.memref_slice %arg7[%dma_wait3A] : memref<10176xi32, #tpu.memory_space<vmem>> -> memref<96xi32, #tpu.memory_space<vmem>>
    %dma_wait3A_22 = arith.constant 0 : i32
    %dma_wait3A_23 = arith.constant 0 : i32
    %dma_wait3A_24 = tpu.memref_slice %arg2[%dma_wait3A_22, %dma_wait3A_23] : memref<10008x128xf32, #tpu.memory_space<hbm>> -> memref<10008x128xf32, #tpu.memory_space<hbm>>
    tpu.wait_indirect_dma semaphore(%arg11 : memref<!tpu.dma_semaphore, #tpu.memory_space<semaphore_mem>>) src(%dma_wait3A_24 : memref<10008x128xf32, #tpu.memory_space<hbm>>) dst(%arg9 : memref<96x128xf32, #tpu.memory_space<vmem>>)
    %run_scoped3A = arith.constant 104 : i32
    "tpu.region"() ({
      %run_scoped3A_39 = tpu.sem_alloc : memref<!tpu.dma_semaphore, #tpu.memory_space<semaphore_mem>>
      %dma_start3A_40 = arith.constant 0 : i32
      %dma_start3A_41 = tpu.memref_slice %arg8[%run_scoped3A, %dma_start3A_40] : memref<106x96xi32, #tpu.memory_space<vmem>> -> memref<1x96xi32, #tpu.memory_space<vmem>>
      %dma_start3A_42 = tpu.memref_squeeze %dma_start3A_41 : memref<1x96xi32, #tpu.memory_space<vmem>> -> memref<96xi32, #tpu.memory_space<vmem>>
      %dma_start3A_43 = arith.constant 0 : i32
      %dma_start3A_44 = arith.constant 0 : i32
      %dma_start3A_45 = tpu.memref_slice %arg13[%dma_start3A_43, %dma_start3A_44] : memref<10000x128xf32, #tpu.memory_space<vmem_shared>> -> memref<10000x128xf32, #tpu.memory_space<vmem_shared>>
      tpu.enqueue_indirect_dma source(%arg9 : memref<96x128xf32, #tpu.memory_space<vmem>>) target(%dma_start3A_45 : memref<10000x128xf32, #tpu.memory_space<vmem_shared>>) offsets(%dma_start3A_42 : memref<96xi32, #tpu.memory_space<vmem>>) semaphore(%run_scoped3A_39 : memref<!tpu.dma_semaphore, #tpu.memory_space<semaphore_mem>>) {add = true}
      %dma_wait3A_46 = arith.constant 0 : i32
      %dma_wait3A_47 = tpu.memref_slice %arg8[%run_scoped3A, %dma_wait3A_46] : memref<106x96xi32, #tpu.memory_space<vmem>> -> memref<1x96xi32, #tpu.memory_space<vmem>>
      %dma_wait3A_48 = tpu.memref_squeeze %dma_wait3A_47 : memref<1x96xi32, #tpu.memory_space<vmem>> -> memref<96xi32, #tpu.memory_space<vmem>>
      %dma_wait3A_49 = arith.constant 0 : i32
      %dma_wait3A_50 = arith.constant 0 : i32
      %dma_wait3A_51 = tpu.memref_slice %arg13[%dma_wait3A_49, %dma_wait3A_50] : memref<10000x128xf32, #tpu.memory_space<vmem_shared>> -> memref<10000x128xf32, #tpu.memory_space<vmem_shared>>
      tpu.wait_indirect_dma semaphore(%run_scoped3A_39 : memref<!tpu.dma_semaphore, #tpu.memory_space<semaphore_mem>>) src(%arg9 : memref<96x128xf32, #tpu.memory_space<vmem>>) dst(%dma_wait3A_51 : memref<10000x128xf32, #tpu.memory_space<vmem_shared>>)
      tpu.yield
    }) : () -> ()
    %dma_wait3A_25 = arith.constant 10080 : i32
    %dma_wait3A_26 = tpu.memref_slice %arg7[%dma_wait3A_25] : memref<10176xi32, #tpu.memory_space<vmem>> -> memref<96xi32, #tpu.memory_space<vmem>>
    %dma_wait3A_27 = arith.constant 0 : i32
    %dma_wait3A_28 = arith.constant 0 : i32
    %dma_wait3A_29 = tpu.memref_slice %arg2[%dma_wait3A_27, %dma_wait3A_28] : memref<10008x128xf32, #tpu.memory_space<hbm>> -> memref<10008x128xf32, #tpu.memory_space<hbm>>
    tpu.wait_indirect_dma semaphore(%arg12 : memref<!tpu.dma_semaphore, #tpu.memory_space<semaphore_mem>>) src(%dma_wait3A_29 : memref<10008x128xf32, #tpu.memory_space<hbm>>) dst(%arg10 : memref<96x128xf32, #tpu.memory_space<vmem>>)
    %run_scoped3A_30 = arith.constant 105 : i32
    "tpu.region"() ({
      %run_scoped3A_39 = tpu.sem_alloc : memref<!tpu.dma_semaphore, #tpu.memory_space<semaphore_mem>>
      %dma_start3A_40 = arith.constant 0 : i32
      %dma_start3A_41 = tpu.memref_slice %arg8[%run_scoped3A_30, %dma_start3A_40] : memref<106x96xi32, #tpu.memory_space<vmem>> -> memref<1x96xi32, #tpu.memory_space<vmem>>
      %dma_start3A_42 = tpu.memref_squeeze %dma_start3A_41 : memref<1x96xi32, #tpu.memory_space<vmem>> -> memref<96xi32, #tpu.memory_space<vmem>>
      %dma_start3A_43 = arith.constant 0 : i32
      %dma_start3A_44 = arith.constant 0 : i32
      %dma_start3A_45 = tpu.memref_slice %arg13[%dma_start3A_43, %dma_start3A_44] : memref<10000x128xf32, #tpu.memory_space<vmem_shared>> -> memref<10000x128xf32, #tpu.memory_space<vmem_shared>>
      tpu.enqueue_indirect_dma source(%arg10 : memref<96x128xf32, #tpu.memory_space<vmem>>) target(%dma_start3A_45 : memref<10000x128xf32, #tpu.memory_space<vmem_shared>>) offsets(%dma_start3A_42 : memref<96xi32, #tpu.memory_space<vmem>>) semaphore(%run_scoped3A_39 : memref<!tpu.dma_semaphore, #tpu.memory_space<semaphore_mem>>) {add = true}
      %dma_wait3A_46 = arith.constant 0 : i32
      %dma_wait3A_47 = tpu.memref_slice %arg8[%run_scoped3A_30, %dma_wait3A_46] : memref<106x96xi32, #tpu.memory_space<vmem>> -> memref<1x96xi32, #tpu.memory_space<vmem>>
      %dma_wait3A_48 = tpu.memref_squeeze %dma_wait3A_47 : memref<1x96xi32, #tpu.memory_space<vmem>> -> memref<96xi32, #tpu.memory_space<vmem>>
      %dma_wait3A_49 = arith.constant 0 : i32
      %dma_wait3A_50 = arith.constant 0 : i32
      %dma_wait3A_51 = tpu.memref_slice %arg13[%dma_wait3A_49, %dma_wait3A_50] : memref<10000x128xf32, #tpu.memory_space<vmem_shared>> -> memref<10000x128xf32, #tpu.memory_space<vmem_shared>>
      tpu.wait_indirect_dma semaphore(%run_scoped3A_39 : memref<!tpu.dma_semaphore, #tpu.memory_space<semaphore_mem>>) src(%arg10 : memref<96x128xf32, #tpu.memory_space<vmem>>) dst(%dma_wait3A_51 : memref<10000x128xf32, #tpu.memory_space<vmem_shared>>)
      tpu.yield
    }) : () -> ()
    %barrier3A_31 = arith.constant 0 : index
    tpu.barrier barrier_id(%barrier3A_31)
    %mul3A_32 = arith.constant 624 : i32
    %mul3A_33 = arith.muli %arg1, %mul3A_32 : i32
    "tpu.region"() ({
      %run_scoped3A_39 = tpu.sem_alloc : memref<!tpu.dma_semaphore, #tpu.memory_space<semaphore_mem>>
      %dma_start3A_40 = arith.constant 0 : i32
      %dma_start3A_41 = arith.constant 0 : i32
      %dma_start3A_42 = tpu.memref_slice %arg6[%arg0, %dma_start3A_40, %dma_start3A_41] : memref<2x10000x128xf32, #tpu.memory_space<hbm>> -> memref<1x10000x128xf32, #tpu.memory_space<hbm>>
      %dma_start3A_43 = tpu.memref_squeeze %dma_start3A_42 : memref<1x10000x128xf32, #tpu.memory_space<hbm>> -> memref<10000x128xf32, #tpu.memory_space<hbm>>
      %dma_start3A_44 = arith.constant 0 : i32
      %dma_start3A_45 = tpu.memref_slice %dma_start3A_43[%mul3A_33, %dma_start3A_44] : memref<10000x128xf32, #tpu.memory_space<hbm>> -> memref<624x128xf32, #tpu.memory_space<hbm>>
      %dma_start3A_46 = arith.constant 0 : i32
      %dma_start3A_47 = tpu.memref_slice %arg13[%mul3A_33, %dma_start3A_46] : memref<10000x128xf32, #tpu.memory_space<vmem_shared>> -> memref<624x128xf32, #tpu.memory_space<vmem_shared>>
      tpu.enqueue_dma source(%dma_start3A_47 : memref<624x128xf32, #tpu.memory_space<vmem_shared>>) target(%dma_start3A_45 : memref<624x128xf32, #tpu.memory_space<hbm>>) target_semaphore(%run_scoped3A_39 : memref<!tpu.dma_semaphore, #tpu.memory_space<semaphore_mem>>)
      %dma_wait3A_48 = arith.constant 0 : i32
      %dma_wait3A_49 = arith.constant 0 : i32
      %dma_wait3A_50 = tpu.memref_slice %arg6[%arg0, %dma_wait3A_48, %dma_wait3A_49] : memref<2x10000x128xf32, #tpu.memory_space<hbm>> -> memref<1x10000x128xf32, #tpu.memory_space<hbm>>
      %dma_wait3A_51 = tpu.memref_squeeze %dma_wait3A_50 : memref<1x10000x128xf32, #tpu.memory_space<hbm>> -> memref<10000x128xf32, #tpu.memory_space<hbm>>
      %dma_wait3A_52 = arith.constant 0 : i32
      %dma_wait3A_53 = tpu.memref_slice %dma_wait3A_51[%mul3A_33, %dma_wait3A_52] : memref<10000x128xf32, #tpu.memory_space<hbm>> -> memref<624x128xf32, #tpu.memory_space<hbm>>
      %dma_wait3A_54 = arith.constant 0 : i32
      %dma_wait3A_55 = tpu.memref_slice %arg13[%mul3A_33, %dma_wait3A_54] : memref<10000x128xf32, #tpu.memory_space<vmem_shared>> -> memref<624x128xf32, #tpu.memory_space<vmem_shared>>
      tpu.wait_dma2 semaphore(%run_scoped3A_39 : memref<!tpu.dma_semaphore, #tpu.memory_space<semaphore_mem>>) src(%dma_wait3A_55 : memref<624x128xf32, #tpu.memory_space<vmem_shared>>) dst(%dma_wait3A_53 : memref<624x128xf32, #tpu.memory_space<hbm>>)
      tpu.yield
    }) : () -> ()
    %eq3A_34 = arith.constant 15 : i32
    %eq3A_35 = arith.cmpi eq, %arg1, %eq3A_34 : i32
    %convert_element_type3A_36 = arith.extui %eq3A_35 : i1 to i32
    %cond3A_37 = arith.constant 0 : i32
    %cond3A_38 = arith.cmpi ne, %convert_element_type3A_36, %cond3A_37 : i32
    scf.if %cond3A_38 {
      "tpu.region"() ({
        %run_scoped3A_39 = tpu.sem_alloc : memref<!tpu.dma_semaphore, #tpu.memory_space<semaphore_mem>>
        %dma_start3A_40 = arith.constant 0 : i32
        %dma_start3A_41 = arith.constant 0 : i32
        %dma_start3A_42 = tpu.memref_slice %arg6[%arg0, %dma_start3A_40, %dma_start3A_41] : memref<2x10000x128xf32, #tpu.memory_space<hbm>> -> memref<1x10000x128xf32, #tpu.memory_space<hbm>>
        %dma_start3A_43 = tpu.memref_squeeze %dma_start3A_42 : memref<1x10000x128xf32, #tpu.memory_space<hbm>> -> memref<10000x128xf32, #tpu.memory_space<hbm>>
        %dma_start3A_44 = arith.constant 9984 : i32
        %dma_start3A_45 = arith.constant 0 : i32
        %dma_start3A_46 = tpu.memref_slice %dma_start3A_43[%dma_start3A_44, %dma_start3A_45] : memref<10000x128xf32, #tpu.memory_space<hbm>> -> memref<16x128xf32, #tpu.memory_space<hbm>>
        %dma_start3A_47 = arith.constant 9984 : i32
        %dma_start3A_48 = arith.constant 0 : i32
        %dma_start3A_49 = tpu.memref_slice %arg13[%dma_start3A_47, %dma_start3A_48] : memref<10000x128xf32, #tpu.memory_space<vmem_shared>> -> memref<16x128xf32, #tpu.memory_space<vmem_shared>>
        tpu.enqueue_dma source(%dma_start3A_49 : memref<16x128xf32, #tpu.memory_space<vmem_shared>>) target(%dma_start3A_46 : memref<16x128xf32, #tpu.memory_space<hbm>>) target_semaphore(%run_scoped3A_39 : memref<!tpu.dma_semaphore, #tpu.memory_space<semaphore_mem>>)
        %dma_wait3A_50 = arith.constant 0 : i32
        %dma_wait3A_51 = arith.constant 0 : i32
        %dma_wait3A_52 = tpu.memref_slice %arg6[%arg0, %dma_wait3A_50, %dma_wait3A_51] : memref<2x10000x128xf32, #tpu.memory_space<hbm>> -> memref<1x10000x128xf32, #tpu.memory_space<hbm>>
        %dma_wait3A_53 = tpu.memref_squeeze %dma_wait3A_52 : memref<1x10000x128xf32, #tpu.memory_space<hbm>> -> memref<10000x128xf32, #tpu.memory_space<hbm>>
        %dma_wait3A_54 = arith.constant 9984 : i32
        %dma_wait3A_55 = arith.constant 0 : i32
        %dma_wait3A_56 = tpu.memref_slice %dma_wait3A_53[%dma_wait3A_54, %dma_wait3A_55] : memref<10000x128xf32, #tpu.memory_space<hbm>> -> memref<16x128xf32, #tpu.memory_space<hbm>>
        %dma_wait3A_57 = arith.constant 9984 : i32
        %dma_wait3A_58 = arith.constant 0 : i32
        %dma_wait3A_59 = tpu.memref_slice %arg13[%dma_wait3A_57, %dma_wait3A_58] : memref<10000x128xf32, #tpu.memory_space<vmem_shared>> -> memref<16x128xf32, #tpu.memory_space<vmem_shared>>
        tpu.wait_dma2 semaphore(%run_scoped3A_39 : memref<!tpu.dma_semaphore, #tpu.memory_space<semaphore_mem>>) src(%dma_wait3A_59 : memref<16x128xf32, #tpu.memory_space<vmem_shared>>) dst(%dma_wait3A_56 : memref<16x128xf32, #tpu.memory_space<hbm>>)
        tpu.yield
      }) : () -> ()
    } else {
    }
    return
  }
}

#map = affine_map<(d0, d1) -> (0, 0)>
#map1 = affine_map<(d0, d1) -> (0)>
#map2 = affine_map<(d0, d1) -> (0, 0, 0)>
module attributes {stable_mosaic.version = 14 : i64} {
  func.func @gs_kernel(%arg0: i32, %arg1: i32, %arg2: memref<10008x128xf32, #tpu.memory_space<hbm>>, %arg3: memref<325632xi32, #tpu.memory_space<hbm>>, %arg4: memref<32x106x96xi32, #tpu.memory_space<hbm>>, %arg5: memref<10000x128xf32, #tpu.memory_space<hbm>>, %arg6: memref<2x10000x128xf32, #tpu.memory_space<hbm>>, %arg7: memref<10176xi32, #tpu.memory_space<vmem>>, %arg8: memref<106x96xi32, #tpu.memory_space<vmem>>, %arg9: memref<96x128xf32, #tpu.memory_space<vmem>>, %arg10: memref<96x128xf32, #tpu.memory_space<vmem>>, %arg11: memref<!tpu.dma_semaphore, #tpu.memory_space<semaphore_mem>>, %arg12: memref<!tpu.dma_semaphore, #tpu.memory_space<semaphore_mem>>, %arg13: memref<10000x128xf32, #tpu.memory_space<vmem_shared>>) attributes {dimension_semantics = [#tpu.dimension_semantics<core_parallel>, #tpu.dimension_semantics<subcore_parallel>], iteration_bounds = array<i64: 2, 16>, scalar_prefetch = 0 : i64, scratch_operands = 7 : i64, tpu.core_type = #tpu.core_type<sc_vector_subcore>, window_params = [{transform_indices = #map}, {transform_indices = #map1}, {transform_indices = #map2}, {transform_indices = #map}, {transform_indices = #map2}]} {
    %mul3A = arith.constant 16 : i32
    %mul3A_0 = arith.muli %arg0, %mul3A : i32
    %add3A = arith.addi %mul3A_0, %arg1 : i32
    %mul3A_1 = arith.constant 624 : i32
    %mul3A_2 = arith.muli %arg1, %mul3A_1 : i32
    "tpu.region"() ({
      %run_scoped3A_39 = tpu.sem_alloc : memref<!tpu.dma_semaphore, #tpu.memory_space<semaphore_mem>>
      %dma_start3A_40 = arith.constant 0 : i32
      %dma_start3A_41 = tpu.memref_slice %arg13[%mul3A_2, %dma_start3A_40] : memref<10000x128xf32, #tpu.memory_space<vmem_shared>> -> memref<624x128xf32, #tpu.memory_space<vmem_shared>>
      %dma_start3A_42 = arith.constant 0 : i32
      %dma_start3A_43 = tpu.memref_slice %arg5[%mul3A_2, %dma_start3A_42] : memref<10000x128xf32, #tpu.memory_space<hbm>> -> memref<624x128xf32, #tpu.memory_space<hbm>>
      tpu.enqueue_dma source(%dma_start3A_43 : memref<624x128xf32, #tpu.memory_space<hbm>>) target(%dma_start3A_41 : memref<624x128xf32, #tpu.memory_space<vmem_shared>>) target_semaphore(%run_scoped3A_39 : memref<!tpu.dma_semaphore, #tpu.memory_space<semaphore_mem>>)
      %dma_wait3A_44 = arith.constant 0 : i32
      %dma_wait3A_45 = tpu.memref_slice %arg13[%mul3A_2, %dma_wait3A_44] : memref<10000x128xf32, #tpu.memory_space<vmem_shared>> -> memref<624x128xf32, #tpu.memory_space<vmem_shared>>
      %dma_wait3A_46 = arith.constant 0 : i32
      %dma_wait3A_47 = tpu.memref_slice %arg5[%mul3A_2, %dma_wait3A_46] : memref<10000x128xf32, #tpu.memory_space<hbm>> -> memref<624x128xf32, #tpu.memory_space<hbm>>
      tpu.wait_dma2 semaphore(%run_scoped3A_39 : memref<!tpu.dma_semaphore, #tpu.memory_space<semaphore_mem>>) src(%dma_wait3A_47 : memref<624x128xf32, #tpu.memory_space<hbm>>) dst(%dma_wait3A_45 : memref<624x128xf32, #tpu.memory_space<vmem_shared>>)
      tpu.yield
    }) : () -> ()
    %eq3A = arith.constant 15 : i32
    %eq3A_3 = arith.cmpi eq, %arg1, %eq3A : i32
    %convert_element_type3A = arith.extui %eq3A_3 : i1 to i32
    %cond3A = arith.constant 0 : i32
    %cond3A_4 = arith.cmpi ne, %convert_element_type3A, %cond3A : i32
    scf.if %cond3A_4 {
      "tpu.region"() ({
        %run_scoped3A_39 = tpu.sem_alloc : memref<!tpu.dma_semaphore, #tpu.memory_space<semaphore_mem>>
        %dma_start3A_40 = arith.constant 9984 : i32
        %dma_start3A_41 = arith.constant 0 : i32
        %dma_start3A_42 = tpu.memref_slice %arg13[%dma_start3A_40, %dma_start3A_41] : memref<10000x128xf32, #tpu.memory_space<vmem_shared>> -> memref<16x128xf32, #tpu.memory_space<vmem_shared>>
        %dma_start3A_43 = arith.constant 9984 : i32
        %dma_start3A_44 = arith.constant 0 : i32
        %dma_start3A_45 = tpu.memref_slice %arg5[%dma_start3A_43, %dma_start3A_44] : memref<10000x128xf32, #tpu.memory_space<hbm>> -> memref<16x128xf32, #tpu.memory_space<hbm>>
        tpu.enqueue_dma source(%dma_start3A_45 : memref<16x128xf32, #tpu.memory_space<hbm>>) target(%dma_start3A_42 : memref<16x128xf32, #tpu.memory_space<vmem_shared>>) target_semaphore(%run_scoped3A_39 : memref<!tpu.dma_semaphore, #tpu.memory_space<semaphore_mem>>)
        %dma_wait3A_46 = arith.constant 9984 : i32
        %dma_wait3A_47 = arith.constant 0 : i32
        %dma_wait3A_48 = tpu.memref_slice %arg13[%dma_wait3A_46, %dma_wait3A_47] : memref<10000x128xf32, #tpu.memory_space<vmem_shared>> -> memref<16x128xf32, #tpu.memory_space<vmem_shared>>
        %dma_wait3A_49 = arith.constant 9984 : i32
        %dma_wait3A_50 = arith.constant 0 : i32
        %dma_wait3A_51 = tpu.memref_slice %arg5[%dma_wait3A_49, %dma_wait3A_50] : memref<10000x128xf32, #tpu.memory_space<hbm>> -> memref<16x128xf32, #tpu.memory_space<hbm>>
        tpu.wait_dma2 semaphore(%run_scoped3A_39 : memref<!tpu.dma_semaphore, #tpu.memory_space<semaphore_mem>>) src(%dma_wait3A_51 : memref<16x128xf32, #tpu.memory_space<hbm>>) dst(%dma_wait3A_48 : memref<16x128xf32, #tpu.memory_space<vmem_shared>>)
        tpu.yield
      }) : () -> ()
    } else {
    }
    %mul3A_5 = arith.constant 10176 : i32
    %mul3A_6 = arith.muli %add3A, %mul3A_5 : i32
    "tpu.region"() ({
      %run_scoped3A_39 = tpu.sem_alloc : memref<!tpu.dma_semaphore, #tpu.memory_space<semaphore_mem>>
      %dma_start3A_40 = tpu.memref_slice %arg3[%mul3A_6] : memref<325632xi32, #tpu.memory_space<hbm>> -> memref<10176xi32, #tpu.memory_space<hbm>>
      %dma_start3A_41 = tpu.memref_slice %arg3[%mul3A_6] : memref<325632xi32, #tpu.memory_space<hbm>> -> memref<10176xi32, #tpu.memory_space<hbm>>
      tpu.enqueue_dma source(%dma_start3A_41 : memref<10176xi32, #tpu.memory_space<hbm>>) target(%arg7 : memref<10176xi32, #tpu.memory_space<vmem>>) target_semaphore(%run_scoped3A_39 : memref<!tpu.dma_semaphore, #tpu.memory_space<semaphore_mem>>)
      %dma_wait3A_42 = tpu.memref_slice %arg3[%mul3A_6] : memref<325632xi32, #tpu.memory_space<hbm>> -> memref<10176xi32, #tpu.memory_space<hbm>>
      %dma_wait3A_43 = tpu.memref_slice %arg3[%mul3A_6] : memref<325632xi32, #tpu.memory_space<hbm>> -> memref<10176xi32, #tpu.memory_space<hbm>>
      tpu.wait_dma2 semaphore(%run_scoped3A_39 : memref<!tpu.dma_semaphore, #tpu.memory_space<semaphore_mem>>) src(%dma_wait3A_43 : memref<10176xi32, #tpu.memory_space<hbm>>) dst(%arg7 : memref<10176xi32, #tpu.memory_space<vmem>>)
      tpu.yield
    }) : () -> ()
    "tpu.region"() ({
      %run_scoped3A_39 = tpu.sem_alloc : memref<!tpu.dma_semaphore, #tpu.memory_space<semaphore_mem>>
      %dma_start3A_40 = arith.constant 0 : i32
      %dma_start3A_41 = arith.constant 0 : i32
      %dma_start3A_42 = tpu.memref_slice %arg4[%add3A, %dma_start3A_40, %dma_start3A_41] : memref<32x106x96xi32, #tpu.memory_space<hbm>> -> memref<1x106x96xi32, #tpu.memory_space<hbm>>
      %dma_start3A_43 = tpu.memref_squeeze %dma_start3A_42 : memref<1x106x96xi32, #tpu.memory_space<hbm>> -> memref<106x96xi32, #tpu.memory_space<hbm>>
      %dma_start3A_44 = arith.constant 0 : i32
      %dma_start3A_45 = arith.constant 0 : i32
      %dma_start3A_46 = tpu.memref_slice %arg4[%add3A, %dma_start3A_44, %dma_start3A_45] : memref<32x106x96xi32, #tpu.memory_space<hbm>> -> memref<1x106x96xi32, #tpu.memory_space<hbm>>
      %dma_start3A_47 = tpu.memref_squeeze %dma_start3A_46 : memref<1x106x96xi32, #tpu.memory_space<hbm>> -> memref<106x96xi32, #tpu.memory_space<hbm>>
      tpu.enqueue_dma source(%dma_start3A_47 : memref<106x96xi32, #tpu.memory_space<hbm>>) target(%arg8 : memref<106x96xi32, #tpu.memory_space<vmem>>) target_semaphore(%run_scoped3A_39 : memref<!tpu.dma_semaphore, #tpu.memory_space<semaphore_mem>>)
      %dma_wait3A_48 = arith.constant 0 : i32
      %dma_wait3A_49 = arith.constant 0 : i32
      %dma_wait3A_50 = tpu.memref_slice %arg4[%add3A, %dma_wait3A_48, %dma_wait3A_49] : memref<32x106x96xi32, #tpu.memory_space<hbm>> -> memref<1x106x96xi32, #tpu.memory_space<hbm>>
      %dma_wait3A_51 = tpu.memref_squeeze %dma_wait3A_50 : memref<1x106x96xi32, #tpu.memory_space<hbm>> -> memref<106x96xi32, #tpu.memory_space<hbm>>
      %dma_wait3A_52 = arith.constant 0 : i32
      %dma_wait3A_53 = arith.constant 0 : i32
      %dma_wait3A_54 = tpu.memref_slice %arg4[%add3A, %dma_wait3A_52, %dma_wait3A_53] : memref<32x106x96xi32, #tpu.memory_space<hbm>> -> memref<1x106x96xi32, #tpu.memory_space<hbm>>
      %dma_wait3A_55 = tpu.memref_squeeze %dma_wait3A_54 : memref<1x106x96xi32, #tpu.memory_space<hbm>> -> memref<106x96xi32, #tpu.memory_space<hbm>>
      tpu.wait_dma2 semaphore(%run_scoped3A_39 : memref<!tpu.dma_semaphore, #tpu.memory_space<semaphore_mem>>) src(%dma_wait3A_55 : memref<106x96xi32, #tpu.memory_space<hbm>>) dst(%arg8 : memref<106x96xi32, #tpu.memory_space<vmem>>)
      tpu.yield
    }) : () -> ()
    %barrier3A = arith.constant 0 : index
    tpu.barrier barrier_id(%barrier3A)
    %dma_start3A = arith.constant 0 : i32
    %dma_start3A_7 = tpu.memref_slice %arg7[%dma_start3A] : memref<10176xi32, #tpu.memory_space<vmem>> -> memref<96xi32, #tpu.memory_space<vmem>>
    %dma_start3A_8 = arith.constant 0 : i32
    %dma_start3A_9 = arith.constant 0 : i32
    %dma_start3A_10 = tpu.memref_slice %arg2[%dma_start3A_8, %dma_start3A_9] : memref<10008x128xf32, #tpu.memory_space<hbm>> -> memref<10008x128xf32, #tpu.memory_space<hbm>>
    tpu.enqueue_indirect_dma source(%dma_start3A_10 : memref<10008x128xf32, #tpu.memory_space<hbm>>) target(%arg9 : memref<96x128xf32, #tpu.memory_space<vmem>>) offsets(%dma_start3A_7 : memref<96xi32, #tpu.memory_space<vmem>>) semaphore(%arg11 : memref<!tpu.dma_semaphore, #tpu.memory_space<semaphore_mem>>)
    %scan3A = arith.constant 0 : i32
    %scan3A_11 = arith.constant 0 : i32
    %scan3A_12 = arith.constant 52 : i32
    %scan3A_13 = arith.addi %scan3A_11, %scan3A_12 : i32
    %scan3A_14 = arith.constant 1 : i32
    scf.for %scan3A_39 = %scan3A_11 to %scan3A_13 step %scan3A_14  : i32 {
      %mul3A_40 = arith.constant 2 : i32
      %mul3A_41 = arith.muli %mul3A_40, %scan3A_39 : i32
      %add3A_42 = arith.constant 1 : i32
      %add3A_43 = arith.addi %mul3A_41, %add3A_42 : i32
      %mul3A_44 = arith.constant 96 : i32
      %mul3A_45 = arith.muli %add3A_43, %mul3A_44 : i32
      %dma_start3A_46 = tpu.memref_slice %arg7[%mul3A_45] : memref<10176xi32, #tpu.memory_space<vmem>> -> memref<96xi32, #tpu.memory_space<vmem>>
      %dma_start3A_47 = arith.constant 0 : i32
      %dma_start3A_48 = arith.constant 0 : i32
      %dma_start3A_49 = tpu.memref_slice %arg2[%dma_start3A_47, %dma_start3A_48] : memref<10008x128xf32, #tpu.memory_space<hbm>> -> memref<10008x128xf32, #tpu.memory_space<hbm>>
      tpu.enqueue_indirect_dma source(%dma_start3A_49 : memref<10008x128xf32, #tpu.memory_space<hbm>>) target(%arg10 : memref<96x128xf32, #tpu.memory_space<vmem>>) offsets(%dma_start3A_46 : memref<96xi32, #tpu.memory_space<vmem>>) semaphore(%arg12 : memref<!tpu.dma_semaphore, #tpu.memory_space<semaphore_mem>>)
      %mul3A_50 = arith.constant 96 : i32
      %mul3A_51 = arith.muli %mul3A_41, %mul3A_50 : i32
      %dma_wait3A_52 = tpu.memref_slice %arg7[%mul3A_51] : memref<10176xi32, #tpu.memory_space<vmem>> -> memref<96xi32, #tpu.memory_space<vmem>>
      %dma_wait3A_53 = arith.constant 0 : i32
      %dma_wait3A_54 = arith.constant 0 : i32
      %dma_wait3A_55 = tpu.memref_slice %arg2[%dma_wait3A_53, %dma_wait3A_54] : memref<10008x128xf32, #tpu.memory_space<hbm>> -> memref<10008x128xf32, #tpu.memory_space<hbm>>
      tpu.wait_indirect_dma semaphore(%arg11 : memref<!tpu.dma_semaphore, #tpu.memory_space<semaphore_mem>>) src(%dma_wait3A_55 : memref<10008x128xf32, #tpu.memory_space<hbm>>) dst(%arg9 : memref<96x128xf32, #tpu.memory_space<vmem>>)
      "tpu.region"() ({
        %run_scoped3A_70 = tpu.sem_alloc : memref<!tpu.dma_semaphore, #tpu.memory_space<semaphore_mem>>
        %dma_start3A_71 = arith.constant 0 : i32
        %dma_start3A_72 = tpu.memref_slice %arg8[%mul3A_41, %dma_start3A_71] : memref<106x96xi32, #tpu.memory_space<vmem>> -> memref<1x96xi32, #tpu.memory_space<vmem>>
        %dma_start3A_73 = tpu.memref_squeeze %dma_start3A_72 : memref<1x96xi32, #tpu.memory_space<vmem>> -> memref<96xi32, #tpu.memory_space<vmem>>
        %dma_start3A_74 = arith.constant 0 : i32
        %dma_start3A_75 = arith.constant 0 : i32
        %dma_start3A_76 = tpu.memref_slice %arg13[%dma_start3A_74, %dma_start3A_75] : memref<10000x128xf32, #tpu.memory_space<vmem_shared>> -> memref<10000x128xf32, #tpu.memory_space<vmem_shared>>
        tpu.enqueue_indirect_dma source(%arg9 : memref<96x128xf32, #tpu.memory_space<vmem>>) target(%dma_start3A_76 : memref<10000x128xf32, #tpu.memory_space<vmem_shared>>) offsets(%dma_start3A_73 : memref<96xi32, #tpu.memory_space<vmem>>) semaphore(%run_scoped3A_70 : memref<!tpu.dma_semaphore, #tpu.memory_space<semaphore_mem>>) {add = true}
        %dma_wait3A_77 = arith.constant 0 : i32
        %dma_wait3A_78 = tpu.memref_slice %arg8[%mul3A_41, %dma_wait3A_77] : memref<106x96xi32, #tpu.memory_space<vmem>> -> memref<1x96xi32, #tpu.memory_space<vmem>>
        %dma_wait3A_79 = tpu.memref_squeeze %dma_wait3A_78 : memref<1x96xi32, #tpu.memory_space<vmem>> -> memref<96xi32, #tpu.memory_space<vmem>>
        %dma_wait3A_80 = arith.constant 0 : i32
        %dma_wait3A_81 = arith.constant 0 : i32
        %dma_wait3A_82 = tpu.memref_slice %arg13[%dma_wait3A_80, %dma_wait3A_81] : memref<10000x128xf32, #tpu.memory_space<vmem_shared>> -> memref<10000x128xf32, #tpu.memory_space<vmem_shared>>
        tpu.wait_indirect_dma semaphore(%run_scoped3A_70 : memref<!tpu.dma_semaphore, #tpu.memory_space<semaphore_mem>>) src(%arg9 : memref<96x128xf32, #tpu.memory_space<vmem>>) dst(%dma_wait3A_82 : memref<10000x128xf32, #tpu.memory_space<vmem_shared>>)
        tpu.yield
      }) : () -> ()
      %add3A_56 = arith.constant 2 : i32
      %add3A_57 = arith.addi %mul3A_41, %add3A_56 : i32
      %mul3A_58 = arith.constant 96 : i32
      %mul3A_59 = arith.muli %add3A_57, %mul3A_58 : i32
      %dma_start3A_60 = tpu.memref_slice %arg7[%mul3A_59] : memref<10176xi32, #tpu.memory_space<vmem>> -> memref<96xi32, #tpu.memory_space<vmem>>
      %dma_start3A_61 = arith.constant 0 : i32
      %dma_start3A_62 = arith.constant 0 : i32
      %dma_start3A_63 = tpu.memref_slice %arg2[%dma_start3A_61, %dma_start3A_62] : memref<10008x128xf32, #tpu.memory_space<hbm>> -> memref<10008x128xf32, #tpu.memory_space<hbm>>
      tpu.enqueue_indirect_dma source(%dma_start3A_63 : memref<10008x128xf32, #tpu.memory_space<hbm>>) target(%arg9 : memref<96x128xf32, #tpu.memory_space<vmem>>) offsets(%dma_start3A_60 : memref<96xi32, #tpu.memory_space<vmem>>) semaphore(%arg11 : memref<!tpu.dma_semaphore, #tpu.memory_space<semaphore_mem>>)
      %mul3A_64 = arith.constant 96 : i32
      %mul3A_65 = arith.muli %add3A_43, %mul3A_64 : i32
      %dma_wait3A_66 = tpu.memref_slice %arg7[%mul3A_65] : memref<10176xi32, #tpu.memory_space<vmem>> -> memref<96xi32, #tpu.memory_space<vmem>>
      %dma_wait3A_67 = arith.constant 0 : i32
      %dma_wait3A_68 = arith.constant 0 : i32
      %dma_wait3A_69 = tpu.memref_slice %arg2[%dma_wait3A_67, %dma_wait3A_68] : memref<10008x128xf32, #tpu.memory_space<hbm>> -> memref<10008x128xf32, #tpu.memory_space<hbm>>
      tpu.wait_indirect_dma semaphore(%arg12 : memref<!tpu.dma_semaphore, #tpu.memory_space<semaphore_mem>>) src(%dma_wait3A_69 : memref<10008x128xf32, #tpu.memory_space<hbm>>) dst(%arg10 : memref<96x128xf32, #tpu.memory_space<vmem>>)
      "tpu.region"() ({
        %run_scoped3A_70 = tpu.sem_alloc : memref<!tpu.dma_semaphore, #tpu.memory_space<semaphore_mem>>
        %dma_start3A_71 = arith.constant 0 : i32
        %dma_start3A_72 = tpu.memref_slice %arg8[%add3A_43, %dma_start3A_71] : memref<106x96xi32, #tpu.memory_space<vmem>> -> memref<1x96xi32, #tpu.memory_space<vmem>>
        %dma_start3A_73 = tpu.memref_squeeze %dma_start3A_72 : memref<1x96xi32, #tpu.memory_space<vmem>> -> memref<96xi32, #tpu.memory_space<vmem>>
        %dma_start3A_74 = arith.constant 0 : i32
        %dma_start3A_75 = arith.constant 0 : i32
        %dma_start3A_76 = tpu.memref_slice %arg13[%dma_start3A_74, %dma_start3A_75] : memref<10000x128xf32, #tpu.memory_space<vmem_shared>> -> memref<10000x128xf32, #tpu.memory_space<vmem_shared>>
        tpu.enqueue_indirect_dma source(%arg10 : memref<96x128xf32, #tpu.memory_space<vmem>>) target(%dma_start3A_76 : memref<10000x128xf32, #tpu.memory_space<vmem_shared>>) offsets(%dma_start3A_73 : memref<96xi32, #tpu.memory_space<vmem>>) semaphore(%run_scoped3A_70 : memref<!tpu.dma_semaphore, #tpu.memory_space<semaphore_mem>>) {add = true}
        %dma_wait3A_77 = arith.constant 0 : i32
        %dma_wait3A_78 = tpu.memref_slice %arg8[%add3A_43, %dma_wait3A_77] : memref<106x96xi32, #tpu.memory_space<vmem>> -> memref<1x96xi32, #tpu.memory_space<vmem>>
        %dma_wait3A_79 = tpu.memref_squeeze %dma_wait3A_78 : memref<1x96xi32, #tpu.memory_space<vmem>> -> memref<96xi32, #tpu.memory_space<vmem>>
        %dma_wait3A_80 = arith.constant 0 : i32
        %dma_wait3A_81 = arith.constant 0 : i32
        %dma_wait3A_82 = tpu.memref_slice %arg13[%dma_wait3A_80, %dma_wait3A_81] : memref<10000x128xf32, #tpu.memory_space<vmem_shared>> -> memref<10000x128xf32, #tpu.memory_space<vmem_shared>>
        tpu.wait_indirect_dma semaphore(%run_scoped3A_70 : memref<!tpu.dma_semaphore, #tpu.memory_space<semaphore_mem>>) src(%arg10 : memref<96x128xf32, #tpu.memory_space<vmem>>) dst(%dma_wait3A_82 : memref<10000x128xf32, #tpu.memory_space<vmem_shared>>)
        tpu.yield
      }) : () -> ()
    }
    %scan3A_15 = arith.constant 52 : i32
    %dma_start3A_16 = arith.constant 10080 : i32
    %dma_start3A_17 = tpu.memref_slice %arg7[%dma_start3A_16] : memref<10176xi32, #tpu.memory_space<vmem>> -> memref<96xi32, #tpu.memory_space<vmem>>
    %dma_start3A_18 = arith.constant 0 : i32
    %dma_start3A_19 = arith.constant 0 : i32
    %dma_start3A_20 = tpu.memref_slice %arg2[%dma_start3A_18, %dma_start3A_19] : memref<10008x128xf32, #tpu.memory_space<hbm>> -> memref<10008x128xf32, #tpu.memory_space<hbm>>
    tpu.enqueue_indirect_dma source(%dma_start3A_20 : memref<10008x128xf32, #tpu.memory_space<hbm>>) target(%arg10 : memref<96x128xf32, #tpu.memory_space<vmem>>) offsets(%dma_start3A_17 : memref<96xi32, #tpu.memory_space<vmem>>) semaphore(%arg12 : memref<!tpu.dma_semaphore, #tpu.memory_space<semaphore_mem>>)
    %dma_wait3A = arith.constant 9984 : i32
    %dma_wait3A_21 = tpu.memref_slice %arg7[%dma_wait3A] : memref<10176xi32, #tpu.memory_space<vmem>> -> memref<96xi32, #tpu.memory_space<vmem>>
    %dma_wait3A_22 = arith.constant 0 : i32
    %dma_wait3A_23 = arith.constant 0 : i32
    %dma_wait3A_24 = tpu.memref_slice %arg2[%dma_wait3A_22, %dma_wait3A_23] : memref<10008x128xf32, #tpu.memory_space<hbm>> -> memref<10008x128xf32, #tpu.memory_space<hbm>>
    tpu.wait_indirect_dma semaphore(%arg11 : memref<!tpu.dma_semaphore, #tpu.memory_space<semaphore_mem>>) src(%dma_wait3A_24 : memref<10008x128xf32, #tpu.memory_space<hbm>>) dst(%arg9 : memref<96x128xf32, #tpu.memory_space<vmem>>)
    %run_scoped3A = arith.constant 104 : i32
    "tpu.region"() ({
      %run_scoped3A_39 = tpu.sem_alloc : memref<!tpu.dma_semaphore, #tpu.memory_space<semaphore_mem>>
      %dma_start3A_40 = arith.constant 0 : i32
      %dma_start3A_41 = tpu.memref_slice %arg8[%run_scoped3A, %dma_start3A_40] : memref<106x96xi32, #tpu.memory_space<vmem>> -> memref<1x96xi32, #tpu.memory_space<vmem>>
      %dma_start3A_42 = tpu.memref_squeeze %dma_start3A_41 : memref<1x96xi32, #tpu.memory_space<vmem>> -> memref<96xi32, #tpu.memory_space<vmem>>
      %dma_start3A_43 = arith.constant 0 : i32
      %dma_start3A_44 = arith.constant 0 : i32
      %dma_start3A_45 = tpu.memref_slice %arg13[%dma_start3A_43, %dma_start3A_44] : memref<10000x128xf32, #tpu.memory_space<vmem_shared>> -> memref<10000x128xf32, #tpu.memory_space<vmem_shared>>
      tpu.enqueue_indirect_dma source(%arg9 : memref<96x128xf32, #tpu.memory_space<vmem>>) target(%dma_start3A_45 : memref<10000x128xf32, #tpu.memory_space<vmem_shared>>) offsets(%dma_start3A_42 : memref<96xi32, #tpu.memory_space<vmem>>) semaphore(%run_scoped3A_39 : memref<!tpu.dma_semaphore, #tpu.memory_space<semaphore_mem>>) {add = true}
      %dma_wait3A_46 = arith.constant 0 : i32
      %dma_wait3A_47 = tpu.memref_slice %arg8[%run_scoped3A, %dma_wait3A_46] : memref<106x96xi32, #tpu.memory_space<vmem>> -> memref<1x96xi32, #tpu.memory_space<vmem>>
      %dma_wait3A_48 = tpu.memref_squeeze %dma_wait3A_47 : memref<1x96xi32, #tpu.memory_space<vmem>> -> memref<96xi32, #tpu.memory_space<vmem>>
      %dma_wait3A_49 = arith.constant 0 : i32
      %dma_wait3A_50 = arith.constant 0 : i32
      %dma_wait3A_51 = tpu.memref_slice %arg13[%dma_wait3A_49, %dma_wait3A_50] : memref<10000x128xf32, #tpu.memory_space<vmem_shared>> -> memref<10000x128xf32, #tpu.memory_space<vmem_shared>>
      tpu.wait_indirect_dma semaphore(%run_scoped3A_39 : memref<!tpu.dma_semaphore, #tpu.memory_space<semaphore_mem>>) src(%arg9 : memref<96x128xf32, #tpu.memory_space<vmem>>) dst(%dma_wait3A_51 : memref<10000x128xf32, #tpu.memory_space<vmem_shared>>)
      tpu.yield
    }) : () -> ()
    %dma_wait3A_25 = arith.constant 10080 : i32
    %dma_wait3A_26 = tpu.memref_slice %arg7[%dma_wait3A_25] : memref<10176xi32, #tpu.memory_space<vmem>> -> memref<96xi32, #tpu.memory_space<vmem>>
    %dma_wait3A_27 = arith.constant 0 : i32
    %dma_wait3A_28 = arith.constant 0 : i32
    %dma_wait3A_29 = tpu.memref_slice %arg2[%dma_wait3A_27, %dma_wait3A_28] : memref<10008x128xf32, #tpu.memory_space<hbm>> -> memref<10008x128xf32, #tpu.memory_space<hbm>>
    tpu.wait_indirect_dma semaphore(%arg12 : memref<!tpu.dma_semaphore, #tpu.memory_space<semaphore_mem>>) src(%dma_wait3A_29 : memref<10008x128xf32, #tpu.memory_space<hbm>>) dst(%arg10 : memref<96x128xf32, #tpu.memory_space<vmem>>)
    %run_scoped3A_30 = arith.constant 105 : i32
    "tpu.region"() ({
      %run_scoped3A_39 = tpu.sem_alloc : memref<!tpu.dma_semaphore, #tpu.memory_space<semaphore_mem>>
      %dma_start3A_40 = arith.constant 0 : i32
      %dma_start3A_41 = tpu.memref_slice %arg8[%run_scoped3A_30, %dma_start3A_40] : memref<106x96xi32, #tpu.memory_space<vmem>> -> memref<1x96xi32, #tpu.memory_space<vmem>>
      %dma_start3A_42 = tpu.memref_squeeze %dma_start3A_41 : memref<1x96xi32, #tpu.memory_space<vmem>> -> memref<96xi32, #tpu.memory_space<vmem>>
      %dma_start3A_43 = arith.constant 0 : i32
      %dma_start3A_44 = arith.constant 0 : i32
      %dma_start3A_45 = tpu.memref_slice %arg13[%dma_start3A_43, %dma_start3A_44] : memref<10000x128xf32, #tpu.memory_space<vmem_shared>> -> memref<10000x128xf32, #tpu.memory_space<vmem_shared>>
      tpu.enqueue_indirect_dma source(%arg10 : memref<96x128xf32, #tpu.memory_space<vmem>>) target(%dma_start3A_45 : memref<10000x128xf32, #tpu.memory_space<vmem_shared>>) offsets(%dma_start3A_42 : memref<96xi32, #tpu.memory_space<vmem>>) semaphore(%run_scoped3A_39 : memref<!tpu.dma_semaphore, #tpu.memory_space<semaphore_mem>>) {add = true}
      %dma_wait3A_46 = arith.constant 0 : i32
      %dma_wait3A_47 = tpu.memref_slice %arg8[%run_scoped3A_30, %dma_wait3A_46] : memref<106x96xi32, #tpu.memory_space<vmem>> -> memref<1x96xi32, #tpu.memory_space<vmem>>
      %dma_wait3A_48 = tpu.memref_squeeze %dma_wait3A_47 : memref<1x96xi32, #tpu.memory_space<vmem>> -> memref<96xi32, #tpu.memory_space<vmem>>
      %dma_wait3A_49 = arith.constant 0 : i32
      %dma_wait3A_50 = arith.constant 0 : i32
      %dma_wait3A_51 = tpu.memref_slice %arg13[%dma_wait3A_49, %dma_wait3A_50] : memref<10000x128xf32, #tpu.memory_space<vmem_shared>> -> memref<10000x128xf32, #tpu.memory_space<vmem_shared>>
      tpu.wait_indirect_dma semaphore(%run_scoped3A_39 : memref<!tpu.dma_semaphore, #tpu.memory_space<semaphore_mem>>) src(%arg10 : memref<96x128xf32, #tpu.memory_space<vmem>>) dst(%dma_wait3A_51 : memref<10000x128xf32, #tpu.memory_space<vmem_shared>>)
      tpu.yield
    }) : () -> ()
    %barrier3A_31 = arith.constant 0 : index
    tpu.barrier barrier_id(%barrier3A_31)
    %mul3A_32 = arith.constant 624 : i32
    %mul3A_33 = arith.muli %arg1, %mul3A_32 : i32
    "tpu.region"() ({
      %run_scoped3A_39 = tpu.sem_alloc : memref<!tpu.dma_semaphore, #tpu.memory_space<semaphore_mem>>
      %dma_start3A_40 = arith.constant 0 : i32
      %dma_start3A_41 = arith.constant 0 : i32
      %dma_start3A_42 = tpu.memref_slice %arg6[%arg0, %dma_start3A_40, %dma_start3A_41] : memref<2x10000x128xf32, #tpu.memory_space<hbm>> -> memref<1x10000x128xf32, #tpu.memory_space<hbm>>
      %dma_start3A_43 = tpu.memref_squeeze %dma_start3A_42 : memref<1x10000x128xf32, #tpu.memory_space<hbm>> -> memref<10000x128xf32, #tpu.memory_space<hbm>>
      %dma_start3A_44 = arith.constant 0 : i32
      %dma_start3A_45 = tpu.memref_slice %dma_start3A_43[%mul3A_33, %dma_start3A_44] : memref<10000x128xf32, #tpu.memory_space<hbm>> -> memref<624x128xf32, #tpu.memory_space<hbm>>
      %dma_start3A_46 = arith.constant 0 : i32
      %dma_start3A_47 = tpu.memref_slice %arg13[%mul3A_33, %dma_start3A_46] : memref<10000x128xf32, #tpu.memory_space<vmem_shared>> -> memref<624x128xf32, #tpu.memory_space<vmem_shared>>
      tpu.enqueue_dma source(%dma_start3A_47 : memref<624x128xf32, #tpu.memory_space<vmem_shared>>) target(%dma_start3A_45 : memref<624x128xf32, #tpu.memory_space<hbm>>) target_semaphore(%run_scoped3A_39 : memref<!tpu.dma_semaphore, #tpu.memory_space<semaphore_mem>>)
      %dma_wait3A_48 = arith.constant 0 : i32
      %dma_wait3A_49 = arith.constant 0 : i32
      %dma_wait3A_50 = tpu.memref_slice %arg6[%arg0, %dma_wait3A_48, %dma_wait3A_49] : memref<2x10000x128xf32, #tpu.memory_space<hbm>> -> memref<1x10000x128xf32, #tpu.memory_space<hbm>>
      %dma_wait3A_51 = tpu.memref_squeeze %dma_wait3A_50 : memref<1x10000x128xf32, #tpu.memory_space<hbm>> -> memref<10000x128xf32, #tpu.memory_space<hbm>>
      %dma_wait3A_52 = arith.constant 0 : i32
      %dma_wait3A_53 = tpu.memref_slice %dma_wait3A_51[%mul3A_33, %dma_wait3A_52] : memref<10000x128xf32, #tpu.memory_space<hbm>> -> memref<624x128xf32, #tpu.memory_space<hbm>>
      %dma_wait3A_54 = arith.constant 0 : i32
      %dma_wait3A_55 = tpu.memref_slice %arg13[%mul3A_33, %dma_wait3A_54] : memref<10000x128xf32, #tpu.memory_space<vmem_shared>> -> memref<624x128xf32, #tpu.memory_space<vmem_shared>>
      tpu.wait_dma2 semaphore(%run_scoped3A_39 : memref<!tpu.dma_semaphore, #tpu.memory_space<semaphore_mem>>) src(%dma_wait3A_55 : memref<624x128xf32, #tpu.memory_space<vmem_shared>>) dst(%dma_wait3A_53 : memref<624x128xf32, #tpu.memory_space<hbm>>)
      tpu.yield
    }) : () -> ()
    %eq3A_34 = arith.constant 15 : i32
    %eq3A_35 = arith.cmpi eq, %arg1, %eq3A_34 : i32
    %convert_element_type3A_36 = arith.extui %eq3A_35 : i1 to i32
    %cond3A_37 = arith.constant 0 : i32
    %cond3A_38 = arith.cmpi ne, %convert_element_type3A_36, %cond3A_37 : i32
    scf.if %cond3A_38 {
      "tpu.region"() ({
        %run_scoped3A_39 = tpu.sem_alloc : memref<!tpu.dma_semaphore, #tpu.memory_space<semaphore_mem>>
        %dma_start3A_40 = arith.constant 0 : i32
        %dma_start3A_41 = arith.constant 0 : i32
        %dma_start3A_42 = tpu.memref_slice %arg6[%arg0, %dma_start3A_40, %dma_start3A_41] : memref<2x10000x128xf32, #tpu.memory_space<hbm>> -> memref<1x10000x128xf32, #tpu.memory_space<hbm>>
        %dma_start3A_43 = tpu.memref_squeeze %dma_start3A_42 : memref<1x10000x128xf32, #tpu.memory_space<hbm>> -> memref<10000x128xf32, #tpu.memory_space<hbm>>
        %dma_start3A_44 = arith.constant 9984 : i32
        %dma_start3A_45 = arith.constant 0 : i32
        %dma_start3A_46 = tpu.memref_slice %dma_start3A_43[%dma_start3A_44, %dma_start3A_45] : memref<10000x128xf32, #tpu.memory_space<hbm>> -> memref<16x128xf32, #tpu.memory_space<hbm>>
        %dma_start3A_47 = arith.constant 9984 : i32
        %dma_start3A_48 = arith.constant 0 : i32
        %dma_start3A_49 = tpu.memref_slice %arg13[%dma_start3A_47, %dma_start3A_48] : memref<10000x128xf32, #tpu.memory_space<vmem_shared>> -> memref<16x128xf32, #tpu.memory_space<vmem_shared>>
        tpu.enqueue_dma source(%dma_start3A_49 : memref<16x128xf32, #tpu.memory_space<vmem_shared>>) target(%dma_start3A_46 : memref<16x128xf32, #tpu.memory_space<hbm>>) target_semaphore(%run_scoped3A_39 : memref<!tpu.dma_semaphore, #tpu.memory_space<semaphore_mem>>)
        %dma_wait3A_50 = arith.constant 0 : i32
        %dma_wait3A_51 = arith.constant 0 : i32
        %dma_wait3A_52 = tpu.memref_slice %arg6[%arg0, %dma_wait3A_50, %dma_wait3A_51] : memref<2x10000x128xf32, #tpu.memory_space<hbm>> -> memref<1x10000x128xf32, #tpu.memory_space<hbm>>
        %dma_wait3A_53 = tpu.memref_squeeze %dma_wait3A_52 : memref<1x10000x128xf32, #tpu.memory_space<hbm>> -> memref<10000x128xf32, #tpu.memory_space<hbm>>
        %dma_wait3A_54 = arith.constant 9984 : i32
        %dma_wait3A_55 = arith.constant 0 : i32
        %dma_wait3A_56 = tpu.memref_slice %dma_wait3A_53[%dma_wait3A_54, %dma_wait3A_55] : memref<10000x128xf32, #tpu.memory_space<hbm>> -> memref<16x128xf32, #tpu.memory_space<hbm>>
        %dma_wait3A_57 = arith.constant 9984 : i32
        %dma_wait3A_58 = arith.constant 0 : i32
        %dma_wait3A_59 = tpu.memref_slice %arg13[%dma_wait3A_57, %dma_wait3A_58] : memref<10000x128xf32, #tpu.memory_space<vmem_shared>> -> memref<16x128xf32, #tpu.memory_space<vmem_shared>>
        tpu.wait_dma2 semaphore(%run_scoped3A_39 : memref<!tpu.dma_semaphore, #tpu.memory_space<semaphore_mem>>) src(%dma_wait3A_59 : memref<16x128xf32, #tpu.memory_space<vmem_shared>>) dst(%dma_wait3A_56 : memref<16x128xf32, #tpu.memory_space<hbm>>)
        tpu.yield
      }) : () -> ()
    } else {
    }
    return
  }
}

#map = affine_map<(d0, d1) -> (0)>
module attributes {stable_mosaic.version = 14 : i64} {
  func.func @deg_kernel(%arg0: i32, %arg1: i32, %arg2: memref<320000xi32, #tpu.memory_space<hbm>>, %arg3: memref<320000xi32, #tpu.memory_space<hbm>>, %arg4: memref<10000xf32, #tpu.memory_space<hbm>>, %arg5: memref<320000xf32, #tpu.memory_space<hbm>>, %arg6: memref<320000xf32, #tpu.memory_space<hbm>>, %arg7: memref<10000xi32, #tpu.memory_space<vmem>>, %arg8: memref<10000xi32, #tpu.memory_space<vmem>>, %arg9: memref<10000xf32, #tpu.memory_space<vmem>>, %arg10: memref<10000xf32, #tpu.memory_space<vmem>>) attributes {dimension_semantics = [#tpu.dimension_semantics<core_parallel>, #tpu.dimension_semantics<subcore_parallel>], iteration_bounds = array<i64: 2, 16>, scalar_prefetch = 0 : i64, scratch_operands = 4 : i64, tpu.core_type = #tpu.core_type<sc_vector_subcore>, window_params = [{transform_indices = #map}, {transform_indices = #map}, {transform_indices = #map}, {transform_indices = #map}, {transform_indices = #map}]} {
    %mul3A = arith.constant 16 : i32
    %mul3A_0 = arith.muli %arg0, %mul3A : i32
    %add3A = arith.addi %mul3A_0, %arg1 : i32
    "tpu.region"() ({
      %run_scoped3A = tpu.sem_alloc : memref<!tpu.dma_semaphore, #tpu.memory_space<semaphore_mem>>
      tpu.enqueue_dma source(%arg4 : memref<10000xf32, #tpu.memory_space<hbm>>) target(%arg9 : memref<10000xf32, #tpu.memory_space<vmem>>) target_semaphore(%run_scoped3A : memref<!tpu.dma_semaphore, #tpu.memory_space<semaphore_mem>>)
      tpu.wait_dma2 semaphore(%run_scoped3A : memref<!tpu.dma_semaphore, #tpu.memory_space<semaphore_mem>>) src(%arg4 : memref<10000xf32, #tpu.memory_space<hbm>>) dst(%arg9 : memref<10000xf32, #tpu.memory_space<vmem>>)
      tpu.yield
    }) : () -> ()
    "tpu.region"() ({
      %run_scoped3A = tpu.sem_alloc : memref<!tpu.dma_semaphore, #tpu.memory_space<semaphore_mem>>
      tpu.enqueue_dma source(%arg4 : memref<10000xf32, #tpu.memory_space<hbm>>) target(%arg10 : memref<10000xf32, #tpu.memory_space<vmem>>) target_semaphore(%run_scoped3A : memref<!tpu.dma_semaphore, #tpu.memory_space<semaphore_mem>>)
      tpu.wait_dma2 semaphore(%run_scoped3A : memref<!tpu.dma_semaphore, #tpu.memory_space<semaphore_mem>>) src(%arg4 : memref<10000xf32, #tpu.memory_space<hbm>>) dst(%arg10 : memref<10000xf32, #tpu.memory_space<vmem>>)
      tpu.yield
    }) : () -> ()
    %mul3A_1 = arith.constant 10000 : i32
    %mul3A_2 = arith.muli %add3A, %mul3A_1 : i32
    %broadcast_in_dim3A = arith.constant 1.000000e+00 : f32
    %broadcast_in_dim3A_3 = vector.broadcast %broadcast_in_dim3A : f32 to vector<16xf32>
    "tpu.region"() ({
      %run_scoped3A = tpu.sem_alloc : memref<!tpu.dma_semaphore, #tpu.memory_space<semaphore_mem>>
      %dma_start3A = tpu.memref_slice %arg2[%mul3A_2] : memref<320000xi32, #tpu.memory_space<hbm>> -> memref<10000xi32, #tpu.memory_space<hbm>>
      %dma_start3A_13 = tpu.memref_slice %arg2[%mul3A_2] : memref<320000xi32, #tpu.memory_space<hbm>> -> memref<10000xi32, #tpu.memory_space<hbm>>
      tpu.enqueue_dma source(%dma_start3A_13 : memref<10000xi32, #tpu.memory_space<hbm>>) target(%arg7 : memref<10000xi32, #tpu.memory_space<vmem>>) target_semaphore(%run_scoped3A : memref<!tpu.dma_semaphore, #tpu.memory_space<semaphore_mem>>)
      %dma_wait3A = tpu.memref_slice %arg2[%mul3A_2] : memref<320000xi32, #tpu.memory_space<hbm>> -> memref<10000xi32, #tpu.memory_space<hbm>>
      %dma_wait3A_14 = tpu.memref_slice %arg2[%mul3A_2] : memref<320000xi32, #tpu.memory_space<hbm>> -> memref<10000xi32, #tpu.memory_space<hbm>>
      tpu.wait_dma2 semaphore(%run_scoped3A : memref<!tpu.dma_semaphore, #tpu.memory_space<semaphore_mem>>) src(%dma_wait3A_14 : memref<10000xi32, #tpu.memory_space<hbm>>) dst(%arg7 : memref<10000xi32, #tpu.memory_space<vmem>>)
      tpu.yield
    }) : () -> ()
    "tpu.region"() ({
      %run_scoped3A = tpu.sem_alloc : memref<!tpu.dma_semaphore, #tpu.memory_space<semaphore_mem>>
      %dma_start3A = tpu.memref_slice %arg3[%mul3A_2] : memref<320000xi32, #tpu.memory_space<hbm>> -> memref<10000xi32, #tpu.memory_space<hbm>>
      %dma_start3A_13 = tpu.memref_slice %arg3[%mul3A_2] : memref<320000xi32, #tpu.memory_space<hbm>> -> memref<10000xi32, #tpu.memory_space<hbm>>
      tpu.enqueue_dma source(%dma_start3A_13 : memref<10000xi32, #tpu.memory_space<hbm>>) target(%arg8 : memref<10000xi32, #tpu.memory_space<vmem>>) target_semaphore(%run_scoped3A : memref<!tpu.dma_semaphore, #tpu.memory_space<semaphore_mem>>)
      %dma_wait3A = tpu.memref_slice %arg3[%mul3A_2] : memref<320000xi32, #tpu.memory_space<hbm>> -> memref<10000xi32, #tpu.memory_space<hbm>>
      %dma_wait3A_14 = tpu.memref_slice %arg3[%mul3A_2] : memref<320000xi32, #tpu.memory_space<hbm>> -> memref<10000xi32, #tpu.memory_space<hbm>>
      tpu.wait_dma2 semaphore(%run_scoped3A : memref<!tpu.dma_semaphore, #tpu.memory_space<semaphore_mem>>) src(%dma_wait3A_14 : memref<10000xi32, #tpu.memory_space<hbm>>) dst(%arg8 : memref<10000xi32, #tpu.memory_space<vmem>>)
      tpu.yield
    }) : () -> ()
    %scan3A = arith.constant 0 : i32
    %scan3A_4 = arith.constant 0 : i32
    %scan3A_5 = arith.constant 625 : i32
    %scan3A_6 = arith.addi %scan3A_4, %scan3A_5 : i32
    %scan3A_7 = arith.constant 1 : i32
    scf.for %scan3A_13 = %scan3A_4 to %scan3A_6 step %scan3A_7  : i32 {
      %mul3A_14 = arith.constant 16 : i32
      %mul3A_15 = arith.muli %scan3A_13, %mul3A_14 : i32
      %get3A = arith.index_cast %mul3A_15 : i32 to index
      %get3A_16 = tpu.vector_load %arg7[%get3A] {strides = array<i32>} : memref<10000xi32, #tpu.memory_space<vmem>>, vector<16xi32>,
      tpu.vector_store_idx %arg9[%get3A_16], %broadcast_in_dim3A_3 {add = true} : memref<10000xf32, #tpu.memory_space<vmem>>[vector<16xi32>], vector<16xf32>,
      %mul3A_17 = arith.constant 16 : i32
      %mul3A_18 = arith.muli %scan3A_13, %mul3A_17 : i32
      %get3A_19 = arith.index_cast %mul3A_18 : i32 to index
      %get3A_20 = tpu.vector_load %arg8[%get3A_19] {strides = array<i32>} : memref<10000xi32, #tpu.memory_space<vmem>>, vector<16xi32>,
      tpu.vector_store_idx %arg10[%get3A_20], %broadcast_in_dim3A_3 {add = true} : memref<10000xf32, #tpu.memory_space<vmem>>[vector<16xi32>], vector<16xf32>,
    }
    %scan3A_8 = arith.constant 625 : i32
    %mul3A_9 = arith.constant 10000 : i32
    %mul3A_10 = arith.muli %add3A, %mul3A_9 : i32
    "tpu.region"() ({
      %run_scoped3A = tpu.sem_alloc : memref<!tpu.dma_semaphore, #tpu.memory_space<semaphore_mem>>
      %dma_start3A = tpu.memref_slice %arg5[%mul3A_10] : memref<320000xf32, #tpu.memory_space<hbm>> -> memref<10000xf32, #tpu.memory_space<hbm>>
      %dma_start3A_13 = tpu.memref_slice %arg5[%mul3A_10] : memref<320000xf32, #tpu.memory_space<hbm>> -> memref<10000xf32, #tpu.memory_space<hbm>>
      tpu.enqueue_dma source(%arg9 : memref<10000xf32, #tpu.memory_space<vmem>>) target(%dma_start3A_13 : memref<10000xf32, #tpu.memory_space<hbm>>) target_semaphore(%run_scoped3A : memref<!tpu.dma_semaphore, #tpu.memory_space<semaphore_mem>>)
      %dma_wait3A = tpu.memref_slice %arg5[%mul3A_10] : memref<320000xf32, #tpu.memory_space<hbm>> -> memref<10000xf32, #tpu.memory_space<hbm>>
      %dma_wait3A_14 = tpu.memref_slice %arg5[%mul3A_10] : memref<320000xf32, #tpu.memory_space<hbm>> -> memref<10000xf32, #tpu.memory_space<hbm>>
      tpu.wait_dma2 semaphore(%run_scoped3A : memref<!tpu.dma_semaphore, #tpu.memory_space<semaphore_mem>>) src(%arg9 : memref<10000xf32, #tpu.memory_space<vmem>>) dst(%dma_wait3A_14 : memref<10000xf32, #tpu.memory_space<hbm>>)
      tpu.yield
    }) : () -> ()
    %mul3A_11 = arith.constant 10000 : i32
    %mul3A_12 = arith.muli %add3A, %mul3A_11 : i32
    "tpu.region"() ({
      %run_scoped3A = tpu.sem_alloc : memref<!tpu.dma_semaphore, #tpu.memory_space<semaphore_mem>>
      %dma_start3A = tpu.memref_slice %arg6[%mul3A_12] : memref<320000xf32, #tpu.memory_space<hbm>> -> memref<10000xf32, #tpu.memory_space<hbm>>
      %dma_start3A_13 = tpu.memref_slice %arg6[%mul3A_12] : memref<320000xf32, #tpu.memory_space<hbm>> -> memref<10000xf32, #tpu.memory_space<hbm>>
      tpu.enqueue_dma source(%arg10 : memref<10000xf32, #tpu.memory_space<vmem>>) target(%dma_start3A_13 : memref<10000xf32, #tpu.memory_space<hbm>>) target_semaphore(%run_scoped3A : memref<!tpu.dma_semaphore, #tpu.memory_space<semaphore_mem>>)
      %dma_wait3A = tpu.memref_slice %arg6[%mul3A_12] : memref<320000xf32, #tpu.memory_space<hbm>> -> memref<10000xf32, #tpu.memory_space<hbm>>
      %dma_wait3A_14 = tpu.memref_slice %arg6[%mul3A_12] : memref<320000xf32, #tpu.memory_space<hbm>> -> memref<10000xf32, #tpu.memory_space<hbm>>
      tpu.wait_dma2 semaphore(%run_scoped3A : memref<!tpu.dma_semaphore, #tpu.memory_space<semaphore_mem>>) src(%arg10 : memref<10000xf32, #tpu.memory_space<vmem>>) dst(%dma_wait3A_14 : memref<10000xf32, #tpu.memory_space<hbm>>)
      tpu.yield
    }) : () -> ()
    return
  }
}

#map = affine_map<(d0, d1) -> (0, 0)>
#map1 = affine_map<(d0, d1) -> (0)>
module attributes {stable_mosaic.version = 14 : i64} {
  func.func @dot_kernel(%arg0: i32, %arg1: i32, %arg2: memref<10008x128xf32, #tpu.memory_space<hbm>>, %arg3: memref<321536xi32, #tpu.memory_space<hbm>>, %arg4: memref<321536xi32, #tpu.memory_space<hbm>>, %arg5: memref<40192x128xf32, #tpu.memory_space<hbm>>, %arg6: memref<10048xi32, #tpu.memory_space<vmem>>, %arg7: memref<10048xi32, #tpu.memory_space<vmem>>, %arg8: memref<32x128xf32, #tpu.memory_space<vmem>>, %arg9: memref<32x128xf32, #tpu.memory_space<vmem>>, %arg10: memref<32x128xf32, #tpu.memory_space<vmem>>, %arg11: memref<32x128xf32, #tpu.memory_space<vmem>>, %arg12: memref<8x128xf32, #tpu.memory_space<vmem>>, %arg13: memref<!tpu.dma_semaphore, #tpu.memory_space<semaphore_mem>>, %arg14: memref<!tpu.dma_semaphore, #tpu.memory_space<semaphore_mem>>, %arg15: memref<10008x128xf32, #tpu.memory_space<vmem_shared>>) attributes {dimension_semantics = [#tpu.dimension_semantics<core_parallel>, #tpu.dimension_semantics<subcore_parallel>], iteration_bounds = array<i64: 2, 16>, scalar_prefetch = 0 : i64, scratch_operands = 10 : i64, tpu.core_type = #tpu.core_type<sc_vector_subcore>, window_params = [{transform_indices = #map}, {transform_indices = #map1}, {transform_indices = #map1}, {transform_indices = #map}]} {
    %mul3A = arith.constant 16 : i32
    %mul3A_0 = arith.muli %arg0, %mul3A : i32
    %add3A = arith.addi %mul3A_0, %arg1 : i32
    %mul3A_1 = arith.constant 10048 : i32
    %mul3A_2 = arith.muli %add3A, %mul3A_1 : i32
    %mul3A_3 = arith.constant 1256 : i32
    %mul3A_4 = arith.muli %add3A, %mul3A_3 : i32
    %mul3A_5 = arith.constant 624 : i32
    %mul3A_6 = arith.muli %arg1, %mul3A_5 : i32
    "tpu.region"() ({
      %run_scoped3A = tpu.sem_alloc : memref<!tpu.dma_semaphore, #tpu.memory_space<semaphore_mem>>
      %dma_start3A_66 = arith.constant 0 : i32
      %dma_start3A_67 = tpu.memref_slice %arg15[%mul3A_6, %dma_start3A_66] : memref<10008x128xf32, #tpu.memory_space<vmem_shared>> -> memref<624x128xf32, #tpu.memory_space<vmem_shared>>
      %dma_start3A_68 = arith.constant 0 : i32
      %dma_start3A_69 = tpu.memref_slice %arg2[%mul3A_6, %dma_start3A_68] : memref<10008x128xf32, #tpu.memory_space<hbm>> -> memref<624x128xf32, #tpu.memory_space<hbm>>
      tpu.enqueue_dma source(%dma_start3A_69 : memref<624x128xf32, #tpu.memory_space<hbm>>) target(%dma_start3A_67 : memref<624x128xf32, #tpu.memory_space<vmem_shared>>) target_semaphore(%run_scoped3A : memref<!tpu.dma_semaphore, #tpu.memory_space<semaphore_mem>>)
      %dma_wait3A_70 = arith.constant 0 : i32
      %dma_wait3A_71 = tpu.memref_slice %arg15[%mul3A_6, %dma_wait3A_70] : memref<10008x128xf32, #tpu.memory_space<vmem_shared>> -> memref<624x128xf32, #tpu.memory_space<vmem_shared>>
      %dma_wait3A_72 = arith.constant 0 : i32
      %dma_wait3A_73 = tpu.memref_slice %arg2[%mul3A_6, %dma_wait3A_72] : memref<10008x128xf32, #tpu.memory_space<hbm>> -> memref<624x128xf32, #tpu.memory_space<hbm>>
      tpu.wait_dma2 semaphore(%run_scoped3A : memref<!tpu.dma_semaphore, #tpu.memory_space<semaphore_mem>>) src(%dma_wait3A_73 : memref<624x128xf32, #tpu.memory_space<hbm>>) dst(%dma_wait3A_71 : memref<624x128xf32, #tpu.memory_space<vmem_shared>>)
      tpu.yield
    }) : () -> ()
    %eq3A = arith.constant 15 : i32
    %eq3A_7 = arith.cmpi eq, %arg1, %eq3A : i32
    %convert_element_type3A = arith.extui %eq3A_7 : i1 to i32
    %cond3A = arith.constant 0 : i32
    %cond3A_8 = arith.cmpi ne, %convert_element_type3A, %cond3A : i32
    scf.if %cond3A_8 {
      "tpu.region"() ({
        %run_scoped3A = tpu.sem_alloc : memref<!tpu.dma_semaphore, #tpu.memory_space<semaphore_mem>>
        %dma_start3A_66 = arith.constant 9984 : i32
        %dma_start3A_67 = arith.constant 0 : i32
        %dma_start3A_68 = tpu.memref_slice %arg15[%dma_start3A_66, %dma_start3A_67] : memref<10008x128xf32, #tpu.memory_space<vmem_shared>> -> memref<24x128xf32, #tpu.memory_space<vmem_shared>>
        %dma_start3A_69 = arith.constant 9984 : i32
        %dma_start3A_70 = arith.constant 0 : i32
        %dma_start3A_71 = tpu.memref_slice %arg2[%dma_start3A_69, %dma_start3A_70] : memref<10008x128xf32, #tpu.memory_space<hbm>> -> memref<24x128xf32, #tpu.memory_space<hbm>>
        tpu.enqueue_dma source(%dma_start3A_71 : memref<24x128xf32, #tpu.memory_space<hbm>>) target(%dma_start3A_68 : memref<24x128xf32, #tpu.memory_space<vmem_shared>>) target_semaphore(%run_scoped3A : memref<!tpu.dma_semaphore, #tpu.memory_space<semaphore_mem>>)
        %dma_wait3A_72 = arith.constant 9984 : i32
        %dma_wait3A_73 = arith.constant 0 : i32
        %dma_wait3A_74 = tpu.memref_slice %arg15[%dma_wait3A_72, %dma_wait3A_73] : memref<10008x128xf32, #tpu.memory_space<vmem_shared>> -> memref<24x128xf32, #tpu.memory_space<vmem_shared>>
        %dma_wait3A_75 = arith.constant 9984 : i32
        %dma_wait3A_76 = arith.constant 0 : i32
        %dma_wait3A_77 = tpu.memref_slice %arg2[%dma_wait3A_75, %dma_wait3A_76] : memref<10008x128xf32, #tpu.memory_space<hbm>> -> memref<24x128xf32, #tpu.memory_space<hbm>>
        tpu.wait_dma2 semaphore(%run_scoped3A : memref<!tpu.dma_semaphore, #tpu.memory_space<semaphore_mem>>) src(%dma_wait3A_77 : memref<24x128xf32, #tpu.memory_space<hbm>>) dst(%dma_wait3A_74 : memref<24x128xf32, #tpu.memory_space<vmem_shared>>)
        tpu.yield
      }) : () -> ()
    } else {
    }
    "tpu.region"() ({
      %run_scoped3A = tpu.sem_alloc : memref<!tpu.dma_semaphore, #tpu.memory_space<semaphore_mem>>
      %dma_start3A_66 = tpu.memref_slice %arg3[%mul3A_2] : memref<321536xi32, #tpu.memory_space<hbm>> -> memref<10048xi32, #tpu.memory_space<hbm>>
      %dma_start3A_67 = tpu.memref_slice %arg3[%mul3A_2] : memref<321536xi32, #tpu.memory_space<hbm>> -> memref<10048xi32, #tpu.memory_space<hbm>>
      tpu.enqueue_dma source(%dma_start3A_67 : memref<10048xi32, #tpu.memory_space<hbm>>) target(%arg6 : memref<10048xi32, #tpu.memory_space<vmem>>) target_semaphore(%run_scoped3A : memref<!tpu.dma_semaphore, #tpu.memory_space<semaphore_mem>>)
      %dma_wait3A_68 = tpu.memref_slice %arg3[%mul3A_2] : memref<321536xi32, #tpu.memory_space<hbm>> -> memref<10048xi32, #tpu.memory_space<hbm>>
      %dma_wait3A_69 = tpu.memref_slice %arg3[%mul3A_2] : memref<321536xi32, #tpu.memory_space<hbm>> -> memref<10048xi32, #tpu.memory_space<hbm>>
      tpu.wait_dma2 semaphore(%run_scoped3A : memref<!tpu.dma_semaphore, #tpu.memory_space<semaphore_mem>>) src(%dma_wait3A_69 : memref<10048xi32, #tpu.memory_space<hbm>>) dst(%arg6 : memref<10048xi32, #tpu.memory_space<vmem>>)
      tpu.yield
    }) : () -> ()
    "tpu.region"() ({
      %run_scoped3A = tpu.sem_alloc : memref<!tpu.dma_semaphore, #tpu.memory_space<semaphore_mem>>
      %dma_start3A_66 = tpu.memref_slice %arg4[%mul3A_2] : memref<321536xi32, #tpu.memory_space<hbm>> -> memref<10048xi32, #tpu.memory_space<hbm>>
      %dma_start3A_67 = tpu.memref_slice %arg4[%mul3A_2] : memref<321536xi32, #tpu.memory_space<hbm>> -> memref<10048xi32, #tpu.memory_space<hbm>>
      tpu.enqueue_dma source(%dma_start3A_67 : memref<10048xi32, #tpu.memory_space<hbm>>) target(%arg7 : memref<10048xi32, #tpu.memory_space<vmem>>) target_semaphore(%run_scoped3A : memref<!tpu.dma_semaphore, #tpu.memory_space<semaphore_mem>>)
      %dma_wait3A_68 = tpu.memref_slice %arg4[%mul3A_2] : memref<321536xi32, #tpu.memory_space<hbm>> -> memref<10048xi32, #tpu.memory_space<hbm>>
      %dma_wait3A_69 = tpu.memref_slice %arg4[%mul3A_2] : memref<321536xi32, #tpu.memory_space<hbm>> -> memref<10048xi32, #tpu.memory_space<hbm>>
      tpu.wait_dma2 semaphore(%run_scoped3A : memref<!tpu.dma_semaphore, #tpu.memory_space<semaphore_mem>>) src(%dma_wait3A_69 : memref<10048xi32, #tpu.memory_space<hbm>>) dst(%arg7 : memref<10048xi32, #tpu.memory_space<vmem>>)
      tpu.yield
    }) : () -> ()
    %barrier3A = arith.constant 0 : index
    tpu.barrier barrier_id(%barrier3A)
    %dma_start3A = arith.constant 0 : i32
    %dma_start3A_9 = tpu.memref_slice %arg6[%dma_start3A] : memref<10048xi32, #tpu.memory_space<vmem>> -> memref<32xi32, #tpu.memory_space<vmem>>
    %dma_start3A_10 = arith.constant 0 : i32
    %dma_start3A_11 = arith.constant 0 : i32
    %dma_start3A_12 = tpu.memref_slice %arg15[%dma_start3A_10, %dma_start3A_11] : memref<10008x128xf32, #tpu.memory_space<vmem_shared>> -> memref<10008x128xf32, #tpu.memory_space<vmem_shared>>
    tpu.enqueue_indirect_dma source(%dma_start3A_12 : memref<10008x128xf32, #tpu.memory_space<vmem_shared>>) target(%arg8 : memref<32x128xf32, #tpu.memory_space<vmem>>) offsets(%dma_start3A_9 : memref<32xi32, #tpu.memory_space<vmem>>) semaphore(%arg13 : memref<!tpu.dma_semaphore, #tpu.memory_space<semaphore_mem>>)
    %dma_start3A_13 = arith.constant 0 : i32
    %dma_start3A_14 = tpu.memref_slice %arg7[%dma_start3A_13] : memref<10048xi32, #tpu.memory_space<vmem>> -> memref<32xi32, #tpu.memory_space<vmem>>
    %dma_start3A_15 = arith.constant 0 : i32
    %dma_start3A_16 = arith.constant 0 : i32
    %dma_start3A_17 = tpu.memref_slice %arg15[%dma_start3A_15, %dma_start3A_16] : memref<10008x128xf32, #tpu.memory_space<vmem_shared>> -> memref<10008x128xf32, #tpu.memory_space<vmem_shared>>
    tpu.enqueue_indirect_dma source(%dma_start3A_17 : memref<10008x128xf32, #tpu.memory_space<vmem_shared>>) target(%arg9 : memref<32x128xf32, #tpu.memory_space<vmem>>) offsets(%dma_start3A_14 : memref<32xi32, #tpu.memory_space<vmem>>) semaphore(%arg13 : memref<!tpu.dma_semaphore, #tpu.memory_space<semaphore_mem>>)
    %scan3A = arith.constant 0 : i32
    %scan3A_18 = arith.constant 0 : i32
    %scan3A_19 = arith.constant 156 : i32
    %scan3A_20 = arith.addi %scan3A_18, %scan3A_19 : i32
    %scan3A_21 = arith.constant 1 : i32
    scf.for %scan3A_66 = %scan3A_18 to %scan3A_20 step %scan3A_21  : i32 {
      %mul3A_67 = arith.constant 2 : i32
      %mul3A_68 = arith.muli %mul3A_67, %scan3A_66 : i32
      %add3A_69 = arith.constant 1 : i32
      %add3A_70 = arith.addi %mul3A_68, %add3A_69 : i32
      %mul3A_71 = arith.constant 32 : i32
      %mul3A_72 = arith.muli %add3A_70, %mul3A_71 : i32
      %dma_start3A_73 = tpu.memref_slice %arg6[%mul3A_72] : memref<10048xi32, #tpu.memory_space<vmem>> -> memref<32xi32, #tpu.memory_space<vmem>>
      %dma_start3A_74 = arith.constant 0 : i32
      %dma_start3A_75 = arith.constant 0 : i32
      %dma_start3A_76 = tpu.memref_slice %arg15[%dma_start3A_74, %dma_start3A_75] : memref<10008x128xf32, #tpu.memory_space<vmem_shared>> -> memref<10008x128xf32, #tpu.memory_space<vmem_shared>>
      tpu.enqueue_indirect_dma source(%dma_start3A_76 : memref<10008x128xf32, #tpu.memory_space<vmem_shared>>) target(%arg10 : memref<32x128xf32, #tpu.memory_space<vmem>>) offsets(%dma_start3A_73 : memref<32xi32, #tpu.memory_space<vmem>>) semaphore(%arg14 : memref<!tpu.dma_semaphore, #tpu.memory_space<semaphore_mem>>)
      %dma_start3A_77 = tpu.memref_slice %arg7[%mul3A_72] : memref<10048xi32, #tpu.memory_space<vmem>> -> memref<32xi32, #tpu.memory_space<vmem>>
      %dma_start3A_78 = arith.constant 0 : i32
      %dma_start3A_79 = arith.constant 0 : i32
      %dma_start3A_80 = tpu.memref_slice %arg15[%dma_start3A_78, %dma_start3A_79] : memref<10008x128xf32, #tpu.memory_space<vmem_shared>> -> memref<10008x128xf32, #tpu.memory_space<vmem_shared>>
      tpu.enqueue_indirect_dma source(%dma_start3A_80 : memref<10008x128xf32, #tpu.memory_space<vmem_shared>>) target(%arg11 : memref<32x128xf32, #tpu.memory_space<vmem>>) offsets(%dma_start3A_77 : memref<32xi32, #tpu.memory_space<vmem>>) semaphore(%arg14 : memref<!tpu.dma_semaphore, #tpu.memory_space<semaphore_mem>>)
      %mul3A_81 = arith.constant 32 : i32
      %mul3A_82 = arith.muli %mul3A_68, %mul3A_81 : i32
      %dma_wait3A_83 = tpu.memref_slice %arg6[%mul3A_82] : memref<10048xi32, #tpu.memory_space<vmem>> -> memref<32xi32, #tpu.memory_space<vmem>>
      %dma_wait3A_84 = arith.constant 0 : i32
      %dma_wait3A_85 = arith.constant 0 : i32
      %dma_wait3A_86 = tpu.memref_slice %arg15[%dma_wait3A_84, %dma_wait3A_85] : memref<10008x128xf32, #tpu.memory_space<vmem_shared>> -> memref<10008x128xf32, #tpu.memory_space<vmem_shared>>
      tpu.wait_indirect_dma semaphore(%arg13 : memref<!tpu.dma_semaphore, #tpu.memory_space<semaphore_mem>>) src(%dma_wait3A_86 : memref<10008x128xf32, #tpu.memory_space<vmem_shared>>) dst(%arg8 : memref<32x128xf32, #tpu.memory_space<vmem>>)
      %dma_wait3A_87 = tpu.memref_slice %arg7[%mul3A_82] : memref<10048xi32, #tpu.memory_space<vmem>> -> memref<32xi32, #tpu.memory_space<vmem>>
      %dma_wait3A_88 = arith.constant 0 : i32
      %dma_wait3A_89 = arith.constant 0 : i32
      %dma_wait3A_90 = tpu.memref_slice %arg15[%dma_wait3A_88, %dma_wait3A_89] : memref<10008x128xf32, #tpu.memory_space<vmem_shared>> -> memref<10008x128xf32, #tpu.memory_space<vmem_shared>>
      tpu.wait_indirect_dma semaphore(%arg13 : memref<!tpu.dma_semaphore, #tpu.memory_space<semaphore_mem>>) src(%dma_wait3A_90 : memref<10008x128xf32, #tpu.memory_space<vmem_shared>>) dst(%arg9 : memref<32x128xf32, #tpu.memory_space<vmem>>)
      %scan3A_91 = arith.constant 0 : i32
      %scan3A_92 = arith.constant 0 : i32
      %scan3A_93 = arith.constant 4 : i32
      %scan3A_94 = arith.addi %scan3A_92, %scan3A_93 : i32
      %scan3A_95 = arith.constant 1 : i32
      scf.for %scan3A_130 = %scan3A_92 to %scan3A_94 step %scan3A_95  : i32 {
        %add3A_131 = arith.constant 0 : i32
        %add3A_132 = arith.addi %add3A_131, %scan3A_130 : i32
        %mul3A_133 = arith.constant 8 : i32
        %mul3A_134 = arith.muli %scan3A_130, %mul3A_133 : i32
        %add3A_135 = arith.constant 0 : i32
        %add3A_136 = arith.addi %mul3A_134, %add3A_135 : i32
        %get3A = arith.index_cast %add3A_136 : i32 to index
        %get3A_137 = arith.constant 0 : index
        %get3A_138 = tpu.vector_load %arg8[%get3A, %get3A_137] {strides = array<i32>} : memref<32x128xf32, #tpu.memory_space<vmem>>, vector<16xf32>,
        %get3A_139 = arith.index_cast %add3A_136 : i32 to index
        %get3A_140 = arith.constant 0 : index
        %get3A_141 = tpu.vector_load %arg9[%get3A_139, %get3A_140] {strides = array<i32>} : memref<32x128xf32, #tpu.memory_space<vmem>>, vector<16xf32>,
        %mul3A_142 = arith.mulf %get3A_138, %get3A_141 : vector<16xf32>
        %get3A_143 = arith.index_cast %add3A_136 : i32 to index
        %get3A_144 = arith.constant 16 : index
        %get3A_145 = tpu.vector_load %arg8[%get3A_143, %get3A_144] {strides = array<i32>} : memref<32x128xf32, #tpu.memory_space<vmem>>, vector<16xf32>,
        %get3A_146 = arith.index_cast %add3A_136 : i32 to index
        %get3A_147 = arith.constant 16 : index
        %get3A_148 = tpu.vector_load %arg9[%get3A_146, %get3A_147] {strides = array<i32>} : memref<32x128xf32, #tpu.memory_space<vmem>>, vector<16xf32>,
        %mul3A_149 = arith.mulf %get3A_145, %get3A_148 : vector<16xf32>
        %get3A_150 = arith.index_cast %add3A_136 : i32 to index
        %get3A_151 = arith.constant 32 : index
        %get3A_152 = tpu.vector_load %arg8[%get3A_150, %get3A_151] {strides = array<i32>} : memref<32x128xf32, #tpu.memory_space<vmem>>, vector<16xf32>,
        %get3A_153 = arith.index_cast %add3A_136 : i32 to index
        %get3A_154 = arith.constant 32 : index
        %get3A_155 = tpu.vector_load %arg9[%get3A_153, %get3A_154] {strides = array<i32>} : memref<32x128xf32, #tpu.memory_space<vmem>>, vector<16xf32>,
        %mul3A_156 = arith.mulf %get3A_152, %get3A_155 : vector<16xf32>
        %add3A_157 = arith.addf %mul3A_142, %mul3A_156 : vector<16xf32>
        %get3A_158 = arith.index_cast %add3A_136 : i32 to index
        %get3A_159 = arith.constant 48 : index
        %get3A_160 = tpu.vector_load %arg8[%get3A_158, %get3A_159] {strides = array<i32>} : memref<32x128xf32, #tpu.memory_space<vmem>>, vector<16xf32>,
        %get3A_161 = arith.index_cast %add3A_136 : i32 to index
        %get3A_162 = arith.constant 48 : index
        %get3A_163 = tpu.vector_load %arg9[%get3A_161, %get3A_162] {strides = array<i32>} : memref<32x128xf32, #tpu.memory_space<vmem>>, vector<16xf32>,
        %mul3A_164 = arith.mulf %get3A_160, %get3A_163 : vector<16xf32>
        %add3A_165 = arith.addf %mul3A_149, %mul3A_164 : vector<16xf32>
        %get3A_166 = arith.index_cast %add3A_136 : i32 to index
        %get3A_167 = arith.constant 64 : index
        %get3A_168 = tpu.vector_load %arg8[%get3A_166, %get3A_167] {strides = array<i32>} : memref<32x128xf32, #tpu.memory_space<vmem>>, vector<16xf32>,
        %get3A_169 = arith.index_cast %add3A_136 : i32 to index
        %get3A_170 = arith.constant 64 : index
        %get3A_171 = tpu.vector_load %arg9[%get3A_169, %get3A_170] {strides = array<i32>} : memref<32x128xf32, #tpu.memory_space<vmem>>, vector<16xf32>,
        %mul3A_172 = arith.mulf %get3A_168, %get3A_171 : vector<16xf32>
        %add3A_173 = arith.addf %add3A_157, %mul3A_172 : vector<16xf32>
        %get3A_174 = arith.index_cast %add3A_136 : i32 to index
        %get3A_175 = arith.constant 80 : index
        %get3A_176 = tpu.vector_load %arg8[%get3A_174, %get3A_175] {strides = array<i32>} : memref<32x128xf32, #tpu.memory_space<vmem>>, vector<16xf32>,
        %get3A_177 = arith.index_cast %add3A_136 : i32 to index
        %get3A_178 = arith.constant 80 : index
        %get3A_179 = tpu.vector_load %arg9[%get3A_177, %get3A_178] {strides = array<i32>} : memref<32x128xf32, #tpu.memory_space<vmem>>, vector<16xf32>,
        %mul3A_180 = arith.mulf %get3A_176, %get3A_179 : vector<16xf32>
        %add3A_181 = arith.addf %add3A_165, %mul3A_180 : vector<16xf32>
        %get3A_182 = arith.index_cast %add3A_136 : i32 to index
        %get3A_183 = arith.constant 96 : index
        %get3A_184 = tpu.vector_load %arg8[%get3A_182, %get3A_183] {strides = array<i32>} : memref<32x128xf32, #tpu.memory_space<vmem>>, vector<16xf32>,
        %get3A_185 = arith.index_cast %add3A_136 : i32 to index
        %get3A_186 = arith.constant 96 : index
        %get3A_187 = tpu.vector_load %arg9[%get3A_185, %get3A_186] {strides = array<i32>} : memref<32x128xf32, #tpu.memory_space<vmem>>, vector<16xf32>,
        %mul3A_188 = arith.mulf %get3A_184, %get3A_187 : vector<16xf32>
        %add3A_189 = arith.addf %add3A_173, %mul3A_188 : vector<16xf32>
        %get3A_190 = arith.index_cast %add3A_136 : i32 to index
        %get3A_191 = arith.constant 112 : index
        %get3A_192 = tpu.vector_load %arg8[%get3A_190, %get3A_191] {strides = array<i32>} : memref<32x128xf32, #tpu.memory_space<vmem>>, vector<16xf32>,
        %get3A_193 = arith.index_cast %add3A_136 : i32 to index
        %get3A_194 = arith.constant 112 : index
        %get3A_195 = tpu.vector_load %arg9[%get3A_193, %get3A_194] {strides = array<i32>} : memref<32x128xf32, #tpu.memory_space<vmem>>, vector<16xf32>,
        %mul3A_196 = arith.mulf %get3A_192, %get3A_195 : vector<16xf32>
        %add3A_197 = arith.addf %add3A_181, %mul3A_196 : vector<16xf32>
        %add3A_198 = arith.addf %add3A_189, %add3A_197 : vector<16xf32>
        %swap3A = arith.index_cast %add3A_132 : i32 to index
        %swap3A_199 = arith.constant 0 : index
        %swap3A_200 = tpu.vector_load %arg12[%swap3A, %swap3A_199] {strides = array<i32>} : memref<8x128xf32, #tpu.memory_space<vmem>>, vector<16xf32>,
        tpu.vector_store %arg12[%swap3A, %swap3A_199], %add3A_198 {strides = array<i32>} : memref<8x128xf32, #tpu.memory_space<vmem>>, vector<16xf32>,
        %mul3A_201 = arith.constant 8 : i32
        %mul3A_202 = arith.muli %scan3A_130, %mul3A_201 : i32
        %add3A_203 = arith.constant 1 : i32
        %add3A_204 = arith.addi %mul3A_202, %add3A_203 : i32
        %get3A_205 = arith.index_cast %add3A_204 : i32 to index
        %get3A_206 = arith.constant 0 : index
        %get3A_207 = tpu.vector_load %arg8[%get3A_205, %get3A_206] {strides = array<i32>} : memref<32x128xf32, #tpu.memory_space<vmem>>, vector<16xf32>,
        %get3A_208 = arith.index_cast %add3A_204 : i32 to index
        %get3A_209 = arith.constant 0 : index
        %get3A_210 = tpu.vector_load %arg9[%get3A_208, %get3A_209] {strides = array<i32>} : memref<32x128xf32, #tpu.memory_space<vmem>>, vector<16xf32>,
        %mul3A_211 = arith.mulf %get3A_207, %get3A_210 : vector<16xf32>
        %get3A_212 = arith.index_cast %add3A_204 : i32 to index
        %get3A_213 = arith.constant 16 : index
        %get3A_214 = tpu.vector_load %arg8[%get3A_212, %get3A_213] {strides = array<i32>} : memref<32x128xf32, #tpu.memory_space<vmem>>, vector<16xf32>,
        %get3A_215 = arith.index_cast %add3A_204 : i32 to index
        %get3A_216 = arith.constant 16 : index
        %get3A_217 = tpu.vector_load %arg9[%get3A_215, %get3A_216] {strides = array<i32>} : memref<32x128xf32, #tpu.memory_space<vmem>>, vector<16xf32>,
        %mul3A_218 = arith.mulf %get3A_214, %get3A_217 : vector<16xf32>
        %get3A_219 = arith.index_cast %add3A_204 : i32 to index
        %get3A_220 = arith.constant 32 : index
        %get3A_221 = tpu.vector_load %arg8[%get3A_219, %get3A_220] {strides = array<i32>} : memref<32x128xf32, #tpu.memory_space<vmem>>, vector<16xf32>,
        %get3A_222 = arith.index_cast %add3A_204 : i32 to index
        %get3A_223 = arith.constant 32 : index
        %get3A_224 = tpu.vector_load %arg9[%get3A_222, %get3A_223] {strides = array<i32>} : memref<32x128xf32, #tpu.memory_space<vmem>>, vector<16xf32>,
        %mul3A_225 = arith.mulf %get3A_221, %get3A_224 : vector<16xf32>
        %add3A_226 = arith.addf %mul3A_211, %mul3A_225 : vector<16xf32>
        %get3A_227 = arith.index_cast %add3A_204 : i32 to index
        %get3A_228 = arith.constant 48 : index
        %get3A_229 = tpu.vector_load %arg8[%get3A_227, %get3A_228] {strides = array<i32>} : memref<32x128xf32, #tpu.memory_space<vmem>>, vector<16xf32>,
        %get3A_230 = arith.index_cast %add3A_204 : i32 to index
        %get3A_231 = arith.constant 48 : index
        %get3A_232 = tpu.vector_load %arg9[%get3A_230, %get3A_231] {strides = array<i32>} : memref<32x128xf32, #tpu.memory_space<vmem>>, vector<16xf32>,
        %mul3A_233 = arith.mulf %get3A_229, %get3A_232 : vector<16xf32>
        %add3A_234 = arith.addf %mul3A_218, %mul3A_233 : vector<16xf32>
        %get3A_235 = arith.index_cast %add3A_204 : i32 to index
        %get3A_236 = arith.constant 64 : index
        %get3A_237 = tpu.vector_load %arg8[%get3A_235, %get3A_236] {strides = array<i32>} : memref<32x128xf32, #tpu.memory_space<vmem>>, vector<16xf32>,
        %get3A_238 = arith.index_cast %add3A_204 : i32 to index
        %get3A_239 = arith.constant 64 : index
        %get3A_240 = tpu.vector_load %arg9[%get3A_238, %get3A_239] {strides = array<i32>} : memref<32x128xf32, #tpu.memory_space<vmem>>, vector<16xf32>,
        %mul3A_241 = arith.mulf %get3A_237, %get3A_240 : vector<16xf32>
        %add3A_242 = arith.addf %add3A_226, %mul3A_241 : vector<16xf32>
        %get3A_243 = arith.index_cast %add3A_204 : i32 to index
        %get3A_244 = arith.constant 80 : index
        %get3A_245 = tpu.vector_load %arg8[%get3A_243, %get3A_244] {strides = array<i32>} : memref<32x128xf32, #tpu.memory_space<vmem>>, vector<16xf32>,
        %get3A_246 = arith.index_cast %add3A_204 : i32 to index
        %get3A_247 = arith.constant 80 : index
        %get3A_248 = tpu.vector_load %arg9[%get3A_246, %get3A_247] {strides = array<i32>} : memref<32x128xf32, #tpu.memory_space<vmem>>, vector<16xf32>,
        %mul3A_249 = arith.mulf %get3A_245, %get3A_248 : vector<16xf32>
        %add3A_250 = arith.addf %add3A_234, %mul3A_249 : vector<16xf32>
        %get3A_251 = arith.index_cast %add3A_204 : i32 to index
        %get3A_252 = arith.constant 96 : index
        %get3A_253 = tpu.vector_load %arg8[%get3A_251, %get3A_252] {strides = array<i32>} : memref<32x128xf32, #tpu.memory_space<vmem>>, vector<16xf32>,
        %get3A_254 = arith.index_cast %add3A_204 : i32 to index
        %get3A_255 = arith.constant 96 : index
        %get3A_256 = tpu.vector_load %arg9[%get3A_254, %get3A_255] {strides = array<i32>} : memref<32x128xf32, #tpu.memory_space<vmem>>, vector<16xf32>,
        %mul3A_257 = arith.mulf %get3A_253, %get3A_256 : vector<16xf32>
        %add3A_258 = arith.addf %add3A_242, %mul3A_257 : vector<16xf32>
        %get3A_259 = arith.index_cast %add3A_204 : i32 to index
        %get3A_260 = arith.constant 112 : index
        %get3A_261 = tpu.vector_load %arg8[%get3A_259, %get3A_260] {strides = array<i32>} : memref<32x128xf32, #tpu.memory_space<vmem>>, vector<16xf32>,
        %get3A_262 = arith.index_cast %add3A_204 : i32 to index
        %get3A_263 = arith.constant 112 : index
        %get3A_264 = tpu.vector_load %arg9[%get3A_262, %get3A_263] {strides = array<i32>} : memref<32x128xf32, #tpu.memory_space<vmem>>, vector<16xf32>,
        %mul3A_265 = arith.mulf %get3A_261, %get3A_264 : vector<16xf32>
        %add3A_266 = arith.addf %add3A_250, %mul3A_265 : vector<16xf32>
        %add3A_267 = arith.addf %add3A_258, %add3A_266 : vector<16xf32>
        %swap3A_268 = arith.index_cast %add3A_132 : i32 to index
        %swap3A_269 = arith.constant 16 : index
        %swap3A_270 = tpu.vector_load %arg12[%swap3A_268, %swap3A_269] {strides = array<i32>} : memref<8x128xf32, #tpu.memory_space<vmem>>, vector<16xf32>,
        tpu.vector_store %arg12[%swap3A_268, %swap3A_269], %add3A_267 {strides = array<i32>} : memref<8x128xf32, #tpu.memory_space<vmem>>, vector<16xf32>,
        %mul3A_271 = arith.constant 8 : i32
        %mul3A_272 = arith.muli %scan3A_130, %mul3A_271 : i32
        %add3A_273 = arith.constant 2 : i32
        %add3A_274 = arith.addi %mul3A_272, %add3A_273 : i32
        %get3A_275 = arith.index_cast %add3A_274 : i32 to index
        %get3A_276 = arith.constant 0 : index
        %get3A_277 = tpu.vector_load %arg8[%get3A_275, %get3A_276] {strides = array<i32>} : memref<32x128xf32, #tpu.memory_space<vmem>>, vector<16xf32>,
        %get3A_278 = arith.index_cast %add3A_274 : i32 to index
        %get3A_279 = arith.constant 0 : index
        %get3A_280 = tpu.vector_load %arg9[%get3A_278, %get3A_279] {strides = array<i32>} : memref<32x128xf32, #tpu.memory_space<vmem>>, vector<16xf32>,
        %mul3A_281 = arith.mulf %get3A_277, %get3A_280 : vector<16xf32>
        %get3A_282 = arith.index_cast %add3A_274 : i32 to index
        %get3A_283 = arith.constant 16 : index
        %get3A_284 = tpu.vector_load %arg8[%get3A_282, %get3A_283] {strides = array<i32>} : memref<32x128xf32, #tpu.memory_space<vmem>>, vector<16xf32>,
        %get3A_285 = arith.index_cast %add3A_274 : i32 to index
        %get3A_286 = arith.constant 16 : index
        %get3A_287 = tpu.vector_load %arg9[%get3A_285, %get3A_286] {strides = array<i32>} : memref<32x128xf32, #tpu.memory_space<vmem>>, vector<16xf32>,
        %mul3A_288 = arith.mulf %get3A_284, %get3A_287 : vector<16xf32>
        %get3A_289 = arith.index_cast %add3A_274 : i32 to index
        %get3A_290 = arith.constant 32 : index
        %get3A_291 = tpu.vector_load %arg8[%get3A_289, %get3A_290] {strides = array<i32>} : memref<32x128xf32, #tpu.memory_space<vmem>>, vector<16xf32>,
        %get3A_292 = arith.index_cast %add3A_274 : i32 to index
        %get3A_293 = arith.constant 32 : index
        %get3A_294 = tpu.vector_load %arg9[%get3A_292, %get3A_293] {strides = array<i32>} : memref<32x128xf32, #tpu.memory_space<vmem>>, vector<16xf32>,
        %mul3A_295 = arith.mulf %get3A_291, %get3A_294 : vector<16xf32>
        %add3A_296 = arith.addf %mul3A_281, %mul3A_295 : vector<16xf32>
        %get3A_297 = arith.index_cast %add3A_274 : i32 to index
        %get3A_298 = arith.constant 48 : index
        %get3A_299 = tpu.vector_load %arg8[%get3A_297, %get3A_298] {strides = array<i32>} : memref<32x128xf32, #tpu.memory_space<vmem>>, vector<16xf32>,
        %get3A_300 = arith.index_cast %add3A_274 : i32 to index
        %get3A_301 = arith.constant 48 : index
        %get3A_302 = tpu.vector_load %arg9[%get3A_300, %get3A_301] {strides = array<i32>} : memref<32x128xf32, #tpu.memory_space<vmem>>, vector<16xf32>,
        %mul3A_303 = arith.mulf %get3A_299, %get3A_302 : vector<16xf32>
        %add3A_304 = arith.addf %mul3A_288, %mul3A_303 : vector<16xf32>
        %get3A_305 = arith.index_cast %add3A_274 : i32 to index
        %get3A_306 = arith.constant 64 : index
        %get3A_307 = tpu.vector_load %arg8[%get3A_305, %get3A_306] {strides = array<i32>} : memref<32x128xf32, #tpu.memory_space<vmem>>, vector<16xf32>,
        %get3A_308 = arith.index_cast %add3A_274 : i32 to index
        %get3A_309 = arith.constant 64 : index
        %get3A_310 = tpu.vector_load %arg9[%get3A_308, %get3A_309] {strides = array<i32>} : memref<32x128xf32, #tpu.memory_space<vmem>>, vector<16xf32>,
        %mul3A_311 = arith.mulf %get3A_307, %get3A_310 : vector<16xf32>
        %add3A_312 = arith.addf %add3A_296, %mul3A_311 : vector<16xf32>
        %get3A_313 = arith.index_cast %add3A_274 : i32 to index
        %get3A_314 = arith.constant 80 : index
        %get3A_315 = tpu.vector_load %arg8[%get3A_313, %get3A_314] {strides = array<i32>} : memref<32x128xf32, #tpu.memory_space<vmem>>, vector<16xf32>,
        %get3A_316 = arith.index_cast %add3A_274 : i32 to index
        %get3A_317 = arith.constant 80 : index
        %get3A_318 = tpu.vector_load %arg9[%get3A_316, %get3A_317] {strides = array<i32>} : memref<32x128xf32, #tpu.memory_space<vmem>>, vector<16xf32>,
        %mul3A_319 = arith.mulf %get3A_315, %get3A_318 : vector<16xf32>
        %add3A_320 = arith.addf %add3A_304, %mul3A_319 : vector<16xf32>
        %get3A_321 = arith.index_cast %add3A_274 : i32 to index
        %get3A_322 = arith.constant 96 : index
        %get3A_323 = tpu.vector_load %arg8[%get3A_321, %get3A_322] {strides = array<i32>} : memref<32x128xf32, #tpu.memory_space<vmem>>, vector<16xf32>,
        %get3A_324 = arith.index_cast %add3A_274 : i32 to index
        %get3A_325 = arith.constant 96 : index
        %get3A_326 = tpu.vector_load %arg9[%get3A_324, %get3A_325] {strides = array<i32>} : memref<32x128xf32, #tpu.memory_space<vmem>>, vector<16xf32>,
        %mul3A_327 = arith.mulf %get3A_323, %get3A_326 : vector<16xf32>
        %add3A_328 = arith.addf %add3A_312, %mul3A_327 : vector<16xf32>
        %get3A_329 = arith.index_cast %add3A_274 : i32 to index
        %get3A_330 = arith.constant 112 : index
        %get3A_331 = tpu.vector_load %arg8[%get3A_329, %get3A_330] {strides = array<i32>} : memref<32x128xf32, #tpu.memory_space<vmem>>, vector<16xf32>,
        %get3A_332 = arith.index_cast %add3A_274 : i32 to index
        %get3A_333 = arith.constant 112 : index
        %get3A_334 = tpu.vector_load %arg9[%get3A_332, %get3A_333] {strides = array<i32>} : memref<32x128xf32, #tpu.memory_space<vmem>>, vector<16xf32>,
        %mul3A_335 = arith.mulf %get3A_331, %get3A_334 : vector<16xf32>
        %add3A_336 = arith.addf %add3A_320, %mul3A_335 : vector<16xf32>
        %add3A_337 = arith.addf %add3A_328, %add3A_336 : vector<16xf32>
        %swap3A_338 = arith.index_cast %add3A_132 : i32 to index
        %swap3A_339 = arith.constant 32 : index
        %swap3A_340 = tpu.vector_load %arg12[%swap3A_338, %swap3A_339] {strides = array<i32>} : memref<8x128xf32, #tpu.memory_space<vmem>>, vector<16xf32>,
        tpu.vector_store %arg12[%swap3A_338, %swap3A_339], %add3A_337 {strides = array<i32>} : memref<8x128xf32, #tpu.memory_space<vmem>>, vector<16xf32>,
        %mul3A_341 = arith.constant 8 : i32
        %mul3A_342 = arith.muli %scan3A_130, %mul3A_341 : i32
        %add3A_343 = arith.constant 3 : i32
        %add3A_344 = arith.addi %mul3A_342, %add3A_343 : i32
        %get3A_345 = arith.index_cast %add3A_344 : i32 to index
        %get3A_346 = arith.constant 0 : index
        %get3A_347 = tpu.vector_load %arg8[%get3A_345, %get3A_346] {strides = array<i32>} : memref<32x128xf32, #tpu.memory_space<vmem>>, vector<16xf32>,
        %get3A_348 = arith.index_cast %add3A_344 : i32 to index
        %get3A_349 = arith.constant 0 : index
        %get3A_350 = tpu.vector_load %arg9[%get3A_348, %get3A_349] {strides = array<i32>} : memref<32x128xf32, #tpu.memory_space<vmem>>, vector<16xf32>,
        %mul3A_351 = arith.mulf %get3A_347, %get3A_350 : vector<16xf32>
        %get3A_352 = arith.index_cast %add3A_344 : i32 to index
        %get3A_353 = arith.constant 16 : index
        %get3A_354 = tpu.vector_load %arg8[%get3A_352, %get3A_353] {strides = array<i32>} : memref<32x128xf32, #tpu.memory_space<vmem>>, vector<16xf32>,
        %get3A_355 = arith.index_cast %add3A_344 : i32 to index
        %get3A_356 = arith.constant 16 : index
        %get3A_357 = tpu.vector_load %arg9[%get3A_355, %get3A_356] {strides = array<i32>} : memref<32x128xf32, #tpu.memory_space<vmem>>, vector<16xf32>,
        %mul3A_358 = arith.mulf %get3A_354, %get3A_357 : vector<16xf32>
        %get3A_359 = arith.index_cast %add3A_344 : i32 to index
        %get3A_360 = arith.constant 32 : index
        %get3A_361 = tpu.vector_load %arg8[%get3A_359, %get3A_360] {strides = array<i32>} : memref<32x128xf32, #tpu.memory_space<vmem>>, vector<16xf32>,
        %get3A_362 = arith.index_cast %add3A_344 : i32 to index
        %get3A_363 = arith.constant 32 : index
        %get3A_364 = tpu.vector_load %arg9[%get3A_362, %get3A_363] {strides = array<i32>} : memref<32x128xf32, #tpu.memory_space<vmem>>, vector<16xf32>,
        %mul3A_365 = arith.mulf %get3A_361, %get3A_364 : vector<16xf32>
        %add3A_366 = arith.addf %mul3A_351, %mul3A_365 : vector<16xf32>
        %get3A_367 = arith.index_cast %add3A_344 : i32 to index
        %get3A_368 = arith.constant 48 : index
        %get3A_369 = tpu.vector_load %arg8[%get3A_367, %get3A_368] {strides = array<i32>} : memref<32x128xf32, #tpu.memory_space<vmem>>, vector<16xf32>,
        %get3A_370 = arith.index_cast %add3A_344 : i32 to index
        %get3A_371 = arith.constant 48 : index
        %get3A_372 = tpu.vector_load %arg9[%get3A_370, %get3A_371] {strides = array<i32>} : memref<32x128xf32, #tpu.memory_space<vmem>>, vector<16xf32>,
        %mul3A_373 = arith.mulf %get3A_369, %get3A_372 : vector<16xf32>
        %add3A_374 = arith.addf %mul3A_358, %mul3A_373 : vector<16xf32>
        %get3A_375 = arith.index_cast %add3A_344 : i32 to index
        %get3A_376 = arith.constant 64 : index
        %get3A_377 = tpu.vector_load %arg8[%get3A_375, %get3A_376] {strides = array<i32>} : memref<32x128xf32, #tpu.memory_space<vmem>>, vector<16xf32>,
        %get3A_378 = arith.index_cast %add3A_344 : i32 to index
        %get3A_379 = arith.constant 64 : index
        %get3A_380 = tpu.vector_load %arg9[%get3A_378, %get3A_379] {strides = array<i32>} : memref<32x128xf32, #tpu.memory_space<vmem>>, vector<16xf32>,
        %mul3A_381 = arith.mulf %get3A_377, %get3A_380 : vector<16xf32>
        %add3A_382 = arith.addf %add3A_366, %mul3A_381 : vector<16xf32>
        %get3A_383 = arith.index_cast %add3A_344 : i32 to index
        %get3A_384 = arith.constant 80 : index
        %get3A_385 = tpu.vector_load %arg8[%get3A_383, %get3A_384] {strides = array<i32>} : memref<32x128xf32, #tpu.memory_space<vmem>>, vector<16xf32>,
        %get3A_386 = arith.index_cast %add3A_344 : i32 to index
        %get3A_387 = arith.constant 80 : index
        %get3A_388 = tpu.vector_load %arg9[%get3A_386, %get3A_387] {strides = array<i32>} : memref<32x128xf32, #tpu.memory_space<vmem>>, vector<16xf32>,
        %mul3A_389 = arith.mulf %get3A_385, %get3A_388 : vector<16xf32>
        %add3A_390 = arith.addf %add3A_374, %mul3A_389 : vector<16xf32>
        %get3A_391 = arith.index_cast %add3A_344 : i32 to index
        %get3A_392 = arith.constant 96 : index
        %get3A_393 = tpu.vector_load %arg8[%get3A_391, %get3A_392] {strides = array<i32>} : memref<32x128xf32, #tpu.memory_space<vmem>>, vector<16xf32>,
        %get3A_394 = arith.index_cast %add3A_344 : i32 to index
        %get3A_395 = arith.constant 96 : index
        %get3A_396 = tpu.vector_load %arg9[%get3A_394, %get3A_395] {strides = array<i32>} : memref<32x128xf32, #tpu.memory_space<vmem>>, vector<16xf32>,
        %mul3A_397 = arith.mulf %get3A_393, %get3A_396 : vector<16xf32>
        %add3A_398 = arith.addf %add3A_382, %mul3A_397 : vector<16xf32>
        %get3A_399 = arith.index_cast %add3A_344 : i32 to index
        %get3A_400 = arith.constant 112 : index
        %get3A_401 = tpu.vector_load %arg8[%get3A_399, %get3A_400] {strides = array<i32>} : memref<32x128xf32, #tpu.memory_space<vmem>>, vector<16xf32>,
        %get3A_402 = arith.index_cast %add3A_344 : i32 to index
        %get3A_403 = arith.constant 112 : index
        %get3A_404 = tpu.vector_load %arg9[%get3A_402, %get3A_403] {strides = array<i32>} : memref<32x128xf32, #tpu.memory_space<vmem>>, vector<16xf32>,
        %mul3A_405 = arith.mulf %get3A_401, %get3A_404 : vector<16xf32>
        %add3A_406 = arith.addf %add3A_390, %mul3A_405 : vector<16xf32>
        %add3A_407 = arith.addf %add3A_398, %add3A_406 : vector<16xf32>
        %swap3A_408 = arith.index_cast %add3A_132 : i32 to index
        %swap3A_409 = arith.constant 48 : index
        %swap3A_410 = tpu.vector_load %arg12[%swap3A_408, %swap3A_409] {strides = array<i32>} : memref<8x128xf32, #tpu.memory_space<vmem>>, vector<16xf32>,
        tpu.vector_store %arg12[%swap3A_408, %swap3A_409], %add3A_407 {strides = array<i32>} : memref<8x128xf32, #tpu.memory_space<vmem>>, vector<16xf32>,
        %mul3A_411 = arith.constant 8 : i32
        %mul3A_412 = arith.muli %scan3A_130, %mul3A_411 : i32
        %add3A_413 = arith.constant 4 : i32
        %add3A_414 = arith.addi %mul3A_412, %add3A_413 : i32
        %get3A_415 = arith.index_cast %add3A_414 : i32 to index
        %get3A_416 = arith.constant 0 : index
        %get3A_417 = tpu.vector_load %arg8[%get3A_415, %get3A_416] {strides = array<i32>} : memref<32x128xf32, #tpu.memory_space<vmem>>, vector<16xf32>,
        %get3A_418 = arith.index_cast %add3A_414 : i32 to index
        %get3A_419 = arith.constant 0 : index
        %get3A_420 = tpu.vector_load %arg9[%get3A_418, %get3A_419] {strides = array<i32>} : memref<32x128xf32, #tpu.memory_space<vmem>>, vector<16xf32>,
        %mul3A_421 = arith.mulf %get3A_417, %get3A_420 : vector<16xf32>
        %get3A_422 = arith.index_cast %add3A_414 : i32 to index
        %get3A_423 = arith.constant 16 : index
        %get3A_424 = tpu.vector_load %arg8[%get3A_422, %get3A_423] {strides = array<i32>} : memref<32x128xf32, #tpu.memory_space<vmem>>, vector<16xf32>,
        %get3A_425 = arith.index_cast %add3A_414 : i32 to index
        %get3A_426 = arith.constant 16 : index
        %get3A_427 = tpu.vector_load %arg9[%get3A_425, %get3A_426] {strides = array<i32>} : memref<32x128xf32, #tpu.memory_space<vmem>>, vector<16xf32>,
        %mul3A_428 = arith.mulf %get3A_424, %get3A_427 : vector<16xf32>
        %get3A_429 = arith.index_cast %add3A_414 : i32 to index
        %get3A_430 = arith.constant 32 : index
        %get3A_431 = tpu.vector_load %arg8[%get3A_429, %get3A_430] {strides = array<i32>} : memref<32x128xf32, #tpu.memory_space<vmem>>, vector<16xf32>,
        %get3A_432 = arith.index_cast %add3A_414 : i32 to index
        %get3A_433 = arith.constant 32 : index
        %get3A_434 = tpu.vector_load %arg9[%get3A_432, %get3A_433] {strides = array<i32>} : memref<32x128xf32, #tpu.memory_space<vmem>>, vector<16xf32>,
        %mul3A_435 = arith.mulf %get3A_431, %get3A_434 : vector<16xf32>
        %add3A_436 = arith.addf %mul3A_421, %mul3A_435 : vector<16xf32>
        %get3A_437 = arith.index_cast %add3A_414 : i32 to index
        %get3A_438 = arith.constant 48 : index
        %get3A_439 = tpu.vector_load %arg8[%get3A_437, %get3A_438] {strides = array<i32>} : memref<32x128xf32, #tpu.memory_space<vmem>>, vector<16xf32>,
        %get3A_440 = arith.index_cast %add3A_414 : i32 to index
        %get3A_441 = arith.constant 48 : index
        %get3A_442 = tpu.vector_load %arg9[%get3A_440, %get3A_441] {strides = array<i32>} : memref<32x128xf32, #tpu.memory_space<vmem>>, vector<16xf32>,
        %mul3A_443 = arith.mulf %get3A_439, %get3A_442 : vector<16xf32>
        %add3A_444 = arith.addf %mul3A_428, %mul3A_443 : vector<16xf32>
        %get3A_445 = arith.index_cast %add3A_414 : i32 to index
        %get3A_446 = arith.constant 64 : index
        %get3A_447 = tpu.vector_load %arg8[%get3A_445, %get3A_446] {strides = array<i32>} : memref<32x128xf32, #tpu.memory_space<vmem>>, vector<16xf32>,
        %get3A_448 = arith.index_cast %add3A_414 : i32 to index
        %get3A_449 = arith.constant 64 : index
        %get3A_450 = tpu.vector_load %arg9[%get3A_448, %get3A_449] {strides = array<i32>} : memref<32x128xf32, #tpu.memory_space<vmem>>, vector<16xf32>,
        %mul3A_451 = arith.mulf %get3A_447, %get3A_450 : vector<16xf32>
        %add3A_452 = arith.addf %add3A_436, %mul3A_451 : vector<16xf32>
        %get3A_453 = arith.index_cast %add3A_414 : i32 to index
        %get3A_454 = arith.constant 80 : index
        %get3A_455 = tpu.vector_load %arg8[%get3A_453, %get3A_454] {strides = array<i32>} : memref<32x128xf32, #tpu.memory_space<vmem>>, vector<16xf32>,
        %get3A_456 = arith.index_cast %add3A_414 : i32 to index
        %get3A_457 = arith.constant 80 : index
        %get3A_458 = tpu.vector_load %arg9[%get3A_456, %get3A_457] {strides = array<i32>} : memref<32x128xf32, #tpu.memory_space<vmem>>, vector<16xf32>,
        %mul3A_459 = arith.mulf %get3A_455, %get3A_458 : vector<16xf32>
        %add3A_460 = arith.addf %add3A_444, %mul3A_459 : vector<16xf32>
        %get3A_461 = arith.index_cast %add3A_414 : i32 to index
        %get3A_462 = arith.constant 96 : index
        %get3A_463 = tpu.vector_load %arg8[%get3A_461, %get3A_462] {strides = array<i32>} : memref<32x128xf32, #tpu.memory_space<vmem>>, vector<16xf32>,
        %get3A_464 = arith.index_cast %add3A_414 : i32 to index
        %get3A_465 = arith.constant 96 : index
        %get3A_466 = tpu.vector_load %arg9[%get3A_464, %get3A_465] {strides = array<i32>} : memref<32x128xf32, #tpu.memory_space<vmem>>, vector<16xf32>,
        %mul3A_467 = arith.mulf %get3A_463, %get3A_466 : vector<16xf32>
        %add3A_468 = arith.addf %add3A_452, %mul3A_467 : vector<16xf32>
        %get3A_469 = arith.index_cast %add3A_414 : i32 to index
        %get3A_470 = arith.constant 112 : index
        %get3A_471 = tpu.vector_load %arg8[%get3A_469, %get3A_470] {strides = array<i32>} : memref<32x128xf32, #tpu.memory_space<vmem>>, vector<16xf32>,
        %get3A_472 = arith.index_cast %add3A_414 : i32 to index
        %get3A_473 = arith.constant 112 : index
        %get3A_474 = tpu.vector_load %arg9[%get3A_472, %get3A_473] {strides = array<i32>} : memref<32x128xf32, #tpu.memory_space<vmem>>, vector<16xf32>,
        %mul3A_475 = arith.mulf %get3A_471, %get3A_474 : vector<16xf32>
        %add3A_476 = arith.addf %add3A_460, %mul3A_475 : vector<16xf32>
        %add3A_477 = arith.addf %add3A_468, %add3A_476 : vector<16xf32>
        %swap3A_478 = arith.index_cast %add3A_132 : i32 to index
        %swap3A_479 = arith.constant 64 : index
        %swap3A_480 = tpu.vector_load %arg12[%swap3A_478, %swap3A_479] {strides = array<i32>} : memref<8x128xf32, #tpu.memory_space<vmem>>, vector<16xf32>,
        tpu.vector_store %arg12[%swap3A_478, %swap3A_479], %add3A_477 {strides = array<i32>} : memref<8x128xf32, #tpu.memory_space<vmem>>, vector<16xf32>,
        %mul3A_481 = arith.constant 8 : i32
        %mul3A_482 = arith.muli %scan3A_130, %mul3A_481 : i32
        %add3A_483 = arith.constant 5 : i32
        %add3A_484 = arith.addi %mul3A_482, %add3A_483 : i32
        %get3A_485 = arith.index_cast %add3A_484 : i32 to index
        %get3A_486 = arith.constant 0 : index
        %get3A_487 = tpu.vector_load %arg8[%get3A_485, %get3A_486] {strides = array<i32>} : memref<32x128xf32, #tpu.memory_space<vmem>>, vector<16xf32>,
        %get3A_488 = arith.index_cast %add3A_484 : i32 to index
        %get3A_489 = arith.constant 0 : index
        %get3A_490 = tpu.vector_load %arg9[%get3A_488, %get3A_489] {strides = array<i32>} : memref<32x128xf32, #tpu.memory_space<vmem>>, vector<16xf32>,
        %mul3A_491 = arith.mulf %get3A_487, %get3A_490 : vector<16xf32>
        %get3A_492 = arith.index_cast %add3A_484 : i32 to index
        %get3A_493 = arith.constant 16 : index
        %get3A_494 = tpu.vector_load %arg8[%get3A_492, %get3A_493] {strides = array<i32>} : memref<32x128xf32, #tpu.memory_space<vmem>>, vector<16xf32>,
        %get3A_495 = arith.index_cast %add3A_484 : i32 to index
        %get3A_496 = arith.constant 16 : index
        %get3A_497 = tpu.vector_load %arg9[%get3A_495, %get3A_496] {strides = array<i32>} : memref<32x128xf32, #tpu.memory_space<vmem>>, vector<16xf32>,
        %mul3A_498 = arith.mulf %get3A_494, %get3A_497 : vector<16xf32>
        %get3A_499 = arith.index_cast %add3A_484 : i32 to index
        %get3A_500 = arith.constant 32 : index
        %get3A_501 = tpu.vector_load %arg8[%get3A_499, %get3A_500] {strides = array<i32>} : memref<32x128xf32, #tpu.memory_space<vmem>>, vector<16xf32>,
        %get3A_502 = arith.index_cast %add3A_484 : i32 to index
        %get3A_503 = arith.constant 32 : index
        %get3A_504 = tpu.vector_load %arg9[%get3A_502, %get3A_503] {strides = array<i32>} : memref<32x128xf32, #tpu.memory_space<vmem>>, vector<16xf32>,
        %mul3A_505 = arith.mulf %get3A_501, %get3A_504 : vector<16xf32>
        %add3A_506 = arith.addf %mul3A_491, %mul3A_505 : vector<16xf32>
        %get3A_507 = arith.index_cast %add3A_484 : i32 to index
        %get3A_508 = arith.constant 48 : index
        %get3A_509 = tpu.vector_load %arg8[%get3A_507, %get3A_508] {strides = array<i32>} : memref<32x128xf32, #tpu.memory_space<vmem>>, vector<16xf32>,
        %get3A_510 = arith.index_cast %add3A_484 : i32 to index
        %get3A_511 = arith.constant 48 : index
        %get3A_512 = tpu.vector_load %arg9[%get3A_510, %get3A_511] {strides = array<i32>} : memref<32x128xf32, #tpu.memory_space<vmem>>, vector<16xf32>,
        %mul3A_513 = arith.mulf %get3A_509, %get3A_512 : vector<16xf32>
        %add3A_514 = arith.addf %mul3A_498, %mul3A_513 : vector<16xf32>
        %get3A_515 = arith.index_cast %add3A_484 : i32 to index
        %get3A_516 = arith.constant 64 : index
        %get3A_517 = tpu.vector_load %arg8[%get3A_515, %get3A_516] {strides = array<i32>} : memref<32x128xf32, #tpu.memory_space<vmem>>, vector<16xf32>,
        %get3A_518 = arith.index_cast %add3A_484 : i32 to index
        %get3A_519 = arith.constant 64 : index
        %get3A_520 = tpu.vector_load %arg9[%get3A_518, %get3A_519] {strides = array<i32>} : memref<32x128xf32, #tpu.memory_space<vmem>>, vector<16xf32>,
        %mul3A_521 = arith.mulf %get3A_517, %get3A_520 : vector<16xf32>
        %add3A_522 = arith.addf %add3A_506, %mul3A_521 : vector<16xf32>
        %get3A_523 = arith.index_cast %add3A_484 : i32 to index
        %get3A_524 = arith.constant 80 : index
        %get3A_525 = tpu.vector_load %arg8[%get3A_523, %get3A_524] {strides = array<i32>} : memref<32x128xf32, #tpu.memory_space<vmem>>, vector<16xf32>,
        %get3A_526 = arith.index_cast %add3A_484 : i32 to index
        %get3A_527 = arith.constant 80 : index
        %get3A_528 = tpu.vector_load %arg9[%get3A_526, %get3A_527] {strides = array<i32>} : memref<32x128xf32, #tpu.memory_space<vmem>>, vector<16xf32>,
        %mul3A_529 = arith.mulf %get3A_525, %get3A_528 : vector<16xf32>
        %add3A_530 = arith.addf %add3A_514, %mul3A_529 : vector<16xf32>
        %get3A_531 = arith.index_cast %add3A_484 : i32 to index
        %get3A_532 = arith.constant 96 : index
        %get3A_533 = tpu.vector_load %arg8[%get3A_531, %get3A_532] {strides = array<i32>} : memref<32x128xf32, #tpu.memory_space<vmem>>, vector<16xf32>,
        %get3A_534 = arith.index_cast %add3A_484 : i32 to index
        %get3A_535 = arith.constant 96 : index
        %get3A_536 = tpu.vector_load %arg9[%get3A_534, %get3A_535] {strides = array<i32>} : memref<32x128xf32, #tpu.memory_space<vmem>>, vector<16xf32>,
        %mul3A_537 = arith.mulf %get3A_533, %get3A_536 : vector<16xf32>
        %add3A_538 = arith.addf %add3A_522, %mul3A_537 : vector<16xf32>
        %get3A_539 = arith.index_cast %add3A_484 : i32 to index
        %get3A_540 = arith.constant 112 : index
        %get3A_541 = tpu.vector_load %arg8[%get3A_539, %get3A_540] {strides = array<i32>} : memref<32x128xf32, #tpu.memory_space<vmem>>, vector<16xf32>,
        %get3A_542 = arith.index_cast %add3A_484 : i32 to index
        %get3A_543 = arith.constant 112 : index
        %get3A_544 = tpu.vector_load %arg9[%get3A_542, %get3A_543] {strides = array<i32>} : memref<32x128xf32, #tpu.memory_space<vmem>>, vector<16xf32>,
        %mul3A_545 = arith.mulf %get3A_541, %get3A_544 : vector<16xf32>
        %add3A_546 = arith.addf %add3A_530, %mul3A_545 : vector<16xf32>
        %add3A_547 = arith.addf %add3A_538, %add3A_546 : vector<16xf32>
        %swap3A_548 = arith.index_cast %add3A_132 : i32 to index
        %swap3A_549 = arith.constant 80 : index
        %swap3A_550 = tpu.vector_load %arg12[%swap3A_548, %swap3A_549] {strides = array<i32>} : memref<8x128xf32, #tpu.memory_space<vmem>>, vector<16xf32>,
        tpu.vector_store %arg12[%swap3A_548, %swap3A_549], %add3A_547 {strides = array<i32>} : memref<8x128xf32, #tpu.memory_space<vmem>>, vector<16xf32>,
        %mul3A_551 = arith.constant 8 : i32
        %mul3A_552 = arith.muli %scan3A_130, %mul3A_551 : i32
        %add3A_553 = arith.constant 6 : i32
        %add3A_554 = arith.addi %mul3A_552, %add3A_553 : i32
        %get3A_555 = arith.index_cast %add3A_554 : i32 to index
        %get3A_556 = arith.constant 0 : index
        %get3A_557 = tpu.vector_load %arg8[%get3A_555, %get3A_556] {strides = array<i32>} : memref<32x128xf32, #tpu.memory_space<vmem>>, vector<16xf32>,
        %get3A_558 = arith.index_cast %add3A_554 : i32 to index
        %get3A_559 = arith.constant 0 : index
        %get3A_560 = tpu.vector_load %arg9[%get3A_558, %get3A_559] {strides = array<i32>} : memref<32x128xf32, #tpu.memory_space<vmem>>, vector<16xf32>,
        %mul3A_561 = arith.mulf %get3A_557, %get3A_560 : vector<16xf32>
        %get3A_562 = arith.index_cast %add3A_554 : i32 to index
        %get3A_563 = arith.constant 16 : index
        %get3A_564 = tpu.vector_load %arg8[%get3A_562, %get3A_563] {strides = array<i32>} : memref<32x128xf32, #tpu.memory_space<vmem>>, vector<16xf32>,
        %get3A_565 = arith.index_cast %add3A_554 : i32 to index
        %get3A_566 = arith.constant 16 : index
        %get3A_567 = tpu.vector_load %arg9[%get3A_565, %get3A_566] {strides = array<i32>} : memref<32x128xf32, #tpu.memory_space<vmem>>, vector<16xf32>,
        %mul3A_568 = arith.mulf %get3A_564, %get3A_567 : vector<16xf32>
        %get3A_569 = arith.index_cast %add3A_554 : i32 to index
        %get3A_570 = arith.constant 32 : index
        %get3A_571 = tpu.vector_load %arg8[%get3A_569, %get3A_570] {strides = array<i32>} : memref<32x128xf32, #tpu.memory_space<vmem>>, vector<16xf32>,
        %get3A_572 = arith.index_cast %add3A_554 : i32 to index
        %get3A_573 = arith.constant 32 : index
        %get3A_574 = tpu.vector_load %arg9[%get3A_572, %get3A_573] {strides = array<i32>} : memref<32x128xf32, #tpu.memory_space<vmem>>, vector<16xf32>,
        %mul3A_575 = arith.mulf %get3A_571, %get3A_574 : vector<16xf32>
        %add3A_576 = arith.addf %mul3A_561, %mul3A_575 : vector<16xf32>
        %get3A_577 = arith.index_cast %add3A_554 : i32 to index
        %get3A_578 = arith.constant 48 : index
        %get3A_579 = tpu.vector_load %arg8[%get3A_577, %get3A_578] {strides = array<i32>} : memref<32x128xf32, #tpu.memory_space<vmem>>, vector<16xf32>,
        %get3A_580 = arith.index_cast %add3A_554 : i32 to index
        %get3A_581 = arith.constant 48 : index
        %get3A_582 = tpu.vector_load %arg9[%get3A_580, %get3A_581] {strides = array<i32>} : memref<32x128xf32, #tpu.memory_space<vmem>>, vector<16xf32>,
        %mul3A_583 = arith.mulf %get3A_579, %get3A_582 : vector<16xf32>
        %add3A_584 = arith.addf %mul3A_568, %mul3A_583 : vector<16xf32>
        %get3A_585 = arith.index_cast %add3A_554 : i32 to index
        %get3A_586 = arith.constant 64 : index
        %get3A_587 = tpu.vector_load %arg8[%get3A_585, %get3A_586] {strides = array<i32>} : memref<32x128xf32, #tpu.memory_space<vmem>>, vector<16xf32>,
        %get3A_588 = arith.index_cast %add3A_554 : i32 to index
        %get3A_589 = arith.constant 64 : index
        %get3A_590 = tpu.vector_load %arg9[%get3A_588, %get3A_589] {strides = array<i32>} : memref<32x128xf32, #tpu.memory_space<vmem>>, vector<16xf32>,
        %mul3A_591 = arith.mulf %get3A_587, %get3A_590 : vector<16xf32>
        %add3A_592 = arith.addf %add3A_576, %mul3A_591 : vector<16xf32>
        %get3A_593 = arith.index_cast %add3A_554 : i32 to index
        %get3A_594 = arith.constant 80 : index
        %get3A_595 = tpu.vector_load %arg8[%get3A_593, %get3A_594] {strides = array<i32>} : memref<32x128xf32, #tpu.memory_space<vmem>>, vector<16xf32>,
        %get3A_596 = arith.index_cast %add3A_554 : i32 to index
        %get3A_597 = arith.constant 80 : index
        %get3A_598 = tpu.vector_load %arg9[%get3A_596, %get3A_597] {strides = array<i32>} : memref<32x128xf32, #tpu.memory_space<vmem>>, vector<16xf32>,
        %mul3A_599 = arith.mulf %get3A_595, %get3A_598 : vector<16xf32>
        %add3A_600 = arith.addf %add3A_584, %mul3A_599 : vector<16xf32>
        %get3A_601 = arith.index_cast %add3A_554 : i32 to index
        %get3A_602 = arith.constant 96 : index
        %get3A_603 = tpu.vector_load %arg8[%get3A_601, %get3A_602] {strides = array<i32>} : memref<32x128xf32, #tpu.memory_space<vmem>>, vector<16xf32>,
        %get3A_604 = arith.index_cast %add3A_554 : i32 to index
        %get3A_605 = arith.constant 96 : index
        %get3A_606 = tpu.vector_load %arg9[%get3A_604, %get3A_605] {strides = array<i32>} : memref<32x128xf32, #tpu.memory_space<vmem>>, vector<16xf32>,
        %mul3A_607 = arith.mulf %get3A_603, %get3A_606 : vector<16xf32>
        %add3A_608 = arith.addf %add3A_592, %mul3A_607 : vector<16xf32>
        %get3A_609 = arith.index_cast %add3A_554 : i32 to index
        %get3A_610 = arith.constant 112 : index
        %get3A_611 = tpu.vector_load %arg8[%get3A_609, %get3A_610] {strides = array<i32>} : memref<32x128xf32, #tpu.memory_space<vmem>>, vector<16xf32>,
        %get3A_612 = arith.index_cast %add3A_554 : i32 to index
        %get3A_613 = arith.constant 112 : index
        %get3A_614 = tpu.vector_load %arg9[%get3A_612, %get3A_613] {strides = array<i32>} : memref<32x128xf32, #tpu.memory_space<vmem>>, vector<16xf32>,
        %mul3A_615 = arith.mulf %get3A_611, %get3A_614 : vector<16xf32>
        %add3A_616 = arith.addf %add3A_600, %mul3A_615 : vector<16xf32>
        %add3A_617 = arith.addf %add3A_608, %add3A_616 : vector<16xf32>
        %swap3A_618 = arith.index_cast %add3A_132 : i32 to index
        %swap3A_619 = arith.constant 96 : index
        %swap3A_620 = tpu.vector_load %arg12[%swap3A_618, %swap3A_619] {strides = array<i32>} : memref<8x128xf32, #tpu.memory_space<vmem>>, vector<16xf32>,
        tpu.vector_store %arg12[%swap3A_618, %swap3A_619], %add3A_617 {strides = array<i32>} : memref<8x128xf32, #tpu.memory_space<vmem>>, vector<16xf32>,
        %mul3A_621 = arith.constant 8 : i32
        %mul3A_622 = arith.muli %scan3A_130, %mul3A_621 : i32
        %add3A_623 = arith.constant 7 : i32
        %add3A_624 = arith.addi %mul3A_622, %add3A_623 : i32
        %get3A_625 = arith.index_cast %add3A_624 : i32 to index
        %get3A_626 = arith.constant 0 : index
        %get3A_627 = tpu.vector_load %arg8[%get3A_625, %get3A_626] {strides = array<i32>} : memref<32x128xf32, #tpu.memory_space<vmem>>, vector<16xf32>,
        %get3A_628 = arith.index_cast %add3A_624 : i32 to index
        %get3A_629 = arith.constant 0 : index
        %get3A_630 = tpu.vector_load %arg9[%get3A_628, %get3A_629] {strides = array<i32>} : memref<32x128xf32, #tpu.memory_space<vmem>>, vector<16xf32>,
        %mul3A_631 = arith.mulf %get3A_627, %get3A_630 : vector<16xf32>
        %get3A_632 = arith.index_cast %add3A_624 : i32 to index
        %get3A_633 = arith.constant 16 : index
        %get3A_634 = tpu.vector_load %arg8[%get3A_632, %get3A_633] {strides = array<i32>} : memref<32x128xf32, #tpu.memory_space<vmem>>, vector<16xf32>,
        %get3A_635 = arith.index_cast %add3A_624 : i32 to index
        %get3A_636 = arith.constant 16 : index
        %get3A_637 = tpu.vector_load %arg9[%get3A_635, %get3A_636] {strides = array<i32>} : memref<32x128xf32, #tpu.memory_space<vmem>>, vector<16xf32>,
        %mul3A_638 = arith.mulf %get3A_634, %get3A_637 : vector<16xf32>
        %get3A_639 = arith.index_cast %add3A_624 : i32 to index
        %get3A_640 = arith.constant 32 : index
        %get3A_641 = tpu.vector_load %arg8[%get3A_639, %get3A_640] {strides = array<i32>} : memref<32x128xf32, #tpu.memory_space<vmem>>, vector<16xf32>,
        %get3A_642 = arith.index_cast %add3A_624 : i32 to index
        %get3A_643 = arith.constant 32 : index
        %get3A_644 = tpu.vector_load %arg9[%get3A_642, %get3A_643] {strides = array<i32>} : memref<32x128xf32, #tpu.memory_space<vmem>>, vector<16xf32>,
        %mul3A_645 = arith.mulf %get3A_641, %get3A_644 : vector<16xf32>
        %add3A_646 = arith.addf %mul3A_631, %mul3A_645 : vector<16xf32>
        %get3A_647 = arith.index_cast %add3A_624 : i32 to index
        %get3A_648 = arith.constant 48 : index
        %get3A_649 = tpu.vector_load %arg8[%get3A_647, %get3A_648] {strides = array<i32>} : memref<32x128xf32, #tpu.memory_space<vmem>>, vector<16xf32>,
        %get3A_650 = arith.index_cast %add3A_624 : i32 to index
        %get3A_651 = arith.constant 48 : index
        %get3A_652 = tpu.vector_load %arg9[%get3A_650, %get3A_651] {strides = array<i32>} : memref<32x128xf32, #tpu.memory_space<vmem>>, vector<16xf32>,
        %mul3A_653 = arith.mulf %get3A_649, %get3A_652 : vector<16xf32>
        %add3A_654 = arith.addf %mul3A_638, %mul3A_653 : vector<16xf32>
        %get3A_655 = arith.index_cast %add3A_624 : i32 to index
        %get3A_656 = arith.constant 64 : index
        %get3A_657 = tpu.vector_load %arg8[%get3A_655, %get3A_656] {strides = array<i32>} : memref<32x128xf32, #tpu.memory_space<vmem>>, vector<16xf32>,
        %get3A_658 = arith.index_cast %add3A_624 : i32 to index
        %get3A_659 = arith.constant 64 : index
        %get3A_660 = tpu.vector_load %arg9[%get3A_658, %get3A_659] {strides = array<i32>} : memref<32x128xf32, #tpu.memory_space<vmem>>, vector<16xf32>,
        %mul3A_661 = arith.mulf %get3A_657, %get3A_660 : vector<16xf32>
        %add3A_662 = arith.addf %add3A_646, %mul3A_661 : vector<16xf32>
        %get3A_663 = arith.index_cast %add3A_624 : i32 to index
        %get3A_664 = arith.constant 80 : index
        %get3A_665 = tpu.vector_load %arg8[%get3A_663, %get3A_664] {strides = array<i32>} : memref<32x128xf32, #tpu.memory_space<vmem>>, vector<16xf32>,
        %get3A_666 = arith.index_cast %add3A_624 : i32 to index
        %get3A_667 = arith.constant 80 : index
        %get3A_668 = tpu.vector_load %arg9[%get3A_666, %get3A_667] {strides = array<i32>} : memref<32x128xf32, #tpu.memory_space<vmem>>, vector<16xf32>,
        %mul3A_669 = arith.mulf %get3A_665, %get3A_668 : vector<16xf32>
        %add3A_670 = arith.addf %add3A_654, %mul3A_669 : vector<16xf32>
        %get3A_671 = arith.index_cast %add3A_624 : i32 to index
        %get3A_672 = arith.constant 96 : index
        %get3A_673 = tpu.vector_load %arg8[%get3A_671, %get3A_672] {strides = array<i32>} : memref<32x128xf32, #tpu.memory_space<vmem>>, vector<16xf32>,
        %get3A_674 = arith.index_cast %add3A_624 : i32 to index
        %get3A_675 = arith.constant 96 : index
        %get3A_676 = tpu.vector_load %arg9[%get3A_674, %get3A_675] {strides = array<i32>} : memref<32x128xf32, #tpu.memory_space<vmem>>, vector<16xf32>,
        %mul3A_677 = arith.mulf %get3A_673, %get3A_676 : vector<16xf32>
        %add3A_678 = arith.addf %add3A_662, %mul3A_677 : vector<16xf32>
        %get3A_679 = arith.index_cast %add3A_624 : i32 to index
        %get3A_680 = arith.constant 112 : index
        %get3A_681 = tpu.vector_load %arg8[%get3A_679, %get3A_680] {strides = array<i32>} : memref<32x128xf32, #tpu.memory_space<vmem>>, vector<16xf32>,
        %get3A_682 = arith.index_cast %add3A_624 : i32 to index
        %get3A_683 = arith.constant 112 : index
        %get3A_684 = tpu.vector_load %arg9[%get3A_682, %get3A_683] {strides = array<i32>} : memref<32x128xf32, #tpu.memory_space<vmem>>, vector<16xf32>,
        %mul3A_685 = arith.mulf %get3A_681, %get3A_684 : vector<16xf32>
        %add3A_686 = arith.addf %add3A_670, %mul3A_685 : vector<16xf32>
        %add3A_687 = arith.addf %add3A_678, %add3A_686 : vector<16xf32>
        %swap3A_688 = arith.index_cast %add3A_132 : i32 to index
        %swap3A_689 = arith.constant 112 : index
        %swap3A_690 = tpu.vector_load %arg12[%swap3A_688, %swap3A_689] {strides = array<i32>} : memref<8x128xf32, #tpu.memory_space<vmem>>, vector<16xf32>,
        tpu.vector_store %arg12[%swap3A_688, %swap3A_689], %add3A_687 {strides = array<i32>} : memref<8x128xf32, #tpu.memory_space<vmem>>, vector<16xf32>,
      }
      %scan3A_96 = arith.constant 4 : i32
      %add3A_97 = arith.constant 2 : i32
      %add3A_98 = arith.addi %mul3A_68, %add3A_97 : i32
      %mul3A_99 = arith.constant 32 : i32
      %mul3A_100 = arith.muli %add3A_98, %mul3A_99 : i32
      %dma_start3A_101 = tpu.memref_slice %arg6[%mul3A_100] : memref<10048xi32, #tpu.memory_space<vmem>> -> memref<32xi32, #tpu.memory_space<vmem>>
      %dma_start3A_102 = arith.constant 0 : i32
      %dma_start3A_103 = arith.constant 0 : i32
      %dma_start3A_104 = tpu.memref_slice %arg15[%dma_start3A_102, %dma_start3A_103] : memref<10008x128xf32, #tpu.memory_space<vmem_shared>> -> memref<10008x128xf32, #tpu.memory_space<vmem_shared>>
      tpu.enqueue_indirect_dma source(%dma_start3A_104 : memref<10008x128xf32, #tpu.memory_space<vmem_shared>>) target(%arg8 : memref<32x128xf32, #tpu.memory_space<vmem>>) offsets(%dma_start3A_101 : memref<32xi32, #tpu.memory_space<vmem>>) semaphore(%arg13 : memref<!tpu.dma_semaphore, #tpu.memory_space<semaphore_mem>>)
      %dma_start3A_105 = tpu.memref_slice %arg7[%mul3A_100] : memref<10048xi32, #tpu.memory_space<vmem>> -> memref<32xi32, #tpu.memory_space<vmem>>
      %dma_start3A_106 = arith.constant 0 : i32
      %dma_start3A_107 = arith.constant 0 : i32
      %dma_start3A_108 = tpu.memref_slice %arg15[%dma_start3A_106, %dma_start3A_107] : memref<10008x128xf32, #tpu.memory_space<vmem_shared>> -> memref<10008x128xf32, #tpu.memory_space<vmem_shared>>
      tpu.enqueue_indirect_dma source(%dma_start3A_108 : memref<10008x128xf32, #tpu.memory_space<vmem_shared>>) target(%arg9 : memref<32x128xf32, #tpu.memory_space<vmem>>) offsets(%dma_start3A_105 : memref<32xi32, #tpu.memory_space<vmem>>) semaphore(%arg13 : memref<!tpu.dma_semaphore, #tpu.memory_space<semaphore_mem>>)
      %mul3A_109 = arith.constant 32 : i32
      %mul3A_110 = arith.muli %add3A_70, %mul3A_109 : i32
      %dma_wait3A_111 = tpu.memref_slice %arg6[%mul3A_110] : memref<10048xi32, #tpu.memory_space<vmem>> -> memref<32xi32, #tpu.memory_space<vmem>>
      %dma_wait3A_112 = arith.constant 0 : i32
      %dma_wait3A_113 = arith.constant 0 : i32
      %dma_wait3A_114 = tpu.memref_slice %arg15[%dma_wait3A_112, %dma_wait3A_113] : memref<10008x128xf32, #tpu.memory_space<vmem_shared>> -> memref<10008x128xf32, #tpu.memory_space<vmem_shared>>
      tpu.wait_indirect_dma semaphore(%arg14 : memref<!tpu.dma_semaphore, #tpu.memory_space<semaphore_mem>>) src(%dma_wait3A_114 : memref<10008x128xf32, #tpu.memory_space<vmem_shared>>) dst(%arg10 : memref<32x128xf32, #tpu.memory_space<vmem>>)
      %dma_wait3A_115 = tpu.memref_slice %arg7[%mul3A_110] : memref<10048xi32, #tpu.memory_space<vmem>> -> memref<32xi32, #tpu.memory_space<vmem>>
      %dma_wait3A_116 = arith.constant 0 : i32
      %dma_wait3A_117 = arith.constant 0 : i32
      %dma_wait3A_118 = tpu.memref_slice %arg15[%dma_wait3A_116, %dma_wait3A_117] : memref<10008x128xf32, #tpu.memory_space<vmem_shared>> -> memref<10008x128xf32, #tpu.memory_space<vmem_shared>>
      tpu.wait_indirect_dma semaphore(%arg14 : memref<!tpu.dma_semaphore, #tpu.memory_space<semaphore_mem>>) src(%dma_wait3A_118 : memref<10008x128xf32, #tpu.memory_space<vmem_shared>>) dst(%arg11 : memref<32x128xf32, #tpu.memory_space<vmem>>)
      %scan3A_119 = arith.constant 0 : i32
      %scan3A_120 = arith.constant 0 : i32
      %scan3A_121 = arith.constant 4 : i32
      %scan3A_122 = arith.addi %scan3A_120, %scan3A_121 : i32
      %scan3A_123 = arith.constant 1 : i32
      scf.for %scan3A_130 = %scan3A_120 to %scan3A_122 step %scan3A_123  : i32 {
        %add3A_131 = arith.constant 4 : i32
        %add3A_132 = arith.addi %add3A_131, %scan3A_130 : i32
        %mul3A_133 = arith.constant 8 : i32
        %mul3A_134 = arith.muli %scan3A_130, %mul3A_133 : i32
        %add3A_135 = arith.constant 0 : i32
        %add3A_136 = arith.addi %mul3A_134, %add3A_135 : i32
        %get3A = arith.index_cast %add3A_136 : i32 to index
        %get3A_137 = arith.constant 0 : index
        %get3A_138 = tpu.vector_load %arg10[%get3A, %get3A_137] {strides = array<i32>} : memref<32x128xf32, #tpu.memory_space<vmem>>, vector<16xf32>,
        %get3A_139 = arith.index_cast %add3A_136 : i32 to index
        %get3A_140 = arith.constant 0 : index
        %get3A_141 = tpu.vector_load %arg11[%get3A_139, %get3A_140] {strides = array<i32>} : memref<32x128xf32, #tpu.memory_space<vmem>>, vector<16xf32>,
        %mul3A_142 = arith.mulf %get3A_138, %get3A_141 : vector<16xf32>
        %get3A_143 = arith.index_cast %add3A_136 : i32 to index
        %get3A_144 = arith.constant 16 : index
        %get3A_145 = tpu.vector_load %arg10[%get3A_143, %get3A_144] {strides = array<i32>} : memref<32x128xf32, #tpu.memory_space<vmem>>, vector<16xf32>,
        %get3A_146 = arith.index_cast %add3A_136 : i32 to index
        %get3A_147 = arith.constant 16 : index
        %get3A_148 = tpu.vector_load %arg11[%get3A_146, %get3A_147] {strides = array<i32>} : memref<32x128xf32, #tpu.memory_space<vmem>>, vector<16xf32>,
        %mul3A_149 = arith.mulf %get3A_145, %get3A_148 : vector<16xf32>
        %get3A_150 = arith.index_cast %add3A_136 : i32 to index
        %get3A_151 = arith.constant 32 : index
        %get3A_152 = tpu.vector_load %arg10[%get3A_150, %get3A_151] {strides = array<i32>} : memref<32x128xf32, #tpu.memory_space<vmem>>, vector<16xf32>,
        %get3A_153 = arith.index_cast %add3A_136 : i32 to index
        %get3A_154 = arith.constant 32 : index
        %get3A_155 = tpu.vector_load %arg11[%get3A_153, %get3A_154] {strides = array<i32>} : memref<32x128xf32, #tpu.memory_space<vmem>>, vector<16xf32>,
        %mul3A_156 = arith.mulf %get3A_152, %get3A_155 : vector<16xf32>
        %add3A_157 = arith.addf %mul3A_142, %mul3A_156 : vector<16xf32>
        %get3A_158 = arith.index_cast %add3A_136 : i32 to index
        %get3A_159 = arith.constant 48 : index
        %get3A_160 = tpu.vector_load %arg10[%get3A_158, %get3A_159] {strides = array<i32>} : memref<32x128xf32, #tpu.memory_space<vmem>>, vector<16xf32>,
        %get3A_161 = arith.index_cast %add3A_136 : i32 to index
        %get3A_162 = arith.constant 48 : index
        %get3A_163 = tpu.vector_load %arg11[%get3A_161, %get3A_162] {strides = array<i32>} : memref<32x128xf32, #tpu.memory_space<vmem>>, vector<16xf32>,
        %mul3A_164 = arith.mulf %get3A_160, %get3A_163 : vector<16xf32>
        %add3A_165 = arith.addf %mul3A_149, %mul3A_164 : vector<16xf32>
        %get3A_166 = arith.index_cast %add3A_136 : i32 to index
        %get3A_167 = arith.constant 64 : index
        %get3A_168 = tpu.vector_load %arg10[%get3A_166, %get3A_167] {strides = array<i32>} : memref<32x128xf32, #tpu.memory_space<vmem>>, vector<16xf32>,
        %get3A_169 = arith.index_cast %add3A_136 : i32 to index
        %get3A_170 = arith.constant 64 : index
        %get3A_171 = tpu.vector_load %arg11[%get3A_169, %get3A_170] {strides = array<i32>} : memref<32x128xf32, #tpu.memory_space<vmem>>, vector<16xf32>,
        %mul3A_172 = arith.mulf %get3A_168, %get3A_171 : vector<16xf32>
        %add3A_173 = arith.addf %add3A_157, %mul3A_172 : vector<16xf32>
        %get3A_174 = arith.index_cast %add3A_136 : i32 to index
        %get3A_175 = arith.constant 80 : index
        %get3A_176 = tpu.vector_load %arg10[%get3A_174, %get3A_175] {strides = array<i32>} : memref<32x128xf32, #tpu.memory_space<vmem>>, vector<16xf32>,
        %get3A_177 = arith.index_cast %add3A_136 : i32 to index
        %get3A_178 = arith.constant 80 : index
        %get3A_179 = tpu.vector_load %arg11[%get3A_177, %get3A_178] {strides = array<i32>} : memref<32x128xf32, #tpu.memory_space<vmem>>, vector<16xf32>,
        %mul3A_180 = arith.mulf %get3A_176, %get3A_179 : vector<16xf32>
        %add3A_181 = arith.addf %add3A_165, %mul3A_180 : vector<16xf32>
        %get3A_182 = arith.index_cast %add3A_136 : i32 to index
        %get3A_183 = arith.constant 96 : index
        %get3A_184 = tpu.vector_load %arg10[%get3A_182, %get3A_183] {strides = array<i32>} : memref<32x128xf32, #tpu.memory_space<vmem>>, vector<16xf32>,
        %get3A_185 = arith.index_cast %add3A_136 : i32 to index
        %get3A_186 = arith.constant 96 : index
        %get3A_187 = tpu.vector_load %arg11[%get3A_185, %get3A_186] {strides = array<i32>} : memref<32x128xf32, #tpu.memory_space<vmem>>, vector<16xf32>,
        %mul3A_188 = arith.mulf %get3A_184, %get3A_187 : vector<16xf32>
        %add3A_189 = arith.addf %add3A_173, %mul3A_188 : vector<16xf32>
        %get3A_190 = arith.index_cast %add3A_136 : i32 to index
        %get3A_191 = arith.constant 112 : index
        %get3A_192 = tpu.vector_load %arg10[%get3A_190, %get3A_191] {strides = array<i32>} : memref<32x128xf32, #tpu.memory_space<vmem>>, vector<16xf32>,
        %get3A_193 = arith.index_cast %add3A_136 : i32 to index
        %get3A_194 = arith.constant 112 : index
        %get3A_195 = tpu.vector_load %arg11[%get3A_193, %get3A_194] {strides = array<i32>} : memref<32x128xf32, #tpu.memory_space<vmem>>, vector<16xf32>,
        %mul3A_196 = arith.mulf %get3A_192, %get3A_195 : vector<16xf32>
        %add3A_197 = arith.addf %add3A_181, %mul3A_196 : vector<16xf32>
        %add3A_198 = arith.addf %add3A_189, %add3A_197 : vector<16xf32>
        %swap3A = arith.index_cast %add3A_132 : i32 to index
        %swap3A_199 = arith.constant 0 : index
        %swap3A_200 = tpu.vector_load %arg12[%swap3A, %swap3A_199] {strides = array<i32>} : memref<8x128xf32, #tpu.memory_space<vmem>>, vector<16xf32>,
        tpu.vector_store %arg12[%swap3A, %swap3A_199], %add3A_198 {strides = array<i32>} : memref<8x128xf32, #tpu.memory_space<vmem>>, vector<16xf32>,
        %mul3A_201 = arith.constant 8 : i32
        %mul3A_202 = arith.muli %scan3A_130, %mul3A_201 : i32
        %add3A_203 = arith.constant 1 : i32
        %add3A_204 = arith.addi %mul3A_202, %add3A_203 : i32
        %get3A_205 = arith.index_cast %add3A_204 : i32 to index
        %get3A_206 = arith.constant 0 : index
        %get3A_207 = tpu.vector_load %arg10[%get3A_205, %get3A_206] {strides = array<i32>} : memref<32x128xf32, #tpu.memory_space<vmem>>, vector<16xf32>,
        %get3A_208 = arith.index_cast %add3A_204 : i32 to index
        %get3A_209 = arith.constant 0 : index
        %get3A_210 = tpu.vector_load %arg11[%get3A_208, %get3A_209] {strides = array<i32>} : memref<32x128xf32, #tpu.memory_space<vmem>>, vector<16xf32>,
        %mul3A_211 = arith.mulf %get3A_207, %get3A_210 : vector<16xf32>
        %get3A_212 = arith.index_cast %add3A_204 : i32 to index
        %get3A_213 = arith.constant 16 : index
        %get3A_214 = tpu.vector_load %arg10[%get3A_212, %get3A_213] {strides = array<i32>} : memref<32x128xf32, #tpu.memory_space<vmem>>, vector<16xf32>,
        %get3A_215 = arith.index_cast %add3A_204 : i32 to index
        %get3A_216 = arith.constant 16 : index
        %get3A_217 = tpu.vector_load %arg11[%get3A_215, %get3A_216] {strides = array<i32>} : memref<32x128xf32, #tpu.memory_space<vmem>>, vector<16xf32>,
        %mul3A_218 = arith.mulf %get3A_214, %get3A_217 : vector<16xf32>
        %get3A_219 = arith.index_cast %add3A_204 : i32 to index
        %get3A_220 = arith.constant 32 : index
        %get3A_221 = tpu.vector_load %arg10[%get3A_219, %get3A_220] {strides = array<i32>} : memref<32x128xf32, #tpu.memory_space<vmem>>, vector<16xf32>,
        %get3A_222 = arith.index_cast %add3A_204 : i32 to index
        %get3A_223 = arith.constant 32 : index
        %get3A_224 = tpu.vector_load %arg11[%get3A_222, %get3A_223] {strides = array<i32>} : memref<32x128xf32, #tpu.memory_space<vmem>>, vector<16xf32>,
        %mul3A_225 = arith.mulf %get3A_221, %get3A_224 : vector<16xf32>
        %add3A_226 = arith.addf %mul3A_211, %mul3A_225 : vector<16xf32>
        %get3A_227 = arith.index_cast %add3A_204 : i32 to index
        %get3A_228 = arith.constant 48 : index
        %get3A_229 = tpu.vector_load %arg10[%get3A_227, %get3A_228] {strides = array<i32>} : memref<32x128xf32, #tpu.memory_space<vmem>>, vector<16xf32>,
        %get3A_230 = arith.index_cast %add3A_204 : i32 to index
        %get3A_231 = arith.constant 48 : index
        %get3A_232 = tpu.vector_load %arg11[%get3A_230, %get3A_231] {strides = array<i32>} : memref<32x128xf32, #tpu.memory_space<vmem>>, vector<16xf32>,
        %mul3A_233 = arith.mulf %get3A_229, %get3A_232 : vector<16xf32>
        %add3A_234 = arith.addf %mul3A_218, %mul3A_233 : vector<16xf32>
        %get3A_235 = arith.index_cast %add3A_204 : i32 to index
        %get3A_236 = arith.constant 64 : index
        %get3A_237 = tpu.vector_load %arg10[%get3A_235, %get3A_236] {strides = array<i32>} : memref<32x128xf32, #tpu.memory_space<vmem>>, vector<16xf32>,
        %get3A_238 = arith.index_cast %add3A_204 : i32 to index
        %get3A_239 = arith.constant 64 : index
        %get3A_240 = tpu.vector_load %arg11[%get3A_238, %get3A_239] {strides = array<i32>} : memref<32x128xf32, #tpu.memory_space<vmem>>, vector<16xf32>,
        %mul3A_241 = arith.mulf %get3A_237, %get3A_240 : vector<16xf32>
        %add3A_242 = arith.addf %add3A_226, %mul3A_241 : vector<16xf32>
        %get3A_243 = arith.index_cast %add3A_204 : i32 to index
        %get3A_244 = arith.constant 80 : index
        %get3A_245 = tpu.vector_load %arg10[%get3A_243, %get3A_244] {strides = array<i32>} : memref<32x128xf32, #tpu.memory_space<vmem>>, vector<16xf32>,
        %get3A_246 = arith.index_cast %add3A_204 : i32 to index
        %get3A_247 = arith.constant 80 : index
        %get3A_248 = tpu.vector_load %arg11[%get3A_246, %get3A_247] {strides = array<i32>} : memref<32x128xf32, #tpu.memory_space<vmem>>, vector<16xf32>,
        %mul3A_249 = arith.mulf %get3A_245, %get3A_248 : vector<16xf32>
        %add3A_250 = arith.addf %add3A_234, %mul3A_249 : vector<16xf32>
        %get3A_251 = arith.index_cast %add3A_204 : i32 to index
        %get3A_252 = arith.constant 96 : index
        %get3A_253 = tpu.vector_load %arg10[%get3A_251, %get3A_252] {strides = array<i32>} : memref<32x128xf32, #tpu.memory_space<vmem>>, vector<16xf32>,
        %get3A_254 = arith.index_cast %add3A_204 : i32 to index
        %get3A_255 = arith.constant 96 : index
        %get3A_256 = tpu.vector_load %arg11[%get3A_254, %get3A_255] {strides = array<i32>} : memref<32x128xf32, #tpu.memory_space<vmem>>, vector<16xf32>,
        %mul3A_257 = arith.mulf %get3A_253, %get3A_256 : vector<16xf32>
        %add3A_258 = arith.addf %add3A_242, %mul3A_257 : vector<16xf32>
        %get3A_259 = arith.index_cast %add3A_204 : i32 to index
        %get3A_260 = arith.constant 112 : index
        %get3A_261 = tpu.vector_load %arg10[%get3A_259, %get3A_260] {strides = array<i32>} : memref<32x128xf32, #tpu.memory_space<vmem>>, vector<16xf32>,
        %get3A_262 = arith.index_cast %add3A_204 : i32 to index
        %get3A_263 = arith.constant 112 : index
        %get3A_264 = tpu.vector_load %arg11[%get3A_262, %get3A_263] {strides = array<i32>} : memref<32x128xf32, #tpu.memory_space<vmem>>, vector<16xf32>,
        %mul3A_265 = arith.mulf %get3A_261, %get3A_264 : vector<16xf32>
        %add3A_266 = arith.addf %add3A_250, %mul3A_265 : vector<16xf32>
        %add3A_267 = arith.addf %add3A_258, %add3A_266 : vector<16xf32>
        %swap3A_268 = arith.index_cast %add3A_132 : i32 to index
        %swap3A_269 = arith.constant 16 : index
        %swap3A_270 = tpu.vector_load %arg12[%swap3A_268, %swap3A_269] {strides = array<i32>} : memref<8x128xf32, #tpu.memory_space<vmem>>, vector<16xf32>,
        tpu.vector_store %arg12[%swap3A_268, %swap3A_269], %add3A_267 {strides = array<i32>} : memref<8x128xf32, #tpu.memory_space<vmem>>, vector<16xf32>,
        %mul3A_271 = arith.constant 8 : i32
        %mul3A_272 = arith.muli %scan3A_130, %mul3A_271 : i32
        %add3A_273 = arith.constant 2 : i32
        %add3A_274 = arith.addi %mul3A_272, %add3A_273 : i32
        %get3A_275 = arith.index_cast %add3A_274 : i32 to index
        %get3A_276 = arith.constant 0 : index
        %get3A_277 = tpu.vector_load %arg10[%get3A_275, %get3A_276] {strides = array<i32>} : memref<32x128xf32, #tpu.memory_space<vmem>>, vector<16xf32>,
        %get3A_278 = arith.index_cast %add3A_274 : i32 to index
        %get3A_279 = arith.constant 0 : index
        %get3A_280 = tpu.vector_load %arg11[%get3A_278, %get3A_279] {strides = array<i32>} : memref<32x128xf32, #tpu.memory_space<vmem>>, vector<16xf32>,
        %mul3A_281 = arith.mulf %get3A_277, %get3A_280 : vector<16xf32>
        %get3A_282 = arith.index_cast %add3A_274 : i32 to index
        %get3A_283 = arith.constant 16 : index
        %get3A_284 = tpu.vector_load %arg10[%get3A_282, %get3A_283] {strides = array<i32>} : memref<32x128xf32, #tpu.memory_space<vmem>>, vector<16xf32>,
        %get3A_285 = arith.index_cast %add3A_274 : i32 to index
        %get3A_286 = arith.constant 16 : index
        %get3A_287 = tpu.vector_load %arg11[%get3A_285, %get3A_286] {strides = array<i32>} : memref<32x128xf32, #tpu.memory_space<vmem>>, vector<16xf32>,
        %mul3A_288 = arith.mulf %get3A_284, %get3A_287 : vector<16xf32>
        %get3A_289 = arith.index_cast %add3A_274 : i32 to index
        %get3A_290 = arith.constant 32 : index
        %get3A_291 = tpu.vector_load %arg10[%get3A_289, %get3A_290] {strides = array<i32>} : memref<32x128xf32, #tpu.memory_space<vmem>>, vector<16xf32>,
        %get3A_292 = arith.index_cast %add3A_274 : i32 to index
        %get3A_293 = arith.constant 32 : index
        %get3A_294 = tpu.vector_load %arg11[%get3A_292, %get3A_293] {strides = array<i32>} : memref<32x128xf32, #tpu.memory_space<vmem>>, vector<16xf32>,
        %mul3A_295 = arith.mulf %get3A_291, %get3A_294 : vector<16xf32>
        %add3A_296 = arith.addf %mul3A_281, %mul3A_295 : vector<16xf32>
        %get3A_297 = arith.index_cast %add3A_274 : i32 to index
        %get3A_298 = arith.constant 48 : index
        %get3A_299 = tpu.vector_load %arg10[%get3A_297, %get3A_298] {strides = array<i32>} : memref<32x128xf32, #tpu.memory_space<vmem>>, vector<16xf32>,
        %get3A_300 = arith.index_cast %add3A_274 : i32 to index
        %get3A_301 = arith.constant 48 : index
        %get3A_302 = tpu.vector_load %arg11[%get3A_300, %get3A_301] {strides = array<i32>} : memref<32x128xf32, #tpu.memory_space<vmem>>, vector<16xf32>,
        %mul3A_303 = arith.mulf %get3A_299, %get3A_302 : vector<16xf32>
        %add3A_304 = arith.addf %mul3A_288, %mul3A_303 : vector<16xf32>
        %get3A_305 = arith.index_cast %add3A_274 : i32 to index
        %get3A_306 = arith.constant 64 : index
        %get3A_307 = tpu.vector_load %arg10[%get3A_305, %get3A_306] {strides = array<i32>} : memref<32x128xf32, #tpu.memory_space<vmem>>, vector<16xf32>,
        %get3A_308 = arith.index_cast %add3A_274 : i32 to index
        %get3A_309 = arith.constant 64 : index
        %get3A_310 = tpu.vector_load %arg11[%get3A_308, %get3A_309] {strides = array<i32>} : memref<32x128xf32, #tpu.memory_space<vmem>>, vector<16xf32>,
        %mul3A_311 = arith.mulf %get3A_307, %get3A_310 : vector<16xf32>
        %add3A_312 = arith.addf %add3A_296, %mul3A_311 : vector<16xf32>
        %get3A_313 = arith.index_cast %add3A_274 : i32 to index
        %get3A_314 = arith.constant 80 : index
        %get3A_315 = tpu.vector_load %arg10[%get3A_313, %get3A_314] {strides = array<i32>} : memref<32x128xf32, #tpu.memory_space<vmem>>, vector<16xf32>,
        %get3A_316 = arith.index_cast %add3A_274 : i32 to index
        %get3A_317 = arith.constant 80 : index
        %get3A_318 = tpu.vector_load %arg11[%get3A_316, %get3A_317] {strides = array<i32>} : memref<32x128xf32, #tpu.memory_space<vmem>>, vector<16xf32>,
        %mul3A_319 = arith.mulf %get3A_315, %get3A_318 : vector<16xf32>
        %add3A_320 = arith.addf %add3A_304, %mul3A_319 : vector<16xf32>
        %get3A_321 = arith.index_cast %add3A_274 : i32 to index
        %get3A_322 = arith.constant 96 : index
        %get3A_323 = tpu.vector_load %arg10[%get3A_321, %get3A_322] {strides = array<i32>} : memref<32x128xf32, #tpu.memory_space<vmem>>, vector<16xf32>,
        %get3A_324 = arith.index_cast %add3A_274 : i32 to index
        %get3A_325 = arith.constant 96 : index
        %get3A_326 = tpu.vector_load %arg11[%get3A_324, %get3A_325] {strides = array<i32>} : memref<32x128xf32, #tpu.memory_space<vmem>>, vector<16xf32>,
        %mul3A_327 = arith.mulf %get3A_323, %get3A_326 : vector<16xf32>
        %add3A_328 = arith.addf %add3A_312, %mul3A_327 : vector<16xf32>
        %get3A_329 = arith.index_cast %add3A_274 : i32 to index
        %get3A_330 = arith.constant 112 : index
        %get3A_331 = tpu.vector_load %arg10[%get3A_329, %get3A_330] {strides = array<i32>} : memref<32x128xf32, #tpu.memory_space<vmem>>, vector<16xf32>,
        %get3A_332 = arith.index_cast %add3A_274 : i32 to index
        %get3A_333 = arith.constant 112 : index
        %get3A_334 = tpu.vector_load %arg11[%get3A_332, %get3A_333] {strides = array<i32>} : memref<32x128xf32, #tpu.memory_space<vmem>>, vector<16xf32>,
        %mul3A_335 = arith.mulf %get3A_331, %get3A_334 : vector<16xf32>
        %add3A_336 = arith.addf %add3A_320, %mul3A_335 : vector<16xf32>
        %add3A_337 = arith.addf %add3A_328, %add3A_336 : vector<16xf32>
        %swap3A_338 = arith.index_cast %add3A_132 : i32 to index
        %swap3A_339 = arith.constant 32 : index
        %swap3A_340 = tpu.vector_load %arg12[%swap3A_338, %swap3A_339] {strides = array<i32>} : memref<8x128xf32, #tpu.memory_space<vmem>>, vector<16xf32>,
        tpu.vector_store %arg12[%swap3A_338, %swap3A_339], %add3A_337 {strides = array<i32>} : memref<8x128xf32, #tpu.memory_space<vmem>>, vector<16xf32>,
        %mul3A_341 = arith.constant 8 : i32
        %mul3A_342 = arith.muli %scan3A_130, %mul3A_341 : i32
        %add3A_343 = arith.constant 3 : i32
        %add3A_344 = arith.addi %mul3A_342, %add3A_343 : i32
        %get3A_345 = arith.index_cast %add3A_344 : i32 to index
        %get3A_346 = arith.constant 0 : index
        %get3A_347 = tpu.vector_load %arg10[%get3A_345, %get3A_346] {strides = array<i32>} : memref<32x128xf32, #tpu.memory_space<vmem>>, vector<16xf32>,
        %get3A_348 = arith.index_cast %add3A_344 : i32 to index
        %get3A_349 = arith.constant 0 : index
        %get3A_350 = tpu.vector_load %arg11[%get3A_348, %get3A_349] {strides = array<i32>} : memref<32x128xf32, #tpu.memory_space<vmem>>, vector<16xf32>,
        %mul3A_351 = arith.mulf %get3A_347, %get3A_350 : vector<16xf32>
        %get3A_352 = arith.index_cast %add3A_344 : i32 to index
        %get3A_353 = arith.constant 16 : index
        %get3A_354 = tpu.vector_load %arg10[%get3A_352, %get3A_353] {strides = array<i32>} : memref<32x128xf32, #tpu.memory_space<vmem>>, vector<16xf32>,
        %get3A_355 = arith.index_cast %add3A_344 : i32 to index
        %get3A_356 = arith.constant 16 : index
        %get3A_357 = tpu.vector_load %arg11[%get3A_355, %get3A_356] {strides = array<i32>} : memref<32x128xf32, #tpu.memory_space<vmem>>, vector<16xf32>,
        %mul3A_358 = arith.mulf %get3A_354, %get3A_357 : vector<16xf32>
        %get3A_359 = arith.index_cast %add3A_344 : i32 to index
        %get3A_360 = arith.constant 32 : index
        %get3A_361 = tpu.vector_load %arg10[%get3A_359, %get3A_360] {strides = array<i32>} : memref<32x128xf32, #tpu.memory_space<vmem>>, vector<16xf32>,
        %get3A_362 = arith.index_cast %add3A_344 : i32 to index
        %get3A_363 = arith.constant 32 : index
        %get3A_364 = tpu.vector_load %arg11[%get3A_362, %get3A_363] {strides = array<i32>} : memref<32x128xf32, #tpu.memory_space<vmem>>, vector<16xf32>,
        %mul3A_365 = arith.mulf %get3A_361, %get3A_364 : vector<16xf32>
        %add3A_366 = arith.addf %mul3A_351, %mul3A_365 : vector<16xf32>
        %get3A_367 = arith.index_cast %add3A_344 : i32 to index
        %get3A_368 = arith.constant 48 : index
        %get3A_369 = tpu.vector_load %arg10[%get3A_367, %get3A_368] {strides = array<i32>} : memref<32x128xf32, #tpu.memory_space<vmem>>, vector<16xf32>,
        %get3A_370 = arith.index_cast %add3A_344 : i32 to index
        %get3A_371 = arith.constant 48 : index
        %get3A_372 = tpu.vector_load %arg11[%get3A_370, %get3A_371] {strides = array<i32>} : memref<32x128xf32, #tpu.memory_space<vmem>>, vector<16xf32>,
        %mul3A_373 = arith.mulf %get3A_369, %get3A_372 : vector<16xf32>
        %add3A_374 = arith.addf %mul3A_358, %mul3A_373 : vector<16xf32>
        %get3A_375 = arith.index_cast %add3A_344 : i32 to index
        %get3A_376 = arith.constant 64 : index
        %get3A_377 = tpu.vector_load %arg10[%get3A_375, %get3A_376] {strides = array<i32>} : memref<32x128xf32, #tpu.memory_space<vmem>>, vector<16xf32>,
        %get3A_378 = arith.index_cast %add3A_344 : i32 to index
        %get3A_379 = arith.constant 64 : index
        %get3A_380 = tpu.vector_load %arg11[%get3A_378, %get3A_379] {strides = array<i32>} : memref<32x128xf32, #tpu.memory_space<vmem>>, vector<16xf32>,
        %mul3A_381 = arith.mulf %get3A_377, %get3A_380 : vector<16xf32>
        %add3A_382 = arith.addf %add3A_366, %mul3A_381 : vector<16xf32>
        %get3A_383 = arith.index_cast %add3A_344 : i32 to index
        %get3A_384 = arith.constant 80 : index
        %get3A_385 = tpu.vector_load %arg10[%get3A_383, %get3A_384] {strides = array<i32>} : memref<32x128xf32, #tpu.memory_space<vmem>>, vector<16xf32>,
        %get3A_386 = arith.index_cast %add3A_344 : i32 to index
        %get3A_387 = arith.constant 80 : index
        %get3A_388 = tpu.vector_load %arg11[%get3A_386, %get3A_387] {strides = array<i32>} : memref<32x128xf32, #tpu.memory_space<vmem>>, vector<16xf32>,
        %mul3A_389 = arith.mulf %get3A_385, %get3A_388 : vector<16xf32>
        %add3A_390 = arith.addf %add3A_374, %mul3A_389 : vector<16xf32>
        %get3A_391 = arith.index_cast %add3A_344 : i32 to index
        %get3A_392 = arith.constant 96 : index
        %get3A_393 = tpu.vector_load %arg10[%get3A_391, %get3A_392] {strides = array<i32>} : memref<32x128xf32, #tpu.memory_space<vmem>>, vector<16xf32>,
        %get3A_394 = arith.index_cast %add3A_344 : i32 to index
        %get3A_395 = arith.constant 96 : index
        %get3A_396 = tpu.vector_load %arg11[%get3A_394, %get3A_395] {strides = array<i32>} : memref<32x128xf32, #tpu.memory_space<vmem>>, vector<16xf32>,
        %mul3A_397 = arith.mulf %get3A_393, %get3A_396 : vector<16xf32>
        %add3A_398 = arith.addf %add3A_382, %mul3A_397 : vector<16xf32>
        %get3A_399 = arith.index_cast %add3A_344 : i32 to index
        %get3A_400 = arith.constant 112 : index
        %get3A_401 = tpu.vector_load %arg10[%get3A_399, %get3A_400] {strides = array<i32>} : memref<32x128xf32, #tpu.memory_space<vmem>>, vector<16xf32>,
        %get3A_402 = arith.index_cast %add3A_344 : i32 to index
        %get3A_403 = arith.constant 112 : index
        %get3A_404 = tpu.vector_load %arg11[%get3A_402, %get3A_403] {strides = array<i32>} : memref<32x128xf32, #tpu.memory_space<vmem>>, vector<16xf32>,
        %mul3A_405 = arith.mulf %get3A_401, %get3A_404 : vector<16xf32>
        %add3A_406 = arith.addf %add3A_390, %mul3A_405 : vector<16xf32>
        %add3A_407 = arith.addf %add3A_398, %add3A_406 : vector<16xf32>
        %swap3A_408 = arith.index_cast %add3A_132 : i32 to index
        %swap3A_409 = arith.constant 48 : index
        %swap3A_410 = tpu.vector_load %arg12[%swap3A_408, %swap3A_409] {strides = array<i32>} : memref<8x128xf32, #tpu.memory_space<vmem>>, vector<16xf32>,
        tpu.vector_store %arg12[%swap3A_408, %swap3A_409], %add3A_407 {strides = array<i32>} : memref<8x128xf32, #tpu.memory_space<vmem>>, vector<16xf32>,
        %mul3A_411 = arith.constant 8 : i32
        %mul3A_412 = arith.muli %scan3A_130, %mul3A_411 : i32
        %add3A_413 = arith.constant 4 : i32
        %add3A_414 = arith.addi %mul3A_412, %add3A_413 : i32
        %get3A_415 = arith.index_cast %add3A_414 : i32 to index
        %get3A_416 = arith.constant 0 : index
        %get3A_417 = tpu.vector_load %arg10[%get3A_415, %get3A_416] {strides = array<i32>} : memref<32x128xf32, #tpu.memory_space<vmem>>, vector<16xf32>,
        %get3A_418 = arith.index_cast %add3A_414 : i32 to index
        %get3A_419 = arith.constant 0 : index
        %get3A_420 = tpu.vector_load %arg11[%get3A_418, %get3A_419] {strides = array<i32>} : memref<32x128xf32, #tpu.memory_space<vmem>>, vector<16xf32>,
        %mul3A_421 = arith.mulf %get3A_417, %get3A_420 : vector<16xf32>
        %get3A_422 = arith.index_cast %add3A_414 : i32 to index
        %get3A_423 = arith.constant 16 : index
        %get3A_424 = tpu.vector_load %arg10[%get3A_422, %get3A_423] {strides = array<i32>} : memref<32x128xf32, #tpu.memory_space<vmem>>, vector<16xf32>,
        %get3A_425 = arith.index_cast %add3A_414 : i32 to index
        %get3A_426 = arith.constant 16 : index
        %get3A_427 = tpu.vector_load %arg11[%get3A_425, %get3A_426] {strides = array<i32>} : memref<32x128xf32, #tpu.memory_space<vmem>>, vector<16xf32>,
        %mul3A_428 = arith.mulf %get3A_424, %get3A_427 : vector<16xf32>
        %get3A_429 = arith.index_cast %add3A_414 : i32 to index
        %get3A_430 = arith.constant 32 : index
        %get3A_431 = tpu.vector_load %arg10[%get3A_429, %get3A_430] {strides = array<i32>} : memref<32x128xf32, #tpu.memory_space<vmem>>, vector<16xf32>,
        %get3A_432 = arith.index_cast %add3A_414 : i32 to index
        %get3A_433 = arith.constant 32 : index
        %get3A_434 = tpu.vector_load %arg11[%get3A_432, %get3A_433] {strides = array<i32>} : memref<32x128xf32, #tpu.memory_space<vmem>>, vector<16xf32>,
        %mul3A_435 = arith.mulf %get3A_431, %get3A_434 : vector<16xf32>
        %add3A_436 = arith.addf %mul3A_421, %mul3A_435 : vector<16xf32>
        %get3A_437 = arith.index_cast %add3A_414 : i32 to index
        %get3A_438 = arith.constant 48 : index
        %get3A_439 = tpu.vector_load %arg10[%get3A_437, %get3A_438] {strides = array<i32>} : memref<32x128xf32, #tpu.memory_space<vmem>>, vector<16xf32>,
        %get3A_440 = arith.index_cast %add3A_414 : i32 to index
        %get3A_441 = arith.constant 48 : index
        %get3A_442 = tpu.vector_load %arg11[%get3A_440, %get3A_441] {strides = array<i32>} : memref<32x128xf32, #tpu.memory_space<vmem>>, vector<16xf32>,
        %mul3A_443 = arith.mulf %get3A_439, %get3A_442 : vector<16xf32>
        %add3A_444 = arith.addf %mul3A_428, %mul3A_443 : vector<16xf32>
        %get3A_445 = arith.index_cast %add3A_414 : i32 to index
        %get3A_446 = arith.constant 64 : index
        %get3A_447 = tpu.vector_load %arg10[%get3A_445, %get3A_446] {strides = array<i32>} : memref<32x128xf32, #tpu.memory_space<vmem>>, vector<16xf32>,
        %get3A_448 = arith.index_cast %add3A_414 : i32 to index
        %get3A_449 = arith.constant 64 : index
        %get3A_450 = tpu.vector_load %arg11[%get3A_448, %get3A_449] {strides = array<i32>} : memref<32x128xf32, #tpu.memory_space<vmem>>, vector<16xf32>,
        %mul3A_451 = arith.mulf %get3A_447, %get3A_450 : vector<16xf32>
        %add3A_452 = arith.addf %add3A_436, %mul3A_451 : vector<16xf32>
        %get3A_453 = arith.index_cast %add3A_414 : i32 to index
        %get3A_454 = arith.constant 80 : index
        %get3A_455 = tpu.vector_load %arg10[%get3A_453, %get3A_454] {strides = array<i32>} : memref<32x128xf32, #tpu.memory_space<vmem>>, vector<16xf32>,
        %get3A_456 = arith.index_cast %add3A_414 : i32 to index
        %get3A_457 = arith.constant 80 : index
        %get3A_458 = tpu.vector_load %arg11[%get3A_456, %get3A_457] {strides = array<i32>} : memref<32x128xf32, #tpu.memory_space<vmem>>, vector<16xf32>,
        %mul3A_459 = arith.mulf %get3A_455, %get3A_458 : vector<16xf32>
        %add3A_460 = arith.addf %add3A_444, %mul3A_459 : vector<16xf32>
        %get3A_461 = arith.index_cast %add3A_414 : i32 to index
        %get3A_462 = arith.constant 96 : index
        %get3A_463 = tpu.vector_load %arg10[%get3A_461, %get3A_462] {strides = array<i32>} : memref<32x128xf32, #tpu.memory_space<vmem>>, vector<16xf32>,
        %get3A_464 = arith.index_cast %add3A_414 : i32 to index
        %get3A_465 = arith.constant 96 : index
        %get3A_466 = tpu.vector_load %arg11[%get3A_464, %get3A_465] {strides = array<i32>} : memref<32x128xf32, #tpu.memory_space<vmem>>, vector<16xf32>,
        %mul3A_467 = arith.mulf %get3A_463, %get3A_466 : vector<16xf32>
        %add3A_468 = arith.addf %add3A_452, %mul3A_467 : vector<16xf32>
        %get3A_469 = arith.index_cast %add3A_414 : i32 to index
        %get3A_470 = arith.constant 112 : index
        %get3A_471 = tpu.vector_load %arg10[%get3A_469, %get3A_470] {strides = array<i32>} : memref<32x128xf32, #tpu.memory_space<vmem>>, vector<16xf32>,
        %get3A_472 = arith.index_cast %add3A_414 : i32 to index
        %get3A_473 = arith.constant 112 : index
        %get3A_474 = tpu.vector_load %arg11[%get3A_472, %get3A_473] {strides = array<i32>} : memref<32x128xf32, #tpu.memory_space<vmem>>, vector<16xf32>,
        %mul3A_475 = arith.mulf %get3A_471, %get3A_474 : vector<16xf32>
        %add3A_476 = arith.addf %add3A_460, %mul3A_475 : vector<16xf32>
        %add3A_477 = arith.addf %add3A_468, %add3A_476 : vector<16xf32>
        %swap3A_478 = arith.index_cast %add3A_132 : i32 to index
        %swap3A_479 = arith.constant 64 : index
        %swap3A_480 = tpu.vector_load %arg12[%swap3A_478, %swap3A_479] {strides = array<i32>} : memref<8x128xf32, #tpu.memory_space<vmem>>, vector<16xf32>,
        tpu.vector_store %arg12[%swap3A_478, %swap3A_479], %add3A_477 {strides = array<i32>} : memref<8x128xf32, #tpu.memory_space<vmem>>, vector<16xf32>,
        %mul3A_481 = arith.constant 8 : i32
        %mul3A_482 = arith.muli %scan3A_130, %mul3A_481 : i32
        %add3A_483 = arith.constant 5 : i32
        %add3A_484 = arith.addi %mul3A_482, %add3A_483 : i32
        %get3A_485 = arith.index_cast %add3A_484 : i32 to index
        %get3A_486 = arith.constant 0 : index
        %get3A_487 = tpu.vector_load %arg10[%get3A_485, %get3A_486] {strides = array<i32>} : memref<32x128xf32, #tpu.memory_space<vmem>>, vector<16xf32>,
        %get3A_488 = arith.index_cast %add3A_484 : i32 to index
        %get3A_489 = arith.constant 0 : index
        %get3A_490 = tpu.vector_load %arg11[%get3A_488, %get3A_489] {strides = array<i32>} : memref<32x128xf32, #tpu.memory_space<vmem>>, vector<16xf32>,
        %mul3A_491 = arith.mulf %get3A_487, %get3A_490 : vector<16xf32>
        %get3A_492 = arith.index_cast %add3A_484 : i32 to index
        %get3A_493 = arith.constant 16 : index
        %get3A_494 = tpu.vector_load %arg10[%get3A_492, %get3A_493] {strides = array<i32>} : memref<32x128xf32, #tpu.memory_space<vmem>>, vector<16xf32>,
        %get3A_495 = arith.index_cast %add3A_484 : i32 to index
        %get3A_496 = arith.constant 16 : index
        %get3A_497 = tpu.vector_load %arg11[%get3A_495, %get3A_496] {strides = array<i32>} : memref<32x128xf32, #tpu.memory_space<vmem>>, vector<16xf32>,
        %mul3A_498 = arith.mulf %get3A_494, %get3A_497 : vector<16xf32>
        %get3A_499 = arith.index_cast %add3A_484 : i32 to index
        %get3A_500 = arith.constant 32 : index
        %get3A_501 = tpu.vector_load %arg10[%get3A_499, %get3A_500] {strides = array<i32>} : memref<32x128xf32, #tpu.memory_space<vmem>>, vector<16xf32>,
        %get3A_502 = arith.index_cast %add3A_484 : i32 to index
        %get3A_503 = arith.constant 32 : index
        %get3A_504 = tpu.vector_load %arg11[%get3A_502, %get3A_503] {strides = array<i32>} : memref<32x128xf32, #tpu.memory_space<vmem>>, vector<16xf32>,
        %mul3A_505 = arith.mulf %get3A_501, %get3A_504 : vector<16xf32>
        %add3A_506 = arith.addf %mul3A_491, %mul3A_505 : vector<16xf32>
        %get3A_507 = arith.index_cast %add3A_484 : i32 to index
        %get3A_508 = arith.constant 48 : index
        %get3A_509 = tpu.vector_load %arg10[%get3A_507, %get3A_508] {strides = array<i32>} : memref<32x128xf32, #tpu.memory_space<vmem>>, vector<16xf32>,
        %get3A_510 = arith.index_cast %add3A_484 : i32 to index
        %get3A_511 = arith.constant 48 : index
        %get3A_512 = tpu.vector_load %arg11[%get3A_510, %get3A_511] {strides = array<i32>} : memref<32x128xf32, #tpu.memory_space<vmem>>, vector<16xf32>,
        %mul3A_513 = arith.mulf %get3A_509, %get3A_512 : vector<16xf32>
        %add3A_514 = arith.addf %mul3A_498, %mul3A_513 : vector<16xf32>
        %get3A_515 = arith.index_cast %add3A_484 : i32 to index
        %get3A_516 = arith.constant 64 : index
        %get3A_517 = tpu.vector_load %arg10[%get3A_515, %get3A_516] {strides = array<i32>} : memref<32x128xf32, #tpu.memory_space<vmem>>, vector<16xf32>,
        %get3A_518 = arith.index_cast %add3A_484 : i32 to index
        %get3A_519 = arith.constant 64 : index
        %get3A_520 = tpu.vector_load %arg11[%get3A_518, %get3A_519] {strides = array<i32>} : memref<32x128xf32, #tpu.memory_space<vmem>>, vector<16xf32>,
        %mul3A_521 = arith.mulf %get3A_517, %get3A_520 : vector<16xf32>
        %add3A_522 = arith.addf %add3A_506, %mul3A_521 : vector<16xf32>
        %get3A_523 = arith.index_cast %add3A_484 : i32 to index
        %get3A_524 = arith.constant 80 : index
        %get3A_525 = tpu.vector_load %arg10[%get3A_523, %get3A_524] {strides = array<i32>} : memref<32x128xf32, #tpu.memory_space<vmem>>, vector<16xf32>,
        %get3A_526 = arith.index_cast %add3A_484 : i32 to index
        %get3A_527 = arith.constant 80 : index
        %get3A_528 = tpu.vector_load %arg11[%get3A_526, %get3A_527] {strides = array<i32>} : memref<32x128xf32, #tpu.memory_space<vmem>>, vector<16xf32>,
        %mul3A_529 = arith.mulf %get3A_525, %get3A_528 : vector<16xf32>
        %add3A_530 = arith.addf %add3A_514, %mul3A_529 : vector<16xf32>
        %get3A_531 = arith.index_cast %add3A_484 : i32 to index
        %get3A_532 = arith.constant 96 : index
        %get3A_533 = tpu.vector_load %arg10[%get3A_531, %get3A_532] {strides = array<i32>} : memref<32x128xf32, #tpu.memory_space<vmem>>, vector<16xf32>,
        %get3A_534 = arith.index_cast %add3A_484 : i32 to index
        %get3A_535 = arith.constant 96 : index
        %get3A_536 = tpu.vector_load %arg11[%get3A_534, %get3A_535] {strides = array<i32>} : memref<32x128xf32, #tpu.memory_space<vmem>>, vector<16xf32>,
        %mul3A_537 = arith.mulf %get3A_533, %get3A_536 : vector<16xf32>
        %add3A_538 = arith.addf %add3A_522, %mul3A_537 : vector<16xf32>
        %get3A_539 = arith.index_cast %add3A_484 : i32 to index
        %get3A_540 = arith.constant 112 : index
        %get3A_541 = tpu.vector_load %arg10[%get3A_539, %get3A_540] {strides = array<i32>} : memref<32x128xf32, #tpu.memory_space<vmem>>, vector<16xf32>,
        %get3A_542 = arith.index_cast %add3A_484 : i32 to index
        %get3A_543 = arith.constant 112 : index
        %get3A_544 = tpu.vector_load %arg11[%get3A_542, %get3A_543] {strides = array<i32>} : memref<32x128xf32, #tpu.memory_space<vmem>>, vector<16xf32>,
        %mul3A_545 = arith.mulf %get3A_541, %get3A_544 : vector<16xf32>
        %add3A_546 = arith.addf %add3A_530, %mul3A_545 : vector<16xf32>
        %add3A_547 = arith.addf %add3A_538, %add3A_546 : vector<16xf32>
        %swap3A_548 = arith.index_cast %add3A_132 : i32 to index
        %swap3A_549 = arith.constant 80 : index
        %swap3A_550 = tpu.vector_load %arg12[%swap3A_548, %swap3A_549] {strides = array<i32>} : memref<8x128xf32, #tpu.memory_space<vmem>>, vector<16xf32>,
        tpu.vector_store %arg12[%swap3A_548, %swap3A_549], %add3A_547 {strides = array<i32>} : memref<8x128xf32, #tpu.memory_space<vmem>>, vector<16xf32>,
        %mul3A_551 = arith.constant 8 : i32
        %mul3A_552 = arith.muli %scan3A_130, %mul3A_551 : i32
        %add3A_553 = arith.constant 6 : i32
        %add3A_554 = arith.addi %mul3A_552, %add3A_553 : i32
        %get3A_555 = arith.index_cast %add3A_554 : i32 to index
        %get3A_556 = arith.constant 0 : index
        %get3A_557 = tpu.vector_load %arg10[%get3A_555, %get3A_556] {strides = array<i32>} : memref<32x128xf32, #tpu.memory_space<vmem>>, vector<16xf32>,
        %get3A_558 = arith.index_cast %add3A_554 : i32 to index
        %get3A_559 = arith.constant 0 : index
        %get3A_560 = tpu.vector_load %arg11[%get3A_558, %get3A_559] {strides = array<i32>} : memref<32x128xf32, #tpu.memory_space<vmem>>, vector<16xf32>,
        %mul3A_561 = arith.mulf %get3A_557, %get3A_560 : vector<16xf32>
        %get3A_562 = arith.index_cast %add3A_554 : i32 to index
        %get3A_563 = arith.constant 16 : index
        %get3A_564 = tpu.vector_load %arg10[%get3A_562, %get3A_563] {strides = array<i32>} : memref<32x128xf32, #tpu.memory_space<vmem>>, vector<16xf32>,
        %get3A_565 = arith.index_cast %add3A_554 : i32 to index
        %get3A_566 = arith.constant 16 : index
        %get3A_567 = tpu.vector_load %arg11[%get3A_565, %get3A_566] {strides = array<i32>} : memref<32x128xf32, #tpu.memory_space<vmem>>, vector<16xf32>,
        %mul3A_568 = arith.mulf %get3A_564, %get3A_567 : vector<16xf32>
        %get3A_569 = arith.index_cast %add3A_554 : i32 to index
        %get3A_570 = arith.constant 32 : index
        %get3A_571 = tpu.vector_load %arg10[%get3A_569, %get3A_570] {strides = array<i32>} : memref<32x128xf32, #tpu.memory_space<vmem>>, vector<16xf32>,
        %get3A_572 = arith.index_cast %add3A_554 : i32 to index
        %get3A_573 = arith.constant 32 : index
        %get3A_574 = tpu.vector_load %arg11[%get3A_572, %get3A_573] {strides = array<i32>} : memref<32x128xf32, #tpu.memory_space<vmem>>, vector<16xf32>,
        %mul3A_575 = arith.mulf %get3A_571, %get3A_574 : vector<16xf32>
        %add3A_576 = arith.addf %mul3A_561, %mul3A_575 : vector<16xf32>
        %get3A_577 = arith.index_cast %add3A_554 : i32 to index
        %get3A_578 = arith.constant 48 : index
        %get3A_579 = tpu.vector_load %arg10[%get3A_577, %get3A_578] {strides = array<i32>} : memref<32x128xf32, #tpu.memory_space<vmem>>, vector<16xf32>,
        %get3A_580 = arith.index_cast %add3A_554 : i32 to index
        %get3A_581 = arith.constant 48 : index
        %get3A_582 = tpu.vector_load %arg11[%get3A_580, %get3A_581] {strides = array<i32>} : memref<32x128xf32, #tpu.memory_space<vmem>>, vector<16xf32>,
        %mul3A_583 = arith.mulf %get3A_579, %get3A_582 : vector<16xf32>
        %add3A_584 = arith.addf %mul3A_568, %mul3A_583 : vector<16xf32>
        %get3A_585 = arith.index_cast %add3A_554 : i32 to index
        %get3A_586 = arith.constant 64 : index
        %get3A_587 = tpu.vector_load %arg10[%get3A_585, %get3A_586] {strides = array<i32>} : memref<32x128xf32, #tpu.memory_space<vmem>>, vector<16xf32>,
        %get3A_588 = arith.index_cast %add3A_554 : i32 to index
        %get3A_589 = arith.constant 64 : index
        %get3A_590 = tpu.vector_load %arg11[%get3A_588, %get3A_589] {strides = array<i32>} : memref<32x128xf32, #tpu.memory_space<vmem>>, vector<16xf32>,
        %mul3A_591 = arith.mulf %get3A_587, %get3A_590 : vector<16xf32>
        %add3A_592 = arith.addf %add3A_576, %mul3A_591 : vector<16xf32>
        %get3A_593 = arith.index_cast %add3A_554 : i32 to index
        %get3A_594 = arith.constant 80 : index
        %get3A_595 = tpu.vector_load %arg10[%get3A_593, %get3A_594] {strides = array<i32>} : memref<32x128xf32, #tpu.memory_space<vmem>>, vector<16xf32>,
        %get3A_596 = arith.index_cast %add3A_554 : i32 to index
        %get3A_597 = arith.constant 80 : index
        %get3A_598 = tpu.vector_load %arg11[%get3A_596, %get3A_597] {strides = array<i32>} : memref<32x128xf32, #tpu.memory_space<vmem>>, vector<16xf32>,
        %mul3A_599 = arith.mulf %get3A_595, %get3A_598 : vector<16xf32>
        %add3A_600 = arith.addf %add3A_584, %mul3A_599 : vector<16xf32>
        %get3A_601 = arith.index_cast %add3A_554 : i32 to index
        %get3A_602 = arith.constant 96 : index
        %get3A_603 = tpu.vector_load %arg10[%get3A_601, %get3A_602] {strides = array<i32>} : memref<32x128xf32, #tpu.memory_space<vmem>>, vector<16xf32>,
        %get3A_604 = arith.index_cast %add3A_554 : i32 to index
        %get3A_605 = arith.constant 96 : index
        %get3A_606 = tpu.vector_load %arg11[%get3A_604, %get3A_605] {strides = array<i32>} : memref<32x128xf32, #tpu.memory_space<vmem>>, vector<16xf32>,
        %mul3A_607 = arith.mulf %get3A_603, %get3A_606 : vector<16xf32>
        %add3A_608 = arith.addf %add3A_592, %mul3A_607 : vector<16xf32>
        %get3A_609 = arith.index_cast %add3A_554 : i32 to index
        %get3A_610 = arith.constant 112 : index
        %get3A_611 = tpu.vector_load %arg10[%get3A_609, %get3A_610] {strides = array<i32>} : memref<32x128xf32, #tpu.memory_space<vmem>>, vector<16xf32>,
        %get3A_612 = arith.index_cast %add3A_554 : i32 to index
        %get3A_613 = arith.constant 112 : index
        %get3A_614 = tpu.vector_load %arg11[%get3A_612, %get3A_613] {strides = array<i32>} : memref<32x128xf32, #tpu.memory_space<vmem>>, vector<16xf32>,
        %mul3A_615 = arith.mulf %get3A_611, %get3A_614 : vector<16xf32>
        %add3A_616 = arith.addf %add3A_600, %mul3A_615 : vector<16xf32>
        %add3A_617 = arith.addf %add3A_608, %add3A_616 : vector<16xf32>
        %swap3A_618 = arith.index_cast %add3A_132 : i32 to index
        %swap3A_619 = arith.constant 96 : index
        %swap3A_620 = tpu.vector_load %arg12[%swap3A_618, %swap3A_619] {strides = array<i32>} : memref<8x128xf32, #tpu.memory_space<vmem>>, vector<16xf32>,
        tpu.vector_store %arg12[%swap3A_618, %swap3A_619], %add3A_617 {strides = array<i32>} : memref<8x128xf32, #tpu.memory_space<vmem>>, vector<16xf32>,
        %mul3A_621 = arith.constant 8 : i32
        %mul3A_622 = arith.muli %scan3A_130, %mul3A_621 : i32
        %add3A_623 = arith.constant 7 : i32
        %add3A_624 = arith.addi %mul3A_622, %add3A_623 : i32
        %get3A_625 = arith.index_cast %add3A_624 : i32 to index
        %get3A_626 = arith.constant 0 : index
        %get3A_627 = tpu.vector_load %arg10[%get3A_625, %get3A_626] {strides = array<i32>} : memref<32x128xf32, #tpu.memory_space<vmem>>, vector<16xf32>,
        %get3A_628 = arith.index_cast %add3A_624 : i32 to index
        %get3A_629 = arith.constant 0 : index
        %get3A_630 = tpu.vector_load %arg11[%get3A_628, %get3A_629] {strides = array<i32>} : memref<32x128xf32, #tpu.memory_space<vmem>>, vector<16xf32>,
        %mul3A_631 = arith.mulf %get3A_627, %get3A_630 : vector<16xf32>
        %get3A_632 = arith.index_cast %add3A_624 : i32 to index
        %get3A_633 = arith.constant 16 : index
        %get3A_634 = tpu.vector_load %arg10[%get3A_632, %get3A_633] {strides = array<i32>} : memref<32x128xf32, #tpu.memory_space<vmem>>, vector<16xf32>,
        %get3A_635 = arith.index_cast %add3A_624 : i32 to index
        %get3A_636 = arith.constant 16 : index
        %get3A_637 = tpu.vector_load %arg11[%get3A_635, %get3A_636] {strides = array<i32>} : memref<32x128xf32, #tpu.memory_space<vmem>>, vector<16xf32>,
        %mul3A_638 = arith.mulf %get3A_634, %get3A_637 : vector<16xf32>
        %get3A_639 = arith.index_cast %add3A_624 : i32 to index
        %get3A_640 = arith.constant 32 : index
        %get3A_641 = tpu.vector_load %arg10[%get3A_639, %get3A_640] {strides = array<i32>} : memref<32x128xf32, #tpu.memory_space<vmem>>, vector<16xf32>,
        %get3A_642 = arith.index_cast %add3A_624 : i32 to index
        %get3A_643 = arith.constant 32 : index
        %get3A_644 = tpu.vector_load %arg11[%get3A_642, %get3A_643] {strides = array<i32>} : memref<32x128xf32, #tpu.memory_space<vmem>>, vector<16xf32>,
        %mul3A_645 = arith.mulf %get3A_641, %get3A_644 : vector<16xf32>
        %add3A_646 = arith.addf %mul3A_631, %mul3A_645 : vector<16xf32>
        %get3A_647 = arith.index_cast %add3A_624 : i32 to index
        %get3A_648 = arith.constant 48 : index
        %get3A_649 = tpu.vector_load %arg10[%get3A_647, %get3A_648] {strides = array<i32>} : memref<32x128xf32, #tpu.memory_space<vmem>>, vector<16xf32>,
        %get3A_650 = arith.index_cast %add3A_624 : i32 to index
        %get3A_651 = arith.constant 48 : index
        %get3A_652 = tpu.vector_load %arg11[%get3A_650, %get3A_651] {strides = array<i32>} : memref<32x128xf32, #tpu.memory_space<vmem>>, vector<16xf32>,
        %mul3A_653 = arith.mulf %get3A_649, %get3A_652 : vector<16xf32>
        %add3A_654 = arith.addf %mul3A_638, %mul3A_653 : vector<16xf32>
        %get3A_655 = arith.index_cast %add3A_624 : i32 to index
        %get3A_656 = arith.constant 64 : index
        %get3A_657 = tpu.vector_load %arg10[%get3A_655, %get3A_656] {strides = array<i32>} : memref<32x128xf32, #tpu.memory_space<vmem>>, vector<16xf32>,
        %get3A_658 = arith.index_cast %add3A_624 : i32 to index
        %get3A_659 = arith.constant 64 : index
        %get3A_660 = tpu.vector_load %arg11[%get3A_658, %get3A_659] {strides = array<i32>} : memref<32x128xf32, #tpu.memory_space<vmem>>, vector<16xf32>,
        %mul3A_661 = arith.mulf %get3A_657, %get3A_660 : vector<16xf32>
        %add3A_662 = arith.addf %add3A_646, %mul3A_661 : vector<16xf32>
        %get3A_663 = arith.index_cast %add3A_624 : i32 to index
        %get3A_664 = arith.constant 80 : index
        %get3A_665 = tpu.vector_load %arg10[%get3A_663, %get3A_664] {strides = array<i32>} : memref<32x128xf32, #tpu.memory_space<vmem>>, vector<16xf32>,
        %get3A_666 = arith.index_cast %add3A_624 : i32 to index
        %get3A_667 = arith.constant 80 : index
        %get3A_668 = tpu.vector_load %arg11[%get3A_666, %get3A_667] {strides = array<i32>} : memref<32x128xf32, #tpu.memory_space<vmem>>, vector<16xf32>,
        %mul3A_669 = arith.mulf %get3A_665, %get3A_668 : vector<16xf32>
        %add3A_670 = arith.addf %add3A_654, %mul3A_669 : vector<16xf32>
        %get3A_671 = arith.index_cast %add3A_624 : i32 to index
        %get3A_672 = arith.constant 96 : index
        %get3A_673 = tpu.vector_load %arg10[%get3A_671, %get3A_672] {strides = array<i32>} : memref<32x128xf32, #tpu.memory_space<vmem>>, vector<16xf32>,
        %get3A_674 = arith.index_cast %add3A_624 : i32 to index
        %get3A_675 = arith.constant 96 : index
        %get3A_676 = tpu.vector_load %arg11[%get3A_674, %get3A_675] {strides = array<i32>} : memref<32x128xf32, #tpu.memory_space<vmem>>, vector<16xf32>,
        %mul3A_677 = arith.mulf %get3A_673, %get3A_676 : vector<16xf32>
        %add3A_678 = arith.addf %add3A_662, %mul3A_677 : vector<16xf32>
        %get3A_679 = arith.index_cast %add3A_624 : i32 to index
        %get3A_680 = arith.constant 112 : index
        %get3A_681 = tpu.vector_load %arg10[%get3A_679, %get3A_680] {strides = array<i32>} : memref<32x128xf32, #tpu.memory_space<vmem>>, vector<16xf32>,
        %get3A_682 = arith.index_cast %add3A_624 : i32 to index
        %get3A_683 = arith.constant 112 : index
        %get3A_684 = tpu.vector_load %arg11[%get3A_682, %get3A_683] {strides = array<i32>} : memref<32x128xf32, #tpu.memory_space<vmem>>, vector<16xf32>,
        %mul3A_685 = arith.mulf %get3A_681, %get3A_684 : vector<16xf32>
        %add3A_686 = arith.addf %add3A_670, %mul3A_685 : vector<16xf32>
        %add3A_687 = arith.addf %add3A_678, %add3A_686 : vector<16xf32>
        %swap3A_688 = arith.index_cast %add3A_132 : i32 to index
        %swap3A_689 = arith.constant 112 : index
        %swap3A_690 = tpu.vector_load %arg12[%swap3A_688, %swap3A_689] {strides = array<i32>} : memref<8x128xf32, #tpu.memory_space<vmem>>, vector<16xf32>,
        tpu.vector_store %arg12[%swap3A_688, %swap3A_689], %add3A_687 {strides = array<i32>} : memref<8x128xf32, #tpu.memory_space<vmem>>, vector<16xf32>,
      }
      %scan3A_124 = arith.constant 4 : i32
      %mul3A_125 = arith.constant 2 : i32
      %mul3A_126 = arith.muli %scan3A_66, %mul3A_125 : i32
      %mul3A_127 = arith.constant 4 : i32
      %mul3A_128 = arith.muli %mul3A_126, %mul3A_127 : i32
      %add3A_129 = arith.addi %mul3A_4, %mul3A_128 : i32
      "tpu.region"() ({
        %run_scoped3A = tpu.sem_alloc : memref<!tpu.dma_semaphore, #tpu.memory_space<semaphore_mem>>
        %dma_start3A_130 = arith.constant 0 : i32
        %dma_start3A_131 = tpu.memref_slice %arg5[%add3A_129, %dma_start3A_130] : memref<40192x128xf32, #tpu.memory_space<hbm>> -> memref<8x128xf32, #tpu.memory_space<hbm>>
        %dma_start3A_132 = arith.constant 0 : i32
        %dma_start3A_133 = tpu.memref_slice %arg5[%add3A_129, %dma_start3A_132] : memref<40192x128xf32, #tpu.memory_space<hbm>> -> memref<8x128xf32, #tpu.memory_space<hbm>>
        tpu.enqueue_dma source(%arg12 : memref<8x128xf32, #tpu.memory_space<vmem>>) target(%dma_start3A_133 : memref<8x128xf32, #tpu.memory_space<hbm>>) target_semaphore(%run_scoped3A : memref<!tpu.dma_semaphore, #tpu.memory_space<semaphore_mem>>)
        %dma_wait3A_134 = arith.constant 0 : i32
        %dma_wait3A_135 = tpu.memref_slice %arg5[%add3A_129, %dma_wait3A_134] : memref<40192x128xf32, #tpu.memory_space<hbm>> -> memref<8x128xf32, #tpu.memory_space<hbm>>
        %dma_wait3A_136 = arith.constant 0 : i32
        %dma_wait3A_137 = tpu.memref_slice %arg5[%add3A_129, %dma_wait3A_136] : memref<40192x128xf32, #tpu.memory_space<hbm>> -> memref<8x128xf32, #tpu.memory_space<hbm>>
        tpu.wait_dma2 semaphore(%run_scoped3A : memref<!tpu.dma_semaphore, #tpu.memory_space<semaphore_mem>>) src(%arg12 : memref<8x128xf32, #tpu.memory_space<vmem>>) dst(%dma_wait3A_137 : memref<8x128xf32, #tpu.memory_space<hbm>>)
        tpu.yield
      }) : () -> ()
    }
    %scan3A_22 = arith.constant 156 : i32
    %dma_start3A_23 = arith.constant 10016 : i32
    %dma_start3A_24 = tpu.memref_slice %arg6[%dma_start3A_23] : memref<10048xi32, #tpu.memory_space<vmem>> -> memref<32xi32, #tpu.memory_space<vmem>>
    %dma_start3A_25 = arith.constant 0 : i32
    %dma_start3A_26 = arith.constant 0 : i32
    %dma_start3A_27 = tpu.memref_slice %arg15[%dma_start3A_25, %dma_start3A_26] : memref<10008x128xf32, #tpu.memory_space<vmem_shared>> -> memref<10008x128xf32, #tpu.memory_space<vmem_shared>>
    tpu.enqueue_indirect_dma source(%dma_start3A_27 : memref<10008x128xf32, #tpu.memory_space<vmem_shared>>) target(%arg10 : memref<32x128xf32, #tpu.memory_space<vmem>>) offsets(%dma_start3A_24 : memref<32xi32, #tpu.memory_space<vmem>>) semaphore(%arg14 : memref<!tpu.dma_semaphore, #tpu.memory_space<semaphore_mem>>)
    %dma_start3A_28 = arith.constant 10016 : i32
    %dma_start3A_29 = tpu.memref_slice %arg7[%dma_start3A_28] : memref<10048xi32, #tpu.memory_space<vmem>> -> memref<32xi32, #tpu.memory_space<vmem>>
    %dma_start3A_30 = arith.constant 0 : i32
    %dma_start3A_31 = arith.constant 0 : i32
    %dma_start3A_32 = tpu.memref_slice %arg15[%dma_start3A_30, %dma_start3A_31] : memref<10008x128xf32, #tpu.memory_space<vmem_shared>> -> memref<10008x128xf32, #tpu.memory_space<vmem_shared>>
    tpu.enqueue_indirect_dma source(%dma_start3A_32 : memref<10008x128xf32, #tpu.memory_space<vmem_shared>>) target(%arg11 : memref<32x128xf32, #tpu.memory_space<vmem>>) offsets(%dma_start3A_29 : memref<32xi32, #tpu.memory_space<vmem>>) semaphore(%arg14 : memref<!tpu.dma_semaphore, #tpu.memory_space<semaphore_mem>>)
    %dma_wait3A = arith.constant 9984 : i32
    %dma_wait3A_33 = tpu.memref_slice %arg6[%dma_wait3A] : memref<10048xi32, #tpu.memory_space<vmem>> -> memref<32xi32, #tpu.memory_space<vmem>>
    %dma_wait3A_34 = arith.constant 0 : i32
    %dma_wait3A_35 = arith.constant 0 : i32
    %dma_wait3A_36 = tpu.memref_slice %arg15[%dma_wait3A_34, %dma_wait3A_35] : memref<10008x128xf32, #tpu.memory_space<vmem_shared>> -> memref<10008x128xf32, #tpu.memory_space<vmem_shared>>
    tpu.wait_indirect_dma semaphore(%arg13 : memref<!tpu.dma_semaphore, #tpu.memory_space<semaphore_mem>>) src(%dma_wait3A_36 : memref<10008x128xf32, #tpu.memory_space<vmem_shared>>) dst(%arg8 : memref<32x128xf32, #tpu.memory_space<vmem>>)
    %dma_wait3A_37 = arith.constant 9984 : i32
    %dma_wait3A_38 = tpu.memref_slice %arg7[%dma_wait3A_37] : memref<10048xi32, #tpu.memory_space<vmem>> -> memref<32xi32, #tpu.memory_space<vmem>>
    %dma_wait3A_39 = arith.constant 0 : i32
    %dma_wait3A_40 = arith.constant 0 : i32
    %dma_wait3A_41 = tpu.memref_slice %arg15[%dma_wait3A_39, %dma_wait3A_40] : memref<10008x128xf32, #tpu.memory_space<vmem_shared>> -> memref<10008x128xf32, #tpu.memory_space<vmem_shared>>
    tpu.wait_indirect_dma semaphore(%arg13 : memref<!tpu.dma_semaphore, #tpu.memory_space<semaphore_mem>>) src(%dma_wait3A_41 : memref<10008x128xf32, #tpu.memory_space<vmem_shared>>) dst(%arg9 : memref<32x128xf32, #tpu.memory_space<vmem>>)
    %scan3A_42 = arith.constant 0 : i32
    %scan3A_43 = arith.constant 0 : i32
    %scan3A_44 = arith.constant 4 : i32
    %scan3A_45 = arith.addi %scan3A_43, %scan3A_44 : i32
    %scan3A_46 = arith.constant 1 : i32
    scf.for %scan3A_66 = %scan3A_43 to %scan3A_45 step %scan3A_46  : i32 {
      %add3A_67 = arith.constant 0 : i32
      %add3A_68 = arith.addi %add3A_67, %scan3A_66 : i32
      %mul3A_69 = arith.constant 8 : i32
      %mul3A_70 = arith.muli %scan3A_66, %mul3A_69 : i32
      %add3A_71 = arith.constant 0 : i32
      %add3A_72 = arith.addi %mul3A_70, %add3A_71 : i32
      %get3A = arith.index_cast %add3A_72 : i32 to index
      %get3A_73 = arith.constant 0 : index
      %get3A_74 = tpu.vector_load %arg8[%get3A, %get3A_73] {strides = array<i32>} : memref<32x128xf32, #tpu.memory_space<vmem>>, vector<16xf32>,
      %get3A_75 = arith.index_cast %add3A_72 : i32 to index
      %get3A_76 = arith.constant 0 : index
      %get3A_77 = tpu.vector_load %arg9[%get3A_75, %get3A_76] {strides = array<i32>} : memref<32x128xf32, #tpu.memory_space<vmem>>, vector<16xf32>,
      %mul3A_78 = arith.mulf %get3A_74, %get3A_77 : vector<16xf32>
      %get3A_79 = arith.index_cast %add3A_72 : i32 to index
      %get3A_80 = arith.constant 16 : index
      %get3A_81 = tpu.vector_load %arg8[%get3A_79, %get3A_80] {strides = array<i32>} : memref<32x128xf32, #tpu.memory_space<vmem>>, vector<16xf32>,
      %get3A_82 = arith.index_cast %add3A_72 : i32 to index
      %get3A_83 = arith.constant 16 : index
      %get3A_84 = tpu.vector_load %arg9[%get3A_82, %get3A_83] {strides = array<i32>} : memref<32x128xf32, #tpu.memory_space<vmem>>, vector<16xf32>,
      %mul3A_85 = arith.mulf %get3A_81, %get3A_84 : vector<16xf32>
      %get3A_86 = arith.index_cast %add3A_72 : i32 to index
      %get3A_87 = arith.constant 32 : index
      %get3A_88 = tpu.vector_load %arg8[%get3A_86, %get3A_87] {strides = array<i32>} : memref<32x128xf32, #tpu.memory_space<vmem>>, vector<16xf32>,
      %get3A_89 = arith.index_cast %add3A_72 : i32 to index
      %get3A_90 = arith.constant 32 : index
      %get3A_91 = tpu.vector_load %arg9[%get3A_89, %get3A_90] {strides = array<i32>} : memref<32x128xf32, #tpu.memory_space<vmem>>, vector<16xf32>,
      %mul3A_92 = arith.mulf %get3A_88, %get3A_91 : vector<16xf32>
      %add3A_93 = arith.addf %mul3A_78, %mul3A_92 : vector<16xf32>
      %get3A_94 = arith.index_cast %add3A_72 : i32 to index
      %get3A_95 = arith.constant 48 : index
      %get3A_96 = tpu.vector_load %arg8[%get3A_94, %get3A_95] {strides = array<i32>} : memref<32x128xf32, #tpu.memory_space<vmem>>, vector<16xf32>,
      %get3A_97 = arith.index_cast %add3A_72 : i32 to index
      %get3A_98 = arith.constant 48 : index
      %get3A_99 = tpu.vector_load %arg9[%get3A_97, %get3A_98] {strides = array<i32>} : memref<32x128xf32, #tpu.memory_space<vmem>>, vector<16xf32>,
      %mul3A_100 = arith.mulf %get3A_96, %get3A_99 : vector<16xf32>
      %add3A_101 = arith.addf %mul3A_85, %mul3A_100 : vector<16xf32>
      %get3A_102 = arith.index_cast %add3A_72 : i32 to index
      %get3A_103 = arith.constant 64 : index
      %get3A_104 = tpu.vector_load %arg8[%get3A_102, %get3A_103] {strides = array<i32>} : memref<32x128xf32, #tpu.memory_space<vmem>>, vector<16xf32>,
      %get3A_105 = arith.index_cast %add3A_72 : i32 to index
      %get3A_106 = arith.constant 64 : index
      %get3A_107 = tpu.vector_load %arg9[%get3A_105, %get3A_106] {strides = array<i32>} : memref<32x128xf32, #tpu.memory_space<vmem>>, vector<16xf32>,
      %mul3A_108 = arith.mulf %get3A_104, %get3A_107 : vector<16xf32>
      %add3A_109 = arith.addf %add3A_93, %mul3A_108 : vector<16xf32>
      %get3A_110 = arith.index_cast %add3A_72 : i32 to index
      %get3A_111 = arith.constant 80 : index
      %get3A_112 = tpu.vector_load %arg8[%get3A_110, %get3A_111] {strides = array<i32>} : memref<32x128xf32, #tpu.memory_space<vmem>>, vector<16xf32>,
      %get3A_113 = arith.index_cast %add3A_72 : i32 to index
      %get3A_114 = arith.constant 80 : index
      %get3A_115 = tpu.vector_load %arg9[%get3A_113, %get3A_114] {strides = array<i32>} : memref<32x128xf32, #tpu.memory_space<vmem>>, vector<16xf32>,
      %mul3A_116 = arith.mulf %get3A_112, %get3A_115 : vector<16xf32>
      %add3A_117 = arith.addf %add3A_101, %mul3A_116 : vector<16xf32>
      %get3A_118 = arith.index_cast %add3A_72 : i32 to index
      %get3A_119 = arith.constant 96 : index
      %get3A_120 = tpu.vector_load %arg8[%get3A_118, %get3A_119] {strides = array<i32>} : memref<32x128xf32, #tpu.memory_space<vmem>>, vector<16xf32>,
      %get3A_121 = arith.index_cast %add3A_72 : i32 to index
      %get3A_122 = arith.constant 96 : index
      %get3A_123 = tpu.vector_load %arg9[%get3A_121, %get3A_122] {strides = array<i32>} : memref<32x128xf32, #tpu.memory_space<vmem>>, vector<16xf32>,
      %mul3A_124 = arith.mulf %get3A_120, %get3A_123 : vector<16xf32>
      %add3A_125 = arith.addf %add3A_109, %mul3A_124 : vector<16xf32>
      %get3A_126 = arith.index_cast %add3A_72 : i32 to index
      %get3A_127 = arith.constant 112 : index
      %get3A_128 = tpu.vector_load %arg8[%get3A_126, %get3A_127] {strides = array<i32>} : memref<32x128xf32, #tpu.memory_space<vmem>>, vector<16xf32>,
      %get3A_129 = arith.index_cast %add3A_72 : i32 to index
      %get3A_130 = arith.constant 112 : index
      %get3A_131 = tpu.vector_load %arg9[%get3A_129, %get3A_130] {strides = array<i32>} : memref<32x128xf32, #tpu.memory_space<vmem>>, vector<16xf32>,
      %mul3A_132 = arith.mulf %get3A_128, %get3A_131 : vector<16xf32>
      %add3A_133 = arith.addf %add3A_117, %mul3A_132 : vector<16xf32>
      %add3A_134 = arith.addf %add3A_125, %add3A_133 : vector<16xf32>
      %swap3A = arith.index_cast %add3A_68 : i32 to index
      %swap3A_135 = arith.constant 0 : index
      %swap3A_136 = tpu.vector_load %arg12[%swap3A, %swap3A_135] {strides = array<i32>} : memref<8x128xf32, #tpu.memory_space<vmem>>, vector<16xf32>,
      tpu.vector_store %arg12[%swap3A, %swap3A_135], %add3A_134 {strides = array<i32>} : memref<8x128xf32, #tpu.memory_space<vmem>>, vector<16xf32>,
      %mul3A_137 = arith.constant 8 : i32
      %mul3A_138 = arith.muli %scan3A_66, %mul3A_137 : i32
      %add3A_139 = arith.constant 1 : i32
      %add3A_140 = arith.addi %mul3A_138, %add3A_139 : i32
      %get3A_141 = arith.index_cast %add3A_140 : i32 to index
      %get3A_142 = arith.constant 0 : index
      %get3A_143 = tpu.vector_load %arg8[%get3A_141, %get3A_142] {strides = array<i32>} : memref<32x128xf32, #tpu.memory_space<vmem>>, vector<16xf32>,
      %get3A_144 = arith.index_cast %add3A_140 : i32 to index
      %get3A_145 = arith.constant 0 : index
      %get3A_146 = tpu.vector_load %arg9[%get3A_144, %get3A_145] {strides = array<i32>} : memref<32x128xf32, #tpu.memory_space<vmem>>, vector<16xf32>,
      %mul3A_147 = arith.mulf %get3A_143, %get3A_146 : vector<16xf32>
      %get3A_148 = arith.index_cast %add3A_140 : i32 to index
      %get3A_149 = arith.constant 16 : index
      %get3A_150 = tpu.vector_load %arg8[%get3A_148, %get3A_149] {strides = array<i32>} : memref<32x128xf32, #tpu.memory_space<vmem>>, vector<16xf32>,
      %get3A_151 = arith.index_cast %add3A_140 : i32 to index
      %get3A_152 = arith.constant 16 : index
      %get3A_153 = tpu.vector_load %arg9[%get3A_151, %get3A_152] {strides = array<i32>} : memref<32x128xf32, #tpu.memory_space<vmem>>, vector<16xf32>,
      %mul3A_154 = arith.mulf %get3A_150, %get3A_153 : vector<16xf32>
      %get3A_155 = arith.index_cast %add3A_140 : i32 to index
      %get3A_156 = arith.constant 32 : index
      %get3A_157 = tpu.vector_load %arg8[%get3A_155, %get3A_156] {strides = array<i32>} : memref<32x128xf32, #tpu.memory_space<vmem>>, vector<16xf32>,
      %get3A_158 = arith.index_cast %add3A_140 : i32 to index
      %get3A_159 = arith.constant 32 : index
      %get3A_160 = tpu.vector_load %arg9[%get3A_158, %get3A_159] {strides = array<i32>} : memref<32x128xf32, #tpu.memory_space<vmem>>, vector<16xf32>,
      %mul3A_161 = arith.mulf %get3A_157, %get3A_160 : vector<16xf32>
      %add3A_162 = arith.addf %mul3A_147, %mul3A_161 : vector<16xf32>
      %get3A_163 = arith.index_cast %add3A_140 : i32 to index
      %get3A_164 = arith.constant 48 : index
      %get3A_165 = tpu.vector_load %arg8[%get3A_163, %get3A_164] {strides = array<i32>} : memref<32x128xf32, #tpu.memory_space<vmem>>, vector<16xf32>,
      %get3A_166 = arith.index_cast %add3A_140 : i32 to index
      %get3A_167 = arith.constant 48 : index
      %get3A_168 = tpu.vector_load %arg9[%get3A_166, %get3A_167] {strides = array<i32>} : memref<32x128xf32, #tpu.memory_space<vmem>>, vector<16xf32>,
      %mul3A_169 = arith.mulf %get3A_165, %get3A_168 : vector<16xf32>
      %add3A_170 = arith.addf %mul3A_154, %mul3A_169 : vector<16xf32>
      %get3A_171 = arith.index_cast %add3A_140 : i32 to index
      %get3A_172 = arith.constant 64 : index
      %get3A_173 = tpu.vector_load %arg8[%get3A_171, %get3A_172] {strides = array<i32>} : memref<32x128xf32, #tpu.memory_space<vmem>>, vector<16xf32>,
      %get3A_174 = arith.index_cast %add3A_140 : i32 to index
      %get3A_175 = arith.constant 64 : index
      %get3A_176 = tpu.vector_load %arg9[%get3A_174, %get3A_175] {strides = array<i32>} : memref<32x128xf32, #tpu.memory_space<vmem>>, vector<16xf32>,
      %mul3A_177 = arith.mulf %get3A_173, %get3A_176 : vector<16xf32>
      %add3A_178 = arith.addf %add3A_162, %mul3A_177 : vector<16xf32>
      %get3A_179 = arith.index_cast %add3A_140 : i32 to index
      %get3A_180 = arith.constant 80 : index
      %get3A_181 = tpu.vector_load %arg8[%get3A_179, %get3A_180] {strides = array<i32>} : memref<32x128xf32, #tpu.memory_space<vmem>>, vector<16xf32>,
      %get3A_182 = arith.index_cast %add3A_140 : i32 to index
      %get3A_183 = arith.constant 80 : index
      %get3A_184 = tpu.vector_load %arg9[%get3A_182, %get3A_183] {strides = array<i32>} : memref<32x128xf32, #tpu.memory_space<vmem>>, vector<16xf32>,
      %mul3A_185 = arith.mulf %get3A_181, %get3A_184 : vector<16xf32>
      %add3A_186 = arith.addf %add3A_170, %mul3A_185 : vector<16xf32>
      %get3A_187 = arith.index_cast %add3A_140 : i32 to index
      %get3A_188 = arith.constant 96 : index
      %get3A_189 = tpu.vector_load %arg8[%get3A_187, %get3A_188] {strides = array<i32>} : memref<32x128xf32, #tpu.memory_space<vmem>>, vector<16xf32>,
      %get3A_190 = arith.index_cast %add3A_140 : i32 to index
      %get3A_191 = arith.constant 96 : index
      %get3A_192 = tpu.vector_load %arg9[%get3A_190, %get3A_191] {strides = array<i32>} : memref<32x128xf32, #tpu.memory_space<vmem>>, vector<16xf32>,
      %mul3A_193 = arith.mulf %get3A_189, %get3A_192 : vector<16xf32>
      %add3A_194 = arith.addf %add3A_178, %mul3A_193 : vector<16xf32>
      %get3A_195 = arith.index_cast %add3A_140 : i32 to index
      %get3A_196 = arith.constant 112 : index
      %get3A_197 = tpu.vector_load %arg8[%get3A_195, %get3A_196] {strides = array<i32>} : memref<32x128xf32, #tpu.memory_space<vmem>>, vector<16xf32>,
      %get3A_198 = arith.index_cast %add3A_140 : i32 to index
      %get3A_199 = arith.constant 112 : index
      %get3A_200 = tpu.vector_load %arg9[%get3A_198, %get3A_199] {strides = array<i32>} : memref<32x128xf32, #tpu.memory_space<vmem>>, vector<16xf32>,
      %mul3A_201 = arith.mulf %get3A_197, %get3A_200 : vector<16xf32>
      %add3A_202 = arith.addf %add3A_186, %mul3A_201 : vector<16xf32>
      %add3A_203 = arith.addf %add3A_194, %add3A_202 : vector<16xf32>
      %swap3A_204 = arith.index_cast %add3A_68 : i32 to index
      %swap3A_205 = arith.constant 16 : index
      %swap3A_206 = tpu.vector_load %arg12[%swap3A_204, %swap3A_205] {strides = array<i32>} : memref<8x128xf32, #tpu.memory_space<vmem>>, vector<16xf32>,
      tpu.vector_store %arg12[%swap3A_204, %swap3A_205], %add3A_203 {strides = array<i32>} : memref<8x128xf32, #tpu.memory_space<vmem>>, vector<16xf32>,
      %mul3A_207 = arith.constant 8 : i32
      %mul3A_208 = arith.muli %scan3A_66, %mul3A_207 : i32
      %add3A_209 = arith.constant 2 : i32
      %add3A_210 = arith.addi %mul3A_208, %add3A_209 : i32
      %get3A_211 = arith.index_cast %add3A_210 : i32 to index
      %get3A_212 = arith.constant 0 : index
      %get3A_213 = tpu.vector_load %arg8[%get3A_211, %get3A_212] {strides = array<i32>} : memref<32x128xf32, #tpu.memory_space<vmem>>, vector<16xf32>,
      %get3A_214 = arith.index_cast %add3A_210 : i32 to index
      %get3A_215 = arith.constant 0 : index
      %get3A_216 = tpu.vector_load %arg9[%get3A_214, %get3A_215] {strides = array<i32>} : memref<32x128xf32, #tpu.memory_space<vmem>>, vector<16xf32>,
      %mul3A_217 = arith.mulf %get3A_213, %get3A_216 : vector<16xf32>
      %get3A_218 = arith.index_cast %add3A_210 : i32 to index
      %get3A_219 = arith.constant 16 : index
      %get3A_220 = tpu.vector_load %arg8[%get3A_218, %get3A_219] {strides = array<i32>} : memref<32x128xf32, #tpu.memory_space<vmem>>, vector<16xf32>,
      %get3A_221 = arith.index_cast %add3A_210 : i32 to index
      %get3A_222 = arith.constant 16 : index
      %get3A_223 = tpu.vector_load %arg9[%get3A_221, %get3A_222] {strides = array<i32>} : memref<32x128xf32, #tpu.memory_space<vmem>>, vector<16xf32>,
      %mul3A_224 = arith.mulf %get3A_220, %get3A_223 : vector<16xf32>
      %get3A_225 = arith.index_cast %add3A_210 : i32 to index
      %get3A_226 = arith.constant 32 : index
      %get3A_227 = tpu.vector_load %arg8[%get3A_225, %get3A_226] {strides = array<i32>} : memref<32x128xf32, #tpu.memory_space<vmem>>, vector<16xf32>,
      %get3A_228 = arith.index_cast %add3A_210 : i32 to index
      %get3A_229 = arith.constant 32 : index
      %get3A_230 = tpu.vector_load %arg9[%get3A_228, %get3A_229] {strides = array<i32>} : memref<32x128xf32, #tpu.memory_space<vmem>>, vector<16xf32>,
      %mul3A_231 = arith.mulf %get3A_227, %get3A_230 : vector<16xf32>
      %add3A_232 = arith.addf %mul3A_217, %mul3A_231 : vector<16xf32>
      %get3A_233 = arith.index_cast %add3A_210 : i32 to index
      %get3A_234 = arith.constant 48 : index
      %get3A_235 = tpu.vector_load %arg8[%get3A_233, %get3A_234] {strides = array<i32>} : memref<32x128xf32, #tpu.memory_space<vmem>>, vector<16xf32>,
      %get3A_236 = arith.index_cast %add3A_210 : i32 to index
      %get3A_237 = arith.constant 48 : index
      %get3A_238 = tpu.vector_load %arg9[%get3A_236, %get3A_237] {strides = array<i32>} : memref<32x128xf32, #tpu.memory_space<vmem>>, vector<16xf32>,
      %mul3A_239 = arith.mulf %get3A_235, %get3A_238 : vector<16xf32>
      %add3A_240 = arith.addf %mul3A_224, %mul3A_239 : vector<16xf32>
      %get3A_241 = arith.index_cast %add3A_210 : i32 to index
      %get3A_242 = arith.constant 64 : index
      %get3A_243 = tpu.vector_load %arg8[%get3A_241, %get3A_242] {strides = array<i32>} : memref<32x128xf32, #tpu.memory_space<vmem>>, vector<16xf32>,
      %get3A_244 = arith.index_cast %add3A_210 : i32 to index
      %get3A_245 = arith.constant 64 : index
      %get3A_246 = tpu.vector_load %arg9[%get3A_244, %get3A_245] {strides = array<i32>} : memref<32x128xf32, #tpu.memory_space<vmem>>, vector<16xf32>,
      %mul3A_247 = arith.mulf %get3A_243, %get3A_246 : vector<16xf32>
      %add3A_248 = arith.addf %add3A_232, %mul3A_247 : vector<16xf32>
      %get3A_249 = arith.index_cast %add3A_210 : i32 to index
      %get3A_250 = arith.constant 80 : index
      %get3A_251 = tpu.vector_load %arg8[%get3A_249, %get3A_250] {strides = array<i32>} : memref<32x128xf32, #tpu.memory_space<vmem>>, vector<16xf32>,
      %get3A_252 = arith.index_cast %add3A_210 : i32 to index
      %get3A_253 = arith.constant 80 : index
      %get3A_254 = tpu.vector_load %arg9[%get3A_252, %get3A_253] {strides = array<i32>} : memref<32x128xf32, #tpu.memory_space<vmem>>, vector<16xf32>,
      %mul3A_255 = arith.mulf %get3A_251, %get3A_254 : vector<16xf32>
      %add3A_256 = arith.addf %add3A_240, %mul3A_255 : vector<16xf32>
      %get3A_257 = arith.index_cast %add3A_210 : i32 to index
      %get3A_258 = arith.constant 96 : index
      %get3A_259 = tpu.vector_load %arg8[%get3A_257, %get3A_258] {strides = array<i32>} : memref<32x128xf32, #tpu.memory_space<vmem>>, vector<16xf32>,
      %get3A_260 = arith.index_cast %add3A_210 : i32 to index
      %get3A_261 = arith.constant 96 : index
      %get3A_262 = tpu.vector_load %arg9[%get3A_260, %get3A_261] {strides = array<i32>} : memref<32x128xf32, #tpu.memory_space<vmem>>, vector<16xf32>,
      %mul3A_263 = arith.mulf %get3A_259, %get3A_262 : vector<16xf32>
      %add3A_264 = arith.addf %add3A_248, %mul3A_263 : vector<16xf32>
      %get3A_265 = arith.index_cast %add3A_210 : i32 to index
      %get3A_266 = arith.constant 112 : index
      %get3A_267 = tpu.vector_load %arg8[%get3A_265, %get3A_266] {strides = array<i32>} : memref<32x128xf32, #tpu.memory_space<vmem>>, vector<16xf32>,
      %get3A_268 = arith.index_cast %add3A_210 : i32 to index
      %get3A_269 = arith.constant 112 : index
      %get3A_270 = tpu.vector_load %arg9[%get3A_268, %get3A_269] {strides = array<i32>} : memref<32x128xf32, #tpu.memory_space<vmem>>, vector<16xf32>,
      %mul3A_271 = arith.mulf %get3A_267, %get3A_270 : vector<16xf32>
      %add3A_272 = arith.addf %add3A_256, %mul3A_271 : vector<16xf32>
      %add3A_273 = arith.addf %add3A_264, %add3A_272 : vector<16xf32>
      %swap3A_274 = arith.index_cast %add3A_68 : i32 to index
      %swap3A_275 = arith.constant 32 : index
      %swap3A_276 = tpu.vector_load %arg12[%swap3A_274, %swap3A_275] {strides = array<i32>} : memref<8x128xf32, #tpu.memory_space<vmem>>, vector<16xf32>,
      tpu.vector_store %arg12[%swap3A_274, %swap3A_275], %add3A_273 {strides = array<i32>} : memref<8x128xf32, #tpu.memory_space<vmem>>, vector<16xf32>,
      %mul3A_277 = arith.constant 8 : i32
      %mul3A_278 = arith.muli %scan3A_66, %mul3A_277 : i32
      %add3A_279 = arith.constant 3 : i32
      %add3A_280 = arith.addi %mul3A_278, %add3A_279 : i32
      %get3A_281 = arith.index_cast %add3A_280 : i32 to index
      %get3A_282 = arith.constant 0 : index
      %get3A_283 = tpu.vector_load %arg8[%get3A_281, %get3A_282] {strides = array<i32>} : memref<32x128xf32, #tpu.memory_space<vmem>>, vector<16xf32>,
      %get3A_284 = arith.index_cast %add3A_280 : i32 to index
      %get3A_285 = arith.constant 0 : index
      %get3A_286 = tpu.vector_load %arg9[%get3A_284, %get3A_285] {strides = array<i32>} : memref<32x128xf32, #tpu.memory_space<vmem>>, vector<16xf32>,
      %mul3A_287 = arith.mulf %get3A_283, %get3A_286 : vector<16xf32>
      %get3A_288 = arith.index_cast %add3A_280 : i32 to index
      %get3A_289 = arith.constant 16 : index
      %get3A_290 = tpu.vector_load %arg8[%get3A_288, %get3A_289] {strides = array<i32>} : memref<32x128xf32, #tpu.memory_space<vmem>>, vector<16xf32>,
      %get3A_291 = arith.index_cast %add3A_280 : i32 to index
      %get3A_292 = arith.constant 16 : index
      %get3A_293 = tpu.vector_load %arg9[%get3A_291, %get3A_292] {strides = array<i32>} : memref<32x128xf32, #tpu.memory_space<vmem>>, vector<16xf32>,
      %mul3A_294 = arith.mulf %get3A_290, %get3A_293 : vector<16xf32>
      %get3A_295 = arith.index_cast %add3A_280 : i32 to index
      %get3A_296 = arith.constant 32 : index
      %get3A_297 = tpu.vector_load %arg8[%get3A_295, %get3A_296] {strides = array<i32>} : memref<32x128xf32, #tpu.memory_space<vmem>>, vector<16xf32>,
      %get3A_298 = arith.index_cast %add3A_280 : i32 to index
      %get3A_299 = arith.constant 32 : index
      %get3A_300 = tpu.vector_load %arg9[%get3A_298, %get3A_299] {strides = array<i32>} : memref<32x128xf32, #tpu.memory_space<vmem>>, vector<16xf32>,
      %mul3A_301 = arith.mulf %get3A_297, %get3A_300 : vector<16xf32>
      %add3A_302 = arith.addf %mul3A_287, %mul3A_301 : vector<16xf32>
      %get3A_303 = arith.index_cast %add3A_280 : i32 to index
      %get3A_304 = arith.constant 48 : index
      %get3A_305 = tpu.vector_load %arg8[%get3A_303, %get3A_304] {strides = array<i32>} : memref<32x128xf32, #tpu.memory_space<vmem>>, vector<16xf32>,
      %get3A_306 = arith.index_cast %add3A_280 : i32 to index
      %get3A_307 = arith.constant 48 : index
      %get3A_308 = tpu.vector_load %arg9[%get3A_306, %get3A_307] {strides = array<i32>} : memref<32x128xf32, #tpu.memory_space<vmem>>, vector<16xf32>,
      %mul3A_309 = arith.mulf %get3A_305, %get3A_308 : vector<16xf32>
      %add3A_310 = arith.addf %mul3A_294, %mul3A_309 : vector<16xf32>
      %get3A_311 = arith.index_cast %add3A_280 : i32 to index
      %get3A_312 = arith.constant 64 : index
      %get3A_313 = tpu.vector_load %arg8[%get3A_311, %get3A_312] {strides = array<i32>} : memref<32x128xf32, #tpu.memory_space<vmem>>, vector<16xf32>,
      %get3A_314 = arith.index_cast %add3A_280 : i32 to index
      %get3A_315 = arith.constant 64 : index
      %get3A_316 = tpu.vector_load %arg9[%get3A_314, %get3A_315] {strides = array<i32>} : memref<32x128xf32, #tpu.memory_space<vmem>>, vector<16xf32>,
      %mul3A_317 = arith.mulf %get3A_313, %get3A_316 : vector<16xf32>
      %add3A_318 = arith.addf %add3A_302, %mul3A_317 : vector<16xf32>
      %get3A_319 = arith.index_cast %add3A_280 : i32 to index
      %get3A_320 = arith.constant 80 : index
      %get3A_321 = tpu.vector_load %arg8[%get3A_319, %get3A_320] {strides = array<i32>} : memref<32x128xf32, #tpu.memory_space<vmem>>, vector<16xf32>,
      %get3A_322 = arith.index_cast %add3A_280 : i32 to index
      %get3A_323 = arith.constant 80 : index
      %get3A_324 = tpu.vector_load %arg9[%get3A_322, %get3A_323] {strides = array<i32>} : memref<32x128xf32, #tpu.memory_space<vmem>>, vector<16xf32>,
      %mul3A_325 = arith.mulf %get3A_321, %get3A_324 : vector<16xf32>
      %add3A_326 = arith.addf %add3A_310, %mul3A_325 : vector<16xf32>
      %get3A_327 = arith.index_cast %add3A_280 : i32 to index
      %get3A_328 = arith.constant 96 : index
      %get3A_329 = tpu.vector_load %arg8[%get3A_327, %get3A_328] {strides = array<i32>} : memref<32x128xf32, #tpu.memory_space<vmem>>, vector<16xf32>,
      %get3A_330 = arith.index_cast %add3A_280 : i32 to index
      %get3A_331 = arith.constant 96 : index
      %get3A_332 = tpu.vector_load %arg9[%get3A_330, %get3A_331] {strides = array<i32>} : memref<32x128xf32, #tpu.memory_space<vmem>>, vector<16xf32>,
      %mul3A_333 = arith.mulf %get3A_329, %get3A_332 : vector<16xf32>
      %add3A_334 = arith.addf %add3A_318, %mul3A_333 : vector<16xf32>
      %get3A_335 = arith.index_cast %add3A_280 : i32 to index
      %get3A_336 = arith.constant 112 : index
      %get3A_337 = tpu.vector_load %arg8[%get3A_335, %get3A_336] {strides = array<i32>} : memref<32x128xf32, #tpu.memory_space<vmem>>, vector<16xf32>,
      %get3A_338 = arith.index_cast %add3A_280 : i32 to index
      %get3A_339 = arith.constant 112 : index
      %get3A_340 = tpu.vector_load %arg9[%get3A_338, %get3A_339] {strides = array<i32>} : memref<32x128xf32, #tpu.memory_space<vmem>>, vector<16xf32>,
      %mul3A_341 = arith.mulf %get3A_337, %get3A_340 : vector<16xf32>
      %add3A_342 = arith.addf %add3A_326, %mul3A_341 : vector<16xf32>
      %add3A_343 = arith.addf %add3A_334, %add3A_342 : vector<16xf32>
      %swap3A_344 = arith.index_cast %add3A_68 : i32 to index
      %swap3A_345 = arith.constant 48 : index
      %swap3A_346 = tpu.vector_load %arg12[%swap3A_344, %swap3A_345] {strides = array<i32>} : memref<8x128xf32, #tpu.memory_space<vmem>>, vector<16xf32>,
      tpu.vector_store %arg12[%swap3A_344, %swap3A_345], %add3A_343 {strides = array<i32>} : memref<8x128xf32, #tpu.memory_space<vmem>>, vector<16xf32>,
      %mul3A_347 = arith.constant 8 : i32
      %mul3A_348 = arith.muli %scan3A_66, %mul3A_347 : i32
      %add3A_349 = arith.constant 4 : i32
      %add3A_350 = arith.addi %mul3A_348, %add3A_349 : i32
      %get3A_351 = arith.index_cast %add3A_350 : i32 to index
      %get3A_352 = arith.constant 0 : index
      %get3A_353 = tpu.vector_load %arg8[%get3A_351, %get3A_352] {strides = array<i32>} : memref<32x128xf32, #tpu.memory_space<vmem>>, vector<16xf32>,
      %get3A_354 = arith.index_cast %add3A_350 : i32 to index
      %get3A_355 = arith.constant 0 : index
      %get3A_356 = tpu.vector_load %arg9[%get3A_354, %get3A_355] {strides = array<i32>} : memref<32x128xf32, #tpu.memory_space<vmem>>, vector<16xf32>,
      %mul3A_357 = arith.mulf %get3A_353, %get3A_356 : vector<16xf32>
      %get3A_358 = arith.index_cast %add3A_350 : i32 to index
      %get3A_359 = arith.constant 16 : index
      %get3A_360 = tpu.vector_load %arg8[%get3A_358, %get3A_359] {strides = array<i32>} : memref<32x128xf32, #tpu.memory_space<vmem>>, vector<16xf32>,
      %get3A_361 = arith.index_cast %add3A_350 : i32 to index
      %get3A_362 = arith.constant 16 : index
      %get3A_363 = tpu.vector_load %arg9[%get3A_361, %get3A_362] {strides = array<i32>} : memref<32x128xf32, #tpu.memory_space<vmem>>, vector<16xf32>,
      %mul3A_364 = arith.mulf %get3A_360, %get3A_363 : vector<16xf32>
      %get3A_365 = arith.index_cast %add3A_350 : i32 to index
      %get3A_366 = arith.constant 32 : index
      %get3A_367 = tpu.vector_load %arg8[%get3A_365, %get3A_366] {strides = array<i32>} : memref<32x128xf32, #tpu.memory_space<vmem>>, vector<16xf32>,
      %get3A_368 = arith.index_cast %add3A_350 : i32 to index
      %get3A_369 = arith.constant 32 : index
      %get3A_370 = tpu.vector_load %arg9[%get3A_368, %get3A_369] {strides = array<i32>} : memref<32x128xf32, #tpu.memory_space<vmem>>, vector<16xf32>,
      %mul3A_371 = arith.mulf %get3A_367, %get3A_370 : vector<16xf32>
      %add3A_372 = arith.addf %mul3A_357, %mul3A_371 : vector<16xf32>
      %get3A_373 = arith.index_cast %add3A_350 : i32 to index
      %get3A_374 = arith.constant 48 : index
      %get3A_375 = tpu.vector_load %arg8[%get3A_373, %get3A_374] {strides = array<i32>} : memref<32x128xf32, #tpu.memory_space<vmem>>, vector<16xf32>,
      %get3A_376 = arith.index_cast %add3A_350 : i32 to index
      %get3A_377 = arith.constant 48 : index
      %get3A_378 = tpu.vector_load %arg9[%get3A_376, %get3A_377] {strides = array<i32>} : memref<32x128xf32, #tpu.memory_space<vmem>>, vector<16xf32>,
      %mul3A_379 = arith.mulf %get3A_375, %get3A_378 : vector<16xf32>
      %add3A_380 = arith.addf %mul3A_364, %mul3A_379 : vector<16xf32>
      %get3A_381 = arith.index_cast %add3A_350 : i32 to index
      %get3A_382 = arith.constant 64 : index
      %get3A_383 = tpu.vector_load %arg8[%get3A_381, %get3A_382] {strides = array<i32>} : memref<32x128xf32, #tpu.memory_space<vmem>>, vector<16xf32>,
      %get3A_384 = arith.index_cast %add3A_350 : i32 to index
      %get3A_385 = arith.constant 64 : index
      %get3A_386 = tpu.vector_load %arg9[%get3A_384, %get3A_385] {strides = array<i32>} : memref<32x128xf32, #tpu.memory_space<vmem>>, vector<16xf32>,
      %mul3A_387 = arith.mulf %get3A_383, %get3A_386 : vector<16xf32>
      %add3A_388 = arith.addf %add3A_372, %mul3A_387 : vector<16xf32>
      %get3A_389 = arith.index_cast %add3A_350 : i32 to index
      %get3A_390 = arith.constant 80 : index
      %get3A_391 = tpu.vector_load %arg8[%get3A_389, %get3A_390] {strides = array<i32>} : memref<32x128xf32, #tpu.memory_space<vmem>>, vector<16xf32>,
      %get3A_392 = arith.index_cast %add3A_350 : i32 to index
      %get3A_393 = arith.constant 80 : index
      %get3A_394 = tpu.vector_load %arg9[%get3A_392, %get3A_393] {strides = array<i32>} : memref<32x128xf32, #tpu.memory_space<vmem>>, vector<16xf32>,
      %mul3A_395 = arith.mulf %get3A_391, %get3A_394 : vector<16xf32>
      %add3A_396 = arith.addf %add3A_380, %mul3A_395 : vector<16xf32>
      %get3A_397 = arith.index_cast %add3A_350 : i32 to index
      %get3A_398 = arith.constant 96 : index
      %get3A_399 = tpu.vector_load %arg8[%get3A_397, %get3A_398] {strides = array<i32>} : memref<32x128xf32, #tpu.memory_space<vmem>>, vector<16xf32>,
      %get3A_400 = arith.index_cast %add3A_350 : i32 to index
      %get3A_401 = arith.constant 96 : index
      %get3A_402 = tpu.vector_load %arg9[%get3A_400, %get3A_401] {strides = array<i32>} : memref<32x128xf32, #tpu.memory_space<vmem>>, vector<16xf32>,
      %mul3A_403 = arith.mulf %get3A_399, %get3A_402 : vector<16xf32>
      %add3A_404 = arith.addf %add3A_388, %mul3A_403 : vector<16xf32>
      %get3A_405 = arith.index_cast %add3A_350 : i32 to index
      %get3A_406 = arith.constant 112 : index
      %get3A_407 = tpu.vector_load %arg8[%get3A_405, %get3A_406] {strides = array<i32>} : memref<32x128xf32, #tpu.memory_space<vmem>>, vector<16xf32>,
      %get3A_408 = arith.index_cast %add3A_350 : i32 to index
      %get3A_409 = arith.constant 112 : index
      %get3A_410 = tpu.vector_load %arg9[%get3A_408, %get3A_409] {strides = array<i32>} : memref<32x128xf32, #tpu.memory_space<vmem>>, vector<16xf32>,
      %mul3A_411 = arith.mulf %get3A_407, %get3A_410 : vector<16xf32>
      %add3A_412 = arith.addf %add3A_396, %mul3A_411 : vector<16xf32>
      %add3A_413 = arith.addf %add3A_404, %add3A_412 : vector<16xf32>
      %swap3A_414 = arith.index_cast %add3A_68 : i32 to index
      %swap3A_415 = arith.constant 64 : index
      %swap3A_416 = tpu.vector_load %arg12[%swap3A_414, %swap3A_415] {strides = array<i32>} : memref<8x128xf32, #tpu.memory_space<vmem>>, vector<16xf32>,
      tpu.vector_store %arg12[%swap3A_414, %swap3A_415], %add3A_413 {strides = array<i32>} : memref<8x128xf32, #tpu.memory_space<vmem>>, vector<16xf32>,
      %mul3A_417 = arith.constant 8 : i32
      %mul3A_418 = arith.muli %scan3A_66, %mul3A_417 : i32
      %add3A_419 = arith.constant 5 : i32
      %add3A_420 = arith.addi %mul3A_418, %add3A_419 : i32
      %get3A_421 = arith.index_cast %add3A_420 : i32 to index
      %get3A_422 = arith.constant 0 : index
      %get3A_423 = tpu.vector_load %arg8[%get3A_421, %get3A_422] {strides = array<i32>} : memref<32x128xf32, #tpu.memory_space<vmem>>, vector<16xf32>,
      %get3A_424 = arith.index_cast %add3A_420 : i32 to index
      %get3A_425 = arith.constant 0 : index
      %get3A_426 = tpu.vector_load %arg9[%get3A_424, %get3A_425] {strides = array<i32>} : memref<32x128xf32, #tpu.memory_space<vmem>>, vector<16xf32>,
      %mul3A_427 = arith.mulf %get3A_423, %get3A_426 : vector<16xf32>
      %get3A_428 = arith.index_cast %add3A_420 : i32 to index
      %get3A_429 = arith.constant 16 : index
      %get3A_430 = tpu.vector_load %arg8[%get3A_428, %get3A_429] {strides = array<i32>} : memref<32x128xf32, #tpu.memory_space<vmem>>, vector<16xf32>,
      %get3A_431 = arith.index_cast %add3A_420 : i32 to index
      %get3A_432 = arith.constant 16 : index
      %get3A_433 = tpu.vector_load %arg9[%get3A_431, %get3A_432] {strides = array<i32>} : memref<32x128xf32, #tpu.memory_space<vmem>>, vector<16xf32>,
      %mul3A_434 = arith.mulf %get3A_430, %get3A_433 : vector<16xf32>
      %get3A_435 = arith.index_cast %add3A_420 : i32 to index
      %get3A_436 = arith.constant 32 : index
      %get3A_437 = tpu.vector_load %arg8[%get3A_435, %get3A_436] {strides = array<i32>} : memref<32x128xf32, #tpu.memory_space<vmem>>, vector<16xf32>,
      %get3A_438 = arith.index_cast %add3A_420 : i32 to index
      %get3A_439 = arith.constant 32 : index
      %get3A_440 = tpu.vector_load %arg9[%get3A_438, %get3A_439] {strides = array<i32>} : memref<32x128xf32, #tpu.memory_space<vmem>>, vector<16xf32>,
      %mul3A_441 = arith.mulf %get3A_437, %get3A_440 : vector<16xf32>
      %add3A_442 = arith.addf %mul3A_427, %mul3A_441 : vector<16xf32>
      %get3A_443 = arith.index_cast %add3A_420 : i32 to index
      %get3A_444 = arith.constant 48 : index
      %get3A_445 = tpu.vector_load %arg8[%get3A_443, %get3A_444] {strides = array<i32>} : memref<32x128xf32, #tpu.memory_space<vmem>>, vector<16xf32>,
      %get3A_446 = arith.index_cast %add3A_420 : i32 to index
      %get3A_447 = arith.constant 48 : index
      %get3A_448 = tpu.vector_load %arg9[%get3A_446, %get3A_447] {strides = array<i32>} : memref<32x128xf32, #tpu.memory_space<vmem>>, vector<16xf32>,
      %mul3A_449 = arith.mulf %get3A_445, %get3A_448 : vector<16xf32>
      %add3A_450 = arith.addf %mul3A_434, %mul3A_449 : vector<16xf32>
      %get3A_451 = arith.index_cast %add3A_420 : i32 to index
      %get3A_452 = arith.constant 64 : index
      %get3A_453 = tpu.vector_load %arg8[%get3A_451, %get3A_452] {strides = array<i32>} : memref<32x128xf32, #tpu.memory_space<vmem>>, vector<16xf32>,
      %get3A_454 = arith.index_cast %add3A_420 : i32 to index
      %get3A_455 = arith.constant 64 : index
      %get3A_456 = tpu.vector_load %arg9[%get3A_454, %get3A_455] {strides = array<i32>} : memref<32x128xf32, #tpu.memory_space<vmem>>, vector<16xf32>,
      %mul3A_457 = arith.mulf %get3A_453, %get3A_456 : vector<16xf32>
      %add3A_458 = arith.addf %add3A_442, %mul3A_457 : vector<16xf32>
      %get3A_459 = arith.index_cast %add3A_420 : i32 to index
      %get3A_460 = arith.constant 80 : index
      %get3A_461 = tpu.vector_load %arg8[%get3A_459, %get3A_460] {strides = array<i32>} : memref<32x128xf32, #tpu.memory_space<vmem>>, vector<16xf32>,
      %get3A_462 = arith.index_cast %add3A_420 : i32 to index
      %get3A_463 = arith.constant 80 : index
      %get3A_464 = tpu.vector_load %arg9[%get3A_462, %get3A_463] {strides = array<i32>} : memref<32x128xf32, #tpu.memory_space<vmem>>, vector<16xf32>,
      %mul3A_465 = arith.mulf %get3A_461, %get3A_464 : vector<16xf32>
      %add3A_466 = arith.addf %add3A_450, %mul3A_465 : vector<16xf32>
      %get3A_467 = arith.index_cast %add3A_420 : i32 to index
      %get3A_468 = arith.constant 96 : index
      %get3A_469 = tpu.vector_load %arg8[%get3A_467, %get3A_468] {strides = array<i32>} : memref<32x128xf32, #tpu.memory_space<vmem>>, vector<16xf32>,
      %get3A_470 = arith.index_cast %add3A_420 : i32 to index
      %get3A_471 = arith.constant 96 : index
      %get3A_472 = tpu.vector_load %arg9[%get3A_470, %get3A_471] {strides = array<i32>} : memref<32x128xf32, #tpu.memory_space<vmem>>, vector<16xf32>,
      %mul3A_473 = arith.mulf %get3A_469, %get3A_472 : vector<16xf32>
      %add3A_474 = arith.addf %add3A_458, %mul3A_473 : vector<16xf32>
      %get3A_475 = arith.index_cast %add3A_420 : i32 to index
      %get3A_476 = arith.constant 112 : index
      %get3A_477 = tpu.vector_load %arg8[%get3A_475, %get3A_476] {strides = array<i32>} : memref<32x128xf32, #tpu.memory_space<vmem>>, vector<16xf32>,
      %get3A_478 = arith.index_cast %add3A_420 : i32 to index
      %get3A_479 = arith.constant 112 : index
      %get3A_480 = tpu.vector_load %arg9[%get3A_478, %get3A_479] {strides = array<i32>} : memref<32x128xf32, #tpu.memory_space<vmem>>, vector<16xf32>,
      %mul3A_481 = arith.mulf %get3A_477, %get3A_480 : vector<16xf32>
      %add3A_482 = arith.addf %add3A_466, %mul3A_481 : vector<16xf32>
      %add3A_483 = arith.addf %add3A_474, %add3A_482 : vector<16xf32>
      %swap3A_484 = arith.index_cast %add3A_68 : i32 to index
      %swap3A_485 = arith.constant 80 : index
      %swap3A_486 = tpu.vector_load %arg12[%swap3A_484, %swap3A_485] {strides = array<i32>} : memref<8x128xf32, #tpu.memory_space<vmem>>, vector<16xf32>,
      tpu.vector_store %arg12[%swap3A_484, %swap3A_485], %add3A_483 {strides = array<i32>} : memref<8x128xf32, #tpu.memory_space<vmem>>, vector<16xf32>,
      %mul3A_487 = arith.constant 8 : i32
      %mul3A_488 = arith.muli %scan3A_66, %mul3A_487 : i32
      %add3A_489 = arith.constant 6 : i32
      %add3A_490 = arith.addi %mul3A_488, %add3A_489 : i32
      %get3A_491 = arith.index_cast %add3A_490 : i32 to index
      %get3A_492 = arith.constant 0 : index
      %get3A_493 = tpu.vector_load %arg8[%get3A_491, %get3A_492] {strides = array<i32>} : memref<32x128xf32, #tpu.memory_space<vmem>>, vector<16xf32>,
      %get3A_494 = arith.index_cast %add3A_490 : i32 to index
      %get3A_495 = arith.constant 0 : index
      %get3A_496 = tpu.vector_load %arg9[%get3A_494, %get3A_495] {strides = array<i32>} : memref<32x128xf32, #tpu.memory_space<vmem>>, vector<16xf32>,
      %mul3A_497 = arith.mulf %get3A_493, %get3A_496 : vector<16xf32>
      %get3A_498 = arith.index_cast %add3A_490 : i32 to index
      %get3A_499 = arith.constant 16 : index
      %get3A_500 = tpu.vector_load %arg8[%get3A_498, %get3A_499] {strides = array<i32>} : memref<32x128xf32, #tpu.memory_space<vmem>>, vector<16xf32>,
      %get3A_501 = arith.index_cast %add3A_490 : i32 to index
      %get3A_502 = arith.constant 16 : index
      %get3A_503 = tpu.vector_load %arg9[%get3A_501, %get3A_502] {strides = array<i32>} : memref<32x128xf32, #tpu.memory_space<vmem>>, vector<16xf32>,
      %mul3A_504 = arith.mulf %get3A_500, %get3A_503 : vector<16xf32>
      %get3A_505 = arith.index_cast %add3A_490 : i32 to index
      %get3A_506 = arith.constant 32 : index
      %get3A_507 = tpu.vector_load %arg8[%get3A_505, %get3A_506] {strides = array<i32>} : memref<32x128xf32, #tpu.memory_space<vmem>>, vector<16xf32>,
      %get3A_508 = arith.index_cast %add3A_490 : i32 to index
      %get3A_509 = arith.constant 32 : index
      %get3A_510 = tpu.vector_load %arg9[%get3A_508, %get3A_509] {strides = array<i32>} : memref<32x128xf32, #tpu.memory_space<vmem>>, vector<16xf32>,
      %mul3A_511 = arith.mulf %get3A_507, %get3A_510 : vector<16xf32>
      %add3A_512 = arith.addf %mul3A_497, %mul3A_511 : vector<16xf32>
      %get3A_513 = arith.index_cast %add3A_490 : i32 to index
      %get3A_514 = arith.constant 48 : index
      %get3A_515 = tpu.vector_load %arg8[%get3A_513, %get3A_514] {strides = array<i32>} : memref<32x128xf32, #tpu.memory_space<vmem>>, vector<16xf32>,
      %get3A_516 = arith.index_cast %add3A_490 : i32 to index
      %get3A_517 = arith.constant 48 : index
      %get3A_518 = tpu.vector_load %arg9[%get3A_516, %get3A_517] {strides = array<i32>} : memref<32x128xf32, #tpu.memory_space<vmem>>, vector<16xf32>,
      %mul3A_519 = arith.mulf %get3A_515, %get3A_518 : vector<16xf32>
      %add3A_520 = arith.addf %mul3A_504, %mul3A_519 : vector<16xf32>
      %get3A_521 = arith.index_cast %add3A_490 : i32 to index
      %get3A_522 = arith.constant 64 : index
      %get3A_523 = tpu.vector_load %arg8[%get3A_521, %get3A_522] {strides = array<i32>} : memref<32x128xf32, #tpu.memory_space<vmem>>, vector<16xf32>,
      %get3A_524 = arith.index_cast %add3A_490 : i32 to index
      %get3A_525 = arith.constant 64 : index
      %get3A_526 = tpu.vector_load %arg9[%get3A_524, %get3A_525] {strides = array<i32>} : memref<32x128xf32, #tpu.memory_space<vmem>>, vector<16xf32>,
      %mul3A_527 = arith.mulf %get3A_523, %get3A_526 : vector<16xf32>
      %add3A_528 = arith.addf %add3A_512, %mul3A_527 : vector<16xf32>
      %get3A_529 = arith.index_cast %add3A_490 : i32 to index
      %get3A_530 = arith.constant 80 : index
      %get3A_531 = tpu.vector_load %arg8[%get3A_529, %get3A_530] {strides = array<i32>} : memref<32x128xf32, #tpu.memory_space<vmem>>, vector<16xf32>,
      %get3A_532 = arith.index_cast %add3A_490 : i32 to index
      %get3A_533 = arith.constant 80 : index
      %get3A_534 = tpu.vector_load %arg9[%get3A_532, %get3A_533] {strides = array<i32>} : memref<32x128xf32, #tpu.memory_space<vmem>>, vector<16xf32>,
      %mul3A_535 = arith.mulf %get3A_531, %get3A_534 : vector<16xf32>
      %add3A_536 = arith.addf %add3A_520, %mul3A_535 : vector<16xf32>
      %get3A_537 = arith.index_cast %add3A_490 : i32 to index
      %get3A_538 = arith.constant 96 : index
      %get3A_539 = tpu.vector_load %arg8[%get3A_537, %get3A_538] {strides = array<i32>} : memref<32x128xf32, #tpu.memory_space<vmem>>, vector<16xf32>,
      %get3A_540 = arith.index_cast %add3A_490 : i32 to index
      %get3A_541 = arith.constant 96 : index
      %get3A_542 = tpu.vector_load %arg9[%get3A_540, %get3A_541] {strides = array<i32>} : memref<32x128xf32, #tpu.memory_space<vmem>>, vector<16xf32>,
      %mul3A_543 = arith.mulf %get3A_539, %get3A_542 : vector<16xf32>
      %add3A_544 = arith.addf %add3A_528, %mul3A_543 : vector<16xf32>
      %get3A_545 = arith.index_cast %add3A_490 : i32 to index
      %get3A_546 = arith.constant 112 : index
      %get3A_547 = tpu.vector_load %arg8[%get3A_545, %get3A_546] {strides = array<i32>} : memref<32x128xf32, #tpu.memory_space<vmem>>, vector<16xf32>,
      %get3A_548 = arith.index_cast %add3A_490 : i32 to index
      %get3A_549 = arith.constant 112 : index
      %get3A_550 = tpu.vector_load %arg9[%get3A_548, %get3A_549] {strides = array<i32>} : memref<32x128xf32, #tpu.memory_space<vmem>>, vector<16xf32>,
      %mul3A_551 = arith.mulf %get3A_547, %get3A_550 : vector<16xf32>
      %add3A_552 = arith.addf %add3A_536, %mul3A_551 : vector<16xf32>
      %add3A_553 = arith.addf %add3A_544, %add3A_552 : vector<16xf32>
      %swap3A_554 = arith.index_cast %add3A_68 : i32 to index
      %swap3A_555 = arith.constant 96 : index
      %swap3A_556 = tpu.vector_load %arg12[%swap3A_554, %swap3A_555] {strides = array<i32>} : memref<8x128xf32, #tpu.memory_space<vmem>>, vector<16xf32>,
      tpu.vector_store %arg12[%swap3A_554, %swap3A_555], %add3A_553 {strides = array<i32>} : memref<8x128xf32, #tpu.memory_space<vmem>>, vector<16xf32>,
      %mul3A_557 = arith.constant 8 : i32
      %mul3A_558 = arith.muli %scan3A_66, %mul3A_557 : i32
      %add3A_559 = arith.constant 7 : i32
      %add3A_560 = arith.addi %mul3A_558, %add3A_559 : i32
      %get3A_561 = arith.index_cast %add3A_560 : i32 to index
      %get3A_562 = arith.constant 0 : index
      %get3A_563 = tpu.vector_load %arg8[%get3A_561, %get3A_562] {strides = array<i32>} : memref<32x128xf32, #tpu.memory_space<vmem>>, vector<16xf32>,
      %get3A_564 = arith.index_cast %add3A_560 : i32 to index
      %get3A_565 = arith.constant 0 : index
      %get3A_566 = tpu.vector_load %arg9[%get3A_564, %get3A_565] {strides = array<i32>} : memref<32x128xf32, #tpu.memory_space<vmem>>, vector<16xf32>,
      %mul3A_567 = arith.mulf %get3A_563, %get3A_566 : vector<16xf32>
      %get3A_568 = arith.index_cast %add3A_560 : i32 to index
      %get3A_569 = arith.constant 16 : index
      %get3A_570 = tpu.vector_load %arg8[%get3A_568, %get3A_569] {strides = array<i32>} : memref<32x128xf32, #tpu.memory_space<vmem>>, vector<16xf32>,
      %get3A_571 = arith.index_cast %add3A_560 : i32 to index
      %get3A_572 = arith.constant 16 : index
      %get3A_573 = tpu.vector_load %arg9[%get3A_571, %get3A_572] {strides = array<i32>} : memref<32x128xf32, #tpu.memory_space<vmem>>, vector<16xf32>,
      %mul3A_574 = arith.mulf %get3A_570, %get3A_573 : vector<16xf32>
      %get3A_575 = arith.index_cast %add3A_560 : i32 to index
      %get3A_576 = arith.constant 32 : index
      %get3A_577 = tpu.vector_load %arg8[%get3A_575, %get3A_576] {strides = array<i32>} : memref<32x128xf32, #tpu.memory_space<vmem>>, vector<16xf32>,
      %get3A_578 = arith.index_cast %add3A_560 : i32 to index
      %get3A_579 = arith.constant 32 : index
      %get3A_580 = tpu.vector_load %arg9[%get3A_578, %get3A_579] {strides = array<i32>} : memref<32x128xf32, #tpu.memory_space<vmem>>, vector<16xf32>,
      %mul3A_581 = arith.mulf %get3A_577, %get3A_580 : vector<16xf32>
      %add3A_582 = arith.addf %mul3A_567, %mul3A_581 : vector<16xf32>
      %get3A_583 = arith.index_cast %add3A_560 : i32 to index
      %get3A_584 = arith.constant 48 : index
      %get3A_585 = tpu.vector_load %arg8[%get3A_583, %get3A_584] {strides = array<i32>} : memref<32x128xf32, #tpu.memory_space<vmem>>, vector<16xf32>,
      %get3A_586 = arith.index_cast %add3A_560 : i32 to index
      %get3A_587 = arith.constant 48 : index
      %get3A_588 = tpu.vector_load %arg9[%get3A_586, %get3A_587] {strides = array<i32>} : memref<32x128xf32, #tpu.memory_space<vmem>>, vector<16xf32>,
      %mul3A_589 = arith.mulf %get3A_585, %get3A_588 : vector<16xf32>
      %add3A_590 = arith.addf %mul3A_574, %mul3A_589 : vector<16xf32>
      %get3A_591 = arith.index_cast %add3A_560 : i32 to index
      %get3A_592 = arith.constant 64 : index
      %get3A_593 = tpu.vector_load %arg8[%get3A_591, %get3A_592] {strides = array<i32>} : memref<32x128xf32, #tpu.memory_space<vmem>>, vector<16xf32>,
      %get3A_594 = arith.index_cast %add3A_560 : i32 to index
      %get3A_595 = arith.constant 64 : index
      %get3A_596 = tpu.vector_load %arg9[%get3A_594, %get3A_595] {strides = array<i32>} : memref<32x128xf32, #tpu.memory_space<vmem>>, vector<16xf32>,
      %mul3A_597 = arith.mulf %get3A_593, %get3A_596 : vector<16xf32>
      %add3A_598 = arith.addf %add3A_582, %mul3A_597 : vector<16xf32>
      %get3A_599 = arith.index_cast %add3A_560 : i32 to index
      %get3A_600 = arith.constant 80 : index
      %get3A_601 = tpu.vector_load %arg8[%get3A_599, %get3A_600] {strides = array<i32>} : memref<32x128xf32, #tpu.memory_space<vmem>>, vector<16xf32>,
      %get3A_602 = arith.index_cast %add3A_560 : i32 to index
      %get3A_603 = arith.constant 80 : index
      %get3A_604 = tpu.vector_load %arg9[%get3A_602, %get3A_603] {strides = array<i32>} : memref<32x128xf32, #tpu.memory_space<vmem>>, vector<16xf32>,
      %mul3A_605 = arith.mulf %get3A_601, %get3A_604 : vector<16xf32>
      %add3A_606 = arith.addf %add3A_590, %mul3A_605 : vector<16xf32>
      %get3A_607 = arith.index_cast %add3A_560 : i32 to index
      %get3A_608 = arith.constant 96 : index
      %get3A_609 = tpu.vector_load %arg8[%get3A_607, %get3A_608] {strides = array<i32>} : memref<32x128xf32, #tpu.memory_space<vmem>>, vector<16xf32>,
      %get3A_610 = arith.index_cast %add3A_560 : i32 to index
      %get3A_611 = arith.constant 96 : index
      %get3A_612 = tpu.vector_load %arg9[%get3A_610, %get3A_611] {strides = array<i32>} : memref<32x128xf32, #tpu.memory_space<vmem>>, vector<16xf32>,
      %mul3A_613 = arith.mulf %get3A_609, %get3A_612 : vector<16xf32>
      %add3A_614 = arith.addf %add3A_598, %mul3A_613 : vector<16xf32>
      %get3A_615 = arith.index_cast %add3A_560 : i32 to index
      %get3A_616 = arith.constant 112 : index
      %get3A_617 = tpu.vector_load %arg8[%get3A_615, %get3A_616] {strides = array<i32>} : memref<32x128xf32, #tpu.memory_space<vmem>>, vector<16xf32>,
      %get3A_618 = arith.index_cast %add3A_560 : i32 to index
      %get3A_619 = arith.constant 112 : index
      %get3A_620 = tpu.vector_load %arg9[%get3A_618, %get3A_619] {strides = array<i32>} : memref<32x128xf32, #tpu.memory_space<vmem>>, vector<16xf32>,
      %mul3A_621 = arith.mulf %get3A_617, %get3A_620 : vector<16xf32>
      %add3A_622 = arith.addf %add3A_606, %mul3A_621 : vector<16xf32>
      %add3A_623 = arith.addf %add3A_614, %add3A_622 : vector<16xf32>
      %swap3A_624 = arith.index_cast %add3A_68 : i32 to index
      %swap3A_625 = arith.constant 112 : index
      %swap3A_626 = tpu.vector_load %arg12[%swap3A_624, %swap3A_625] {strides = array<i32>} : memref<8x128xf32, #tpu.memory_space<vmem>>, vector<16xf32>,
      tpu.vector_store %arg12[%swap3A_624, %swap3A_625], %add3A_623 {strides = array<i32>} : memref<8x128xf32, #tpu.memory_space<vmem>>, vector<16xf32>,
    }
    %scan3A_47 = arith.constant 4 : i32
    %dma_wait3A_48 = arith.constant 10016 : i32
    %dma_wait3A_49 = tpu.memref_slice %arg6[%dma_wait3A_48] : memref<10048xi32, #tpu.memory_space<vmem>> -> memref<32xi32, #tpu.memory_space<vmem>>
    %dma_wait3A_50 = arith.constant 0 : i32
    %dma_wait3A_51 = arith.constant 0 : i32
    %dma_wait3A_52 = tpu.memref_slice %arg15[%dma_wait3A_50, %dma_wait3A_51] : memref<10008x128xf32, #tpu.memory_space<vmem_shared>> -> memref<10008x128xf32, #tpu.memory_space<vmem_shared>>
    tpu.wait_indirect_dma semaphore(%arg14 : memref<!tpu.dma_semaphore, #tpu.memory_space<semaphore_mem>>) src(%dma_wait3A_52 : memref<10008x128xf32, #tpu.memory_space<vmem_shared>>) dst(%arg10 : memref<32x128xf32, #tpu.memory_space<vmem>>)
    %dma_wait3A_53 = arith.constant 10016 : i32
    %dma_wait3A_54 = tpu.memref_slice %arg7[%dma_wait3A_53] : memref<10048xi32, #tpu.memory_space<vmem>> -> memref<32xi32, #tpu.memory_space<vmem>>
    %dma_wait3A_55 = arith.constant 0 : i32
    %dma_wait3A_56 = arith.constant 0 : i32
    %dma_wait3A_57 = tpu.memref_slice %arg15[%dma_wait3A_55, %dma_wait3A_56] : memref<10008x128xf32, #tpu.memory_space<vmem_shared>> -> memref<10008x128xf32, #tpu.memory_space<vmem_shared>>
    tpu.wait_indirect_dma semaphore(%arg14 : memref<!tpu.dma_semaphore, #tpu.memory_space<semaphore_mem>>) src(%dma_wait3A_57 : memref<10008x128xf32, #tpu.memory_space<vmem_shared>>) dst(%arg11 : memref<32x128xf32, #tpu.memory_space<vmem>>)
    %scan3A_58 = arith.constant 0 : i32
    %scan3A_59 = arith.constant 0 : i32
    %scan3A_60 = arith.constant 4 : i32
    %scan3A_61 = arith.addi %scan3A_59, %scan3A_60 : i32
    %scan3A_62 = arith.constant 1 : i32
    scf.for %scan3A_66 = %scan3A_59 to %scan3A_61 step %scan3A_62  : i32 {
      %add3A_67 = arith.constant 4 : i32
      %add3A_68 = arith.addi %add3A_67, %scan3A_66 : i32
      %mul3A_69 = arith.constant 8 : i32
      %mul3A_70 = arith.muli %scan3A_66, %mul3A_69 : i32
      %add3A_71 = arith.constant 0 : i32
      %add3A_72 = arith.addi %mul3A_70, %add3A_71 : i32
      %get3A = arith.index_cast %add3A_72 : i32 to index
      %get3A_73 = arith.constant 0 : index
      %get3A_74 = tpu.vector_load %arg10[%get3A, %get3A_73] {strides = array<i32>} : memref<32x128xf32, #tpu.memory_space<vmem>>, vector<16xf32>,
      %get3A_75 = arith.index_cast %add3A_72 : i32 to index
      %get3A_76 = arith.constant 0 : index
      %get3A_77 = tpu.vector_load %arg11[%get3A_75, %get3A_76] {strides = array<i32>} : memref<32x128xf32, #tpu.memory_space<vmem>>, vector<16xf32>,
      %mul3A_78 = arith.mulf %get3A_74, %get3A_77 : vector<16xf32>
      %get3A_79 = arith.index_cast %add3A_72 : i32 to index
      %get3A_80 = arith.constant 16 : index
      %get3A_81 = tpu.vector_load %arg10[%get3A_79, %get3A_80] {strides = array<i32>} : memref<32x128xf32, #tpu.memory_space<vmem>>, vector<16xf32>,
      %get3A_82 = arith.index_cast %add3A_72 : i32 to index
      %get3A_83 = arith.constant 16 : index
      %get3A_84 = tpu.vector_load %arg11[%get3A_82, %get3A_83] {strides = array<i32>} : memref<32x128xf32, #tpu.memory_space<vmem>>, vector<16xf32>,
      %mul3A_85 = arith.mulf %get3A_81, %get3A_84 : vector<16xf32>
      %get3A_86 = arith.index_cast %add3A_72 : i32 to index
      %get3A_87 = arith.constant 32 : index
      %get3A_88 = tpu.vector_load %arg10[%get3A_86, %get3A_87] {strides = array<i32>} : memref<32x128xf32, #tpu.memory_space<vmem>>, vector<16xf32>,
      %get3A_89 = arith.index_cast %add3A_72 : i32 to index
      %get3A_90 = arith.constant 32 : index
      %get3A_91 = tpu.vector_load %arg11[%get3A_89, %get3A_90] {strides = array<i32>} : memref<32x128xf32, #tpu.memory_space<vmem>>, vector<16xf32>,
      %mul3A_92 = arith.mulf %get3A_88, %get3A_91 : vector<16xf32>
      %add3A_93 = arith.addf %mul3A_78, %mul3A_92 : vector<16xf32>
      %get3A_94 = arith.index_cast %add3A_72 : i32 to index
      %get3A_95 = arith.constant 48 : index
      %get3A_96 = tpu.vector_load %arg10[%get3A_94, %get3A_95] {strides = array<i32>} : memref<32x128xf32, #tpu.memory_space<vmem>>, vector<16xf32>,
      %get3A_97 = arith.index_cast %add3A_72 : i32 to index
      %get3A_98 = arith.constant 48 : index
      %get3A_99 = tpu.vector_load %arg11[%get3A_97, %get3A_98] {strides = array<i32>} : memref<32x128xf32, #tpu.memory_space<vmem>>, vector<16xf32>,
      %mul3A_100 = arith.mulf %get3A_96, %get3A_99 : vector<16xf32>
      %add3A_101 = arith.addf %mul3A_85, %mul3A_100 : vector<16xf32>
      %get3A_102 = arith.index_cast %add3A_72 : i32 to index
      %get3A_103 = arith.constant 64 : index
      %get3A_104 = tpu.vector_load %arg10[%get3A_102, %get3A_103] {strides = array<i32>} : memref<32x128xf32, #tpu.memory_space<vmem>>, vector<16xf32>,
      %get3A_105 = arith.index_cast %add3A_72 : i32 to index
      %get3A_106 = arith.constant 64 : index
      %get3A_107 = tpu.vector_load %arg11[%get3A_105, %get3A_106] {strides = array<i32>} : memref<32x128xf32, #tpu.memory_space<vmem>>, vector<16xf32>,
      %mul3A_108 = arith.mulf %get3A_104, %get3A_107 : vector<16xf32>
      %add3A_109 = arith.addf %add3A_93, %mul3A_108 : vector<16xf32>
      %get3A_110 = arith.index_cast %add3A_72 : i32 to index
      %get3A_111 = arith.constant 80 : index
      %get3A_112 = tpu.vector_load %arg10[%get3A_110, %get3A_111] {strides = array<i32>} : memref<32x128xf32, #tpu.memory_space<vmem>>, vector<16xf32>,
      %get3A_113 = arith.index_cast %add3A_72 : i32 to index
      %get3A_114 = arith.constant 80 : index
      %get3A_115 = tpu.vector_load %arg11[%get3A_113, %get3A_114] {strides = array<i32>} : memref<32x128xf32, #tpu.memory_space<vmem>>, vector<16xf32>,
      %mul3A_116 = arith.mulf %get3A_112, %get3A_115 : vector<16xf32>
      %add3A_117 = arith.addf %add3A_101, %mul3A_116 : vector<16xf32>
      %get3A_118 = arith.index_cast %add3A_72 : i32 to index
      %get3A_119 = arith.constant 96 : index
      %get3A_120 = tpu.vector_load %arg10[%get3A_118, %get3A_119] {strides = array<i32>} : memref<32x128xf32, #tpu.memory_space<vmem>>, vector<16xf32>,
      %get3A_121 = arith.index_cast %add3A_72 : i32 to index
      %get3A_122 = arith.constant 96 : index
      %get3A_123 = tpu.vector_load %arg11[%get3A_121, %get3A_122] {strides = array<i32>} : memref<32x128xf32, #tpu.memory_space<vmem>>, vector<16xf32>,
      %mul3A_124 = arith.mulf %get3A_120, %get3A_123 : vector<16xf32>
      %add3A_125 = arith.addf %add3A_109, %mul3A_124 : vector<16xf32>
      %get3A_126 = arith.index_cast %add3A_72 : i32 to index
      %get3A_127 = arith.constant 112 : index
      %get3A_128 = tpu.vector_load %arg10[%get3A_126, %get3A_127] {strides = array<i32>} : memref<32x128xf32, #tpu.memory_space<vmem>>, vector<16xf32>,
      %get3A_129 = arith.index_cast %add3A_72 : i32 to index
      %get3A_130 = arith.constant 112 : index
      %get3A_131 = tpu.vector_load %arg11[%get3A_129, %get3A_130] {strides = array<i32>} : memref<32x128xf32, #tpu.memory_space<vmem>>, vector<16xf32>,
      %mul3A_132 = arith.mulf %get3A_128, %get3A_131 : vector<16xf32>
      %add3A_133 = arith.addf %add3A_117, %mul3A_132 : vector<16xf32>
      %add3A_134 = arith.addf %add3A_125, %add3A_133 : vector<16xf32>
      %swap3A = arith.index_cast %add3A_68 : i32 to index
      %swap3A_135 = arith.constant 0 : index
      %swap3A_136 = tpu.vector_load %arg12[%swap3A, %swap3A_135] {strides = array<i32>} : memref<8x128xf32, #tpu.memory_space<vmem>>, vector<16xf32>,
      tpu.vector_store %arg12[%swap3A, %swap3A_135], %add3A_134 {strides = array<i32>} : memref<8x128xf32, #tpu.memory_space<vmem>>, vector<16xf32>,
      %mul3A_137 = arith.constant 8 : i32
      %mul3A_138 = arith.muli %scan3A_66, %mul3A_137 : i32
      %add3A_139 = arith.constant 1 : i32
      %add3A_140 = arith.addi %mul3A_138, %add3A_139 : i32
      %get3A_141 = arith.index_cast %add3A_140 : i32 to index
      %get3A_142 = arith.constant 0 : index
      %get3A_143 = tpu.vector_load %arg10[%get3A_141, %get3A_142] {strides = array<i32>} : memref<32x128xf32, #tpu.memory_space<vmem>>, vector<16xf32>,
      %get3A_144 = arith.index_cast %add3A_140 : i32 to index
      %get3A_145 = arith.constant 0 : index
      %get3A_146 = tpu.vector_load %arg11[%get3A_144, %get3A_145] {strides = array<i32>} : memref<32x128xf32, #tpu.memory_space<vmem>>, vector<16xf32>,
      %mul3A_147 = arith.mulf %get3A_143, %get3A_146 : vector<16xf32>
      %get3A_148 = arith.index_cast %add3A_140 : i32 to index
      %get3A_149 = arith.constant 16 : index
      %get3A_150 = tpu.vector_load %arg10[%get3A_148, %get3A_149] {strides = array<i32>} : memref<32x128xf32, #tpu.memory_space<vmem>>, vector<16xf32>,
      %get3A_151 = arith.index_cast %add3A_140 : i32 to index
      %get3A_152 = arith.constant 16 : index
      %get3A_153 = tpu.vector_load %arg11[%get3A_151, %get3A_152] {strides = array<i32>} : memref<32x128xf32, #tpu.memory_space<vmem>>, vector<16xf32>,
      %mul3A_154 = arith.mulf %get3A_150, %get3A_153 : vector<16xf32>
      %get3A_155 = arith.index_cast %add3A_140 : i32 to index
      %get3A_156 = arith.constant 32 : index
      %get3A_157 = tpu.vector_load %arg10[%get3A_155, %get3A_156] {strides = array<i32>} : memref<32x128xf32, #tpu.memory_space<vmem>>, vector<16xf32>,
      %get3A_158 = arith.index_cast %add3A_140 : i32 to index
      %get3A_159 = arith.constant 32 : index
      %get3A_160 = tpu.vector_load %arg11[%get3A_158, %get3A_159] {strides = array<i32>} : memref<32x128xf32, #tpu.memory_space<vmem>>, vector<16xf32>,
      %mul3A_161 = arith.mulf %get3A_157, %get3A_160 : vector<16xf32>
      %add3A_162 = arith.addf %mul3A_147, %mul3A_161 : vector<16xf32>
      %get3A_163 = arith.index_cast %add3A_140 : i32 to index
      %get3A_164 = arith.constant 48 : index
      %get3A_165 = tpu.vector_load %arg10[%get3A_163, %get3A_164] {strides = array<i32>} : memref<32x128xf32, #tpu.memory_space<vmem>>, vector<16xf32>,
      %get3A_166 = arith.index_cast %add3A_140 : i32 to index
      %get3A_167 = arith.constant 48 : index
      %get3A_168 = tpu.vector_load %arg11[%get3A_166, %get3A_167] {strides = array<i32>} : memref<32x128xf32, #tpu.memory_space<vmem>>, vector<16xf32>,
      %mul3A_169 = arith.mulf %get3A_165, %get3A_168 : vector<16xf32>
      %add3A_170 = arith.addf %mul3A_154, %mul3A_169 : vector<16xf32>
      %get3A_171 = arith.index_cast %add3A_140 : i32 to index
      %get3A_172 = arith.constant 64 : index
      %get3A_173 = tpu.vector_load %arg10[%get3A_171, %get3A_172] {strides = array<i32>} : memref<32x128xf32, #tpu.memory_space<vmem>>, vector<16xf32>,
      %get3A_174 = arith.index_cast %add3A_140 : i32 to index
      %get3A_175 = arith.constant 64 : index
      %get3A_176 = tpu.vector_load %arg11[%get3A_174, %get3A_175] {strides = array<i32>} : memref<32x128xf32, #tpu.memory_space<vmem>>, vector<16xf32>,
      %mul3A_177 = arith.mulf %get3A_173, %get3A_176 : vector<16xf32>
      %add3A_178 = arith.addf %add3A_162, %mul3A_177 : vector<16xf32>
      %get3A_179 = arith.index_cast %add3A_140 : i32 to index
      %get3A_180 = arith.constant 80 : index
      %get3A_181 = tpu.vector_load %arg10[%get3A_179, %get3A_180] {strides = array<i32>} : memref<32x128xf32, #tpu.memory_space<vmem>>, vector<16xf32>,
      %get3A_182 = arith.index_cast %add3A_140 : i32 to index
      %get3A_183 = arith.constant 80 : index
      %get3A_184 = tpu.vector_load %arg11[%get3A_182, %get3A_183] {strides = array<i32>} : memref<32x128xf32, #tpu.memory_space<vmem>>, vector<16xf32>,
      %mul3A_185 = arith.mulf %get3A_181, %get3A_184 : vector<16xf32>
      %add3A_186 = arith.addf %add3A_170, %mul3A_185 : vector<16xf32>
      %get3A_187 = arith.index_cast %add3A_140 : i32 to index
      %get3A_188 = arith.constant 96 : index
      %get3A_189 = tpu.vector_load %arg10[%get3A_187, %get3A_188] {strides = array<i32>} : memref<32x128xf32, #tpu.memory_space<vmem>>, vector<16xf32>,
      %get3A_190 = arith.index_cast %add3A_140 : i32 to index
      %get3A_191 = arith.constant 96 : index
      %get3A_192 = tpu.vector_load %arg11[%get3A_190, %get3A_191] {strides = array<i32>} : memref<32x128xf32, #tpu.memory_space<vmem>>, vector<16xf32>,
      %mul3A_193 = arith.mulf %get3A_189, %get3A_192 : vector<16xf32>
      %add3A_194 = arith.addf %add3A_178, %mul3A_193 : vector<16xf32>
      %get3A_195 = arith.index_cast %add3A_140 : i32 to index
      %get3A_196 = arith.constant 112 : index
      %get3A_197 = tpu.vector_load %arg10[%get3A_195, %get3A_196] {strides = array<i32>} : memref<32x128xf32, #tpu.memory_space<vmem>>, vector<16xf32>,
      %get3A_198 = arith.index_cast %add3A_140 : i32 to index
      %get3A_199 = arith.constant 112 : index
      %get3A_200 = tpu.vector_load %arg11[%get3A_198, %get3A_199] {strides = array<i32>} : memref<32x128xf32, #tpu.memory_space<vmem>>, vector<16xf32>,
      %mul3A_201 = arith.mulf %get3A_197, %get3A_200 : vector<16xf32>
      %add3A_202 = arith.addf %add3A_186, %mul3A_201 : vector<16xf32>
      %add3A_203 = arith.addf %add3A_194, %add3A_202 : vector<16xf32>
      %swap3A_204 = arith.index_cast %add3A_68 : i32 to index
      %swap3A_205 = arith.constant 16 : index
      %swap3A_206 = tpu.vector_load %arg12[%swap3A_204, %swap3A_205] {strides = array<i32>} : memref<8x128xf32, #tpu.memory_space<vmem>>, vector<16xf32>,
      tpu.vector_store %arg12[%swap3A_204, %swap3A_205], %add3A_203 {strides = array<i32>} : memref<8x128xf32, #tpu.memory_space<vmem>>, vector<16xf32>,
      %mul3A_207 = arith.constant 8 : i32
      %mul3A_208 = arith.muli %scan3A_66, %mul3A_207 : i32
      %add3A_209 = arith.constant 2 : i32
      %add3A_210 = arith.addi %mul3A_208, %add3A_209 : i32
      %get3A_211 = arith.index_cast %add3A_210 : i32 to index
      %get3A_212 = arith.constant 0 : index
      %get3A_213 = tpu.vector_load %arg10[%get3A_211, %get3A_212] {strides = array<i32>} : memref<32x128xf32, #tpu.memory_space<vmem>>, vector<16xf32>,
      %get3A_214 = arith.index_cast %add3A_210 : i32 to index
      %get3A_215 = arith.constant 0 : index
      %get3A_216 = tpu.vector_load %arg11[%get3A_214, %get3A_215] {strides = array<i32>} : memref<32x128xf32, #tpu.memory_space<vmem>>, vector<16xf32>,
      %mul3A_217 = arith.mulf %get3A_213, %get3A_216 : vector<16xf32>
      %get3A_218 = arith.index_cast %add3A_210 : i32 to index
      %get3A_219 = arith.constant 16 : index
      %get3A_220 = tpu.vector_load %arg10[%get3A_218, %get3A_219] {strides = array<i32>} : memref<32x128xf32, #tpu.memory_space<vmem>>, vector<16xf32>,
      %get3A_221 = arith.index_cast %add3A_210 : i32 to index
      %get3A_222 = arith.constant 16 : index
      %get3A_223 = tpu.vector_load %arg11[%get3A_221, %get3A_222] {strides = array<i32>} : memref<32x128xf32, #tpu.memory_space<vmem>>, vector<16xf32>,
      %mul3A_224 = arith.mulf %get3A_220, %get3A_223 : vector<16xf32>
      %get3A_225 = arith.index_cast %add3A_210 : i32 to index
      %get3A_226 = arith.constant 32 : index
      %get3A_227 = tpu.vector_load %arg10[%get3A_225, %get3A_226] {strides = array<i32>} : memref<32x128xf32, #tpu.memory_space<vmem>>, vector<16xf32>,
      %get3A_228 = arith.index_cast %add3A_210 : i32 to index
      %get3A_229 = arith.constant 32 : index
      %get3A_230 = tpu.vector_load %arg11[%get3A_228, %get3A_229] {strides = array<i32>} : memref<32x128xf32, #tpu.memory_space<vmem>>, vector<16xf32>,
      %mul3A_231 = arith.mulf %get3A_227, %get3A_230 : vector<16xf32>
      %add3A_232 = arith.addf %mul3A_217, %mul3A_231 : vector<16xf32>
      %get3A_233 = arith.index_cast %add3A_210 : i32 to index
      %get3A_234 = arith.constant 48 : index
      %get3A_235 = tpu.vector_load %arg10[%get3A_233, %get3A_234] {strides = array<i32>} : memref<32x128xf32, #tpu.memory_space<vmem>>, vector<16xf32>,
      %get3A_236 = arith.index_cast %add3A_210 : i32 to index
      %get3A_237 = arith.constant 48 : index
      %get3A_238 = tpu.vector_load %arg11[%get3A_236, %get3A_237] {strides = array<i32>} : memref<32x128xf32, #tpu.memory_space<vmem>>, vector<16xf32>,
      %mul3A_239 = arith.mulf %get3A_235, %get3A_238 : vector<16xf32>
      %add3A_240 = arith.addf %mul3A_224, %mul3A_239 : vector<16xf32>
      %get3A_241 = arith.index_cast %add3A_210 : i32 to index
      %get3A_242 = arith.constant 64 : index
      %get3A_243 = tpu.vector_load %arg10[%get3A_241, %get3A_242] {strides = array<i32>} : memref<32x128xf32, #tpu.memory_space<vmem>>, vector<16xf32>,
      %get3A_244 = arith.index_cast %add3A_210 : i32 to index
      %get3A_245 = arith.constant 64 : index
      %get3A_246 = tpu.vector_load %arg11[%get3A_244, %get3A_245] {strides = array<i32>} : memref<32x128xf32, #tpu.memory_space<vmem>>, vector<16xf32>,
      %mul3A_247 = arith.mulf %get3A_243, %get3A_246 : vector<16xf32>
      %add3A_248 = arith.addf %add3A_232, %mul3A_247 : vector<16xf32>
      %get3A_249 = arith.index_cast %add3A_210 : i32 to index
      %get3A_250 = arith.constant 80 : index
      %get3A_251 = tpu.vector_load %arg10[%get3A_249, %get3A_250] {strides = array<i32>} : memref<32x128xf32, #tpu.memory_space<vmem>>, vector<16xf32>,
      %get3A_252 = arith.index_cast %add3A_210 : i32 to index
      %get3A_253 = arith.constant 80 : index
      %get3A_254 = tpu.vector_load %arg11[%get3A_252, %get3A_253] {strides = array<i32>} : memref<32x128xf32, #tpu.memory_space<vmem>>, vector<16xf32>,
      %mul3A_255 = arith.mulf %get3A_251, %get3A_254 : vector<16xf32>
      %add3A_256 = arith.addf %add3A_240, %mul3A_255 : vector<16xf32>
      %get3A_257 = arith.index_cast %add3A_210 : i32 to index
      %get3A_258 = arith.constant 96 : index
      %get3A_259 = tpu.vector_load %arg10[%get3A_257, %get3A_258] {strides = array<i32>} : memref<32x128xf32, #tpu.memory_space<vmem>>, vector<16xf32>,
      %get3A_260 = arith.index_cast %add3A_210 : i32 to index
      %get3A_261 = arith.constant 96 : index
      %get3A_262 = tpu.vector_load %arg11[%get3A_260, %get3A_261] {strides = array<i32>} : memref<32x128xf32, #tpu.memory_space<vmem>>, vector<16xf32>,
      %mul3A_263 = arith.mulf %get3A_259, %get3A_262 : vector<16xf32>
      %add3A_264 = arith.addf %add3A_248, %mul3A_263 : vector<16xf32>
      %get3A_265 = arith.index_cast %add3A_210 : i32 to index
      %get3A_266 = arith.constant 112 : index
      %get3A_267 = tpu.vector_load %arg10[%get3A_265, %get3A_266] {strides = array<i32>} : memref<32x128xf32, #tpu.memory_space<vmem>>, vector<16xf32>,
      %get3A_268 = arith.index_cast %add3A_210 : i32 to index
      %get3A_269 = arith.constant 112 : index
      %get3A_270 = tpu.vector_load %arg11[%get3A_268, %get3A_269] {strides = array<i32>} : memref<32x128xf32, #tpu.memory_space<vmem>>, vector<16xf32>,
      %mul3A_271 = arith.mulf %get3A_267, %get3A_270 : vector<16xf32>
      %add3A_272 = arith.addf %add3A_256, %mul3A_271 : vector<16xf32>
      %add3A_273 = arith.addf %add3A_264, %add3A_272 : vector<16xf32>
      %swap3A_274 = arith.index_cast %add3A_68 : i32 to index
      %swap3A_275 = arith.constant 32 : index
      %swap3A_276 = tpu.vector_load %arg12[%swap3A_274, %swap3A_275] {strides = array<i32>} : memref<8x128xf32, #tpu.memory_space<vmem>>, vector<16xf32>,
      tpu.vector_store %arg12[%swap3A_274, %swap3A_275], %add3A_273 {strides = array<i32>} : memref<8x128xf32, #tpu.memory_space<vmem>>, vector<16xf32>,
      %mul3A_277 = arith.constant 8 : i32
      %mul3A_278 = arith.muli %scan3A_66, %mul3A_277 : i32
      %add3A_279 = arith.constant 3 : i32
      %add3A_280 = arith.addi %mul3A_278, %add3A_279 : i32
      %get3A_281 = arith.index_cast %add3A_280 : i32 to index
      %get3A_282 = arith.constant 0 : index
      %get3A_283 = tpu.vector_load %arg10[%get3A_281, %get3A_282] {strides = array<i32>} : memref<32x128xf32, #tpu.memory_space<vmem>>, vector<16xf32>,
      %get3A_284 = arith.index_cast %add3A_280 : i32 to index
      %get3A_285 = arith.constant 0 : index
      %get3A_286 = tpu.vector_load %arg11[%get3A_284, %get3A_285] {strides = array<i32>} : memref<32x128xf32, #tpu.memory_space<vmem>>, vector<16xf32>,
      %mul3A_287 = arith.mulf %get3A_283, %get3A_286 : vector<16xf32>
      %get3A_288 = arith.index_cast %add3A_280 : i32 to index
      %get3A_289 = arith.constant 16 : index
      %get3A_290 = tpu.vector_load %arg10[%get3A_288, %get3A_289] {strides = array<i32>} : memref<32x128xf32, #tpu.memory_space<vmem>>, vector<16xf32>,
      %get3A_291 = arith.index_cast %add3A_280 : i32 to index
      %get3A_292 = arith.constant 16 : index
      %get3A_293 = tpu.vector_load %arg11[%get3A_291, %get3A_292] {strides = array<i32>} : memref<32x128xf32, #tpu.memory_space<vmem>>, vector<16xf32>,
      %mul3A_294 = arith.mulf %get3A_290, %get3A_293 : vector<16xf32>
      %get3A_295 = arith.index_cast %add3A_280 : i32 to index
      %get3A_296 = arith.constant 32 : index
      %get3A_297 = tpu.vector_load %arg10[%get3A_295, %get3A_296] {strides = array<i32>} : memref<32x128xf32, #tpu.memory_space<vmem>>, vector<16xf32>,
      %get3A_298 = arith.index_cast %add3A_280 : i32 to index
      %get3A_299 = arith.constant 32 : index
      %get3A_300 = tpu.vector_load %arg11[%get3A_298, %get3A_299] {strides = array<i32>} : memref<32x128xf32, #tpu.memory_space<vmem>>, vector<16xf32>,
      %mul3A_301 = arith.mulf %get3A_297, %get3A_300 : vector<16xf32>
      %add3A_302 = arith.addf %mul3A_287, %mul3A_301 : vector<16xf32>
      %get3A_303 = arith.index_cast %add3A_280 : i32 to index
      %get3A_304 = arith.constant 48 : index
      %get3A_305 = tpu.vector_load %arg10[%get3A_303, %get3A_304] {strides = array<i32>} : memref<32x128xf32, #tpu.memory_space<vmem>>, vector<16xf32>,
      %get3A_306 = arith.index_cast %add3A_280 : i32 to index
      %get3A_307 = arith.constant 48 : index
      %get3A_308 = tpu.vector_load %arg11[%get3A_306, %get3A_307] {strides = array<i32>} : memref<32x128xf32, #tpu.memory_space<vmem>>, vector<16xf32>,
      %mul3A_309 = arith.mulf %get3A_305, %get3A_308 : vector<16xf32>
      %add3A_310 = arith.addf %mul3A_294, %mul3A_309 : vector<16xf32>
      %get3A_311 = arith.index_cast %add3A_280 : i32 to index
      %get3A_312 = arith.constant 64 : index
      %get3A_313 = tpu.vector_load %arg10[%get3A_311, %get3A_312] {strides = array<i32>} : memref<32x128xf32, #tpu.memory_space<vmem>>, vector<16xf32>,
      %get3A_314 = arith.index_cast %add3A_280 : i32 to index
      %get3A_315 = arith.constant 64 : index
      %get3A_316 = tpu.vector_load %arg11[%get3A_314, %get3A_315] {strides = array<i32>} : memref<32x128xf32, #tpu.memory_space<vmem>>, vector<16xf32>,
      %mul3A_317 = arith.mulf %get3A_313, %get3A_316 : vector<16xf32>
      %add3A_318 = arith.addf %add3A_302, %mul3A_317 : vector<16xf32>
      %get3A_319 = arith.index_cast %add3A_280 : i32 to index
      %get3A_320 = arith.constant 80 : index
      %get3A_321 = tpu.vector_load %arg10[%get3A_319, %get3A_320] {strides = array<i32>} : memref<32x128xf32, #tpu.memory_space<vmem>>, vector<16xf32>,
      %get3A_322 = arith.index_cast %add3A_280 : i32 to index
      %get3A_323 = arith.constant 80 : index
      %get3A_324 = tpu.vector_load %arg11[%get3A_322, %get3A_323] {strides = array<i32>} : memref<32x128xf32, #tpu.memory_space<vmem>>, vector<16xf32>,
      %mul3A_325 = arith.mulf %get3A_321, %get3A_324 : vector<16xf32>
      %add3A_326 = arith.addf %add3A_310, %mul3A_325 : vector<16xf32>
      %get3A_327 = arith.index_cast %add3A_280 : i32 to index
      %get3A_328 = arith.constant 96 : index
      %get3A_329 = tpu.vector_load %arg10[%get3A_327, %get3A_328] {strides = array<i32>} : memref<32x128xf32, #tpu.memory_space<vmem>>, vector<16xf32>,
      %get3A_330 = arith.index_cast %add3A_280 : i32 to index
      %get3A_331 = arith.constant 96 : index
      %get3A_332 = tpu.vector_load %arg11[%get3A_330, %get3A_331] {strides = array<i32>} : memref<32x128xf32, #tpu.memory_space<vmem>>, vector<16xf32>,
      %mul3A_333 = arith.mulf %get3A_329, %get3A_332 : vector<16xf32>
      %add3A_334 = arith.addf %add3A_318, %mul3A_333 : vector<16xf32>
      %get3A_335 = arith.index_cast %add3A_280 : i32 to index
      %get3A_336 = arith.constant 112 : index
      %get3A_337 = tpu.vector_load %arg10[%get3A_335, %get3A_336] {strides = array<i32>} : memref<32x128xf32, #tpu.memory_space<vmem>>, vector<16xf32>,
      %get3A_338 = arith.index_cast %add3A_280 : i32 to index
      %get3A_339 = arith.constant 112 : index
      %get3A_340 = tpu.vector_load %arg11[%get3A_338, %get3A_339] {strides = array<i32>} : memref<32x128xf32, #tpu.memory_space<vmem>>, vector<16xf32>,
      %mul3A_341 = arith.mulf %get3A_337, %get3A_340 : vector<16xf32>
      %add3A_342 = arith.addf %add3A_326, %mul3A_341 : vector<16xf32>
      %add3A_343 = arith.addf %add3A_334, %add3A_342 : vector<16xf32>
      %swap3A_344 = arith.index_cast %add3A_68 : i32 to index
      %swap3A_345 = arith.constant 48 : index
      %swap3A_346 = tpu.vector_load %arg12[%swap3A_344, %swap3A_345] {strides = array<i32>} : memref<8x128xf32, #tpu.memory_space<vmem>>, vector<16xf32>,
      tpu.vector_store %arg12[%swap3A_344, %swap3A_345], %add3A_343 {strides = array<i32>} : memref<8x128xf32, #tpu.memory_space<vmem>>, vector<16xf32>,
      %mul3A_347 = arith.constant 8 : i32
      %mul3A_348 = arith.muli %scan3A_66, %mul3A_347 : i32
      %add3A_349 = arith.constant 4 : i32
      %add3A_350 = arith.addi %mul3A_348, %add3A_349 : i32
      %get3A_351 = arith.index_cast %add3A_350 : i32 to index
      %get3A_352 = arith.constant 0 : index
      %get3A_353 = tpu.vector_load %arg10[%get3A_351, %get3A_352] {strides = array<i32>} : memref<32x128xf32, #tpu.memory_space<vmem>>, vector<16xf32>,
      %get3A_354 = arith.index_cast %add3A_350 : i32 to index
      %get3A_355 = arith.constant 0 : index
      %get3A_356 = tpu.vector_load %arg11[%get3A_354, %get3A_355] {strides = array<i32>} : memref<32x128xf32, #tpu.memory_space<vmem>>, vector<16xf32>,
      %mul3A_357 = arith.mulf %get3A_353, %get3A_356 : vector<16xf32>
      %get3A_358 = arith.index_cast %add3A_350 : i32 to index
      %get3A_359 = arith.constant 16 : index
      %get3A_360 = tpu.vector_load %arg10[%get3A_358, %get3A_359] {strides = array<i32>} : memref<32x128xf32, #tpu.memory_space<vmem>>, vector<16xf32>,
      %get3A_361 = arith.index_cast %add3A_350 : i32 to index
      %get3A_362 = arith.constant 16 : index
      %get3A_363 = tpu.vector_load %arg11[%get3A_361, %get3A_362] {strides = array<i32>} : memref<32x128xf32, #tpu.memory_space<vmem>>, vector<16xf32>,
      %mul3A_364 = arith.mulf %get3A_360, %get3A_363 : vector<16xf32>
      %get3A_365 = arith.index_cast %add3A_350 : i32 to index
      %get3A_366 = arith.constant 32 : index
      %get3A_367 = tpu.vector_load %arg10[%get3A_365, %get3A_366] {strides = array<i32>} : memref<32x128xf32, #tpu.memory_space<vmem>>, vector<16xf32>,
      %get3A_368 = arith.index_cast %add3A_350 : i32 to index
      %get3A_369 = arith.constant 32 : index
      %get3A_370 = tpu.vector_load %arg11[%get3A_368, %get3A_369] {strides = array<i32>} : memref<32x128xf32, #tpu.memory_space<vmem>>, vector<16xf32>,
      %mul3A_371 = arith.mulf %get3A_367, %get3A_370 : vector<16xf32>
      %add3A_372 = arith.addf %mul3A_357, %mul3A_371 : vector<16xf32>
      %get3A_373 = arith.index_cast %add3A_350 : i32 to index
      %get3A_374 = arith.constant 48 : index
      %get3A_375 = tpu.vector_load %arg10[%get3A_373, %get3A_374] {strides = array<i32>} : memref<32x128xf32, #tpu.memory_space<vmem>>, vector<16xf32>,
      %get3A_376 = arith.index_cast %add3A_350 : i32 to index
      %get3A_377 = arith.constant 48 : index
      %get3A_378 = tpu.vector_load %arg11[%get3A_376, %get3A_377] {strides = array<i32>} : memref<32x128xf32, #tpu.memory_space<vmem>>, vector<16xf32>,
      %mul3A_379 = arith.mulf %get3A_375, %get3A_378 : vector<16xf32>
      %add3A_380 = arith.addf %mul3A_364, %mul3A_379 : vector<16xf32>
      %get3A_381 = arith.index_cast %add3A_350 : i32 to index
      %get3A_382 = arith.constant 64 : index
      %get3A_383 = tpu.vector_load %arg10[%get3A_381, %get3A_382] {strides = array<i32>} : memref<32x128xf32, #tpu.memory_space<vmem>>, vector<16xf32>,
      %get3A_384 = arith.index_cast %add3A_350 : i32 to index
      %get3A_385 = arith.constant 64 : index
      %get3A_386 = tpu.vector_load %arg11[%get3A_384, %get3A_385] {strides = array<i32>} : memref<32x128xf32, #tpu.memory_space<vmem>>, vector<16xf32>,
      %mul3A_387 = arith.mulf %get3A_383, %get3A_386 : vector<16xf32>
      %add3A_388 = arith.addf %add3A_372, %mul3A_387 : vector<16xf32>
      %get3A_389 = arith.index_cast %add3A_350 : i32 to index
      %get3A_390 = arith.constant 80 : index
      %get3A_391 = tpu.vector_load %arg10[%get3A_389, %get3A_390] {strides = array<i32>} : memref<32x128xf32, #tpu.memory_space<vmem>>, vector<16xf32>,
      %get3A_392 = arith.index_cast %add3A_350 : i32 to index
      %get3A_393 = arith.constant 80 : index
      %get3A_394 = tpu.vector_load %arg11[%get3A_392, %get3A_393] {strides = array<i32>} : memref<32x128xf32, #tpu.memory_space<vmem>>, vector<16xf32>,
      %mul3A_395 = arith.mulf %get3A_391, %get3A_394 : vector<16xf32>
      %add3A_396 = arith.addf %add3A_380, %mul3A_395 : vector<16xf32>
      %get3A_397 = arith.index_cast %add3A_350 : i32 to index
      %get3A_398 = arith.constant 96 : index
      %get3A_399 = tpu.vector_load %arg10[%get3A_397, %get3A_398] {strides = array<i32>} : memref<32x128xf32, #tpu.memory_space<vmem>>, vector<16xf32>,
      %get3A_400 = arith.index_cast %add3A_350 : i32 to index
      %get3A_401 = arith.constant 96 : index
      %get3A_402 = tpu.vector_load %arg11[%get3A_400, %get3A_401] {strides = array<i32>} : memref<32x128xf32, #tpu.memory_space<vmem>>, vector<16xf32>,
      %mul3A_403 = arith.mulf %get3A_399, %get3A_402 : vector<16xf32>
      %add3A_404 = arith.addf %add3A_388, %mul3A_403 : vector<16xf32>
      %get3A_405 = arith.index_cast %add3A_350 : i32 to index
      %get3A_406 = arith.constant 112 : index
      %get3A_407 = tpu.vector_load %arg10[%get3A_405, %get3A_406] {strides = array<i32>} : memref<32x128xf32, #tpu.memory_space<vmem>>, vector<16xf32>,
      %get3A_408 = arith.index_cast %add3A_350 : i32 to index
      %get3A_409 = arith.constant 112 : index
      %get3A_410 = tpu.vector_load %arg11[%get3A_408, %get3A_409] {strides = array<i32>} : memref<32x128xf32, #tpu.memory_space<vmem>>, vector<16xf32>,
      %mul3A_411 = arith.mulf %get3A_407, %get3A_410 : vector<16xf32>
      %add3A_412 = arith.addf %add3A_396, %mul3A_411 : vector<16xf32>
      %add3A_413 = arith.addf %add3A_404, %add3A_412 : vector<16xf32>
      %swap3A_414 = arith.index_cast %add3A_68 : i32 to index
      %swap3A_415 = arith.constant 64 : index
      %swap3A_416 = tpu.vector_load %arg12[%swap3A_414, %swap3A_415] {strides = array<i32>} : memref<8x128xf32, #tpu.memory_space<vmem>>, vector<16xf32>,
      tpu.vector_store %arg12[%swap3A_414, %swap3A_415], %add3A_413 {strides = array<i32>} : memref<8x128xf32, #tpu.memory_space<vmem>>, vector<16xf32>,
      %mul3A_417 = arith.constant 8 : i32
      %mul3A_418 = arith.muli %scan3A_66, %mul3A_417 : i32
      %add3A_419 = arith.constant 5 : i32
      %add3A_420 = arith.addi %mul3A_418, %add3A_419 : i32
      %get3A_421 = arith.index_cast %add3A_420 : i32 to index
      %get3A_422 = arith.constant 0 : index
      %get3A_423 = tpu.vector_load %arg10[%get3A_421, %get3A_422] {strides = array<i32>} : memref<32x128xf32, #tpu.memory_space<vmem>>, vector<16xf32>,
      %get3A_424 = arith.index_cast %add3A_420 : i32 to index
      %get3A_425 = arith.constant 0 : index
      %get3A_426 = tpu.vector_load %arg11[%get3A_424, %get3A_425] {strides = array<i32>} : memref<32x128xf32, #tpu.memory_space<vmem>>, vector<16xf32>,
      %mul3A_427 = arith.mulf %get3A_423, %get3A_426 : vector<16xf32>
      %get3A_428 = arith.index_cast %add3A_420 : i32 to index
      %get3A_429 = arith.constant 16 : index
      %get3A_430 = tpu.vector_load %arg10[%get3A_428, %get3A_429] {strides = array<i32>} : memref<32x128xf32, #tpu.memory_space<vmem>>, vector<16xf32>,
      %get3A_431 = arith.index_cast %add3A_420 : i32 to index
      %get3A_432 = arith.constant 16 : index
      %get3A_433 = tpu.vector_load %arg11[%get3A_431, %get3A_432] {strides = array<i32>} : memref<32x128xf32, #tpu.memory_space<vmem>>, vector<16xf32>,
      %mul3A_434 = arith.mulf %get3A_430, %get3A_433 : vector<16xf32>
      %get3A_435 = arith.index_cast %add3A_420 : i32 to index
      %get3A_436 = arith.constant 32 : index
      %get3A_437 = tpu.vector_load %arg10[%get3A_435, %get3A_436] {strides = array<i32>} : memref<32x128xf32, #tpu.memory_space<vmem>>, vector<16xf32>,
      %get3A_438 = arith.index_cast %add3A_420 : i32 to index
      %get3A_439 = arith.constant 32 : index
      %get3A_440 = tpu.vector_load %arg11[%get3A_438, %get3A_439] {strides = array<i32>} : memref<32x128xf32, #tpu.memory_space<vmem>>, vector<16xf32>,
      %mul3A_441 = arith.mulf %get3A_437, %get3A_440 : vector<16xf32>
      %add3A_442 = arith.addf %mul3A_427, %mul3A_441 : vector<16xf32>
      %get3A_443 = arith.index_cast %add3A_420 : i32 to index
      %get3A_444 = arith.constant 48 : index
      %get3A_445 = tpu.vector_load %arg10[%get3A_443, %get3A_444] {strides = array<i32>} : memref<32x128xf32, #tpu.memory_space<vmem>>, vector<16xf32>,
      %get3A_446 = arith.index_cast %add3A_420 : i32 to index
      %get3A_447 = arith.constant 48 : index
      %get3A_448 = tpu.vector_load %arg11[%get3A_446, %get3A_447] {strides = array<i32>} : memref<32x128xf32, #tpu.memory_space<vmem>>, vector<16xf32>,
      %mul3A_449 = arith.mulf %get3A_445, %get3A_448 : vector<16xf32>
      %add3A_450 = arith.addf %mul3A_434, %mul3A_449 : vector<16xf32>
      %get3A_451 = arith.index_cast %add3A_420 : i32 to index
      %get3A_452 = arith.constant 64 : index
      %get3A_453 = tpu.vector_load %arg10[%get3A_451, %get3A_452] {strides = array<i32>} : memref<32x128xf32, #tpu.memory_space<vmem>>, vector<16xf32>,
      %get3A_454 = arith.index_cast %add3A_420 : i32 to index
      %get3A_455 = arith.constant 64 : index
      %get3A_456 = tpu.vector_load %arg11[%get3A_454, %get3A_455] {strides = array<i32>} : memref<32x128xf32, #tpu.memory_space<vmem>>, vector<16xf32>,
      %mul3A_457 = arith.mulf %get3A_453, %get3A_456 : vector<16xf32>
      %add3A_458 = arith.addf %add3A_442, %mul3A_457 : vector<16xf32>
      %get3A_459 = arith.index_cast %add3A_420 : i32 to index
      %get3A_460 = arith.constant 80 : index
      %get3A_461 = tpu.vector_load %arg10[%get3A_459, %get3A_460] {strides = array<i32>} : memref<32x128xf32, #tpu.memory_space<vmem>>, vector<16xf32>,
      %get3A_462 = arith.index_cast %add3A_420 : i32 to index
      %get3A_463 = arith.constant 80 : index
      %get3A_464 = tpu.vector_load %arg11[%get3A_462, %get3A_463] {strides = array<i32>} : memref<32x128xf32, #tpu.memory_space<vmem>>, vector<16xf32>,
      %mul3A_465 = arith.mulf %get3A_461, %get3A_464 : vector<16xf32>
      %add3A_466 = arith.addf %add3A_450, %mul3A_465 : vector<16xf32>
      %get3A_467 = arith.index_cast %add3A_420 : i32 to index
      %get3A_468 = arith.constant 96 : index
      %get3A_469 = tpu.vector_load %arg10[%get3A_467, %get3A_468] {strides = array<i32>} : memref<32x128xf32, #tpu.memory_space<vmem>>, vector<16xf32>,
      %get3A_470 = arith.index_cast %add3A_420 : i32 to index
      %get3A_471 = arith.constant 96 : index
      %get3A_472 = tpu.vector_load %arg11[%get3A_470, %get3A_471] {strides = array<i32>} : memref<32x128xf32, #tpu.memory_space<vmem>>, vector<16xf32>,
      %mul3A_473 = arith.mulf %get3A_469, %get3A_472 : vector<16xf32>
      %add3A_474 = arith.addf %add3A_458, %mul3A_473 : vector<16xf32>
      %get3A_475 = arith.index_cast %add3A_420 : i32 to index
      %get3A_476 = arith.constant 112 : index
      %get3A_477 = tpu.vector_load %arg10[%get3A_475, %get3A_476] {strides = array<i32>} : memref<32x128xf32, #tpu.memory_space<vmem>>, vector<16xf32>,
      %get3A_478 = arith.index_cast %add3A_420 : i32 to index
      %get3A_479 = arith.constant 112 : index
      %get3A_480 = tpu.vector_load %arg11[%get3A_478, %get3A_479] {strides = array<i32>} : memref<32x128xf32, #tpu.memory_space<vmem>>, vector<16xf32>,
      %mul3A_481 = arith.mulf %get3A_477, %get3A_480 : vector<16xf32>
      %add3A_482 = arith.addf %add3A_466, %mul3A_481 : vector<16xf32>
      %add3A_483 = arith.addf %add3A_474, %add3A_482 : vector<16xf32>
      %swap3A_484 = arith.index_cast %add3A_68 : i32 to index
      %swap3A_485 = arith.constant 80 : index
      %swap3A_486 = tpu.vector_load %arg12[%swap3A_484, %swap3A_485] {strides = array<i32>} : memref<8x128xf32, #tpu.memory_space<vmem>>, vector<16xf32>,
      tpu.vector_store %arg12[%swap3A_484, %swap3A_485], %add3A_483 {strides = array<i32>} : memref<8x128xf32, #tpu.memory_space<vmem>>, vector<16xf32>,
      %mul3A_487 = arith.constant 8 : i32
      %mul3A_488 = arith.muli %scan3A_66, %mul3A_487 : i32
      %add3A_489 = arith.constant 6 : i32
      %add3A_490 = arith.addi %mul3A_488, %add3A_489 : i32
      %get3A_491 = arith.index_cast %add3A_490 : i32 to index
      %get3A_492 = arith.constant 0 : index
      %get3A_493 = tpu.vector_load %arg10[%get3A_491, %get3A_492] {strides = array<i32>} : memref<32x128xf32, #tpu.memory_space<vmem>>, vector<16xf32>,
      %get3A_494 = arith.index_cast %add3A_490 : i32 to index
      %get3A_495 = arith.constant 0 : index
      %get3A_496 = tpu.vector_load %arg11[%get3A_494, %get3A_495] {strides = array<i32>} : memref<32x128xf32, #tpu.memory_space<vmem>>, vector<16xf32>,
      %mul3A_497 = arith.mulf %get3A_493, %get3A_496 : vector<16xf32>
      %get3A_498 = arith.index_cast %add3A_490 : i32 to index
      %get3A_499 = arith.constant 16 : index
      %get3A_500 = tpu.vector_load %arg10[%get3A_498, %get3A_499] {strides = array<i32>} : memref<32x128xf32, #tpu.memory_space<vmem>>, vector<16xf32>,
      %get3A_501 = arith.index_cast %add3A_490 : i32 to index
      %get3A_502 = arith.constant 16 : index
      %get3A_503 = tpu.vector_load %arg11[%get3A_501, %get3A_502] {strides = array<i32>} : memref<32x128xf32, #tpu.memory_space<vmem>>, vector<16xf32>,
      %mul3A_504 = arith.mulf %get3A_500, %get3A_503 : vector<16xf32>
      %get3A_505 = arith.index_cast %add3A_490 : i32 to index
      %get3A_506 = arith.constant 32 : index
      %get3A_507 = tpu.vector_load %arg10[%get3A_505, %get3A_506] {strides = array<i32>} : memref<32x128xf32, #tpu.memory_space<vmem>>, vector<16xf32>,
      %get3A_508 = arith.index_cast %add3A_490 : i32 to index
      %get3A_509 = arith.constant 32 : index
      %get3A_510 = tpu.vector_load %arg11[%get3A_508, %get3A_509] {strides = array<i32>} : memref<32x128xf32, #tpu.memory_space<vmem>>, vector<16xf32>,
      %mul3A_511 = arith.mulf %get3A_507, %get3A_510 : vector<16xf32>
      %add3A_512 = arith.addf %mul3A_497, %mul3A_511 : vector<16xf32>
      %get3A_513 = arith.index_cast %add3A_490 : i32 to index
      %get3A_514 = arith.constant 48 : index
      %get3A_515 = tpu.vector_load %arg10[%get3A_513, %get3A_514] {strides = array<i32>} : memref<32x128xf32, #tpu.memory_space<vmem>>, vector<16xf32>,
      %get3A_516 = arith.index_cast %add3A_490 : i32 to index
      %get3A_517 = arith.constant 48 : index
      %get3A_518 = tpu.vector_load %arg11[%get3A_516, %get3A_517] {strides = array<i32>} : memref<32x128xf32, #tpu.memory_space<vmem>>, vector<16xf32>,
      %mul3A_519 = arith.mulf %get3A_515, %get3A_518 : vector<16xf32>
      %add3A_520 = arith.addf %mul3A_504, %mul3A_519 : vector<16xf32>
      %get3A_521 = arith.index_cast %add3A_490 : i32 to index
      %get3A_522 = arith.constant 64 : index
      %get3A_523 = tpu.vector_load %arg10[%get3A_521, %get3A_522] {strides = array<i32>} : memref<32x128xf32, #tpu.memory_space<vmem>>, vector<16xf32>,
      %get3A_524 = arith.index_cast %add3A_490 : i32 to index
      %get3A_525 = arith.constant 64 : index
      %get3A_526 = tpu.vector_load %arg11[%get3A_524, %get3A_525] {strides = array<i32>} : memref<32x128xf32, #tpu.memory_space<vmem>>, vector<16xf32>,
      %mul3A_527 = arith.mulf %get3A_523, %get3A_526 : vector<16xf32>
      %add3A_528 = arith.addf %add3A_512, %mul3A_527 : vector<16xf32>
      %get3A_529 = arith.index_cast %add3A_490 : i32 to index
      %get3A_530 = arith.constant 80 : index
      %get3A_531 = tpu.vector_load %arg10[%get3A_529, %get3A_530] {strides = array<i32>} : memref<32x128xf32, #tpu.memory_space<vmem>>, vector<16xf32>,
      %get3A_532 = arith.index_cast %add3A_490 : i32 to index
      %get3A_533 = arith.constant 80 : index
      %get3A_534 = tpu.vector_load %arg11[%get3A_532, %get3A_533] {strides = array<i32>} : memref<32x128xf32, #tpu.memory_space<vmem>>, vector<16xf32>,
      %mul3A_535 = arith.mulf %get3A_531, %get3A_534 : vector<16xf32>
      %add3A_536 = arith.addf %add3A_520, %mul3A_535 : vector<16xf32>
      %get3A_537 = arith.index_cast %add3A_490 : i32 to index
      %get3A_538 = arith.constant 96 : index
      %get3A_539 = tpu.vector_load %arg10[%get3A_537, %get3A_538] {strides = array<i32>} : memref<32x128xf32, #tpu.memory_space<vmem>>, vector<16xf32>,
      %get3A_540 = arith.index_cast %add3A_490 : i32 to index
      %get3A_541 = arith.constant 96 : index
      %get3A_542 = tpu.vector_load %arg11[%get3A_540, %get3A_541] {strides = array<i32>} : memref<32x128xf32, #tpu.memory_space<vmem>>, vector<16xf32>,
      %mul3A_543 = arith.mulf %get3A_539, %get3A_542 : vector<16xf32>
      %add3A_544 = arith.addf %add3A_528, %mul3A_543 : vector<16xf32>
      %get3A_545 = arith.index_cast %add3A_490 : i32 to index
      %get3A_546 = arith.constant 112 : index
      %get3A_547 = tpu.vector_load %arg10[%get3A_545, %get3A_546] {strides = array<i32>} : memref<32x128xf32, #tpu.memory_space<vmem>>, vector<16xf32>,
      %get3A_548 = arith.index_cast %add3A_490 : i32 to index
      %get3A_549 = arith.constant 112 : index
      %get3A_550 = tpu.vector_load %arg11[%get3A_548, %get3A_549] {strides = array<i32>} : memref<32x128xf32, #tpu.memory_space<vmem>>, vector<16xf32>,
      %mul3A_551 = arith.mulf %get3A_547, %get3A_550 : vector<16xf32>
      %add3A_552 = arith.addf %add3A_536, %mul3A_551 : vector<16xf32>
      %add3A_553 = arith.addf %add3A_544, %add3A_552 : vector<16xf32>
      %swap3A_554 = arith.index_cast %add3A_68 : i32 to index
      %swap3A_555 = arith.constant 96 : index
      %swap3A_556 = tpu.vector_load %arg12[%swap3A_554, %swap3A_555] {strides = array<i32>} : memref<8x128xf32, #tpu.memory_space<vmem>>, vector<16xf32>,
      tpu.vector_store %arg12[%swap3A_554, %swap3A_555], %add3A_553 {strides = array<i32>} : memref<8x128xf32, #tpu.memory_space<vmem>>, vector<16xf32>,
      %mul3A_557 = arith.constant 8 : i32
      %mul3A_558 = arith.muli %scan3A_66, %mul3A_557 : i32
      %add3A_559 = arith.constant 7 : i32
      %add3A_560 = arith.addi %mul3A_558, %add3A_559 : i32
      %get3A_561 = arith.index_cast %add3A_560 : i32 to index
      %get3A_562 = arith.constant 0 : index
      %get3A_563 = tpu.vector_load %arg10[%get3A_561, %get3A_562] {strides = array<i32>} : memref<32x128xf32, #tpu.memory_space<vmem>>, vector<16xf32>,
      %get3A_564 = arith.index_cast %add3A_560 : i32 to index
      %get3A_565 = arith.constant 0 : index
      %get3A_566 = tpu.vector_load %arg11[%get3A_564, %get3A_565] {strides = array<i32>} : memref<32x128xf32, #tpu.memory_space<vmem>>, vector<16xf32>,
      %mul3A_567 = arith.mulf %get3A_563, %get3A_566 : vector<16xf32>
      %get3A_568 = arith.index_cast %add3A_560 : i32 to index
      %get3A_569 = arith.constant 16 : index
      %get3A_570 = tpu.vector_load %arg10[%get3A_568, %get3A_569] {strides = array<i32>} : memref<32x128xf32, #tpu.memory_space<vmem>>, vector<16xf32>,
      %get3A_571 = arith.index_cast %add3A_560 : i32 to index
      %get3A_572 = arith.constant 16 : index
      %get3A_573 = tpu.vector_load %arg11[%get3A_571, %get3A_572] {strides = array<i32>} : memref<32x128xf32, #tpu.memory_space<vmem>>, vector<16xf32>,
      %mul3A_574 = arith.mulf %get3A_570, %get3A_573 : vector<16xf32>
      %get3A_575 = arith.index_cast %add3A_560 : i32 to index
      %get3A_576 = arith.constant 32 : index
      %get3A_577 = tpu.vector_load %arg10[%get3A_575, %get3A_576] {strides = array<i32>} : memref<32x128xf32, #tpu.memory_space<vmem>>, vector<16xf32>,
      %get3A_578 = arith.index_cast %add3A_560 : i32 to index
      %get3A_579 = arith.constant 32 : index
      %get3A_580 = tpu.vector_load %arg11[%get3A_578, %get3A_579] {strides = array<i32>} : memref<32x128xf32, #tpu.memory_space<vmem>>, vector<16xf32>,
      %mul3A_581 = arith.mulf %get3A_577, %get3A_580 : vector<16xf32>
      %add3A_582 = arith.addf %mul3A_567, %mul3A_581 : vector<16xf32>
      %get3A_583 = arith.index_cast %add3A_560 : i32 to index
      %get3A_584 = arith.constant 48 : index
      %get3A_585 = tpu.vector_load %arg10[%get3A_583, %get3A_584] {strides = array<i32>} : memref<32x128xf32, #tpu.memory_space<vmem>>, vector<16xf32>,
      %get3A_586 = arith.index_cast %add3A_560 : i32 to index
      %get3A_587 = arith.constant 48 : index
      %get3A_588 = tpu.vector_load %arg11[%get3A_586, %get3A_587] {strides = array<i32>} : memref<32x128xf32, #tpu.memory_space<vmem>>, vector<16xf32>,
      %mul3A_589 = arith.mulf %get3A_585, %get3A_588 : vector<16xf32>
      %add3A_590 = arith.addf %mul3A_574, %mul3A_589 : vector<16xf32>
      %get3A_591 = arith.index_cast %add3A_560 : i32 to index
      %get3A_592 = arith.constant 64 : index
      %get3A_593 = tpu.vector_load %arg10[%get3A_591, %get3A_592] {strides = array<i32>} : memref<32x128xf32, #tpu.memory_space<vmem>>, vector<16xf32>,
      %get3A_594 = arith.index_cast %add3A_560 : i32 to index
      %get3A_595 = arith.constant 64 : index
      %get3A_596 = tpu.vector_load %arg11[%get3A_594, %get3A_595] {strides = array<i32>} : memref<32x128xf32, #tpu.memory_space<vmem>>, vector<16xf32>,
      %mul3A_597 = arith.mulf %get3A_593, %get3A_596 : vector<16xf32>
      %add3A_598 = arith.addf %add3A_582, %mul3A_597 : vector<16xf32>
      %get3A_599 = arith.index_cast %add3A_560 : i32 to index
      %get3A_600 = arith.constant 80 : index
      %get3A_601 = tpu.vector_load %arg10[%get3A_599, %get3A_600] {strides = array<i32>} : memref<32x128xf32, #tpu.memory_space<vmem>>, vector<16xf32>,
      %get3A_602 = arith.index_cast %add3A_560 : i32 to index
      %get3A_603 = arith.constant 80 : index
      %get3A_604 = tpu.vector_load %arg11[%get3A_602, %get3A_603] {strides = array<i32>} : memref<32x128xf32, #tpu.memory_space<vmem>>, vector<16xf32>,
      %mul3A_605 = arith.mulf %get3A_601, %get3A_604 : vector<16xf32>
      %add3A_606 = arith.addf %add3A_590, %mul3A_605 : vector<16xf32>
      %get3A_607 = arith.index_cast %add3A_560 : i32 to index
      %get3A_608 = arith.constant 96 : index
      %get3A_609 = tpu.vector_load %arg10[%get3A_607, %get3A_608] {strides = array<i32>} : memref<32x128xf32, #tpu.memory_space<vmem>>, vector<16xf32>,
      %get3A_610 = arith.index_cast %add3A_560 : i32 to index
      %get3A_611 = arith.constant 96 : index
      %get3A_612 = tpu.vector_load %arg11[%get3A_610, %get3A_611] {strides = array<i32>} : memref<32x128xf32, #tpu.memory_space<vmem>>, vector<16xf32>,
      %mul3A_613 = arith.mulf %get3A_609, %get3A_612 : vector<16xf32>
      %add3A_614 = arith.addf %add3A_598, %mul3A_613 : vector<16xf32>
      %get3A_615 = arith.index_cast %add3A_560 : i32 to index
      %get3A_616 = arith.constant 112 : index
      %get3A_617 = tpu.vector_load %arg10[%get3A_615, %get3A_616] {strides = array<i32>} : memref<32x128xf32, #tpu.memory_space<vmem>>, vector<16xf32>,
      %get3A_618 = arith.index_cast %add3A_560 : i32 to index
      %get3A_619 = arith.constant 112 : index
      %get3A_620 = tpu.vector_load %arg11[%get3A_618, %get3A_619] {strides = array<i32>} : memref<32x128xf32, #tpu.memory_space<vmem>>, vector<16xf32>,
      %mul3A_621 = arith.mulf %get3A_617, %get3A_620 : vector<16xf32>
      %add3A_622 = arith.addf %add3A_606, %mul3A_621 : vector<16xf32>
      %add3A_623 = arith.addf %add3A_614, %add3A_622 : vector<16xf32>
      %swap3A_624 = arith.index_cast %add3A_68 : i32 to index
      %swap3A_625 = arith.constant 112 : index
      %swap3A_626 = tpu.vector_load %arg12[%swap3A_624, %swap3A_625] {strides = array<i32>} : memref<8x128xf32, #tpu.memory_space<vmem>>, vector<16xf32>,
      tpu.vector_store %arg12[%swap3A_624, %swap3A_625], %add3A_623 {strides = array<i32>} : memref<8x128xf32, #tpu.memory_space<vmem>>, vector<16xf32>,
    }
    %scan3A_63 = arith.constant 4 : i32
    %add3A_64 = arith.constant 1248 : i32
    %add3A_65 = arith.addi %mul3A_4, %add3A_64 : i32
    "tpu.region"() ({
      %run_scoped3A = tpu.sem_alloc : memref<!tpu.dma_semaphore, #tpu.memory_space<semaphore_mem>>
      %dma_start3A_66 = arith.constant 0 : i32
      %dma_start3A_67 = tpu.memref_slice %arg5[%add3A_65, %dma_start3A_66] : memref<40192x128xf32, #tpu.memory_space<hbm>> -> memref<8x128xf32, #tpu.memory_space<hbm>>
      %dma_start3A_68 = arith.constant 0 : i32
      %dma_start3A_69 = tpu.memref_slice %arg5[%add3A_65, %dma_start3A_68] : memref<40192x128xf32, #tpu.memory_space<hbm>> -> memref<8x128xf32, #tpu.memory_space<hbm>>
      tpu.enqueue_dma source(%arg12 : memref<8x128xf32, #tpu.memory_space<vmem>>) target(%dma_start3A_69 : memref<8x128xf32, #tpu.memory_space<hbm>>) target_semaphore(%run_scoped3A : memref<!tpu.dma_semaphore, #tpu.memory_space<semaphore_mem>>)
      %dma_wait3A_70 = arith.constant 0 : i32
      %dma_wait3A_71 = tpu.memref_slice %arg5[%add3A_65, %dma_wait3A_70] : memref<40192x128xf32, #tpu.memory_space<hbm>> -> memref<8x128xf32, #tpu.memory_space<hbm>>
      %dma_wait3A_72 = arith.constant 0 : i32
      %dma_wait3A_73 = tpu.memref_slice %arg5[%add3A_65, %dma_wait3A_72] : memref<40192x128xf32, #tpu.memory_space<hbm>> -> memref<8x128xf32, #tpu.memory_space<hbm>>
      tpu.wait_dma2 semaphore(%run_scoped3A : memref<!tpu.dma_semaphore, #tpu.memory_space<semaphore_mem>>) src(%arg12 : memref<8x128xf32, #tpu.memory_space<vmem>>) dst(%dma_wait3A_73 : memref<8x128xf32, #tpu.memory_space<hbm>>)
      tpu.yield
    }) : () -> ()
    return
  }
}

module attributes {stable_mosaic.version = 14 : i64} {
  func.func @f(%arg0: memref<10000x128xf32, #tpu.memory_space<vmem>>, %arg1: memref<10000x32xf32, #tpu.memory_space<vmem>>, %arg2: memref<10000x32xf32, #tpu.memory_space<vmem>>, %arg3: memref<10008x128xf32, #tpu.memory_space<vmem>>, %arg4: memref<10000x1xf32, #tpu.memory_space<vmem>>, %arg5: memref<10000x1xf32, #tpu.memory_space<vmem>>) attributes {dimension_semantics = [], scalar_prefetch = 0 : i64, scratch_operands = 0 : i64, tpu.core_type = #tpu.core_type<tc>} {
    %get3A = arith.constant 0 : index
    %get3A_0 = arith.constant 0 : index
    %get3A_1 = vector.load %arg1[%get3A, %get3A_0] : memref<10000x32xf32, #tpu.memory_space<vmem>>, vector<10000x32xf32>
    %reduce_sum3A = arith.constant dense<0.000000e+00> : vector<10000xf32>
    %reduce_sum3A_2 = vector.multi_reduction <add>, %get3A_1, %reduce_sum3A [1] : vector<10000x32xf32> to vector<10000xf32>
    %broadcast_in_dim3A = vector.shape_cast %reduce_sum3A_2 : vector<10000xf32> to vector<10000x1xf32>
    %max3A = arith.constant 1.000000e+00 : f32
    %max3A_3 = vector.broadcast %max3A : f32 to vector<10000x1xf32>
    %max3A_4 = arith.maximumf %broadcast_in_dim3A, %max3A_3 : vector<10000x1xf32>
    %rsqrt3A = math.rsqrt %max3A_4 : vector<10000x1xf32>
    %get3A_5 = arith.constant 0 : index
    %get3A_6 = arith.constant 0 : index
    %get3A_7 = vector.load %arg2[%get3A_5, %get3A_6] : memref<10000x32xf32, #tpu.memory_space<vmem>>, vector<10000x32xf32>
    %reduce_sum3A_8 = arith.constant dense<0.000000e+00> : vector<10000xf32>
    %reduce_sum3A_9 = vector.multi_reduction <add>, %get3A_7, %reduce_sum3A_8 [1] : vector<10000x32xf32> to vector<10000xf32>
    %broadcast_in_dim3A_10 = vector.shape_cast %reduce_sum3A_9 : vector<10000xf32> to vector<10000x1xf32>
    %max3A_11 = arith.constant 1.000000e+00 : f32
    %max3A_12 = vector.broadcast %max3A_11 : f32 to vector<10000x1xf32>
    %max3A_13 = arith.maximumf %broadcast_in_dim3A_10, %max3A_12 : vector<10000x1xf32>
    %rsqrt3A_14 = math.rsqrt %max3A_13 : vector<10000x1xf32>
    %swap3A = arith.constant 0 : index
    %swap3A_15 = arith.constant 0 : index
    %swap3A_16 = vector.load %arg4[%swap3A, %swap3A_15] : memref<10000x1xf32, #tpu.memory_space<vmem>>, vector<10000x1xf32>
    tpu.vector_store %arg4[%swap3A, %swap3A_15], %rsqrt3A {strides = array<i32>} : memref<10000x1xf32, #tpu.memory_space<vmem>>, vector<10000x1xf32>,
    %swap3A_17 = arith.constant 0 : index
    %swap3A_18 = arith.constant 0 : index
    %swap3A_19 = vector.load %arg5[%swap3A_17, %swap3A_18] : memref<10000x1xf32, #tpu.memory_space<vmem>>, vector<10000x1xf32>
    tpu.vector_store %arg5[%swap3A_17, %swap3A_18], %rsqrt3A_14 {strides = array<i32>} : memref<10000x1xf32, #tpu.memory_space<vmem>>, vector<10000x1xf32>,
    %get3A_20 = arith.constant 0 : index
    %get3A_21 = arith.constant 0 : index
    %get3A_22 = vector.load %arg0[%get3A_20, %get3A_21] : memref<10000x128xf32, #tpu.memory_space<vmem>>, vector<10000x128xf32>
    %mul3A = vector.broadcast %rsqrt3A : vector<10000x1xf32> to vector<10000x128xf32>
    %mul3A_23 = arith.mulf %get3A_22, %mul3A : vector<10000x128xf32>
    %swap3A_24 = arith.constant 0 : index
    %swap3A_25 = arith.constant 0 : index
    %swap3A_26 = vector.load %arg3[%swap3A_24, %swap3A_25] : memref<10008x128xf32, #tpu.memory_space<vmem>>, vector<10000x128xf32>
    tpu.vector_store %arg3[%swap3A_24, %swap3A_25], %mul3A_23 {strides = array<i32>} : memref<10008x128xf32, #tpu.memory_space<vmem>>, vector<10000x128xf32>,
    %broadcast_in_dim3A_27 = arith.constant 0.000000e+00 : f32
    %broadcast_in_dim3A_28 = vector.broadcast %broadcast_in_dim3A_27 : f32 to vector<8x128xf32>
    %swap3A_29 = arith.constant 10000 : index
    %swap3A_30 = arith.constant 0 : index
    %swap3A_31 = vector.load %arg3[%swap3A_29, %swap3A_30] : memref<10008x128xf32, #tpu.memory_space<vmem>>, vector<8x128xf32>
    tpu.vector_store %arg3[%swap3A_29, %swap3A_30], %broadcast_in_dim3A_28 {strides = array<i32>} : memref<10008x128xf32, #tpu.memory_space<vmem>>, vector<8x128xf32>,
    return
  }
}

module attributes {stable_mosaic.version = 14 : i64} {
  func.func @f(%arg0: memref<10000x128xf32, #tpu.memory_space<vmem>>, %arg1: memref<10000x128xf32, #tpu.memory_space<vmem>>, %arg2: memref<10000x1xf32, #tpu.memory_space<vmem>>, %arg3: memref<10000x1xf32, #tpu.memory_space<vmem>>, %arg4: memref<128x128xf32, #tpu.memory_space<vmem>>, %arg5: memref<1x128xf32, #tpu.memory_space<vmem>>, %arg6: memref<10008x128xf32, #tpu.memory_space<vmem>>) attributes {dimension_semantics = [], scalar_prefetch = 0 : i64, scratch_operands = 0 : i64, tpu.core_type = #tpu.core_type<tc>} {
    %get3A = arith.constant 0 : index
    %get3A_0 = arith.constant 0 : index
    %get3A_1 = vector.load %arg0[%get3A, %get3A_0] : memref<10000x128xf32, #tpu.memory_space<vmem>>, vector<10000x128xf32>
    %get3A_2 = arith.constant 0 : index
    %get3A_3 = arith.constant 0 : index
    %get3A_4 = vector.load %arg1[%get3A_2, %get3A_3] : memref<10000x128xf32, #tpu.memory_space<vmem>>, vector<10000x128xf32>
    %add3A = arith.addf %get3A_1, %get3A_4 : vector<10000x128xf32>
    %get3A_5 = arith.constant 0 : index
    %get3A_6 = arith.constant 0 : index
    %get3A_7 = vector.load %arg2[%get3A_5, %get3A_6] : memref<10000x1xf32, #tpu.memory_space<vmem>>, vector<10000x1xf32>
    %mul3A = vector.broadcast %get3A_7 : vector<10000x1xf32> to vector<10000x128xf32>
    %mul3A_8 = arith.mulf %add3A, %mul3A : vector<10000x128xf32>
    %get3A_9 = arith.constant 0 : index
    %get3A_10 = arith.constant 0 : index
    %get3A_11 = vector.load %arg4[%get3A_9, %get3A_10] : memref<128x128xf32, #tpu.memory_space<vmem>>, vector<128x128xf32>
    %dot_general3A = arith.constant dense<0.000000e+00> : vector<10000x128xf32>
    %dot_general3A_12 = tpu.matmul %mul3A_8, %get3A_11, %dot_general3A {dimension_numbers = #tpu.dot_dimension_numbers<[1], [0], [0], [1], [0, 0, 1, 1], [], []>, transpose_lhs_hint = false} : vector<10000x128xf32>, vector<128x128xf32>, vector<10000x128xf32> -> vector<10000x128xf32>
    %get3A_13 = arith.constant 0 : index
    %get3A_14 = arith.constant 0 : index
    %get3A_15 = vector.load %arg5[%get3A_13, %get3A_14] : memref<1x128xf32, #tpu.memory_space<vmem>>, vector<1x128xf32>
    %add3A_16 = vector.broadcast %get3A_15 : vector<1x128xf32> to vector<10000x128xf32>
    %add3A_17 = arith.addf %dot_general3A_12, %add3A_16 : vector<10000x128xf32>
    %get3A_18 = arith.constant 0 : index
    %get3A_19 = arith.constant 0 : index
    %get3A_20 = vector.load %arg3[%get3A_18, %get3A_19] : memref<10000x1xf32, #tpu.memory_space<vmem>>, vector<10000x1xf32>
    %mul3A_21 = vector.broadcast %get3A_20 : vector<10000x1xf32> to vector<10000x128xf32>
    %mul3A_22 = arith.mulf %add3A_17, %mul3A_21 : vector<10000x128xf32>
    %swap3A = arith.constant 0 : index
    %swap3A_23 = arith.constant 0 : index
    %swap3A_24 = vector.load %arg6[%swap3A, %swap3A_23] : memref<10008x128xf32, #tpu.memory_space<vmem>>, vector<10000x128xf32>
    tpu.vector_store %arg6[%swap3A, %swap3A_23], %mul3A_22 {strides = array<i32>} : memref<10008x128xf32, #tpu.memory_space<vmem>>, vector<10000x128xf32>,
    %broadcast_in_dim3A = arith.constant 0.000000e+00 : f32
    %broadcast_in_dim3A_25 = vector.broadcast %broadcast_in_dim3A : f32 to vector<8x128xf32>
    %swap3A_26 = arith.constant 10000 : index
    %swap3A_27 = arith.constant 0 : index
    %swap3A_28 = vector.load %arg6[%swap3A_26, %swap3A_27] : memref<10008x128xf32, #tpu.memory_space<vmem>>, vector<8x128xf32>
    tpu.vector_store %arg6[%swap3A_26, %swap3A_27], %broadcast_in_dim3A_25 {strides = array<i32>} : memref<10008x128xf32, #tpu.memory_space<vmem>>, vector<8x128xf32>,
    return
  }
}

module attributes {stable_mosaic.version = 14 : i64} {
  func.func @f(%arg0: memref<10000x128xf32, #tpu.memory_space<vmem>>, %arg1: memref<10000x128xf32, #tpu.memory_space<vmem>>, %arg2: memref<10000x1xf32, #tpu.memory_space<vmem>>, %arg3: memref<128x128xf32, #tpu.memory_space<vmem>>, %arg4: memref<1x128xf32, #tpu.memory_space<vmem>>, %arg5: memref<10008x128xf32, #tpu.memory_space<vmem>>) attributes {dimension_semantics = [], scalar_prefetch = 0 : i64, scratch_operands = 0 : i64, tpu.core_type = #tpu.core_type<tc>} {
    %get3A = arith.constant 0 : index
    %get3A_0 = arith.constant 0 : index
    %get3A_1 = vector.load %arg0[%get3A, %get3A_0] : memref<10000x128xf32, #tpu.memory_space<vmem>>, vector<10000x128xf32>
    %get3A_2 = arith.constant 0 : index
    %get3A_3 = arith.constant 0 : index
    %get3A_4 = vector.load %arg1[%get3A_2, %get3A_3] : memref<10000x128xf32, #tpu.memory_space<vmem>>, vector<10000x128xf32>
    %add3A = arith.addf %get3A_1, %get3A_4 : vector<10000x128xf32>
    %get3A_5 = arith.constant 0 : index
    %get3A_6 = arith.constant 0 : index
    %get3A_7 = vector.load %arg2[%get3A_5, %get3A_6] : memref<10000x1xf32, #tpu.memory_space<vmem>>, vector<10000x1xf32>
    %mul3A = vector.broadcast %get3A_7 : vector<10000x1xf32> to vector<10000x128xf32>
    %mul3A_8 = arith.mulf %add3A, %mul3A : vector<10000x128xf32>
    %get3A_9 = arith.constant 0 : index
    %get3A_10 = arith.constant 0 : index
    %get3A_11 = vector.load %arg3[%get3A_9, %get3A_10] : memref<128x128xf32, #tpu.memory_space<vmem>>, vector<128x128xf32>
    %dot_general3A = arith.constant dense<0.000000e+00> : vector<10000x128xf32>
    %dot_general3A_12 = tpu.matmul %mul3A_8, %get3A_11, %dot_general3A {dimension_numbers = #tpu.dot_dimension_numbers<[1], [0], [0], [1], [0, 0, 1, 1], [], []>, transpose_lhs_hint = false} : vector<10000x128xf32>, vector<128x128xf32>, vector<10000x128xf32> -> vector<10000x128xf32>
    %get3A_13 = arith.constant 0 : index
    %get3A_14 = arith.constant 0 : index
    %get3A_15 = vector.load %arg4[%get3A_13, %get3A_14] : memref<1x128xf32, #tpu.memory_space<vmem>>, vector<1x128xf32>
    %add3A_16 = vector.broadcast %get3A_15 : vector<1x128xf32> to vector<10000x128xf32>
    %add3A_17 = arith.addf %dot_general3A_12, %add3A_16 : vector<10000x128xf32>
    %mul3A_18 = arith.mulf %add3A_17, %add3A_17 : vector<10000x128xf32>
    %reduce_sum3A = arith.constant dense<0.000000e+00> : vector<10000xf32>
    %reduce_sum3A_19 = vector.multi_reduction <add>, %mul3A_18, %reduce_sum3A [1] : vector<10000x128xf32> to vector<10000xf32>
    %broadcast_in_dim3A = vector.shape_cast %reduce_sum3A_19 : vector<10000xf32> to vector<10000x1xf32>
    %sqrt3A = math.sqrt %broadcast_in_dim3A : vector<10000x1xf32>
    %max3A = arith.constant 9.99999993E-9 : f32
    %max3A_20 = vector.broadcast %max3A : f32 to vector<10000x1xf32>
    %max3A_21 = arith.maximumf %sqrt3A, %max3A_20 : vector<10000x1xf32>
    %div3A = vector.broadcast %max3A_21 : vector<10000x1xf32> to vector<10000x128xf32>
    %div3A_22 = arith.divf %add3A_17, %div3A : vector<10000x128xf32>
    %swap3A = arith.constant 0 : index
    %swap3A_23 = arith.constant 0 : index
    %swap3A_24 = vector.load %arg5[%swap3A, %swap3A_23] : memref<10008x128xf32, #tpu.memory_space<vmem>>, vector<10000x128xf32>
    tpu.vector_store %arg5[%swap3A, %swap3A_23], %div3A_22 {strides = array<i32>} : memref<10008x128xf32, #tpu.memory_space<vmem>>, vector<10000x128xf32>,
    %broadcast_in_dim3A_25 = arith.constant 0.000000e+00 : f32
    %broadcast_in_dim3A_26 = vector.broadcast %broadcast_in_dim3A_25 : f32 to vector<8x128xf32>
    %swap3A_27 = arith.constant 10000 : index
    %swap3A_28 = arith.constant 0 : index
    %swap3A_29 = vector.load %arg5[%swap3A_27, %swap3A_28] : memref<10008x128xf32, #tpu.memory_space<vmem>>, vector<8x128xf32>
    tpu.vector_store %arg5[%swap3A_27, %swap3A_28], %broadcast_in_dim3A_26 {strides = array<i32>} : memref<10008x128xf32, #tpu.memory_space<vmem>>, vector<8x128xf32>,
    return
  }
}

module attributes {stable_mosaic.version = 14 : i64} {
  func.func @f(%arg0: memref<40192x128xf32, #tpu.memory_space<vmem>>, %arg1: memref<128x8xf32, #tpu.memory_space<vmem>>, %arg2: memref<40192x8xf32, #tpu.memory_space<vmem>>) attributes {dimension_semantics = [], scalar_prefetch = 0 : i64, scratch_operands = 0 : i64, tpu.core_type = #tpu.core_type<tc>} {
    %get3A = arith.constant 0 : index
    %get3A_0 = arith.constant 0 : index
    %get3A_1 = vector.load %arg0[%get3A, %get3A_0] : memref<40192x128xf32, #tpu.memory_space<vmem>>, vector<40192x128xf32>
    %get3A_2 = arith.constant 0 : index
    %get3A_3 = arith.constant 0 : index
    %get3A_4 = vector.load %arg1[%get3A_2, %get3A_3] : memref<128x8xf32, #tpu.memory_space<vmem>>, vector<128x8xf32>
    %dot_general3A = arith.constant dense<0.000000e+00> : vector<40192x8xf32>
    %dot_general3A_5 = tpu.matmul %get3A_1, %get3A_4, %dot_general3A {dimension_numbers = #tpu.dot_dimension_numbers<[1], [0], [0], [1], [0, 0, 1, 1], [], []>, transpose_lhs_hint = false} : vector<40192x128xf32>, vector<128x8xf32>, vector<40192x8xf32> -> vector<40192x8xf32>
    %swap3A = arith.constant 0 : index
    %swap3A_6 = arith.constant 0 : index
    %swap3A_7 = vector.load %arg2[%swap3A, %swap3A_6] : memref<40192x8xf32, #tpu.memory_space<vmem>>, vector<40192x8xf32>
    tpu.vector_store %arg2[%swap3A, %swap3A_6], %dot_general3A_5 {strides = array<i32>} : memref<40192x8xf32, #tpu.memory_space<vmem>>, vector<40192x8xf32>,
    return
  }
}

</mosaic_0001>

<sc_bundles>
// kernel: kernel.10.cloned.1.call-start
scs
__scs_entry_jumppad:
0x0: {  	(pc) =	sbr.rel $0x88, $3  }
0x1: {  	(tag) =	ssettag $0x0;
	lr =	simm.s32 $0x1  }
0x2: {  	[smem:$0x3F9B] =	sst lr;
	_ =	strace $0xD0000000  }
0x3: {  	_ = 	snop  }
0x4: {  	_ = 	snop  }
0x5: {  	_ = 	snop  }
0x6: {  	_ = 	snop  }
0x7: {  	_ = 	snop  }
__scs_overlays_trampoline_lowered:
0x8: {  	[smem:$0x3FAA] =	sst s0  }
0x9: {  	[smem:$0x3FAB] =	sst s1  }
0xa: {  	[smem:$0x3FAC] =	sst s2  }
0xb: {  	[smem:$0x3FAD] =	sst s3  }
0xc: {  	[smem:$0x3FAE] =	sst s4  }
0xd: {  	[smem:$0x3FAF] =	sst s5  }
0xe: {  	[smem:$0x3FB0] =	sst s6  }
0xf: {  	[smem:$0x3FB1] =	sst s7  }
0x10: {  	[smem:$0x3FB2] =	sst s8  }
0x11: {  	[smem:$0x3FB3] =	sst s9;
	s0 =	simm.s32 @!p0 $0x0  }
0x12: {  	s1 =	sld [smem:$0x3F99];
	s0 =	simm.s32 @p0 $0x1  }
0x13: {  	[smem:$0x3FB4] =	sst s0;
	s0 =	simm.s32 @!p1 $0x0  }
0x14: {  	s2 =	sld [smem:$0x3F98];
	s0 =	simm.s32 @p1 $0x1  }
0x15: {  	[smem:$0x3FB5] =	sst s0;
	s0 =	simm.s32 @!p2 $0x0  }
0x16: {  	s3 =	sld [smem:$0x3FDB];
	s0 =	simm.s32 @p2 $0x1  }
0x17: {  	s4 =	simm.s32 $0x1BF5;
	[smem:$0x3FB7] =	sst s0  }
0x18: {  	s0 =	sld [smem:$0x3F9A];
	_ =	swait.ge [sflag:s4], $0x0  }
0x19: {  	s7 =	sld [smem:$0x3F9B]  }
0x1a: {  	s8 =	sadd.s32 $0xFFFFE003, lr  }
0x1b: {  	s9 =	sadd.s32 $0xFFFFFEF7, lr;
	s5 =	simm.s32 $0xFFFFFFFF;
	p2 =	slt.u32 s8, $0xFFFFF086  }
0x1c: {  	p1 =	slt.u32 s9, $0xF7A;
	s5 =	simm.s32 @!p2 $0x0  }
0x1d: {  	s5 =	simm.s32 @p1 $0x1;
	p0 =	seq.s32 s7, s2  }
0x1e: {  	s7 =	smul.u32 @!p0 $0xF7A, s2;
	p2 =	seq.s32 @!p0 s5, $0x0  }
0x1f: {  	s9 =	smul.u32 $0xF7A, s1;
	s8 =	simm.s32 @!p0 $0x1BF5;
	p2 =	por !p2, p0  }
0x20: {  	[sflag:s8] =	ssyncset.s32 @!p0 $0xFFFFF086;
	s6 =	sadd.s32 @!p0 s3, s7;
	s7 =	simm.s32 @!p0 $0x108  }
0x21: {  	s3 =	sadd.s32 s3, s9;
	s6 =	sadd.s32 @!p0 $0x88, s6;
	s7 =	simm.s32 @p2 $0x1082  }
0x22: {  	[simem:s7], [sflag:s8] =	dma.local @!p0 [hbm:s6], $0xF7A  }
0x23: {  	s9 =	sor.u32 $0xD0000000, s2;
	s6 =	simm.s32 $0x108;
	_ =	swait.ge @!p0 [sflag:s8], $0x0  }
0x24: {  	s3 =	sadd.s32 $0x88, s3;
	s6 =	simm.s32 @!p1 $0x1082;
	[sflag:s4] =	ssyncset.s32 $0xFFFFF086  }
0x25: {  	[simem:s6], [sflag:s4] =	dma.local [hbm:s3], $0xF7A  }
0x26: {  	[smem:$0x3F9B] =	sst s1;
	(tag) =	ssettag s2;
	_ =	strace s9  }
0x27: {  	s1 =	sld [smem:$0x3FAB]  }
0x28: {  	s2 =	sld [smem:$0x3FAC]  }
0x29: {  	s4 =	sld [smem:$0x3FAE]  }
0x2a: {  	p0 =	seq.s32 s5, $0x0;
	s5 =	sld [smem:$0x3FAF]  }
0x2b: {  	s6 =	sld [smem:$0x3FB0]  }
0x2c: {  	s7 =	sld [smem:$0x3FB1]  }
0x2d: {  	s3 =	simm.s32 $0x108;
	s8 =	sld [smem:$0x3FB2]  }
0x2e: {  	s3 =	simm.s32 @!p0 $0x1082;
	s9 =	sld [smem:$0x3FB3]  }
0x2f: {  	lr =	sadd.s32 s0, s3;
	s0 =	sld [smem:$0x3FAA]  }
0x30: {  	s3 =	sld [smem:$0x3FAD]  }
0x31: {  	[smem:$0x3FB6] =	sst s10  }
0x32: {  	s10 =	sld [smem:$0x3FB4];
	_ =	sdelay $0x3  }
0x33: {  	p0 =	seq.s32 s10, $0x1;
	s10 =	sld [smem:$0x3FB6];
	_ =	sdelay $0x3  }
0x34: {  	[smem:$0x3FB6] =	sst s10  }
0x35: {  	s10 =	sld [smem:$0x3FB5];
	_ =	sdelay $0x3  }
0x36: {  	p1 =	seq.s32 s10, $0x1;
	s10 =	sld [smem:$0x3FB6];
	_ =	sdelay $0x3  }
0x37: {  	[smem:$0x3FB6] =	sst s10  }
0x38: {  	s10 =	sld [smem:$0x3FB7]  }
0x39: {  	_ = 	snop;
	(pc) =	sbr.ind lr, $3  }
0x3a: {  	_ = 	snop  }
0x3b: {  	_ = 	snop  }
0x3c: {  	p2 =	seq.s32 s10, $0x1;
	s10 =	sld [smem:$0x3FB6]  }
0x3d: {  	_ =	shalt  }
0x3e: {  	_ =	shalt  }
0x3f: {  	_ =	shalt  }
0x40: {  	_ =	shalt  }
0x41: {  	_ =	shalt  }
0x42: {  	_ =	shalt  }
0x43: {  	_ =	shalt  }
0x44: {  	_ =	shalt  }
0x45: {  	_ =	shalt  }
0x46: {  	_ =	shalt  }
0x47: {  	_ =	shalt  }
0x48: {  	_ =	shalt  }
0x49: {  	_ =	shalt  }
0x4a: {  	_ =	shalt  }
0x4b: {  	_ =	shalt  }
0x4c: {  	_ =	shalt  }
0x4d: {  	_ =	shalt  }
0x4e: {  	_ =	shalt  }
0x4f: {  	_ =	shalt  }
0x50: {  	_ =	shalt  }
0x51: {  	_ =	shalt  }
0x52: {  	_ =	shalt  }
0x53: {  	_ =	shalt  }
0x54: {  	_ =	shalt  }
0x55: {  	_ =	shalt  }
0x56: {  	_ =	shalt  }
0x57: {  	_ =	shalt  }
0x58: {  	_ =	shalt  }
0x59: {  	_ =	shalt  }
0x5a: {  	_ =	shalt  }
0x5b: {  	_ =	shalt  }
0x5c: {  	_ =	shalt  }
0x5d: {  	_ =	shalt  }
0x5e: {  	_ =	shalt  }
0x5f: {  	_ =	shalt  }
0x60: {  	_ =	shalt  }
0x61: {  	_ =	shalt  }
0x62: {  	_ =	shalt  }
0x63: {  	_ =	shalt  }
0x64: {  	_ =	shalt  }
0x65: {  	_ =	shalt  }
0x66: {  	_ =	shalt  }
0x67: {  	_ =	shalt  }
0x68: {  	_ =	shalt  }
0x69: {  	_ =	shalt  }
0x6a: {  	_ =	shalt  }
0x6b: {  	_ =	shalt  }
0x6c: {  	_ =	shalt  }
0x6d: {  	_ =	shalt  }
0x6e: {  	_ =	shalt  }
0x6f: {  	_ =	shalt  }
0x70: {  	_ =	shalt  }
0x71: {  	_ =	shalt  }
0x72: {  	_ =	shalt  }
0x73: {  	_ =	shalt  }
0x74: {  	_ =	shalt  }
0x75: {  	_ =	shalt  }
0x76: {  	_ =	shalt  }
0x77: {  	_ =	shalt  }
0x78: {  	_ =	shalt  }
0x79: {  	_ =	shalt  }
0x7a: {  	_ =	shalt  }
0x7b: {  	_ =	shalt  }
0x7c: {  	_ =	shalt  }
0x7d: {  	_ =	shalt  }
0x7e: {  	_ =	shalt  }
0x7f: {  	_ =	shalt  }
0x80: {  	_ =	shalt  }
0x81: {  	_ =	shalt  }
0x82: {  	_ =	shalt  }
0x83: {  	_ =	shalt  }
0x84: {  	_ =	shalt  }
0x85: {  	_ =	shalt  }
0x86: {  	_ =	shalt  }
0x87: {  	_ =	shalt  }
.Lfunc_end0:
.L_simem_size_0:
called_computation_lowered:
.L_overlay_start_0:
0x88: {  	s2 =	sld [smem:$0x3FD9]  }
0x89: {  	s3 =	sld [smem:$0x3FFE];
	_ =	sdelay $0x1  }
0x8a: {  	s1 =	srdreg.scid  }
0x8b: {  	s0 =	sand.u32 $0x1, s1  }
0x8c: {  	s17 =	sshll.u32 s0, $0xA;
	s2 =	sadd.s32 s3, s2  }
0x8d: {  	s2 =	sadd.s32 s2, s17  }
0x8e: {  	[smem:$0x3FC2] =	sst s2  }
0x8f: {  	_ = 	snop  }
0x90: {  	s2 =	sld [smem:$0x3FD0];
	(tm) =	ssettm $0x1  }
0x91: {  	s18 =	sld [smem:$0x3FFB];
	_ =	sdelay $0x3  }
0x92: {  	_ =	strace s18  }
0x93: {  	s3 =	sld [smem:$0x3FFC];
	_ =	sdelay $0x3  }
0x94: {  	_ =	strace s3  }
0x95: {  	s3 =	sld [smem:$0x3FFD];
	_ =	sdelay $0x3  }
0x96: {  	_ =	strace s3  }
0x97: {  	_ =	strace $0x8FFFFFFF  }
0x98: {  	s19 =	sld [smem:$0x3FDB];
	_ =	sdelay $0x1  }
0x99: {  	s4 =	simm.s32 $_scs_section_size  }
0x9a: {  	s5 =	simm.s32 $_size__tile_overlayer_lowered;
	s6 =	simm.s32 $_tile_overlayer_lowered  }
0x9b: {  	s22 =	simm.s32 $0x1BFF;
	s21 =	sshll.u32 s6, $0x1;
	s3 =	sadd.s32 s4, s19  }
0x9c: {  	s7 =	simm.s32 $0x0;
	s20 =	sshll.u32 s5, $0x1;
	s5 =	sadd.s32 s21, s3  }
0x9d: {  	[timem:s7], [sflag:s22] =	dma.local [hbm:s5], s20  }
0x9e: {  	_ =	swait.ge [sflag:s22], s20  }
0x9f: {  	s4 =	ssub.s32 $0x0, s20;
	[sflag:s22] =	ssyncset.done $0x0  }
0xa0: {  	[sflag:s22] =	ssyncadd.s32 s4;
	_ =	sdelay $0x1  }
0xa1: {  	s23 =	simm.s32 $0x1B8B  }
0xa2: {  	_ =	swait.ge [sflag:s23], $0x1  }
0xa3: {  	[sflag:s23] =	ssyncset.done $0x0  }
0xa4: {  	s25 =	simm.s32 $0x1B8E;
	s24 =	sld [smem:$0x3FFE];
	[sflag:s23] =	ssyncadd.s32 $0xFFFFFFFF  }
0xa5: {  	s26 =	simm.s32 $execute0_lowered;
	[smem:$0x3FD2] =	sst s25  }
0xa6: {  	s5 =	sshll.u32 s26, $0x1;
	_ =	strace $0x80000046;
	[dreg:$0x1] =	wrdreg $0xFFFFFFFF  }
0xa7: {  	s28 =	simm.s32 $_size_execute0_lowered;
	s3 =	sadd.s32 s3, s5;
	[dreg:$0x0] =	wrdreg $0x0  }
0xa8: {  	s5 =	sshll.u32 s28, $0x1;
	[dreg:$0x2] =	wrdreg s3  }
0xa9: {  	[dreg:$0x3] =	wrdreg s5  }
0xaa: {  	[dreg:$0x4] =	wrdreg $0xC0  }
0xab: {  	_ =	task [dreg:s7], $0x5FFFF  }
0xac: {  	[dreg:$0x1] =	wrdreg $0xFFFFFFFF  }
0xad: {  	[dreg:$0x0] =	wrdreg $0x60  }
0xae: {  	[dreg:$0x2] =	wrdreg s24  }
0xaf: {  	[dreg:$0x3] =	wrdreg s2  }
0xb0: {  	[dreg:$0x4] =	wrdreg $0x9  }
0xb1: {  	_ =	task.clear_ibuf [dreg:s7], $0x5FFFF;
	_ =	strace $0x90000046  }
0xb2: {  	s29 =	simm.s32 $0x9;
	_ =	strace $0x80000048  }
0xb3: {  	_ =	swait.ge [sflag:s29], $0x1  }
0xb4: {  	[sflag:s29] =	ssyncadd.s32 $0xFFFFFFFF  }
0xb5: {  	_ =	strace $0x90000048  }
0xb6: {  	_ =	sfence  }
0xb7: {  	s30 =	sld [smem:$0x0];
	_ =	sdelay $0x2  }
0xb8: {  	s31 =	sshll.u32 s1, $0xD;
	s1 =	sshrl.u32 s1, $0x2  }
0xb9: {  	s3 =	sand.u32 $0x4000, s31;
	s1 =	sadd.s32 s1, s30  }
0xba: {  	s0 =	sor.u32 s3, s0;
	s1 =	sshll.u32 s1, $0x11  }
0xbb: {  	s0 =	sor.u32 s1, s0  }
0xbc: {  	s0 =	sadd.s32 $0x8F2B, s0  }
0xbd: {  	[sflag:s0] =	ssyncadd.remote.s32 $0x1  }
0xbe: {  	_ =	sfence.sel $0xFFFF  }
0xbf: {  	[dreg:$0x0] =	wrdreg $0xFFFFFFFF;
	(pc) =	sbr.abs _section_cstart, $3  }
0xc0: {  	[dreg:$0x1] =	wrdreg $0xFFFFFFFF  }
0xc1: {  	_ =	task.clear_ibuf [dreg:s7], $0x2FFFF;
	_ =	strace $0x9FFFFFFF  }
0xc2: {  	(tm) =	ssettm $0x7FFFFFFF  }
0xc3: {  	_ =	shalt  }
tec
execute0_lowered:
.L_overlay_start_1:
0x0: {  	(tag) =	ssettag $0x1  }
0x1: {  	s4 =	rddreg [dreg:$0x0]  }
0x2: {  	s0 =	srdreg.scid;
	s5 =	rddreg [dreg:$0x1]  }
0x3: {  	s2 =	simm.s32 $0x0;
	s10 =	simm.s32 $0x1;
	s3 =	sand.u32 $0x1, s0  }
0x4: {  	s11 =	simm.s32 $0x7680;
	s0 =	stileid.u32;
	s1 =	sshll.u32 s3, $0x4  }
0x5: {  	s12 =	simm.s32 $0x2780;
	s13 =	simm.s32 $0x0;
	s6 =	sor.u32 s0, s1  }
0x6: {  	[smem:$0x7FF] =	sst s2;
	s7 =	ssub.s32 $0x2, s3;
	s6 =	smul.u32 $0x4E2, s6  }
0x7: {  	s3 =	sadd.s32 $0xC800, s4;
	s1 =	rddreg [dreg:$0x2];
	s9 =	sshrl.u32 s7, $0x1  }
0x8: {  	_ =	strace $0x80000047;
	s9 =	ssub.s32 s7, s9;
	s8 =	sadd.s32 s6, s4  }
0x9: {  	s5 =	sadd.s32 s5, s6;
	s4 =	sadd.s32 $0x2A00, s8;
	s6 =	sadd.s32 $0xCE00, s8  }
0xa: {  	v0 =	vimm.f32 $1.000000000e+00;
	s7 =	sadd.s32 $0x16C00, s8;
	s8 =	smax.u32 s9, $0x1;
	s9 =	simm.s32 $0x4F00  }
.LBB2_1:
0xb: {  	[tilespmem:s9], [sflag:$0x1] =	stream.linear.gather [hbm4b:s3+s2], $0x2780, $0x38;
	[tilespmem:$0x9E00] =	vst v63  }
0xc: {  	_ =	swait.ge [sflag:s10], $0x2780  }
0xd: {  	[sflag:s10] =	ssyncset.done $0x0  }
0xe: {  	[sflag:s10] =	ssyncadd.s32 $0xFFFFD880  }
0xf: {  	[tilespmem:s11], [sflag:$0x1] =	stream.linear.gather [hbm4b:s3+s2], $0x2780, $0x38;
	[tilespmem:$0x9E00] =	vst v63  }
0x10: {  	_ =	swait.ge [sflag:s10], $0x2780  }
0x11: {  	[sflag:s10] =	ssyncset.done $0x0  }
0x12: {  	[sflag:s10] =	ssyncadd.s32 $0xFFFFD880  }
0x13: {  	[tilespmem:s2], [sflag:$0x1] =	stream.linear.gather [hbm4b:s4+s2], $0x2710, $0x38;
	[tilespmem:$0x9E00] =	vst v63  }
0x14: {  	_ =	swait.ge [sflag:s10], $0x2710  }
0x15: {  	[sflag:s10] =	ssyncset.done $0x0  }
0x16: {  	[sflag:s10] =	ssyncadd.s32 $0xFFFFD8F0  }
0x17: {  	[tilespmem:s12], [sflag:$0x1] =	stream.linear.gather [hbm4b:s5+s2], $0x2710, $0x38;
	[tilespmem:$0x9E00] =	vst v63  }
0x18: {  	_ =	swait.ge [sflag:s10], $0x2710  }
0x19: {  	[sflag:s10] =	ssyncset.done $0x0  }
0x1a: {  	s15 =	simm.s32 $0x0;
	s14 =	simm.s32 $0x40;
	[sflag:s10] =	ssyncadd.s32 $0xFFFFD8F0  }
.LBB2_2:
0x1b: {  	p0 =	sne.s32 s14, $0x9C00;
	v1 =	vld [tilespmem:s15+$0x0];
	_ =	sdelay $0x7  }
0x1c: {  	[tilespmem:v1+s9+$0x0] =	vst.idx.add.f32.msk $0xffff, v0  }
0x1d: {  	v1 =	vld [tilespmem:s15+$0x2780];
	_ =	sdelay $0x3  }
.Ltmp0:
0x1e: {  	(pc) =	sbr.rel @p0 .LBB2_2-.Ltmp0, $2  }
0x1f: {  	_ =	sdelay $0x2  }
0x20: {  	s15 =	sshra.s32 s14, $0x2;
	s14 =	sadd.s32 $0x40, s14;
	[tilespmem:v1+s11+$0x0] =	vst.idx.add.f32.msk $0xffff, v0  }
0x21: {  	v1 =	vld [tilespmem:s15+$0x0];
	_ =	sdelay $0x7  }
0x22: {  	[tilespmem:v1+s9+$0x0] =	vst.idx.add.f32.msk $0xffff, v0  }
0x23: {  	v1 =	vld [tilespmem:s15+$0x2780];
	_ =	sdelay $0x7  }
0x24: {  	[tilespmem:v1+s11+$0x0] =	vst.idx.add.f32.msk $0xffff, v0  }
0x25: {  	[hbm4b:s6+s2] =	stream.linear.scatter [tilespmem:s9], [sflag:$0x1], $0x2710, $0x38;
	[tilespmem:$0x9E00] =	vst v63  }
0x26: {  	s13 =	sadd.s32 $0x1, s13;
	_ =	swait.ge [sflag:s10], $0x2710  }
0x27: {  	p0 =	sne.s32 s13, s8;
	[sflag:s10] =	ssyncset.done $0x0  }
.Ltmp1:
0x28: {  	[sflag:s10] =	ssyncadd.s32 $0xFFFFD8F0;
	(pc) =	sbr.rel @p0 .LBB2_1-.Ltmp1, $4  }
0x29: {  	[hbm4b:s7+s2] =	stream.linear.scatter [tilespmem:s11], [sflag:$0x1], $0x2710, $0x38;
	[tilespmem:$0x9E00] =	vst v63  }
0x2a: {  	_ =	swait.ge [sflag:s10], $0x2710  }
0x2b: {  	[sflag:s10] =	ssyncset.done $0x0  }
0x2c: {  	[sflag:s10] =	ssyncadd.s32 $0xFFFFD8F0  }
0x2d: {  	_ =	sfence.sel $0x180000  }
0x2e: {  	[bflag:$0x0] =	sbarrier.arrive $0xFFFF  }
0x2f: {  	p0 =	sne.s32 s0, $0x0;
	_ =	strace $0x90000047  }
0x30: {  	s0 =	sadd.s32 @!p0 $0x100000, s1;
	[bflag:$0x2] =	sbarrier.arrive $0xFFFF  }
0x31: {  	[sflag:s0] =	ssyncadd.tile.s32 @!p0 $0x1;
	_ =	shalt  }
.Lfunc_end2:
_tile_overlayer_lowered:
.L_overlay_start_2:
0x32: {  	(tag) =	ssettag $0x2  }
0x33: {  	s0 =	rddreg [dreg:$0x0];
	s2 =	stileid.u32  }
0x34: {  	s1 =	rddreg [dreg:$0x1];
	p0 =	sne.s32 s2, $0x0  }
0x35: {  	s3 =	rddreg [dreg:$0x2];
	[bflag:$0x3] =	sbarrier.arrive $0xFFFF;
	s2 =	simm.s32 @!p0 $0x1C01  }
0x36: {  	[timem:s3], [sflag:s2] =	dma.local @!p0 [hbm:s0], s1  }
0x37: {  	s0 =	simm.s32 @!p0 $0x1  }
0x38: {  	_ =	swait.ge @!p0 [sflag:s0], s1  }
0x39: {  	s1 =	ssub.s32 @!p0 $0x0, s1;
	[sflag:s0] =	ssyncset.done @!p0 $0x0  }
0x3a: {  	[sflag:s0] =	ssyncadd.s32 @!p0 s1  }
0x3b: {  	[bflag:$0x3] =	sbarrier.arrive $0xFFFF  }
0x3c: {  	_ =	shalt  }

// kernel: kernel.13.cloned.1.call-start
scs
__scs_entry_jumppad:
0x0: {  	(pc) =	sbr.rel $0x88, $3  }
0x1: {  	(tag) =	ssettag $0x0;
	lr =	simm.s32 $0x1  }
0x2: {  	[smem:$0x3F9B] =	sst lr;
	_ =	strace $0xD0000000  }
0x3: {  	_ = 	snop  }
0x4: {  	_ = 	snop  }
0x5: {  	_ = 	snop  }
0x6: {  	_ = 	snop  }
0x7: {  	_ = 	snop  }
__scs_overlays_trampoline_lowered:
0x8: {  	[smem:$0x3FAA] =	sst s0  }
0x9: {  	[smem:$0x3FAB] =	sst s1  }
0xa: {  	[smem:$0x3FAC] =	sst s2  }
0xb: {  	[smem:$0x3FAD] =	sst s3  }
0xc: {  	[smem:$0x3FAE] =	sst s4  }
0xd: {  	[smem:$0x3FAF] =	sst s5  }
0xe: {  	[smem:$0x3FB0] =	sst s6  }
0xf: {  	[smem:$0x3FB1] =	sst s7  }
0x10: {  	[smem:$0x3FB2] =	sst s8  }
0x11: {  	[smem:$0x3FB3] =	sst s9;
	s0 =	simm.s32 @!p0 $0x0  }
0x12: {  	s1 =	sld [smem:$0x3F99];
	s0 =	simm.s32 @p0 $0x1  }
0x13: {  	[smem:$0x3FB4] =	sst s0;
	s0 =	simm.s32 @!p1 $0x0  }
0x14: {  	s2 =	sld [smem:$0x3F98];
	s0 =	simm.s32 @p1 $0x1  }
0x15: {  	[smem:$0x3FB5] =	sst s0;
	s0 =	simm.s32 @!p2 $0x0  }
0x16: {  	s3 =	sld [smem:$0x3FDB];
	s0 =	simm.s32 @p2 $0x1  }
0x17: {  	s4 =	simm.s32 $0x1BF5;
	[smem:$0x3FB7] =	sst s0  }
0x18: {  	s0 =	sld [smem:$0x3F9A];
	_ =	swait.ge [sflag:s4], $0x0  }
0x19: {  	s7 =	sld [smem:$0x3F9B]  }
0x1a: {  	s8 =	sadd.s32 $0xFFFFE003, lr  }
0x1b: {  	s9 =	sadd.s32 $0xFFFFFEF7, lr;
	s5 =	simm.s32 $0xFFFFFFFF;
	p2 =	slt.u32 s8, $0xFFFFF086  }
0x1c: {  	p1 =	slt.u32 s9, $0xF7A;
	s5 =	simm.s32 @!p2 $0x0  }
0x1d: {  	s5 =	simm.s32 @p1 $0x1;
	p0 =	seq.s32 s7, s2  }
0x1e: {  	s7 =	smul.u32 @!p0 $0xF7A, s2;
	p2 =	seq.s32 @!p0 s5, $0x0  }
0x1f: {  	s9 =	smul.u32 $0xF7A, s1;
	s8 =	simm.s32 @!p0 $0x1BF5;
	p2 =	por !p2, p0  }
0x20: {  	[sflag:s8] =	ssyncset.s32 @!p0 $0xFFFFF086;
	s6 =	sadd.s32 @!p0 s3, s7;
	s7 =	simm.s32 @!p0 $0x108  }
0x21: {  	s3 =	sadd.s32 s3, s9;
	s6 =	sadd.s32 @!p0 $0x88, s6;
	s7 =	simm.s32 @p2 $0x1082  }
0x22: {  	[simem:s7], [sflag:s8] =	dma.local @!p0 [hbm:s6], $0xF7A  }
0x23: {  	s9 =	sor.u32 $0xD0000000, s2;
	s6 =	simm.s32 $0x108;
	_ =	swait.ge @!p0 [sflag:s8], $0x0  }
0x24: {  	s3 =	sadd.s32 $0x88, s3;
	s6 =	simm.s32 @!p1 $0x1082;
	[sflag:s4] =	ssyncset.s32 $0xFFFFF086  }
0x25: {  	[simem:s6], [sflag:s4] =	dma.local [hbm:s3], $0xF7A  }
0x26: {  	[smem:$0x3F9B] =	sst s1;
	(tag) =	ssettag s2;
	_ =	strace s9  }
0x27: {  	s1 =	sld [smem:$0x3FAB]  }
0x28: {  	s2 =	sld [smem:$0x3FAC]  }
0x29: {  	s4 =	sld [smem:$0x3FAE]  }
0x2a: {  	p0 =	seq.s32 s5, $0x0;
	s5 =	sld [smem:$0x3FAF]  }
0x2b: {  	s6 =	sld [smem:$0x3FB0]  }
0x2c: {  	s7 =	sld [smem:$0x3FB1]  }
0x2d: {  	s3 =	simm.s32 $0x108;
	s8 =	sld [smem:$0x3FB2]  }
0x2e: {  	s3 =	simm.s32 @!p0 $0x1082;
	s9 =	sld [smem:$0x3FB3]  }
0x2f: {  	lr =	sadd.s32 s0, s3;
	s0 =	sld [smem:$0x3FAA]  }
0x30: {  	s3 =	sld [smem:$0x3FAD]  }
0x31: {  	[smem:$0x3FB6] =	sst s10  }
0x32: {  	s10 =	sld [smem:$0x3FB4];
	_ =	sdelay $0x3  }
0x33: {  	p0 =	seq.s32 s10, $0x1;
	s10 =	sld [smem:$0x3FB6];
	_ =	sdelay $0x3  }
0x34: {  	[smem:$0x3FB6] =	sst s10  }
0x35: {  	s10 =	sld [smem:$0x3FB5];
	_ =	sdelay $0x3  }
0x36: {  	p1 =	seq.s32 s10, $0x1;
	s10 =	sld [smem:$0x3FB6];
	_ =	sdelay $0x3  }
0x37: {  	[smem:$0x3FB6] =	sst s10  }
0x38: {  	s10 =	sld [smem:$0x3FB7]  }
0x39: {  	_ = 	snop;
	(pc) =	sbr.ind lr, $3  }
0x3a: {  	_ = 	snop  }
0x3b: {  	_ = 	snop  }
0x3c: {  	p2 =	seq.s32 s10, $0x1;
	s10 =	sld [smem:$0x3FB6]  }
0x3d: {  	_ =	shalt  }
0x3e: {  	_ =	shalt  }
0x3f: {  	_ =	shalt  }
0x40: {  	_ =	shalt  }
0x41: {  	_ =	shalt  }
0x42: {  	_ =	shalt  }
0x43: {  	_ =	shalt  }
0x44: {  	_ =	shalt  }
0x45: {  	_ =	shalt  }
0x46: {  	_ =	shalt  }
0x47: {  	_ =	shalt  }
0x48: {  	_ =	shalt  }
0x49: {  	_ =	shalt  }
0x4a: {  	_ =	shalt  }
0x4b: {  	_ =	shalt  }
0x4c: {  	_ =	shalt  }
0x4d: {  	_ =	shalt  }
0x4e: {  	_ =	shalt  }
0x4f: {  	_ =	shalt  }
0x50: {  	_ =	shalt  }
0x51: {  	_ =	shalt  }
0x52: {  	_ =	shalt  }
0x53: {  	_ =	shalt  }
0x54: {  	_ =	shalt  }
0x55: {  	_ =	shalt  }
0x56: {  	_ =	shalt  }
0x57: {  	_ =	shalt  }
0x58: {  	_ =	shalt  }
0x59: {  	_ =	shalt  }
0x5a: {  	_ =	shalt  }
0x5b: {  	_ =	shalt  }
0x5c: {  	_ =	shalt  }
0x5d: {  	_ =	shalt  }
0x5e: {  	_ =	shalt  }
0x5f: {  	_ =	shalt  }
0x60: {  	_ =	shalt  }
0x61: {  	_ =	shalt  }
0x62: {  	_ =	shalt  }
0x63: {  	_ =	shalt  }
0x64: {  	_ =	shalt  }
0x65: {  	_ =	shalt  }
0x66: {  	_ =	shalt  }
0x67: {  	_ =	shalt  }
0x68: {  	_ =	shalt  }
0x69: {  	_ =	shalt  }
0x6a: {  	_ =	shalt  }
0x6b: {  	_ =	shalt  }
0x6c: {  	_ =	shalt  }
0x6d: {  	_ =	shalt  }
0x6e: {  	_ =	shalt  }
0x6f: {  	_ =	shalt  }
0x70: {  	_ =	shalt  }
0x71: {  	_ =	shalt  }
0x72: {  	_ =	shalt  }
0x73: {  	_ =	shalt  }
0x74: {  	_ =	shalt  }
0x75: {  	_ =	shalt  }
0x76: {  	_ =	shalt  }
0x77: {  	_ =	shalt  }
0x78: {  	_ =	shalt  }
0x79: {  	_ =	shalt  }
0x7a: {  	_ =	shalt  }
0x7b: {  	_ =	shalt  }
0x7c: {  	_ =	shalt  }
0x7d: {  	_ =	shalt  }
0x7e: {  	_ =	shalt  }
0x7f: {  	_ =	shalt  }
0x80: {  	_ =	shalt  }
0x81: {  	_ =	shalt  }
0x82: {  	_ =	shalt  }
0x83: {  	_ =	shalt  }
0x84: {  	_ =	shalt  }
0x85: {  	_ =	shalt  }
0x86: {  	_ =	shalt  }
0x87: {  	_ =	shalt  }
.Lfunc_end0:
.L_simem_size_0:
called_computation.1_lowered:
.L_overlay_start_0:
0x88: {  	s2 =	sld [smem:$0x3FD9]  }
0x89: {  	s3 =	sld [smem:$0x3FFE];
	_ =	sdelay $0x1  }
0x8a: {  	s1 =	srdreg.scid  }
0x8b: {  	s0 =	sand.u32 $0x1, s1  }
0x8c: {  	s16 =	sshll.u32 s0, $0xA;
	s2 =	sadd.s32 s3, s2  }
0x8d: {  	s2 =	sadd.s32 s2, s16  }
0x8e: {  	[smem:$0x3FC2] =	sst s2  }
0x8f: {  	_ = 	snop  }
0x90: {  	(tm) =	ssettm $0x1  }
0x91: {  	s17 =	sld [smem:$0x3FFB];
	_ =	sdelay $0x3  }
0x92: {  	_ =	strace s17  }
0x93: {  	s2 =	sld [smem:$0x3FFC];
	_ =	sdelay $0x3  }
0x94: {  	_ =	strace s2  }
0x95: {  	s2 =	sld [smem:$0x3FFD];
	_ =	sdelay $0x3  }
0x96: {  	_ =	strace s2  }
0x97: {  	_ =	strace $0x8FFFFFFF  }
0x98: {  	s18 =	sld [smem:$0x3FDB];
	_ =	sdelay $0x1  }
0x99: {  	s19 =	simm.s32 $_scs_section_size  }
0x9a: {  	s4 =	simm.s32 $_size__tile_overlayer_lowered;
	s5 =	simm.s32 $_tile_overlayer_lowered  }
0x9b: {  	s22 =	simm.s32 $0x1BFF;
	s21 =	sshll.u32 s5, $0x1;
	s2 =	sadd.s32 s19, s18  }
0x9c: {  	s6 =	simm.s32 $0x0;
	s20 =	sshll.u32 s4, $0x1;
	s4 =	sadd.s32 s21, s2  }
0x9d: {  	[timem:s6], [sflag:s22] =	dma.local [hbm:s4], s20  }
0x9e: {  	_ =	swait.ge [sflag:s22], s20  }
0x9f: {  	s3 =	ssub.s32 $0x0, s20;
	[sflag:s22] =	ssyncset.done $0x0  }
0xa0: {  	[sflag:s22] =	ssyncadd.s32 s3;
	_ =	sdelay $0x1  }
0xa1: {  	s23 =	simm.s32 $0x1B8B  }
0xa2: {  	_ =	swait.ge [sflag:s23], $0x1  }
0xa3: {  	[sflag:s23] =	ssyncset.done $0x0  }
0xa4: {  	s25 =	simm.s32 $0x1B8E;
	s24 =	sld [smem:$0x3FFE];
	[sflag:s23] =	ssyncadd.s32 $0xFFFFFFFF  }
0xa5: {  	s26 =	simm.s32 $execute0_lowered;
	[smem:$0x3FD2] =	sst s25  }
0xa6: {  	s4 =	sshll.u32 s26, $0x1;
	_ =	strace $0x80000049;
	[dreg:$0x1] =	wrdreg $0xFFFFFFFF  }
0xa7: {  	s28 =	simm.s32 $_size_execute0_lowered;
	s2 =	sadd.s32 s2, s4;
	[dreg:$0x0] =	wrdreg $0x0  }
0xa8: {  	s4 =	sshll.u32 s28, $0x1;
	[dreg:$0x2] =	wrdreg s2  }
0xa9: {  	[dreg:$0x3] =	wrdreg s4  }
0xaa: {  	[dreg:$0x4] =	wrdreg $0xC0  }
0xab: {  	_ =	task [dreg:s6], $0x5FFFF  }
0xac: {  	[dreg:$0x1] =	wrdreg $0xFFFFFFFF  }
0xad: {  	[dreg:$0x0] =	wrdreg $0x60  }
0xae: {  	[dreg:$0x2] =	wrdreg s24  }
0xaf: {  	[dreg:$0x3] =	wrdreg $0xC0000  }
0xb0: {  	[dreg:$0x4] =	wrdreg $0x9  }
0xb1: {  	_ =	task.clear_ibuf [dreg:s6], $0x5FFFF;
	_ =	strace $0x90000049  }
0xb2: {  	s29 =	simm.s32 $0x9;
	_ =	strace $0x8000004B  }
0xb3: {  	_ =	swait.ge [sflag:s29], $0x1  }
0xb4: {  	[sflag:s29] =	ssyncadd.s32 $0xFFFFFFFF  }
0xb5: {  	_ =	strace $0x9000004B  }
0xb6: {  	_ =	sfence  }
0xb7: {  	s30 =	sld [smem:$0x0];
	_ =	sdelay $0x2  }
0xb8: {  	s31 =	sshll.u32 s1, $0xD;
	s1 =	sshrl.u32 s1, $0x2  }
0xb9: {  	s3 =	sand.u32 $0x4000, s31;
	s1 =	sadd.s32 s1, s30  }
0xba: {  	s0 =	sor.u32 s3, s0;
	s1 =	sshll.u32 s1, $0x11  }
0xbb: {  	s0 =	sor.u32 s1, s0  }
0xbc: {  	s0 =	sadd.s32 $0x8F2B, s0  }
0xbd: {  	[sflag:s0] =	ssyncadd.remote.s32 $0x1  }
0xbe: {  	_ =	sfence.sel $0xFFFF  }
0xbf: {  	[dreg:$0x0] =	wrdreg $0xFFFFFFFF;
	(pc) =	sbr.abs _section_cstart, $3  }
0xc0: {  	[dreg:$0x1] =	wrdreg $0xFFFFFFFF  }
0xc1: {  	_ =	task.clear_ibuf [dreg:s6], $0x2FFFF;
	_ =	strace $0x9FFFFFFF  }
0xc2: {  	(tm) =	ssettm $0x7FFFFFFF  }
0xc3: {  	_ =	shalt  }
tec
execute0_lowered:
.L_overlay_start_1:
0x0: {  	(tag) =	ssettag $0x1  }
0x1: {  	s8 =	rddreg [dreg:$0x0]  }
0x2: {  	s0 =	srdreg.scid;
	s2 =	rddreg [dreg:$0x1];
	s3 =	simm.s32 $0x0  }
0x3: {  	s17 =	simm.s32 $0x60;
	s18 =	simm.s32 $0x6000;
	s19 =	simm.s32 $0x9000  }
0x4: {  	s20 =	simm.s32 $0x1;
	s21 =	simm.s32 $0x2;
	s22 =	simm.s32 $0x2760  }
0x5: {  	s23 =	simm.s32 $0x5C00;
	s24 =	simm.s32 $0x5C80;
	s25 =	simm.s32 $0x0  }
0x6: {  	s6 =	sand.u32 $0x1, s0;
	s0 =	stileid.u32;
	[smem:$0x7FF] =	sst s3  }
0x7: {  	s5 =	sadd.s32 $0x5FC00, s8;
	s1 =	sshll.u32 s6, $0x4;
	s10 =	smul.u32 $0x27100, s6  }
0x8: {  	s16 =	sadd.s32 $0x138000, s2;
	s28 =	smul.u32 $0x4E000, s0;
	s4 =	sor.u32 s0, s1  }
0x9: {  	s6 =	ssub.s32 $0x2, s6;
	s31 =	sshll.u32 s0, $0x6;
	s7 =	smul.u32 $0x4F8, s4  }
0xa: {  	p0 =	sne.s32 s0, $0xF;
	s1 =	rddreg [dreg:$0x2];
	s9 =	smul.u32 $0x700, s4  }
0xb: {  	_ =	strace $0x8000004A;
	s13 =	sshrl.u32 s6, $0x1;
	s4 =	smul.u32 $0x2700, s0  }
0xc: {  	s14 =	sadd.s32 s10, s8;
	s13 =	ssub.s32 s6, s13;
	s30 =	sshrl.u32 s28, $0x2  }
0xd: {  	s15 =	sadd.s32 s30, s2;
	s11 =	sadd.s32 s7, s8;
	s12 =	sadd.s32 s9, s8  }
0xe: {  	s29 =	sadd.s32 s4, s8;
	s7 =	sor.u32 $0x1C03, s31;
	s8 =	sadd.s32 $0x5FA00, s8  }
0xf: {  	s6 =	sadd.s32 $0x38A00, s29;
	s9 =	sadd.s32 $0x2EA00, s11;
	s10 =	sadd.s32 $0x20A00, s12  }
0x10: {  	s11 =	sadd.s32 $0x86E00, s14;
	s12 =	smax.u32 s13, $0x1;
	s13 =	sshrl.u32 s15, $0x3  }
0x11: {  	s14 =	simm.s32 $0x3;
	s15 =	sshrl.u32 @!p0 s16, $0x3;
	s16 =	simm.s32 $0x2800  }
.LBB2_1:
0x12: {  	[spmem:s13], [sflag:s7] =	dma.local [hbm:s6], $0x2700  }
0x13: {  	_ =	swait.ge [sflag:s14], $0x2700  }
0x14: {  	[sflag:s14] =	ssyncset.done $0x0  }
0x15: {  	s26 =	simm.s32 @!p0 $0x3;
	[sflag:s14] =	ssyncadd.s32 $0xFFFFD900  }
0x16: {  	[spmem:s15], [sflag:s7] =	dma.local @!p0 [hbm:s8], $0x100  }
0x17: {  	_ =	swait.ge @!p0 [sflag:s26], $0x100  }
0x18: {  	[sflag:s26] =	ssyncset.done @!p0 $0x0  }
0x19: {  	[sflag:s26] =	ssyncadd.s32 @!p0 $0xFFFFFF00  }
0x1a: {  	[tilespmem:s3], [sflag:$0x3] =	stream.linear.gather [hbm4b:s9+s3], $0x27C0, $0x38;
	[tilespmem:$0x1F880] =	vst v63  }
0x1b: {  	_ =	swait.ge [sflag:s14], $0x27C0  }
0x1c: {  	[sflag:s14] =	ssyncset.done $0x0  }
0x1d: {  	[sflag:s14] =	ssyncadd.s32 $0xFFFFD840  }
0x1e: {  	[tilespmem:s16], [sflag:$0x3] =	stream.linear.gather [hbm4b:s10+s3], $0x3500, $0x38;
	[tilespmem:$0x1F880] =	vst v63  }
0x1f: {  	_ =	swait.ge [sflag:s14], $0x3500  }
0x20: {  	[sflag:s14] =	ssyncset.done $0x0  }
0x21: {  	[sflag:s14] =	ssyncadd.s32 $0xFFFFCB00  }
0x22: {  	[bflag:$0x0] =	sbarrier.arrive $0xFFFF  }
0x23: {  	[tilespmem:s18], [sflag:$0x1] =	stream.indirect.gather [hbm4b:s5+s17], $0x80, s3, s17, $0xb8;
	[tilespmem:$0x1F880] =	vst v63  }
0x24: {  	s30 =	simm.s32 $0x60  }
0x25: {  	[tilespmem:s19], [sflag:$0x2] =	stream.indirect.gather [hbm4b:s5+s17], $0x80, s30, s17, $0xb8;
	[tilespmem:$0x1F880] =	vst v63  }
0x26: {  	_ =	swait.ge [sflag:s20], $0x3000  }
0x27: {  	[sflag:s20] =	ssyncset.done $0x0  }
0x28: {  	s31 =	simm.s32 $0x2800;
	[sflag:s20] =	ssyncadd.s32 $0xFFFFD000  }
0x29: {  	[spmem:s2] =	stream.indirect.scatter.add.f32 [tilespmem:s18], [sflag:$0x3], $0x80, s31, s17, $0xb8;
	[tilespmem:$0x1F880] =	vst v63  }
0x2a: {  	_ =	swait.ge [sflag:s14], $0x3000  }
0x2b: {  	[sflag:s14] =	ssyncset.done $0x0  }
0x2c: {  	s30 =	simm.s32 $0xC0;
	[sflag:s14] =	ssyncadd.s32 $0xFFFFD000  }
0x2d: {  	[tilespmem:s18], [sflag:$0x1] =	stream.indirect.gather [hbm4b:s5+s17], $0x80, s30, s17, $0xb8;
	[tilespmem:$0x1F880] =	vst v63  }
0x2e: {  	_ =	swait.ge [sflag:s21], $0x3000  }
0x2f: {  	[sflag:s21] =	ssyncset.done $0x0  }
0x30: {  	s31 =	simm.s32 $0x2880;
	[sflag:s21] =	ssyncadd.s32 $0xFFFFD000  }
0x31: {  	[spmem:s2] =	stream.indirect.scatter.add.f32 [tilespmem:s19], [sflag:$0x3], $0x80, s31, s17, $0xb8;
	[tilespmem:$0x1F880] =	vst v63  }
0x32: {  	s28 =	simm.s32 $0x400;
	_ =	swait.ge [sflag:s14], $0x3000  }
0x33: {  	s29 =	simm.s32 $0x800;
	s26 =	simm.s32 $0x180;
	[sflag:s14] =	ssyncset.done $0x0  }
.LBB2_2:
0x34: {  	p1 =	sne.s32 s29, $0xCC00;
	s30 =	sadd.s32 $0xFFFFFFA0, s26;
	[sflag:s14] =	ssyncadd.s32 $0xFFFFD000  }
0x35: {  	[tilespmem:s19], [sflag:$0x2] =	stream.indirect.gather [hbm4b:s5+s17], $0x80, s30, s17, $0xb8;
	[tilespmem:$0x1F880] =	vst v63  }
0x36: {  	s30 =	smov.u32 s29;
	s29 =	sadd.s32 $0x400, s29;
	_ =	swait.ge [sflag:s20], $0x3000  }
0x37: {  	s31 =	sshra.s32 s28, $0x2;
	s28 =	smov.u32 s30;
	[sflag:s20] =	ssyncset.done $0x0  }
0x38: {  	s30 =	sadd.s32 $0x2800, s31;
	[sflag:s20] =	ssyncadd.s32 $0xFFFFD000  }
0x39: {  	[spmem:s2] =	stream.indirect.scatter.add.f32 [tilespmem:s18], [sflag:$0x3], $0x80, s30, s17, $0xb8;
	[tilespmem:$0x1F880] =	vst v63  }
0x3a: {  	_ =	swait.ge [sflag:s14], $0x3000  }
0x3b: {  	[sflag:s14] =	ssyncset.done $0x0  }
0x3c: {  	[sflag:s14] =	ssyncadd.s32 $0xFFFFD000  }
0x3d: {  	[tilespmem:s18], [sflag:$0x1] =	stream.indirect.gather [hbm4b:s5+s17], $0x80, s26, s17, $0xb8;
	[tilespmem:$0x1F880] =	vst v63  }
0x3e: {  	_ =	swait.ge [sflag:s21], $0x3000  }
.Ltmp0:
0x3f: {  	[sflag:s21] =	ssyncset.done $0x0;
	(pc) =	sbr.rel @p1 .LBB2_2-.Ltmp0, $4  }
0x40: {  	s30 =	sadd.s32 $0x2880, s31;
	[sflag:s21] =	ssyncadd.s32 $0xFFFFD000  }
0x41: {  	[spmem:s2] =	stream.indirect.scatter.add.f32 [tilespmem:s19], [sflag:$0x3], $0x80, s30, s17, $0xb8;
	[tilespmem:$0x1F880] =	vst v63  }
0x42: {  	_ =	swait.ge [sflag:s14], $0x3000  }
0x43: {  	s26 =	sadd.s32 $0xC0, s26;
	[sflag:s14] =	ssyncset.done $0x0  }
0x44: {  	s29 =	sadd.s32 $0xFFFFFFA0, s26;
	[sflag:s14] =	ssyncadd.s32 $0xFFFFD000  }
0x45: {  	[tilespmem:s19], [sflag:$0x2] =	stream.indirect.gather [hbm4b:s5+s17], $0x80, s29, s17, $0xb8;
	[tilespmem:$0x1F880] =	vst v63  }
0x46: {  	_ =	swait.ge [sflag:s20], $0x3000  }
0x47: {  	s28 =	sshra.s32 s28, $0x2;
	[sflag:s20] =	ssyncset.done $0x0  }
0x48: {  	s31 =	sadd.s32 $0x2800, s28;
	[sflag:s20] =	ssyncadd.s32 $0xFFFFD000  }
0x49: {  	[spmem:s2] =	stream.indirect.scatter.add.f32 [tilespmem:s18], [sflag:$0x3], $0x80, s31, s17, $0xb8;
	[tilespmem:$0x1F880] =	vst v63  }
0x4a: {  	_ =	swait.ge [sflag:s14], $0x3000  }
0x4b: {  	[sflag:s14] =	ssyncset.done $0x0  }
0x4c: {  	[sflag:s14] =	ssyncadd.s32 $0xFFFFD000  }
0x4d: {  	[tilespmem:s18], [sflag:$0x1] =	stream.indirect.gather [hbm4b:s5+s17], $0x80, s26, s17, $0xb8;
	[tilespmem:$0x1F880] =	vst v63  }
0x4e: {  	_ =	swait.ge [sflag:s21], $0x3000  }
0x4f: {  	[sflag:s21] =	ssyncset.done $0x0  }
0x50: {  	s30 =	sadd.s32 $0x2880, s28;
	[sflag:s21] =	ssyncadd.s32 $0xFFFFD000  }
0x51: {  	[spmem:s2] =	stream.indirect.scatter.add.f32 [tilespmem:s19], [sflag:$0x3], $0x80, s30, s17, $0xb8;
	[tilespmem:$0x1F880] =	vst v63  }
0x52: {  	_ =	swait.ge [sflag:s14], $0x3000  }
0x53: {  	[sflag:s14] =	ssyncset.done $0x0  }
0x54: {  	[sflag:s14] =	ssyncadd.s32 $0xFFFFD000  }
0x55: {  	[tilespmem:s19], [sflag:$0x2] =	stream.indirect.gather [hbm4b:s5+s17], $0x80, s22, s17, $0xb8;
	[tilespmem:$0x1F880] =	vst v63  }
0x56: {  	_ =	swait.ge [sflag:s20], $0x3000  }
0x57: {  	[sflag:s20] =	ssyncset.done $0x0  }
0x58: {  	[sflag:s20] =	ssyncadd.s32 $0xFFFFD000  }
0x59: {  	[spmem:s2] =	stream.indirect.scatter.add.f32 [tilespmem:s18], [sflag:$0x3], $0x80, s23, s17, $0xb8;
	[tilespmem:$0x1F880] =	vst v63  }
0x5a: {  	_ =	swait.ge [sflag:s14], $0x3000  }
0x5b: {  	[sflag:s14] =	ssyncset.done $0x0  }
0x5c: {  	[sflag:s14] =	ssyncadd.s32 $0xFFFFD000  }
0x5d: {  	_ =	swait.ge [sflag:s21], $0x3000  }
0x5e: {  	[sflag:s21] =	ssyncset.done $0x0  }
0x5f: {  	[sflag:s21] =	ssyncadd.s32 $0xFFFFD000  }
0x60: {  	[spmem:s2] =	stream.indirect.scatter.add.f32 [tilespmem:s19], [sflag:$0x3], $0x80, s24, s17, $0xb8;
	[tilespmem:$0x1F880] =	vst v63  }
0x61: {  	_ =	swait.ge [sflag:s14], $0x3000  }
0x62: {  	[sflag:s14] =	ssyncset.done $0x0  }
0x63: {  	[sflag:s14] =	ssyncadd.s32 $0xFFFFD000  }
0x64: {  	s31 =	sadd.s32 s4, s11;
	[bflag:$0x0] =	sbarrier.arrive $0xFFFF  }
0x65: {  	[hbm:s31], [sflag:s7] =	dma.local [spmem:s13], $0x2700  }
0x66: {  	_ =	swait.ge [sflag:s14], $0x2700  }
0x67: {  	s25 =	sadd.s32 $0x1, s25;
	[sflag:s14] =	ssyncset.done $0x0  }
0x68: {  	p1 =	sne.s32 s25, s12;
	s26 =	sadd.s32 @!p0 $0x27000, s11;
	[sflag:s14] =	ssyncadd.s32 $0xFFFFD900  }
0x69: {  	[hbm:s26], [sflag:s7] =	dma.local @!p0 [spmem:s15], $0x100  }
.Ltmp1:
0x6a: {  	_ = 	snop;
	(pc) =	sbr.rel @p1 .LBB2_1-.Ltmp1, $4  }
0x6b: {  	s26 =	simm.s32 @!p0 $0x3  }
0x6c: {  	_ =	swait.ge @!p0 [sflag:s26], $0x100  }
0x6d: {  	[sflag:s26] =	ssyncset.done @!p0 $0x0  }
0x6e: {  	[sflag:s26] =	ssyncadd.s32 @!p0 $0xFFFFFF00  }
0x6f: {  	_ =	sfence.sel $0x180000  }
0x70: {  	[bflag:$0x0] =	sbarrier.arrive $0xFFFF  }
0x71: {  	p0 =	sne.s32 s0, $0x0;
	_ =	strace $0x9000004A  }
0x72: {  	s0 =	sadd.s32 @!p0 $0x100000, s1;
	[bflag:$0x2] =	sbarrier.arrive $0xFFFF  }
0x73: {  	[sflag:s0] =	ssyncadd.tile.s32 @!p0 $0x1;
	_ =	shalt  }
.Lfunc_end2:
_tile_overlayer_lowered:
.L_overlay_start_2:
0x74: {  	(tag) =	ssettag $0x2  }
0x75: {  	s0 =	rddreg [dreg:$0x0];
	s2 =	stileid.u32  }
0x76: {  	s1 =	rddreg [dreg:$0x1];
	p0 =	sne.s32 s2, $0x0  }
0x77: {  	s3 =	rddreg [dreg:$0x2];
	[bflag:$0x3] =	sbarrier.arrive $0xFFFF;
	s2 =	simm.s32 @!p0 $0x1C03  }
0x78: {  	[timem:s3], [sflag:s2] =	dma.local @!p0 [hbm:s0], s1  }
0x79: {  	s0 =	simm.s32 @!p0 $0x3  }
0x7a: {  	_ =	swait.ge @!p0 [sflag:s0], s1  }
0x7b: {  	s1 =	ssub.s32 @!p0 $0x0, s1;
	[sflag:s0] =	ssyncset.done @!p0 $0x0  }
0x7c: {  	[sflag:s0] =	ssyncadd.s32 @!p0 s1  }
0x7d: {  	[bflag:$0x3] =	sbarrier.arrive $0xFFFF  }
0x7e: {  	_ =	shalt  }

// kernel: kernel.16.cloned.1.call-start
scs
__scs_entry_jumppad:
0x0: {  	(pc) =	sbr.rel $0x88, $3  }
0x1: {  	(tag) =	ssettag $0x0;
	lr =	simm.s32 $0x1  }
0x2: {  	[smem:$0x3F9B] =	sst lr;
	_ =	strace $0xD0000000  }
0x3: {  	_ = 	snop  }
0x4: {  	_ = 	snop  }
0x5: {  	_ = 	snop  }
0x6: {  	_ = 	snop  }
0x7: {  	_ = 	snop  }
__scs_overlays_trampoline_lowered:
0x8: {  	[smem:$0x3FAA] =	sst s0  }
0x9: {  	[smem:$0x3FAB] =	sst s1  }
0xa: {  	[smem:$0x3FAC] =	sst s2  }
0xb: {  	[smem:$0x3FAD] =	sst s3  }
0xc: {  	[smem:$0x3FAE] =	sst s4  }
0xd: {  	[smem:$0x3FAF] =	sst s5  }
0xe: {  	[smem:$0x3FB0] =	sst s6  }
0xf: {  	[smem:$0x3FB1] =	sst s7  }
0x10: {  	[smem:$0x3FB2] =	sst s8  }
0x11: {  	[smem:$0x3FB3] =	sst s9;
	s0 =	simm.s32 @!p0 $0x0  }
0x12: {  	s1 =	sld [smem:$0x3F99];
	s0 =	simm.s32 @p0 $0x1  }
0x13: {  	[smem:$0x3FB4] =	sst s0;
	s0 =	simm.s32 @!p1 $0x0  }
0x14: {  	s2 =	sld [smem:$0x3F98];
	s0 =	simm.s32 @p1 $0x1  }
0x15: {  	[smem:$0x3FB5] =	sst s0;
	s0 =	simm.s32 @!p2 $0x0  }
0x16: {  	s3 =	sld [smem:$0x3FDB];
	s0 =	simm.s32 @p2 $0x1  }
0x17: {  	s4 =	simm.s32 $0x1BF5;
	[smem:$0x3FB7] =	sst s0  }
0x18: {  	s0 =	sld [smem:$0x3F9A];
	_ =	swait.ge [sflag:s4], $0x0  }
0x19: {  	s7 =	sld [smem:$0x3F9B]  }
0x1a: {  	s8 =	sadd.s32 $0xFFFFE003, lr  }
0x1b: {  	s9 =	sadd.s32 $0xFFFFFEF7, lr;
	s5 =	simm.s32 $0xFFFFFFFF;
	p2 =	slt.u32 s8, $0xFFFFF086  }
0x1c: {  	p1 =	slt.u32 s9, $0xF7A;
	s5 =	simm.s32 @!p2 $0x0  }
0x1d: {  	s5 =	simm.s32 @p1 $0x1;
	p0 =	seq.s32 s7, s2  }
0x1e: {  	s7 =	smul.u32 @!p0 $0xF7A, s2;
	p2 =	seq.s32 @!p0 s5, $0x0  }
0x1f: {  	s9 =	smul.u32 $0xF7A, s1;
	s8 =	simm.s32 @!p0 $0x1BF5;
	p2 =	por !p2, p0  }
0x20: {  	[sflag:s8] =	ssyncset.s32 @!p0 $0xFFFFF086;
	s6 =	sadd.s32 @!p0 s3, s7;
	s7 =	simm.s32 @!p0 $0x108  }
0x21: {  	s3 =	sadd.s32 s3, s9;
	s6 =	sadd.s32 @!p0 $0x88, s6;
	s7 =	simm.s32 @p2 $0x1082  }
0x22: {  	[simem:s7], [sflag:s8] =	dma.local @!p0 [hbm:s6], $0xF7A  }
0x23: {  	s9 =	sor.u32 $0xD0000000, s2;
	s6 =	simm.s32 $0x108;
	_ =	swait.ge @!p0 [sflag:s8], $0x0  }
0x24: {  	s3 =	sadd.s32 $0x88, s3;
	s6 =	simm.s32 @!p1 $0x1082;
	[sflag:s4] =	ssyncset.s32 $0xFFFFF086  }
0x25: {  	[simem:s6], [sflag:s4] =	dma.local [hbm:s3], $0xF7A  }
0x26: {  	[smem:$0x3F9B] =	sst s1;
	(tag) =	ssettag s2;
	_ =	strace s9  }
0x27: {  	s1 =	sld [smem:$0x3FAB]  }
0x28: {  	s2 =	sld [smem:$0x3FAC]  }
0x29: {  	s4 =	sld [smem:$0x3FAE]  }
0x2a: {  	p0 =	seq.s32 s5, $0x0;
	s5 =	sld [smem:$0x3FAF]  }
0x2b: {  	s6 =	sld [smem:$0x3FB0]  }
0x2c: {  	s7 =	sld [smem:$0x3FB1]  }
0x2d: {  	s3 =	simm.s32 $0x108;
	s8 =	sld [smem:$0x3FB2]  }
0x2e: {  	s3 =	simm.s32 @!p0 $0x1082;
	s9 =	sld [smem:$0x3FB3]  }
0x2f: {  	lr =	sadd.s32 s0, s3;
	s0 =	sld [smem:$0x3FAA]  }
0x30: {  	s3 =	sld [smem:$0x3FAD]  }
0x31: {  	[smem:$0x3FB6] =	sst s10  }
0x32: {  	s10 =	sld [smem:$0x3FB4];
	_ =	sdelay $0x3  }
0x33: {  	p0 =	seq.s32 s10, $0x1;
	s10 =	sld [smem:$0x3FB6];
	_ =	sdelay $0x3  }
0x34: {  	[smem:$0x3FB6] =	sst s10  }
0x35: {  	s10 =	sld [smem:$0x3FB5];
	_ =	sdelay $0x3  }
0x36: {  	p1 =	seq.s32 s10, $0x1;
	s10 =	sld [smem:$0x3FB6];
	_ =	sdelay $0x3  }
0x37: {  	[smem:$0x3FB6] =	sst s10  }
0x38: {  	s10 =	sld [smem:$0x3FB7]  }
0x39: {  	_ = 	snop;
	(pc) =	sbr.ind lr, $3  }
0x3a: {  	_ = 	snop  }
0x3b: {  	_ = 	snop  }
0x3c: {  	p2 =	seq.s32 s10, $0x1;
	s10 =	sld [smem:$0x3FB6]  }
0x3d: {  	_ =	shalt  }
0x3e: {  	_ =	shalt  }
0x3f: {  	_ =	shalt  }
0x40: {  	_ =	shalt  }
0x41: {  	_ =	shalt  }
0x42: {  	_ =	shalt  }
0x43: {  	_ =	shalt  }
0x44: {  	_ =	shalt  }
0x45: {  	_ =	shalt  }
0x46: {  	_ =	shalt  }
0x47: {  	_ =	shalt  }
0x48: {  	_ =	shalt  }
0x49: {  	_ =	shalt  }
0x4a: {  	_ =	shalt  }
0x4b: {  	_ =	shalt  }
0x4c: {  	_ =	shalt  }
0x4d: {  	_ =	shalt  }
0x4e: {  	_ =	shalt  }
0x4f: {  	_ =	shalt  }
0x50: {  	_ =	shalt  }
0x51: {  	_ =	shalt  }
0x52: {  	_ =	shalt  }
0x53: {  	_ =	shalt  }
0x54: {  	_ =	shalt  }
0x55: {  	_ =	shalt  }
0x56: {  	_ =	shalt  }
0x57: {  	_ =	shalt  }
0x58: {  	_ =	shalt  }
0x59: {  	_ =	shalt  }
0x5a: {  	_ =	shalt  }
0x5b: {  	_ =	shalt  }
0x5c: {  	_ =	shalt  }
0x5d: {  	_ =	shalt  }
0x5e: {  	_ =	shalt  }
0x5f: {  	_ =	shalt  }
0x60: {  	_ =	shalt  }
0x61: {  	_ =	shalt  }
0x62: {  	_ =	shalt  }
0x63: {  	_ =	shalt  }
0x64: {  	_ =	shalt  }
0x65: {  	_ =	shalt  }
0x66: {  	_ =	shalt  }
0x67: {  	_ =	shalt  }
0x68: {  	_ =	shalt  }
0x69: {  	_ =	shalt  }
0x6a: {  	_ =	shalt  }
0x6b: {  	_ =	shalt  }
0x6c: {  	_ =	shalt  }
0x6d: {  	_ =	shalt  }
0x6e: {  	_ =	shalt  }
0x6f: {  	_ =	shalt  }
0x70: {  	_ =	shalt  }
0x71: {  	_ =	shalt  }
0x72: {  	_ =	shalt  }
0x73: {  	_ =	shalt  }
0x74: {  	_ =	shalt  }
0x75: {  	_ =	shalt  }
0x76: {  	_ =	shalt  }
0x77: {  	_ =	shalt  }
0x78: {  	_ =	shalt  }
0x79: {  	_ =	shalt  }
0x7a: {  	_ =	shalt  }
0x7b: {  	_ =	shalt  }
0x7c: {  	_ =	shalt  }
0x7d: {  	_ =	shalt  }
0x7e: {  	_ =	shalt  }
0x7f: {  	_ =	shalt  }
0x80: {  	_ =	shalt  }
0x81: {  	_ =	shalt  }
0x82: {  	_ =	shalt  }
0x83: {  	_ =	shalt  }
0x84: {  	_ =	shalt  }
0x85: {  	_ =	shalt  }
0x86: {  	_ =	shalt  }
0x87: {  	_ =	shalt  }
.Lfunc_end0:
.L_simem_size_0:
called_computation.2_lowered:
.L_overlay_start_0:
0x88: {  	s2 =	sld [smem:$0x3FD9]  }
0x89: {  	s3 =	sld [smem:$0x3FFE];
	_ =	sdelay $0x1  }
0x8a: {  	s1 =	srdreg.scid  }
0x8b: {  	s0 =	sand.u32 $0x1, s1  }
0x8c: {  	s16 =	sshll.u32 s0, $0xA;
	s2 =	sadd.s32 s3, s2  }
0x8d: {  	s2 =	sadd.s32 s2, s16  }
0x8e: {  	[smem:$0x3FC2] =	sst s2  }
0x8f: {  	_ = 	snop  }
0x90: {  	(tm) =	ssettm $0x1  }
0x91: {  	s17 =	sld [smem:$0x3FFB];
	_ =	sdelay $0x3  }
0x92: {  	_ =	strace s17  }
0x93: {  	s2 =	sld [smem:$0x3FFC];
	_ =	sdelay $0x3  }
0x94: {  	_ =	strace s2  }
0x95: {  	s2 =	sld [smem:$0x3FFD];
	_ =	sdelay $0x3  }
0x96: {  	_ =	strace s2  }
0x97: {  	_ =	strace $0x8FFFFFFF  }
0x98: {  	s18 =	sld [smem:$0x3FDB];
	_ =	sdelay $0x1  }
0x99: {  	s19 =	simm.s32 $_scs_section_size  }
0x9a: {  	s4 =	simm.s32 $_size__tile_overlayer_lowered;
	s5 =	simm.s32 $_tile_overlayer_lowered  }
0x9b: {  	s22 =	simm.s32 $0x1BFF;
	s21 =	sshll.u32 s5, $0x1;
	s2 =	sadd.s32 s19, s18  }
0x9c: {  	s6 =	simm.s32 $0x0;
	s20 =	sshll.u32 s4, $0x1;
	s4 =	sadd.s32 s21, s2  }
0x9d: {  	[timem:s6], [sflag:s22] =	dma.local [hbm:s4], s20  }
0x9e: {  	_ =	swait.ge [sflag:s22], s20  }
0x9f: {  	s3 =	ssub.s32 $0x0, s20;
	[sflag:s22] =	ssyncset.done $0x0  }
0xa0: {  	[sflag:s22] =	ssyncadd.s32 s3;
	_ =	sdelay $0x1  }
0xa1: {  	s23 =	simm.s32 $0x1B8B  }
0xa2: {  	_ =	swait.ge [sflag:s23], $0x1  }
0xa3: {  	[sflag:s23] =	ssyncset.done $0x0  }
0xa4: {  	s25 =	simm.s32 $0x1B8E;
	s24 =	sld [smem:$0x3FFE];
	[sflag:s23] =	ssyncadd.s32 $0xFFFFFFFF  }
0xa5: {  	s26 =	simm.s32 $execute0_lowered;
	[smem:$0x3FD2] =	sst s25  }
0xa6: {  	s4 =	sshll.u32 s26, $0x1;
	_ =	strace $0x8000004C;
	[dreg:$0x1] =	wrdreg $0xFFFFFFFF  }
0xa7: {  	s28 =	simm.s32 $_size_execute0_lowered;
	s2 =	sadd.s32 s2, s4;
	[dreg:$0x0] =	wrdreg $0x0  }
0xa8: {  	s4 =	sshll.u32 s28, $0x1;
	[dreg:$0x2] =	wrdreg s2  }
0xa9: {  	[dreg:$0x3] =	wrdreg s4  }
0xaa: {  	[dreg:$0x4] =	wrdreg $0xC0  }
0xab: {  	_ =	task [dreg:s6], $0x5FFFF  }
0xac: {  	[dreg:$0x1] =	wrdreg $0xFFFFFFFF  }
0xad: {  	[dreg:$0x0] =	wrdreg $0x60  }
0xae: {  	[dreg:$0x2] =	wrdreg s24  }
0xaf: {  	[dreg:$0x3] =	wrdreg $0xC0000  }
0xb0: {  	[dreg:$0x4] =	wrdreg $0x9  }
0xb1: {  	_ =	task.clear_ibuf [dreg:s6], $0x5FFFF;
	_ =	strace $0x9000004C  }
0xb2: {  	s29 =	simm.s32 $0x9;
	_ =	strace $0x8000004E  }
0xb3: {  	_ =	swait.ge [sflag:s29], $0x1  }
0xb4: {  	[sflag:s29] =	ssyncadd.s32 $0xFFFFFFFF  }
0xb5: {  	_ =	strace $0x9000004E  }
0xb6: {  	_ =	sfence  }
0xb7: {  	s30 =	sld [smem:$0x0];
	_ =	sdelay $0x2  }
0xb8: {  	s31 =	sshll.u32 s1, $0xD;
	s1 =	sshrl.u32 s1, $0x2  }
0xb9: {  	s3 =	sand.u32 $0x4000, s31;
	s1 =	sadd.s32 s1, s30  }
0xba: {  	s0 =	sor.u32 s3, s0;
	s1 =	sshll.u32 s1, $0x11  }
0xbb: {  	s0 =	sor.u32 s1, s0  }
0xbc: {  	s0 =	sadd.s32 $0x8F2B, s0  }
0xbd: {  	[sflag:s0] =	ssyncadd.remote.s32 $0x1  }
0xbe: {  	_ =	sfence.sel $0xFFFF  }
0xbf: {  	[dreg:$0x0] =	wrdreg $0xFFFFFFFF;
	(pc) =	sbr.abs _section_cstart, $3  }
0xc0: {  	[dreg:$0x1] =	wrdreg $0xFFFFFFFF  }
0xc1: {  	_ =	task.clear_ibuf [dreg:s6], $0x2FFFF;
	_ =	strace $0x9FFFFFFF  }
0xc2: {  	(tm) =	ssettm $0x7FFFFFFF  }
0xc3: {  	_ =	shalt  }
tec
execute0_lowered:
.L_overlay_start_1:
0x0: {  	(tag) =	ssettag $0x1  }
0x1: {  	s8 =	rddreg [dreg:$0x0]  }
0x2: {  	s0 =	srdreg.scid;
	s2 =	rddreg [dreg:$0x1];
	s3 =	simm.s32 $0x0  }
0x3: {  	s17 =	simm.s32 $0x60;
	s18 =	simm.s32 $0x6000;
	s19 =	simm.s32 $0x9000  }
0x4: {  	s20 =	simm.s32 $0x1;
	s21 =	simm.s32 $0x2;
	s22 =	simm.s32 $0x2760  }
0x5: {  	s23 =	simm.s32 $0x5C00;
	s24 =	simm.s32 $0x5C80;
	s25 =	simm.s32 $0x0  }
0x6: {  	s6 =	sand.u32 $0x1, s0;
	s0 =	stileid.u32;
	[smem:$0x7FF] =	sst s3  }
0x7: {  	s5 =	sadd.s32 $0x5FC00, s8;
	s1 =	sshll.u32 s6, $0x4;
	s10 =	smul.u32 $0x27100, s6  }
0x8: {  	s16 =	sadd.s32 $0x138000, s2;
	s28 =	smul.u32 $0x4E000, s0;
	s4 =	sor.u32 s0, s1  }
0x9: {  	s6 =	ssub.s32 $0x2, s6;
	s31 =	sshll.u32 s0, $0x6;
	s7 =	smul.u32 $0x4F8, s4  }
0xa: {  	p0 =	sne.s32 s0, $0xF;
	s1 =	rddreg [dreg:$0x2];
	s9 =	smul.u32 $0x700, s4  }
0xb: {  	_ =	strace $0x8000004D;
	s13 =	sshrl.u32 s6, $0x1;
	s4 =	smul.u32 $0x2700, s0  }
0xc: {  	s14 =	sadd.s32 s10, s8;
	s13 =	ssub.s32 s6, s13;
	s30 =	sshrl.u32 s28, $0x2  }
0xd: {  	s15 =	sadd.s32 s30, s2;
	s11 =	sadd.s32 s7, s8;
	s12 =	sadd.s32 s9, s8  }
0xe: {  	s29 =	sadd.s32 s4, s8;
	s7 =	sor.u32 $0x1C03, s31;
	s8 =	sadd.s32 $0x5FA00, s8  }
0xf: {  	s6 =	sadd.s32 $0x38A00, s29;
	s9 =	sadd.s32 $0x2EA00, s11;
	s10 =	sadd.s32 $0x20A00, s12  }
0x10: {  	s11 =	sadd.s32 $0x86E00, s14;
	s12 =	smax.u32 s13, $0x1;
	s13 =	sshrl.u32 s15, $0x3  }
0x11: {  	s14 =	simm.s32 $0x3;
	s15 =	sshrl.u32 @!p0 s16, $0x3;
	s16 =	simm.s32 $0x2800  }
.LBB2_1:
0x12: {  	[spmem:s13], [sflag:s7] =	dma.local [hbm:s6], $0x2700  }
0x13: {  	_ =	swait.ge [sflag:s14], $0x2700  }
0x14: {  	[sflag:s14] =	ssyncset.done $0x0  }
0x15: {  	s26 =	simm.s32 @!p0 $0x3;
	[sflag:s14] =	ssyncadd.s32 $0xFFFFD900  }
0x16: {  	[spmem:s15], [sflag:s7] =	dma.local @!p0 [hbm:s8], $0x100  }
0x17: {  	_ =	swait.ge @!p0 [sflag:s26], $0x100  }
0x18: {  	[sflag:s26] =	ssyncset.done @!p0 $0x0  }
0x19: {  	[sflag:s26] =	ssyncadd.s32 @!p0 $0xFFFFFF00  }
0x1a: {  	[tilespmem:s3], [sflag:$0x3] =	stream.linear.gather [hbm4b:s9+s3], $0x27C0, $0x38;
	[tilespmem:$0x1F880] =	vst v63  }
0x1b: {  	_ =	swait.ge [sflag:s14], $0x27C0  }
0x1c: {  	[sflag:s14] =	ssyncset.done $0x0  }
0x1d: {  	[sflag:s14] =	ssyncadd.s32 $0xFFFFD840  }
0x1e: {  	[tilespmem:s16], [sflag:$0x3] =	stream.linear.gather [hbm4b:s10+s3], $0x3500, $0x38;
	[tilespmem:$0x1F880] =	vst v63  }
0x1f: {  	_ =	swait.ge [sflag:s14], $0x3500  }
0x20: {  	[sflag:s14] =	ssyncset.done $0x0  }
0x21: {  	[sflag:s14] =	ssyncadd.s32 $0xFFFFCB00  }
0x22: {  	[bflag:$0x0] =	sbarrier.arrive $0xFFFF  }
0x23: {  	[tilespmem:s18], [sflag:$0x1] =	stream.indirect.gather [hbm4b:s5+s17], $0x80, s3, s17, $0xb8;
	[tilespmem:$0x1F880] =	vst v63  }
0x24: {  	s30 =	simm.s32 $0x60  }
0x25: {  	[tilespmem:s19], [sflag:$0x2] =	stream.indirect.gather [hbm4b:s5+s17], $0x80, s30, s17, $0xb8;
	[tilespmem:$0x1F880] =	vst v63  }
0x26: {  	_ =	swait.ge [sflag:s20], $0x3000  }
0x27: {  	[sflag:s20] =	ssyncset.done $0x0  }
0x28: {  	s31 =	simm.s32 $0x2800;
	[sflag:s20] =	ssyncadd.s32 $0xFFFFD000  }
0x29: {  	[spmem:s2] =	stream.indirect.scatter.add.f32 [tilespmem:s18], [sflag:$0x3], $0x80, s31, s17, $0xb8;
	[tilespmem:$0x1F880] =	vst v63  }
0x2a: {  	_ =	swait.ge [sflag:s14], $0x3000  }
0x2b: {  	[sflag:s14] =	ssyncset.done $0x0  }
0x2c: {  	s30 =	simm.s32 $0xC0;
	[sflag:s14] =	ssyncadd.s32 $0xFFFFD000  }
0x2d: {  	[tilespmem:s18], [sflag:$0x1] =	stream.indirect.gather [hbm4b:s5+s17], $0x80, s30, s17, $0xb8;
	[tilespmem:$0x1F880] =	vst v63  }
0x2e: {  	_ =	swait.ge [sflag:s21], $0x3000  }
0x2f: {  	[sflag:s21] =	ssyncset.done $0x0  }
0x30: {  	s31 =	simm.s32 $0x2880;
	[sflag:s21] =	ssyncadd.s32 $0xFFFFD000  }
0x31: {  	[spmem:s2] =	stream.indirect.scatter.add.f32 [tilespmem:s19], [sflag:$0x3], $0x80, s31, s17, $0xb8;
	[tilespmem:$0x1F880] =	vst v63  }
0x32: {  	s28 =	simm.s32 $0x400;
	_ =	swait.ge [sflag:s14], $0x3000  }
0x33: {  	s29 =	simm.s32 $0x800;
	s26 =	simm.s32 $0x180;
	[sflag:s14] =	ssyncset.done $0x0  }
.LBB2_2:
0x34: {  	p1 =	sne.s32 s29, $0xCC00;
	s30 =	sadd.s32 $0xFFFFFFA0, s26;
	[sflag:s14] =	ssyncadd.s32 $0xFFFFD000  }
0x35: {  	[tilespmem:s19], [sflag:$0x2] =	stream.indirect.gather [hbm4b:s5+s17], $0x80, s30, s17, $0xb8;
	[tilespmem:$0x1F880] =	vst v63  }
0x36: {  	s30 =	smov.u32 s29;
	s29 =	sadd.s32 $0x400, s29;
	_ =	swait.ge [sflag:s20], $0x3000  }
0x37: {  	s31 =	sshra.s32 s28, $0x2;
	s28 =	smov.u32 s30;
	[sflag:s20] =	ssyncset.done $0x0  }
0x38: {  	s30 =	sadd.s32 $0x2800, s31;
	[sflag:s20] =	ssyncadd.s32 $0xFFFFD000  }
0x39: {  	[spmem:s2] =	stream.indirect.scatter.add.f32 [tilespmem:s18], [sflag:$0x3], $0x80, s30, s17, $0xb8;
	[tilespmem:$0x1F880] =	vst v63  }
0x3a: {  	_ =	swait.ge [sflag:s14], $0x3000  }
0x3b: {  	[sflag:s14] =	ssyncset.done $0x0  }
0x3c: {  	[sflag:s14] =	ssyncadd.s32 $0xFFFFD000  }
0x3d: {  	[tilespmem:s18], [sflag:$0x1] =	stream.indirect.gather [hbm4b:s5+s17], $0x80, s26, s17, $0xb8;
	[tilespmem:$0x1F880] =	vst v63  }
0x3e: {  	_ =	swait.ge [sflag:s21], $0x3000  }
.Ltmp0:
0x3f: {  	[sflag:s21] =	ssyncset.done $0x0;
	(pc) =	sbr.rel @p1 .LBB2_2-.Ltmp0, $4  }
0x40: {  	s30 =	sadd.s32 $0x2880, s31;
	[sflag:s21] =	ssyncadd.s32 $0xFFFFD000  }
0x41: {  	[spmem:s2] =	stream.indirect.scatter.add.f32 [tilespmem:s19], [sflag:$0x3], $0x80, s30, s17, $0xb8;
	[tilespmem:$0x1F880] =	vst v63  }
0x42: {  	_ =	swait.ge [sflag:s14], $0x3000  }
0x43: {  	s26 =	sadd.s32 $0xC0, s26;
	[sflag:s14] =	ssyncset.done $0x0  }
0x44: {  	s29 =	sadd.s32 $0xFFFFFFA0, s26;
	[sflag:s14] =	ssyncadd.s32 $0xFFFFD000  }
0x45: {  	[tilespmem:s19], [sflag:$0x2] =	stream.indirect.gather [hbm4b:s5+s17], $0x80, s29, s17, $0xb8;
	[tilespmem:$0x1F880] =	vst v63  }
0x46: {  	_ =	swait.ge [sflag:s20], $0x3000  }
0x47: {  	s28 =	sshra.s32 s28, $0x2;
	[sflag:s20] =	ssyncset.done $0x0  }
0x48: {  	s31 =	sadd.s32 $0x2800, s28;
	[sflag:s20] =	ssyncadd.s32 $0xFFFFD000  }
0x49: {  	[spmem:s2] =	stream.indirect.scatter.add.f32 [tilespmem:s18], [sflag:$0x3], $0x80, s31, s17, $0xb8;
	[tilespmem:$0x1F880] =	vst v63  }
0x4a: {  	_ =	swait.ge [sflag:s14], $0x3000  }
0x4b: {  	[sflag:s14] =	ssyncset.done $0x0  }
0x4c: {  	[sflag:s14] =	ssyncadd.s32 $0xFFFFD000  }
0x4d: {  	[tilespmem:s18], [sflag:$0x1] =	stream.indirect.gather [hbm4b:s5+s17], $0x80, s26, s17, $0xb8;
	[tilespmem:$0x1F880] =	vst v63  }
0x4e: {  	_ =	swait.ge [sflag:s21], $0x3000  }
0x4f: {  	[sflag:s21] =	ssyncset.done $0x0  }
0x50: {  	s30 =	sadd.s32 $0x2880, s28;
	[sflag:s21] =	ssyncadd.s32 $0xFFFFD000  }
0x51: {  	[spmem:s2] =	stream.indirect.scatter.add.f32 [tilespmem:s19], [sflag:$0x3], $0x80, s30, s17, $0xb8;
	[tilespmem:$0x1F880] =	vst v63  }
0x52: {  	_ =	swait.ge [sflag:s14], $0x3000  }
0x53: {  	[sflag:s14] =	ssyncset.done $0x0  }
0x54: {  	[sflag:s14] =	ssyncadd.s32 $0xFFFFD000  }
0x55: {  	[tilespmem:s19], [sflag:$0x2] =	stream.indirect.gather [hbm4b:s5+s17], $0x80, s22, s17, $0xb8;
	[tilespmem:$0x1F880] =	vst v63  }
0x56: {  	_ =	swait.ge [sflag:s20], $0x3000  }
0x57: {  	[sflag:s20] =	ssyncset.done $0x0  }
0x58: {  	[sflag:s20] =	ssyncadd.s32 $0xFFFFD000  }
0x59: {  	[spmem:s2] =	stream.indirect.scatter.add.f32 [tilespmem:s18], [sflag:$0x3], $0x80, s23, s17, $0xb8;
	[tilespmem:$0x1F880] =	vst v63  }
0x5a: {  	_ =	swait.ge [sflag:s14], $0x3000  }
0x5b: {  	[sflag:s14] =	ssyncset.done $0x0  }
0x5c: {  	[sflag:s14] =	ssyncadd.s32 $0xFFFFD000  }
0x5d: {  	_ =	swait.ge [sflag:s21], $0x3000  }
0x5e: {  	[sflag:s21] =	ssyncset.done $0x0  }
0x5f: {  	[sflag:s21] =	ssyncadd.s32 $0xFFFFD000  }
0x60: {  	[spmem:s2] =	stream.indirect.scatter.add.f32 [tilespmem:s19], [sflag:$0x3], $0x80, s24, s17, $0xb8;
	[tilespmem:$0x1F880] =	vst v63  }
0x61: {  	_ =	swait.ge [sflag:s14], $0x3000  }
0x62: {  	[sflag:s14] =	ssyncset.done $0x0  }
0x63: {  	[sflag:s14] =	ssyncadd.s32 $0xFFFFD000  }
0x64: {  	s31 =	sadd.s32 s4, s11;
	[bflag:$0x0] =	sbarrier.arrive $0xFFFF  }
0x65: {  	[hbm:s31], [sflag:s7] =	dma.local [spmem:s13], $0x2700  }
0x66: {  	_ =	swait.ge [sflag:s14], $0x2700  }
0x67: {  	s25 =	sadd.s32 $0x1, s25;
	[sflag:s14] =	ssyncset.done $0x0  }
0x68: {  	p1 =	sne.s32 s25, s12;
	s26 =	sadd.s32 @!p0 $0x27000, s11;
	[sflag:s14] =	ssyncadd.s32 $0xFFFFD900  }
0x69: {  	[hbm:s26], [sflag:s7] =	dma.local @!p0 [spmem:s15], $0x100  }
.Ltmp1:
0x6a: {  	_ = 	snop;
	(pc) =	sbr.rel @p1 .LBB2_1-.Ltmp1, $4  }
0x6b: {  	s26 =	simm.s32 @!p0 $0x3  }
0x6c: {  	_ =	swait.ge @!p0 [sflag:s26], $0x100  }
0x6d: {  	[sflag:s26] =	ssyncset.done @!p0 $0x0  }
0x6e: {  	[sflag:s26] =	ssyncadd.s32 @!p0 $0xFFFFFF00  }
0x6f: {  	_ =	sfence.sel $0x180000  }
0x70: {  	[bflag:$0x0] =	sbarrier.arrive $0xFFFF  }
0x71: {  	p0 =	sne.s32 s0, $0x0;
	_ =	strace $0x9000004D  }
0x72: {  	s0 =	sadd.s32 @!p0 $0x100000, s1;
	[bflag:$0x2] =	sbarrier.arrive $0xFFFF  }
0x73: {  	[sflag:s0] =	ssyncadd.tile.s32 @!p0 $0x1;
	_ =	shalt  }
.Lfunc_end2:
_tile_overlayer_lowered:
.L_overlay_start_2:
0x74: {  	(tag) =	ssettag $0x2  }
0x75: {  	s0 =	rddreg [dreg:$0x0];
	s2 =	stileid.u32  }
0x76: {  	s1 =	rddreg [dreg:$0x1];
	p0 =	sne.s32 s2, $0x0  }
0x77: {  	s3 =	rddreg [dreg:$0x2];
	[bflag:$0x3] =	sbarrier.arrive $0xFFFF;
	s2 =	simm.s32 @!p0 $0x1C03  }
0x78: {  	[timem:s3], [sflag:s2] =	dma.local @!p0 [hbm:s0], s1  }
0x79: {  	s0 =	simm.s32 @!p0 $0x3  }
0x7a: {  	_ =	swait.ge @!p0 [sflag:s0], s1  }
0x7b: {  	s1 =	ssub.s32 @!p0 $0x0, s1;
	[sflag:s0] =	ssyncset.done @!p0 $0x0  }
0x7c: {  	[sflag:s0] =	ssyncadd.s32 @!p0 s1  }
0x7d: {  	[bflag:$0x3] =	sbarrier.arrive $0xFFFF  }
0x7e: {  	_ =	shalt  }

// kernel: kernel.19.cloned.1.call-start
scs
__scs_entry_jumppad:
0x0: {  	(pc) =	sbr.rel $0x88, $3  }
0x1: {  	(tag) =	ssettag $0x0;
	lr =	simm.s32 $0x1  }
0x2: {  	[smem:$0x3F9B] =	sst lr;
	_ =	strace $0xD0000000  }
0x3: {  	_ = 	snop  }
0x4: {  	_ = 	snop  }
0x5: {  	_ = 	snop  }
0x6: {  	_ = 	snop  }
0x7: {  	_ = 	snop  }
__scs_overlays_trampoline_lowered:
0x8: {  	[smem:$0x3FAA] =	sst s0  }
0x9: {  	[smem:$0x3FAB] =	sst s1  }
0xa: {  	[smem:$0x3FAC] =	sst s2  }
0xb: {  	[smem:$0x3FAD] =	sst s3  }
0xc: {  	[smem:$0x3FAE] =	sst s4  }
0xd: {  	[smem:$0x3FAF] =	sst s5  }
0xe: {  	[smem:$0x3FB0] =	sst s6  }
0xf: {  	[smem:$0x3FB1] =	sst s7  }
0x10: {  	[smem:$0x3FB2] =	sst s8  }
0x11: {  	[smem:$0x3FB3] =	sst s9;
	s0 =	simm.s32 @!p0 $0x0  }
0x12: {  	s1 =	sld [smem:$0x3F99];
	s0 =	simm.s32 @p0 $0x1  }
0x13: {  	[smem:$0x3FB4] =	sst s0;
	s0 =	simm.s32 @!p1 $0x0  }
0x14: {  	s2 =	sld [smem:$0x3F98];
	s0 =	simm.s32 @p1 $0x1  }
0x15: {  	[smem:$0x3FB5] =	sst s0;
	s0 =	simm.s32 @!p2 $0x0  }
0x16: {  	s3 =	sld [smem:$0x3FDB];
	s0 =	simm.s32 @p2 $0x1  }
0x17: {  	s4 =	simm.s32 $0x1BF5;
	[smem:$0x3FB7] =	sst s0  }
0x18: {  	s0 =	sld [smem:$0x3F9A];
	_ =	swait.ge [sflag:s4], $0x0  }
0x19: {  	s7 =	sld [smem:$0x3F9B]  }
0x1a: {  	s8 =	sadd.s32 $0xFFFFE003, lr  }
0x1b: {  	s9 =	sadd.s32 $0xFFFFFEF7, lr;
	s5 =	simm.s32 $0xFFFFFFFF;
	p2 =	slt.u32 s8, $0xFFFFF086  }
0x1c: {  	p1 =	slt.u32 s9, $0xF7A;
	s5 =	simm.s32 @!p2 $0x0  }
0x1d: {  	s5 =	simm.s32 @p1 $0x1;
	p0 =	seq.s32 s7, s2  }
0x1e: {  	s7 =	smul.u32 @!p0 $0xF7A, s2;
	p2 =	seq.s32 @!p0 s5, $0x0  }
0x1f: {  	s9 =	smul.u32 $0xF7A, s1;
	s8 =	simm.s32 @!p0 $0x1BF5;
	p2 =	por !p2, p0  }
0x20: {  	[sflag:s8] =	ssyncset.s32 @!p0 $0xFFFFF086;
	s6 =	sadd.s32 @!p0 s3, s7;
	s7 =	simm.s32 @!p0 $0x108  }
0x21: {  	s3 =	sadd.s32 s3, s9;
	s6 =	sadd.s32 @!p0 $0x88, s6;
	s7 =	simm.s32 @p2 $0x1082  }
0x22: {  	[simem:s7], [sflag:s8] =	dma.local @!p0 [hbm:s6], $0xF7A  }
0x23: {  	s9 =	sor.u32 $0xD0000000, s2;
	s6 =	simm.s32 $0x108;
	_ =	swait.ge @!p0 [sflag:s8], $0x0  }
0x24: {  	s3 =	sadd.s32 $0x88, s3;
	s6 =	simm.s32 @!p1 $0x1082;
	[sflag:s4] =	ssyncset.s32 $0xFFFFF086  }
0x25: {  	[simem:s6], [sflag:s4] =	dma.local [hbm:s3], $0xF7A  }
0x26: {  	[smem:$0x3F9B] =	sst s1;
	(tag) =	ssettag s2;
	_ =	strace s9  }
0x27: {  	s1 =	sld [smem:$0x3FAB]  }
0x28: {  	s2 =	sld [smem:$0x3FAC]  }
0x29: {  	s4 =	sld [smem:$0x3FAE]  }
0x2a: {  	p0 =	seq.s32 s5, $0x0;
	s5 =	sld [smem:$0x3FAF]  }
0x2b: {  	s6 =	sld [smem:$0x3FB0]  }
0x2c: {  	s7 =	sld [smem:$0x3FB1]  }
0x2d: {  	s3 =	simm.s32 $0x108;
	s8 =	sld [smem:$0x3FB2]  }
0x2e: {  	s3 =	simm.s32 @!p0 $0x1082;
	s9 =	sld [smem:$0x3FB3]  }
0x2f: {  	lr =	sadd.s32 s0, s3;
	s0 =	sld [smem:$0x3FAA]  }
0x30: {  	s3 =	sld [smem:$0x3FAD]  }
0x31: {  	[smem:$0x3FB6] =	sst s10  }
0x32: {  	s10 =	sld [smem:$0x3FB4];
	_ =	sdelay $0x3  }
0x33: {  	p0 =	seq.s32 s10, $0x1;
	s10 =	sld [smem:$0x3FB6];
	_ =	sdelay $0x3  }
0x34: {  	[smem:$0x3FB6] =	sst s10  }
0x35: {  	s10 =	sld [smem:$0x3FB5];
	_ =	sdelay $0x3  }
0x36: {  	p1 =	seq.s32 s10, $0x1;
	s10 =	sld [smem:$0x3FB6];
	_ =	sdelay $0x3  }
0x37: {  	[smem:$0x3FB6] =	sst s10  }
0x38: {  	s10 =	sld [smem:$0x3FB7]  }
0x39: {  	_ = 	snop;
	(pc) =	sbr.ind lr, $3  }
0x3a: {  	_ = 	snop  }
0x3b: {  	_ = 	snop  }
0x3c: {  	p2 =	seq.s32 s10, $0x1;
	s10 =	sld [smem:$0x3FB6]  }
0x3d: {  	_ =	shalt  }
0x3e: {  	_ =	shalt  }
0x3f: {  	_ =	shalt  }
0x40: {  	_ =	shalt  }
0x41: {  	_ =	shalt  }
0x42: {  	_ =	shalt  }
0x43: {  	_ =	shalt  }
0x44: {  	_ =	shalt  }
0x45: {  	_ =	shalt  }
0x46: {  	_ =	shalt  }
0x47: {  	_ =	shalt  }
0x48: {  	_ =	shalt  }
0x49: {  	_ =	shalt  }
0x4a: {  	_ =	shalt  }
0x4b: {  	_ =	shalt  }
0x4c: {  	_ =	shalt  }
0x4d: {  	_ =	shalt  }
0x4e: {  	_ =	shalt  }
0x4f: {  	_ =	shalt  }
0x50: {  	_ =	shalt  }
0x51: {  	_ =	shalt  }
0x52: {  	_ =	shalt  }
0x53: {  	_ =	shalt  }
0x54: {  	_ =	shalt  }
0x55: {  	_ =	shalt  }
0x56: {  	_ =	shalt  }
0x57: {  	_ =	shalt  }
0x58: {  	_ =	shalt  }
0x59: {  	_ =	shalt  }
0x5a: {  	_ =	shalt  }
0x5b: {  	_ =	shalt  }
0x5c: {  	_ =	shalt  }
0x5d: {  	_ =	shalt  }
0x5e: {  	_ =	shalt  }
0x5f: {  	_ =	shalt  }
0x60: {  	_ =	shalt  }
0x61: {  	_ =	shalt  }
0x62: {  	_ =	shalt  }
0x63: {  	_ =	shalt  }
0x64: {  	_ =	shalt  }
0x65: {  	_ =	shalt  }
0x66: {  	_ =	shalt  }
0x67: {  	_ =	shalt  }
0x68: {  	_ =	shalt  }
0x69: {  	_ =	shalt  }
0x6a: {  	_ =	shalt  }
0x6b: {  	_ =	shalt  }
0x6c: {  	_ =	shalt  }
0x6d: {  	_ =	shalt  }
0x6e: {  	_ =	shalt  }
0x6f: {  	_ =	shalt  }
0x70: {  	_ =	shalt  }
0x71: {  	_ =	shalt  }
0x72: {  	_ =	shalt  }
0x73: {  	_ =	shalt  }
0x74: {  	_ =	shalt  }
0x75: {  	_ =	shalt  }
0x76: {  	_ =	shalt  }
0x77: {  	_ =	shalt  }
0x78: {  	_ =	shalt  }
0x79: {  	_ =	shalt  }
0x7a: {  	_ =	shalt  }
0x7b: {  	_ =	shalt  }
0x7c: {  	_ =	shalt  }
0x7d: {  	_ =	shalt  }
0x7e: {  	_ =	shalt  }
0x7f: {  	_ =	shalt  }
0x80: {  	_ =	shalt  }
0x81: {  	_ =	shalt  }
0x82: {  	_ =	shalt  }
0x83: {  	_ =	shalt  }
0x84: {  	_ =	shalt  }
0x85: {  	_ =	shalt  }
0x86: {  	_ =	shalt  }
0x87: {  	_ =	shalt  }
.Lfunc_end0:
.L_simem_size_0:
called_computation.3_lowered:
.L_overlay_start_0:
0x88: {  	s2 =	sld [smem:$0x3FD9]  }
0x89: {  	s3 =	sld [smem:$0x3FFE];
	_ =	sdelay $0x1  }
0x8a: {  	s1 =	srdreg.scid  }
0x8b: {  	s0 =	sand.u32 $0x1, s1  }
0x8c: {  	s16 =	sshll.u32 s0, $0xA;
	s2 =	sadd.s32 s3, s2  }
0x8d: {  	s2 =	sadd.s32 s2, s16  }
0x8e: {  	[smem:$0x3FC2] =	sst s2  }
0x8f: {  	_ = 	snop  }
0x90: {  	(tm) =	ssettm $0x1  }
0x91: {  	s17 =	sld [smem:$0x3FFB];
	_ =	sdelay $0x3  }
0x92: {  	_ =	strace s17  }
0x93: {  	s2 =	sld [smem:$0x3FFC];
	_ =	sdelay $0x3  }
0x94: {  	_ =	strace s2  }
0x95: {  	s2 =	sld [smem:$0x3FFD];
	_ =	sdelay $0x3  }
0x96: {  	_ =	strace s2  }
0x97: {  	_ =	strace $0x8FFFFFFF  }
0x98: {  	s18 =	sld [smem:$0x3FDB];
	_ =	sdelay $0x1  }
0x99: {  	s19 =	simm.s32 $_scs_section_size  }
0x9a: {  	s4 =	simm.s32 $_size__tile_overlayer_lowered;
	s5 =	simm.s32 $_tile_overlayer_lowered  }
0x9b: {  	s22 =	simm.s32 $0x1BFF;
	s21 =	sshll.u32 s5, $0x1;
	s2 =	sadd.s32 s19, s18  }
0x9c: {  	s6 =	simm.s32 $0x0;
	s20 =	sshll.u32 s4, $0x1;
	s4 =	sadd.s32 s21, s2  }
0x9d: {  	[timem:s6], [sflag:s22] =	dma.local [hbm:s4], s20  }
0x9e: {  	_ =	swait.ge [sflag:s22], s20  }
0x9f: {  	s3 =	ssub.s32 $0x0, s20;
	[sflag:s22] =	ssyncset.done $0x0  }
0xa0: {  	[sflag:s22] =	ssyncadd.s32 s3;
	_ =	sdelay $0x1  }
0xa1: {  	s23 =	simm.s32 $0x1B8B  }
0xa2: {  	_ =	swait.ge [sflag:s23], $0x1  }
0xa3: {  	[sflag:s23] =	ssyncset.done $0x0  }
0xa4: {  	s25 =	simm.s32 $0x1B8E;
	s24 =	sld [smem:$0x3FFE];
	[sflag:s23] =	ssyncadd.s32 $0xFFFFFFFF  }
0xa5: {  	s26 =	simm.s32 $execute0_lowered;
	[smem:$0x3FD2] =	sst s25  }
0xa6: {  	s4 =	sshll.u32 s26, $0x1;
	_ =	strace $0x8000004F;
	[dreg:$0x1] =	wrdreg $0xFFFFFFFF  }
0xa7: {  	s28 =	simm.s32 $_size_execute0_lowered;
	s2 =	sadd.s32 s2, s4;
	[dreg:$0x0] =	wrdreg $0x0  }
0xa8: {  	s4 =	sshll.u32 s28, $0x1;
	[dreg:$0x2] =	wrdreg s2  }
0xa9: {  	[dreg:$0x3] =	wrdreg s4  }
0xaa: {  	[dreg:$0x4] =	wrdreg $0xC0  }
0xab: {  	_ =	task [dreg:s6], $0x5FFFF  }
0xac: {  	[dreg:$0x1] =	wrdreg $0xFFFFFFFF  }
0xad: {  	[dreg:$0x0] =	wrdreg $0x60  }
0xae: {  	[dreg:$0x2] =	wrdreg s24  }
0xaf: {  	[dreg:$0x3] =	wrdreg $0x93000  }
0xb0: {  	[dreg:$0x4] =	wrdreg $0x9  }
0xb1: {  	_ =	task.clear_ibuf [dreg:s6], $0x5FFFF;
	_ =	strace $0x9000004F  }
0xb2: {  	s29 =	simm.s32 $0x9;
	_ =	strace $0x80000051  }
0xb3: {  	_ =	swait.ge [sflag:s29], $0x1  }
0xb4: {  	[sflag:s29] =	ssyncadd.s32 $0xFFFFFFFF  }
0xb5: {  	_ =	strace $0x90000051  }
0xb6: {  	_ =	sfence  }
0xb7: {  	s30 =	sld [smem:$0x0];
	_ =	sdelay $0x2  }
0xb8: {  	s31 =	sshll.u32 s1, $0xD;
	s1 =	sshrl.u32 s1, $0x2  }
0xb9: {  	s3 =	sand.u32 $0x4000, s31;
	s1 =	sadd.s32 s1, s30  }
0xba: {  	s0 =	sor.u32 s3, s0;
	s1 =	sshll.u32 s1, $0x11  }
0xbb: {  	s0 =	sor.u32 s1, s0  }
0xbc: {  	s0 =	sadd.s32 $0x8F2B, s0  }
0xbd: {  	[sflag:s0] =	ssyncadd.remote.s32 $0x1  }
0xbe: {  	_ =	sfence.sel $0xFFFF  }
0xbf: {  	[dreg:$0x0] =	wrdreg $0xFFFFFFFF;
	(pc) =	sbr.abs _section_cstart, $3  }
0xc0: {  	[dreg:$0x1] =	wrdreg $0xFFFFFFFF  }
0xc1: {  	_ =	task.clear_ibuf [dreg:s6], $0x2FFFF;
	_ =	strace $0x9FFFFFFF  }
0xc2: {  	(tm) =	ssettm $0x7FFFFFFF  }
0xc3: {  	_ =	shalt  }
tec
execute0_lowered:
.L_overlay_start_1:
0x0: {  	(tag) =	ssettag $0x1  }
0x1: {  	s0 =	rddreg [dreg:$0x0];
	s1 =	srdreg.scid  }
0x2: {  	s2 =	rddreg [dreg:$0x1];
	s14 =	stileid.u32;
	s3 =	simm.s32 $0x0  }
0x3: {  	s16 =	simm.s32 $0x2780;
	s17 =	simm.s32 $0x20;
	s18 =	simm.s32 $0x4F00  }
0x4: {  	s19 =	simm.s32 $0x5F00;
	s20 =	simm.s32 $0x6F00;
	s21 =	simm.s32 $0x7F00  }
0x5: {  	s22 =	simm.s32 $0x1;
	s23 =	simm.s32 $0x2;
	s24 =	simm.s32 $0x8F00  }
0x6: {  	s25 =	simm.s32 $0x2720;
	s26 =	simm.s32 $0x4EA0;
	s28 =	simm.s32 $0x0  }
0x7: {  	s1 =	sand.u32 $0x1, s1;
	s5 =	smul.u32 $0x2700, s14;
	[smem:$0x7FF] =	sst s3  }
0x8: {  	s6 =	smul.u32 $0x4E000, s14;
	s30 =	sshll.u32 s14, $0x6;
	s15 =	sadd.s32 $0x138000, s2  }
0x9: {  	p0 =	sne.s32 s14, $0xF;
	s4 =	sshll.u32 s1, $0x4;
	_ =	strace $0x80000050  }
0xa: {  	s1 =	ssub.s32 $0x2, s1;
	s15 =	sshrl.u32 @!p0 s15, $0x3;
	s10 =	sor.u32 s14, s4  }
0xb: {  	s5 =	sadd.s32 s5, s0;
	s7 =	sshrl.u32 s1, $0x1;
	s6 =	sshrl.u32 s6, $0x2  }
0xc: {  	s14 =	simm.s32 $0x3;
	s4 =	smul.u32 $0x4E8, s10;
	s1 =	ssub.s32 s1, s7  }
0xd: {  	s13 =	sadd.s32 s6, s2;
	s11 =	smul.u32 $0x27400, s10;
	s5 =	sadd.s32 $0x16600, s5  }
0xe: {  	s6 =	sor.u32 $0x1C03, s30;
	s7 =	sadd.s32 $0x3D600, s0;
	s10 =	smul.u32 $0x9D, s10  }
0xf: {  	s9 =	sadd.s32 s4, s0;
	s4 =	sadd.s32 $0x3D800, s0;
	s31 =	sshrl.u32 s11, $0x3  }
0x10: {  	s12 =	smax.u32 s1, $0x1;
	s13 =	sshrl.u32 s13, $0x3;
	s0 =	sadd.s32 s4, s31  }
0x11: {  	s8 =	sadd.s32 $0x2A00, s9;
	s9 =	sadd.s32 $0xC800, s9;
	s11 =	sadd.s32 $0x4E00, s0  }
.LBB2_1:
0x12: {  	[spmem:s13], [sflag:s6] =	dma.local [hbm:s5], $0x2700  }
0x13: {  	_ =	swait.ge [sflag:s14], $0x2700  }
0x14: {  	[sflag:s14] =	ssyncset.done $0x0  }
0x15: {  	s0 =	simm.s32 @!p0 $0x3;
	[sflag:s14] =	ssyncadd.s32 $0xFFFFD900  }
0x16: {  	[spmem:s15], [sflag:s6] =	dma.local @!p0 [hbm:s7], $0x180  }
0x17: {  	_ =	swait.ge @!p0 [sflag:s0], $0x180  }
0x18: {  	[sflag:s0] =	ssyncset.done @!p0 $0x0  }
0x19: {  	[sflag:s0] =	ssyncadd.s32 @!p0 $0xFFFFFE80  }
0x1a: {  	[tilespmem:s3], [sflag:$0x3] =	stream.linear.gather [hbm4b:s8+s3], $0x2740, $0x38;
	[tilespmem:$0x1CBC0] =	vst v63  }
0x1b: {  	_ =	swait.ge [sflag:s14], $0x2740  }
0x1c: {  	[sflag:s14] =	ssyncset.done $0x0  }
0x1d: {  	[sflag:s14] =	ssyncadd.s32 $0xFFFFD8C0  }
0x1e: {  	[tilespmem:s16], [sflag:$0x3] =	stream.linear.gather [hbm4b:s9+s3], $0x2740, $0x38;
	[tilespmem:$0x1CBC0] =	vst v63  }
0x1f: {  	_ =	swait.ge [sflag:s14], $0x2740  }
0x20: {  	[sflag:s14] =	ssyncset.done $0x0  }
0x21: {  	[sflag:s14] =	ssyncadd.s32 $0xFFFFD8C0  }
0x22: {  	[bflag:$0x0] =	sbarrier.arrive $0xFFFF  }
0x23: {  	[tilespmem:s18], [sflag:$0x1] =	stream.indirect.gather [spmem:s2], $0x80, s3, s17, $0xb8;
	[tilespmem:$0x1CBC0] =	vst v63  }
0x24: {  	s29 =	simm.s32 $0x0  }
0x25: {  	[tilespmem:s19], [sflag:$0x1] =	stream.indirect.gather [spmem:s2], $0x80, s16, s17, $0xb8;
	[tilespmem:$0x1CBC0] =	vst v63  }
.LBB2_2:
0x26: {  	s30 =	sshll.u32 s29, $0x6  }
0x27: {  	s0 =	sor.u32 $0x20, s30  }
0x28: {  	[tilespmem:s20], [sflag:$0x2] =	stream.indirect.gather [spmem:s2], $0x80, s0, s17, $0xb8;
	[tilespmem:$0x1CBC0] =	vst v63  }
0x29: {  	s1 =	sadd.s32 $0x27A0, s30  }
0x2a: {  	[tilespmem:s21], [sflag:$0x2] =	stream.indirect.gather [spmem:s2], $0x80, s1, s17, $0xb8;
	[tilespmem:$0x1CBC0] =	vst v63  }
0x2b: {  	_ =	swait.ge [sflag:s22], $0x1000  }
0x2c: {  	[sflag:s22] =	ssyncset.done $0x0  }
0x2d: {  	[sflag:s22] =	ssyncadd.s32 $0xFFFFF000  }
0x2e: {  	_ =	swait.ge [sflag:s22], $0x1000  }
0x2f: {  	[sflag:s22] =	ssyncset.done $0x0  }
0x30: {  	s31 =	simm.s32 $0x0;
	s0 =	simm.s32 $0x8F40;
	[sflag:s22] =	ssyncadd.s32 $0xFFFFF000  }
.LBB2_3:
0x31: {  	s1 =	sshra.s32 s31, $0x2  }
0x32: {  	v0 =	vld [tilespmem:s1+$0x4F00]  }
0x33: {  	v1 =	vld [tilespmem:s1+$0x5F00]  }
0x34: {  	v2 =	vld [tilespmem:s1+$0x4F10]  }
0x35: {  	v3 =	vld [tilespmem:s1+$0x5F10]  }
0x36: {  	v4 =	vld [tilespmem:s1+$0x4F20]  }
0x37: {  	v5 =	vld [tilespmem:s1+$0x5F20]  }
0x38: {  	v6 =	vld [tilespmem:s1+$0x4F30]  }
0x39: {  	v7 =	vld [tilespmem:s1+$0x5F30]  }
0x3a: {  	v8 =	vld [tilespmem:s1+$0x4F40]  }
0x3b: {  	v9 =	vld [tilespmem:s1+$0x5F40]  }
0x3c: {  	v10 =	vld [tilespmem:s1+$0x4F50]  }
0x3d: {  	v11 =	vld [tilespmem:s1+$0x5F50]  }
0x3e: {  	v12 =	vld [tilespmem:s1+$0x4F60]  }
0x3f: {  	v13 =	vld [tilespmem:s1+$0x5F60]  }
0x40: {  	v14 =	vld [tilespmem:s1+$0x4F70]  }
0x41: {  	v49 =	vld [tilespmem:s1+$0x5F70];
	v0 =	vmul.f32 v1, v0;
	v48 =	vmul.f32 v5, v4  }
0x42: {  	v2 =	vmul.f32 v3, v2;
	v50 =	vmul.f32 v7, v6  }
0x43: {  	v51 =	vmul.f32 v9, v8  }
0x44: {  	v52 =	vmul.f32 v11, v10;
	v0 =	vadd.f32 v48, v0;
	v2 =	vadd.f32 v50, v2  }
0x45: {  	v54 =	vmul.f32 v13, v12  }
0x46: {  	v55 =	vmul.f32 v49, v14;
	v0 =	vadd.f32 v51, v0;
	v53 =	vadd.f32 v52, v2;
	_ =	sdelay $0x1  }
0x47: {  	v0 =	vadd.f32 v54, v0;
	v1 =	vadd.f32 v55, v53;
	_ =	sdelay $0x1  }
0x48: {  	v0 =	vadd.f32 v1, v0;
	_ =	sdelay $0x1  }
0x49: {  	[tilespmem:s0+$0xFFFFFFC0] =	vst v0  }
0x4a: {  	v0 =	vld [tilespmem:s1+$0x4F80]  }
0x4b: {  	v56 =	vld [tilespmem:s1+$0x5F80]  }
0x4c: {  	v57 =	vld [tilespmem:s1+$0x4F90]  }
0x4d: {  	v58 =	vld [tilespmem:s1+$0x5F90]  }
0x4e: {  	v59 =	vld [tilespmem:s1+$0x4FA0]  }
0x4f: {  	v60 =	vld [tilespmem:s1+$0x5FA0]  }
0x50: {  	v61 =	vld [tilespmem:s1+$0x4FB0]  }
0x51: {  	v62 =	vld [tilespmem:s1+$0x5FB0]  }
0x52: {  	v63 =	vld [tilespmem:s1+$0x4FC0]  }
0x53: {  	v16 =	vld [tilespmem:s1+$0x5FC0]  }
0x54: {  	v17 =	vld [tilespmem:s1+$0x4FD0]  }
0x55: {  	v18 =	vld [tilespmem:s1+$0x5FD0]  }
0x56: {  	v19 =	vld [tilespmem:s1+$0x4FE0]  }
0x57: {  	v20 =	vld [tilespmem:s1+$0x5FE0]  }
0x58: {  	v21 =	vld [tilespmem:s1+$0x4FF0]  }
0x59: {  	v23 =	vld [tilespmem:s1+$0x5FF0];
	v0 =	vmul.f32 v56, v0;
	v22 =	vmul.f32 v60, v59  }
0x5a: {  	v2 =	vmul.f32 v58, v57;
	v24 =	vmul.f32 v62, v61  }
0x5b: {  	v25 =	vmul.f32 v16, v63  }
0x5c: {  	v26 =	vmul.f32 v18, v17;
	v0 =	vadd.f32 v22, v0;
	v2 =	vadd.f32 v24, v2  }
0x5d: {  	v28 =	vmul.f32 v20, v19  }
0x5e: {  	v29 =	vmul.f32 v23, v21;
	v0 =	vadd.f32 v25, v0;
	v27 =	vadd.f32 v26, v2;
	_ =	sdelay $0x1  }
0x5f: {  	v0 =	vadd.f32 v28, v0;
	v1 =	vadd.f32 v29, v27;
	_ =	sdelay $0x1  }
0x60: {  	v0 =	vadd.f32 v1, v0;
	_ =	sdelay $0x1  }
0x61: {  	[tilespmem:s0+$0xFFFFFFD0] =	vst v0  }
0x62: {  	v0 =	vld [tilespmem:s1+$0x5000]  }
0x63: {  	v30 =	vld [tilespmem:s1+$0x6000]  }
0x64: {  	v31 =	vld [tilespmem:s1+$0x5010]  }
0x65: {  	v32 =	vld [tilespmem:s1+$0x6010]  }
0x66: {  	v33 =	vld [tilespmem:s1+$0x5020]  }
0x67: {  	v34 =	vld [tilespmem:s1+$0x6020]  }
0x68: {  	v35 =	vld [tilespmem:s1+$0x5030]  }
0x69: {  	v36 =	vld [tilespmem:s1+$0x6030]  }
0x6a: {  	v37 =	vld [tilespmem:s1+$0x5040]  }
0x6b: {  	v38 =	vld [tilespmem:s1+$0x6040]  }
0x6c: {  	v39 =	vld [tilespmem:s1+$0x5050]  }
0x6d: {  	v40 =	vld [tilespmem:s1+$0x6050]  }
0x6e: {  	v41 =	vld [tilespmem:s1+$0x5060]  }
0x6f: {  	v42 =	vld [tilespmem:s1+$0x6060]  }
0x70: {  	v43 =	vld [tilespmem:s1+$0x5070]  }
0x71: {  	v45 =	vld [tilespmem:s1+$0x6070];
	v0 =	vmul.f32 v30, v0;
	v44 =	vmul.f32 v34, v33  }
0x72: {  	v2 =	vmul.f32 v32, v31;
	v46 =	vmul.f32 v36, v35  }
0x73: {  	v47 =	vmul.f32 v38, v37  }
0x74: {  	v48 =	vmul.f32 v40, v39;
	v0 =	vadd.f32 v44, v0;
	v2 =	vadd.f32 v46, v2  }
0x75: {  	v50 =	vmul.f32 v42, v41  }
0x76: {  	v51 =	vmul.f32 v45, v43;
	v0 =	vadd.f32 v47, v0;
	v49 =	vadd.f32 v48, v2;
	_ =	sdelay $0x1  }
0x77: {  	v0 =	vadd.f32 v50, v0;
	v1 =	vadd.f32 v51, v49;
	_ =	sdelay $0x1  }
0x78: {  	v0 =	vadd.f32 v1, v0;
	_ =	sdelay $0x1  }
0x79: {  	[tilespmem:s0+$0xFFFFFFE0] =	vst v0  }
0x7a: {  	v0 =	vld [tilespmem:s1+$0x5080]  }
0x7b: {  	v52 =	vld [tilespmem:s1+$0x6080]  }
0x7c: {  	v53 =	vld [tilespmem:s1+$0x5090]  }
0x7d: {  	v54 =	vld [tilespmem:s1+$0x6090]  }
0x7e: {  	v55 =	vld [tilespmem:s1+$0x50A0]  }
0x7f: {  	v56 =	vld [tilespmem:s1+$0x60A0]  }
0x80: {  	v57 =	vld [tilespmem:s1+$0x50B0]  }
0x81: {  	v58 =	vld [tilespmem:s1+$0x60B0]  }
0x82: {  	v59 =	vld [tilespmem:s1+$0x50C0]  }
0x83: {  	v60 =	vld [tilespmem:s1+$0x60C0]  }
0x84: {  	v61 =	vld [tilespmem:s1+$0x50D0]  }
0x85: {  	v62 =	vld [tilespmem:s1+$0x60D0]  }
0x86: {  	v63 =	vld [tilespmem:s1+$0x50E0]  }
0x87: {  	v16 =	vld [tilespmem:s1+$0x60E0]  }
0x88: {  	v17 =	vld [tilespmem:s1+$0x50F0]  }
0x89: {  	v19 =	vld [tilespmem:s1+$0x60F0];
	v0 =	vmul.f32 v52, v0;
	v18 =	vmul.f32 v56, v55  }
0x8a: {  	v2 =	vmul.f32 v54, v53;
	v20 =	vmul.f32 v58, v57  }
0x8b: {  	v21 =	vmul.f32 v60, v59  }
0x8c: {  	v22 =	vmul.f32 v62, v61;
	v0 =	vadd.f32 v18, v0;
	v2 =	vadd.f32 v20, v2  }
0x8d: {  	v24 =	vmul.f32 v16, v63  }
0x8e: {  	v25 =	vmul.f32 v19, v17;
	v0 =	vadd.f32 v21, v0;
	v23 =	vadd.f32 v22, v2;
	_ =	sdelay $0x1  }
0x8f: {  	v0 =	vadd.f32 v24, v0;
	v1 =	vadd.f32 v25, v23;
	_ =	sdelay $0x1  }
0x90: {  	v0 =	vadd.f32 v1, v0;
	_ =	sdelay $0x1  }
0x91: {  	[tilespmem:s0+$0xFFFFFFF0] =	vst v0  }
0x92: {  	v0 =	vld [tilespmem:s1+$0x5100]  }
0x93: {  	v26 =	vld [tilespmem:s1+$0x6100]  }
0x94: {  	v27 =	vld [tilespmem:s1+$0x5110]  }
0x95: {  	v28 =	vld [tilespmem:s1+$0x6110]  }
0x96: {  	v29 =	vld [tilespmem:s1+$0x5120]  }
0x97: {  	v30 =	vld [tilespmem:s1+$0x6120]  }
0x98: {  	v31 =	vld [tilespmem:s1+$0x5130]  }
0x99: {  	v32 =	vld [tilespmem:s1+$0x6130]  }
0x9a: {  	v33 =	vld [tilespmem:s1+$0x5140]  }
0x9b: {  	v34 =	vld [tilespmem:s1+$0x6140]  }
0x9c: {  	v35 =	vld [tilespmem:s1+$0x5150]  }
0x9d: {  	v36 =	vld [tilespmem:s1+$0x6150]  }
0x9e: {  	v37 =	vld [tilespmem:s1+$0x5160]  }
0x9f: {  	v38 =	vld [tilespmem:s1+$0x6160]  }
0xa0: {  	v39 =	vld [tilespmem:s1+$0x5170]  }
0xa1: {  	v41 =	vld [tilespmem:s1+$0x6170];
	v0 =	vmul.f32 v26, v0;
	v40 =	vmul.f32 v30, v29  }
0xa2: {  	v2 =	vmul.f32 v28, v27;
	v42 =	vmul.f32 v32, v31  }
0xa3: {  	v43 =	vmul.f32 v34, v33  }
0xa4: {  	v44 =	vmul.f32 v36, v35;
	v0 =	vadd.f32 v40, v0;
	v2 =	vadd.f32 v42, v2  }
0xa5: {  	v46 =	vmul.f32 v38, v37  }
0xa6: {  	v47 =	vmul.f32 v41, v39;
	v0 =	vadd.f32 v43, v0;
	v45 =	vadd.f32 v44, v2;
	_ =	sdelay $0x1  }
0xa7: {  	v0 =	vadd.f32 v46, v0;
	v1 =	vadd.f32 v47, v45;
	_ =	sdelay $0x1  }
0xa8: {  	v0 =	vadd.f32 v1, v0;
	_ =	sdelay $0x1  }
0xa9: {  	[tilespmem:s0+$0x0] =	vst v0  }
0xaa: {  	v0 =	vld [tilespmem:s1+$0x5180]  }
0xab: {  	v48 =	vld [tilespmem:s1+$0x6180]  }
0xac: {  	v49 =	vld [tilespmem:s1+$0x5190]  }
0xad: {  	v50 =	vld [tilespmem:s1+$0x6190]  }
0xae: {  	v51 =	vld [tilespmem:s1+$0x51A0]  }
0xaf: {  	v52 =	vld [tilespmem:s1+$0x61A0]  }
0xb0: {  	v53 =	vld [tilespmem:s1+$0x51B0]  }
0xb1: {  	v54 =	vld [tilespmem:s1+$0x61B0]  }
0xb2: {  	v55 =	vld [tilespmem:s1+$0x51C0]  }
0xb3: {  	v56 =	vld [tilespmem:s1+$0x61C0]  }
0xb4: {  	v57 =	vld [tilespmem:s1+$0x51D0]  }
0xb5: {  	v58 =	vld [tilespmem:s1+$0x61D0]  }
0xb6: {  	v59 =	vld [tilespmem:s1+$0x51E0]  }
0xb7: {  	v60 =	vld [tilespmem:s1+$0x61E0]  }
0xb8: {  	v61 =	vld [tilespmem:s1+$0x51F0]  }
0xb9: {  	v63 =	vld [tilespmem:s1+$0x61F0];
	v0 =	vmul.f32 v48, v0;
	v62 =	vmul.f32 v52, v51  }
0xba: {  	v2 =	vmul.f32 v50, v49;
	v7 =	vmul.f32 v54, v53  }
0xbb: {  	v15 =	vmul.f32 v56, v55  }
0xbc: {  	v16 =	vmul.f32 v58, v57;
	v0 =	vadd.f32 v62, v0;
	v2 =	vadd.f32 v7, v2  }
0xbd: {  	v18 =	vmul.f32 v60, v59  }
0xbe: {  	v19 =	vmul.f32 v63, v61;
	v0 =	vadd.f32 v15, v0;
	v17 =	vadd.f32 v16, v2;
	_ =	sdelay $0x1  }
0xbf: {  	v0 =	vadd.f32 v18, v0;
	v1 =	vadd.f32 v19, v17;
	_ =	sdelay $0x1  }
0xc0: {  	v0 =	vadd.f32 v1, v0;
	_ =	sdelay $0x1  }
0xc1: {  	[tilespmem:s0+$0x10] =	vst v0  }
0xc2: {  	v0 =	vld [tilespmem:s1+$0x5200]  }
0xc3: {  	v20 =	vld [tilespmem:s1+$0x6200]  }
0xc4: {  	v21 =	vld [tilespmem:s1+$0x5210]  }
0xc5: {  	v22 =	vld [tilespmem:s1+$0x6210]  }
0xc6: {  	v23 =	vld [tilespmem:s1+$0x5220]  }
0xc7: {  	v24 =	vld [tilespmem:s1+$0x6220]  }
0xc8: {  	v25 =	vld [tilespmem:s1+$0x5230]  }
0xc9: {  	v26 =	vld [tilespmem:s1+$0x6230]  }
0xca: {  	v27 =	vld [tilespmem:s1+$0x5240]  }
0xcb: {  	v28 =	vld [tilespmem:s1+$0x6240]  }
0xcc: {  	v29 =	vld [tilespmem:s1+$0x5250]  }
0xcd: {  	v30 =	vld [tilespmem:s1+$0x6250]  }
0xce: {  	v31 =	vld [tilespmem:s1+$0x5260]  }
0xcf: {  	v32 =	vld [tilespmem:s1+$0x6260]  }
0xd0: {  	v33 =	vld [tilespmem:s1+$0x5270]  }
0xd1: {  	v35 =	vld [tilespmem:s1+$0x6270];
	v0 =	vmul.f32 v20, v0;
	v34 =	vmul.f32 v24, v23  }
0xd2: {  	v2 =	vmul.f32 v22, v21;
	v36 =	vmul.f32 v26, v25  }
0xd3: {  	v37 =	vmul.f32 v28, v27  }
0xd4: {  	v38 =	vmul.f32 v30, v29;
	v0 =	vadd.f32 v34, v0;
	v2 =	vadd.f32 v36, v2  }
0xd5: {  	v40 =	vmul.f32 v32, v31  }
0xd6: {  	v41 =	vmul.f32 v35, v33;
	v0 =	vadd.f32 v37, v0;
	v39 =	vadd.f32 v38, v2;
	_ =	sdelay $0x1  }
0xd7: {  	v0 =	vadd.f32 v40, v0;
	v1 =	vadd.f32 v41, v39;
	_ =	sdelay $0x1  }
0xd8: {  	v0 =	vadd.f32 v1, v0;
	_ =	sdelay $0x1  }
0xd9: {  	[tilespmem:s0+$0x20] =	vst v0  }
0xda: {  	v0 =	vld [tilespmem:s1+$0x5280]  }
0xdb: {  	v42 =	vld [tilespmem:s1+$0x6280]  }
0xdc: {  	v43 =	vld [tilespmem:s1+$0x5290]  }
0xdd: {  	v44 =	vld [tilespmem:s1+$0x6290]  }
0xde: {  	v45 =	vld [tilespmem:s1+$0x52A0]  }
0xdf: {  	v46 =	vld [tilespmem:s1+$0x62A0]  }
0xe0: {  	v47 =	vld [tilespmem:s1+$0x52B0]  }
0xe1: {  	v48 =	vld [tilespmem:s1+$0x62B0]  }
0xe2: {  	v49 =	vld [tilespmem:s1+$0x52C0]  }
0xe3: {  	v50 =	vld [tilespmem:s1+$0x62C0]  }
0xe4: {  	v51 =	vld [tilespmem:s1+$0x52D0]  }
0xe5: {  	v52 =	vld [tilespmem:s1+$0x62D0]  }
0xe6: {  	v53 =	vld [tilespmem:s1+$0x52E0]  }
0xe7: {  	v54 =	vld [tilespmem:s1+$0x62E0]  }
0xe8: {  	v55 =	vld [tilespmem:s1+$0x52F0]  }
0xe9: {  	v57 =	vld [tilespmem:s1+$0x62F0];
	v0 =	vmul.f32 v42, v0;
	v56 =	vmul.f32 v46, v45  }
0xea: {  	v2 =	vmul.f32 v44, v43;
	v58 =	vmul.f32 v48, v47  }
0xeb: {  	v59 =	vmul.f32 v50, v49  }
0xec: {  	v60 =	vmul.f32 v52, v51;
	v0 =	vadd.f32 v56, v0;
	v2 =	vadd.f32 v58, v2  }
0xed: {  	v62 =	vmul.f32 v54, v53  }
0xee: {  	v63 =	vmul.f32 v57, v55;
	v0 =	vadd.f32 v59, v0;
	v61 =	vadd.f32 v60, v2  }
0xef: {  	p1 =	sne.s32 s31, $0x3000  }
.Ltmp0:
0xf0: {  	v0 =	vadd.f32 v62, v0;
	v1 =	vadd.f32 v63, v61;
	(pc) =	sbr.rel @p1 .LBB2_3-.Ltmp0, $3  }
0xf1: {  	_ = 	snop  }
0xf2: {  	v0 =	vadd.f32 v1, v0;
	_ =	sdelay $0x1  }
0xf3: {  	s31 =	sadd.s32 $0x1000, s31;
	[tilespmem:s0+$0x30] =	vst v0;
	s0 =	sadd.s32 $0x80, s0  }
0xf4: {  	s0 =	sadd.s32 $0x40, s30  }
0xf5: {  	[tilespmem:s18], [sflag:$0x1] =	stream.indirect.gather [spmem:s2], $0x80, s0, s17, $0xb8;
	[tilespmem:$0x1CBC0] =	vst v63  }
0xf6: {  	s31 =	sadd.s32 $0x27C0, s30  }
0xf7: {  	[tilespmem:s19], [sflag:$0x1] =	stream.indirect.gather [spmem:s2], $0x80, s31, s17, $0xb8;
	[tilespmem:$0x1CBC0] =	vst v63  }
0xf8: {  	_ =	swait.ge [sflag:s23], $0x1000  }
0xf9: {  	[sflag:s23] =	ssyncset.done $0x0  }
0xfa: {  	[sflag:s23] =	ssyncadd.s32 $0xFFFFF000  }
0xfb: {  	_ =	swait.ge [sflag:s23], $0x1000  }
0xfc: {  	[sflag:s23] =	ssyncset.done $0x0  }
0xfd: {  	s30 =	simm.s32 $0x0;
	s0 =	simm.s32 $0x9170;
	[sflag:s23] =	ssyncadd.s32 $0xFFFFF000  }
.LBB2_5:
0xfe: {  	s1 =	sshra.s32 s30, $0x2  }
0xff: {  	v0 =	vld [tilespmem:s1+$0x6F00]  }
0x100: {  	v1 =	vld [tilespmem:s1+$0x7F00]  }
0x101: {  	v2 =	vld [tilespmem:s1+$0x6F10]  }
0x102: {  	v3 =	vld [tilespmem:s1+$0x7F10]  }
0x103: {  	v4 =	vld [tilespmem:s1+$0x6F20]  }
0x104: {  	v5 =	vld [tilespmem:s1+$0x7F20]  }
0x105: {  	v6 =	vld [tilespmem:s1+$0x6F30]  }
0x106: {  	v7 =	vld [tilespmem:s1+$0x7F30]  }
0x107: {  	v8 =	vld [tilespmem:s1+$0x6F40]  }
0x108: {  	v9 =	vld [tilespmem:s1+$0x7F40]  }
0x109: {  	v10 =	vld [tilespmem:s1+$0x6F50]  }
0x10a: {  	v11 =	vld [tilespmem:s1+$0x7F50]  }
0x10b: {  	v12 =	vld [tilespmem:s1+$0x6F60]  }
0x10c: {  	v13 =	vld [tilespmem:s1+$0x7F60]  }
0x10d: {  	v14 =	vld [tilespmem:s1+$0x6F70]  }
0x10e: {  	v49 =	vld [tilespmem:s1+$0x7F70];
	v0 =	vmul.f32 v1, v0;
	v48 =	vmul.f32 v5, v4  }
0x10f: {  	v2 =	vmul.f32 v3, v2;
	v50 =	vmul.f32 v7, v6  }
0x110: {  	v51 =	vmul.f32 v9, v8  }
0x111: {  	v52 =	vmul.f32 v11, v10;
	v0 =	vadd.f32 v48, v0;
	v2 =	vadd.f32 v50, v2  }
0x112: {  	v54 =	vmul.f32 v13, v12  }
0x113: {  	v55 =	vmul.f32 v49, v14;
	v0 =	vadd.f32 v51, v0;
	v53 =	vadd.f32 v52, v2;
	_ =	sdelay $0x1  }
0x114: {  	v0 =	vadd.f32 v54, v0;
	v1 =	vadd.f32 v55, v53;
	_ =	sdelay $0x1  }
0x115: {  	v0 =	vadd.f32 v1, v0;
	_ =	sdelay $0x1  }
0x116: {  	[tilespmem:s0+$0xFFFFFF90] =	vst v0  }
0x117: {  	v0 =	vld [tilespmem:s1+$0x6F80]  }
0x118: {  	v56 =	vld [tilespmem:s1+$0x7F80]  }
0x119: {  	v57 =	vld [tilespmem:s1+$0x6F90]  }
0x11a: {  	v58 =	vld [tilespmem:s1+$0x7F90]  }
0x11b: {  	v59 =	vld [tilespmem:s1+$0x6FA0]  }
0x11c: {  	v60 =	vld [tilespmem:s1+$0x7FA0]  }
0x11d: {  	v61 =	vld [tilespmem:s1+$0x6FB0]  }
0x11e: {  	v62 =	vld [tilespmem:s1+$0x7FB0]  }
0x11f: {  	v63 =	vld [tilespmem:s1+$0x6FC0]  }
0x120: {  	v16 =	vld [tilespmem:s1+$0x7FC0]  }
0x121: {  	v17 =	vld [tilespmem:s1+$0x6FD0]  }
0x122: {  	v18 =	vld [tilespmem:s1+$0x7FD0]  }
0x123: {  	v19 =	vld [tilespmem:s1+$0x6FE0]  }
0x124: {  	v20 =	vld [tilespmem:s1+$0x7FE0]  }
0x125: {  	v21 =	vld [tilespmem:s1+$0x6FF0]  }
0x126: {  	v23 =	vld [tilespmem:s1+$0x7FF0];
	v0 =	vmul.f32 v56, v0;
	v22 =	vmul.f32 v60, v59  }
0x127: {  	v2 =	vmul.f32 v58, v57;
	v24 =	vmul.f32 v62, v61  }
0x128: {  	v25 =	vmul.f32 v16, v63  }
0x129: {  	v26 =	vmul.f32 v18, v17;
	v0 =	vadd.f32 v22, v0;
	v2 =	vadd.f32 v24, v2  }
0x12a: {  	v28 =	vmul.f32 v20, v19  }
0x12b: {  	v29 =	vmul.f32 v23, v21;
	v0 =	vadd.f32 v25, v0;
	v27 =	vadd.f32 v26, v2;
	_ =	sdelay $0x1  }
0x12c: {  	v0 =	vadd.f32 v28, v0;
	v1 =	vadd.f32 v29, v27;
	_ =	sdelay $0x1  }
0x12d: {  	v0 =	vadd.f32 v1, v0;
	_ =	sdelay $0x1  }
0x12e: {  	[tilespmem:s0+$0xFFFFFFA0] =	vst v0  }
0x12f: {  	v0 =	vld [tilespmem:s1+$0x7000]  }
0x130: {  	v30 =	vld [tilespmem:s1+$0x8000]  }
0x131: {  	v31 =	vld [tilespmem:s1+$0x7010]  }
0x132: {  	v32 =	vld [tilespmem:s1+$0x8010]  }
0x133: {  	v33 =	vld [tilespmem:s1+$0x7020]  }
0x134: {  	v34 =	vld [tilespmem:s1+$0x8020]  }
0x135: {  	v35 =	vld [tilespmem:s1+$0x7030]  }
0x136: {  	v36 =	vld [tilespmem:s1+$0x8030]  }
0x137: {  	v37 =	vld [tilespmem:s1+$0x7040]  }
0x138: {  	v38 =	vld [tilespmem:s1+$0x8040]  }
0x139: {  	v39 =	vld [tilespmem:s1+$0x7050]  }
0x13a: {  	v40 =	vld [tilespmem:s1+$0x8050]  }
0x13b: {  	v41 =	vld [tilespmem:s1+$0x7060]  }
0x13c: {  	v42 =	vld [tilespmem:s1+$0x8060]  }
0x13d: {  	v43 =	vld [tilespmem:s1+$0x7070]  }
0x13e: {  	v45 =	vld [tilespmem:s1+$0x8070];
	v0 =	vmul.f32 v30, v0;
	v44 =	vmul.f32 v34, v33  }
0x13f: {  	v2 =	vmul.f32 v32, v31;
	v46 =	vmul.f32 v36, v35  }
0x140: {  	v47 =	vmul.f32 v38, v37  }
0x141: {  	v48 =	vmul.f32 v40, v39;
	v0 =	vadd.f32 v44, v0;
	v2 =	vadd.f32 v46, v2  }
0x142: {  	v50 =	vmul.f32 v42, v41  }
0x143: {  	v51 =	vmul.f32 v45, v43;
	v0 =	vadd.f32 v47, v0;
	v49 =	vadd.f32 v48, v2;
	_ =	sdelay $0x1  }
0x144: {  	v0 =	vadd.f32 v50, v0;
	v1 =	vadd.f32 v51, v49;
	_ =	sdelay $0x1  }
0x145: {  	v0 =	vadd.f32 v1, v0;
	_ =	sdelay $0x1  }
0x146: {  	[tilespmem:s0+$0xFFFFFFB0] =	vst v0  }
0x147: {  	v0 =	vld [tilespmem:s1+$0x7080]  }
0x148: {  	v52 =	vld [tilespmem:s1+$0x8080]  }
0x149: {  	v53 =	vld [tilespmem:s1+$0x7090]  }
0x14a: {  	v54 =	vld [tilespmem:s1+$0x8090]  }
0x14b: {  	v55 =	vld [tilespmem:s1+$0x70A0]  }
0x14c: {  	v56 =	vld [tilespmem:s1+$0x80A0]  }
0x14d: {  	v57 =	vld [tilespmem:s1+$0x70B0]  }
0x14e: {  	v58 =	vld [tilespmem:s1+$0x80B0]  }
0x14f: {  	v59 =	vld [tilespmem:s1+$0x70C0]  }
0x150: {  	v60 =	vld [tilespmem:s1+$0x80C0]  }
0x151: {  	v61 =	vld [tilespmem:s1+$0x70D0]  }
0x152: {  	v62 =	vld [tilespmem:s1+$0x80D0]  }
0x153: {  	v63 =	vld [tilespmem:s1+$0x70E0]  }
0x154: {  	v16 =	vld [tilespmem:s1+$0x80E0]  }
0x155: {  	v17 =	vld [tilespmem:s1+$0x70F0]  }
0x156: {  	v19 =	vld [tilespmem:s1+$0x80F0];
	v0 =	vmul.f32 v52, v0;
	v18 =	vmul.f32 v56, v55  }
0x157: {  	v2 =	vmul.f32 v54, v53;
	v20 =	vmul.f32 v58, v57  }
0x158: {  	v21 =	vmul.f32 v60, v59  }
0x159: {  	v22 =	vmul.f32 v62, v61;
	v0 =	vadd.f32 v18, v0;
	v2 =	vadd.f32 v20, v2  }
0x15a: {  	v24 =	vmul.f32 v16, v63  }
0x15b: {  	v25 =	vmul.f32 v19, v17;
	v0 =	vadd.f32 v21, v0;
	v23 =	vadd.f32 v22, v2;
	_ =	sdelay $0x1  }
0x15c: {  	v0 =	vadd.f32 v24, v0;
	v1 =	vadd.f32 v25, v23;
	_ =	sdelay $0x1  }
0x15d: {  	v0 =	vadd.f32 v1, v0;
	_ =	sdelay $0x1  }
0x15e: {  	[tilespmem:s0+$0xFFFFFFC0] =	vst v0  }
0x15f: {  	v0 =	vld [tilespmem:s1+$0x7100]  }
0x160: {  	v26 =	vld [tilespmem:s1+$0x8100]  }
0x161: {  	v27 =	vld [tilespmem:s1+$0x7110]  }
0x162: {  	v28 =	vld [tilespmem:s1+$0x8110]  }
0x163: {  	v29 =	vld [tilespmem:s1+$0x7120]  }
0x164: {  	v30 =	vld [tilespmem:s1+$0x8120]  }
0x165: {  	v31 =	vld [tilespmem:s1+$0x7130]  }
0x166: {  	v32 =	vld [tilespmem:s1+$0x8130]  }
0x167: {  	v33 =	vld [tilespmem:s1+$0x7140]  }
0x168: {  	v34 =	vld [tilespmem:s1+$0x8140]  }
0x169: {  	v35 =	vld [tilespmem:s1+$0x7150]  }
0x16a: {  	v36 =	vld [tilespmem:s1+$0x8150]  }
0x16b: {  	v37 =	vld [tilespmem:s1+$0x7160]  }
0x16c: {  	v38 =	vld [tilespmem:s1+$0x8160]  }
0x16d: {  	v39 =	vld [tilespmem:s1+$0x7170]  }
0x16e: {  	v41 =	vld [tilespmem:s1+$0x8170];
	v0 =	vmul.f32 v26, v0;
	v40 =	vmul.f32 v30, v29  }
0x16f: {  	v2 =	vmul.f32 v28, v27;
	v42 =	vmul.f32 v32, v31  }
0x170: {  	v43 =	vmul.f32 v34, v33  }
0x171: {  	v44 =	vmul.f32 v36, v35;
	v0 =	vadd.f32 v40, v0;
	v2 =	vadd.f32 v42, v2  }
0x172: {  	v46 =	vmul.f32 v38, v37  }
0x173: {  	v47 =	vmul.f32 v41, v39;
	v0 =	vadd.f32 v43, v0;
	v45 =	vadd.f32 v44, v2;
	_ =	sdelay $0x1  }
0x174: {  	v0 =	vadd.f32 v46, v0;
	v1 =	vadd.f32 v47, v45;
	_ =	sdelay $0x1  }
0x175: {  	v0 =	vadd.f32 v1, v0;
	_ =	sdelay $0x1  }
0x176: {  	[tilespmem:s0+$0xFFFFFFD0] =	vst v0  }
0x177: {  	v0 =	vld [tilespmem:s1+$0x7180]  }
0x178: {  	v48 =	vld [tilespmem:s1+$0x8180]  }
0x179: {  	v49 =	vld [tilespmem:s1+$0x7190]  }
0x17a: {  	v50 =	vld [tilespmem:s1+$0x8190]  }
0x17b: {  	v51 =	vld [tilespmem:s1+$0x71A0]  }
0x17c: {  	v52 =	vld [tilespmem:s1+$0x81A0]  }
0x17d: {  	v53 =	vld [tilespmem:s1+$0x71B0]  }
0x17e: {  	v54 =	vld [tilespmem:s1+$0x81B0]  }
0x17f: {  	v55 =	vld [tilespmem:s1+$0x71C0]  }
0x180: {  	v56 =	vld [tilespmem:s1+$0x81C0]  }
0x181: {  	v57 =	vld [tilespmem:s1+$0x71D0]  }
0x182: {  	v58 =	vld [tilespmem:s1+$0x81D0]  }
0x183: {  	v59 =	vld [tilespmem:s1+$0x71E0]  }
0x184: {  	v60 =	vld [tilespmem:s1+$0x81E0]  }
0x185: {  	v61 =	vld [tilespmem:s1+$0x71F0]  }
0x186: {  	v63 =	vld [tilespmem:s1+$0x81F0];
	v0 =	vmul.f32 v48, v0;
	v62 =	vmul.f32 v52, v51  }
0x187: {  	v2 =	vmul.f32 v50, v49;
	v7 =	vmul.f32 v54, v53  }
0x188: {  	v15 =	vmul.f32 v56, v55  }
0x189: {  	v16 =	vmul.f32 v58, v57;
	v0 =	vadd.f32 v62, v0;
	v2 =	vadd.f32 v7, v2  }
0x18a: {  	v18 =	vmul.f32 v60, v59  }
0x18b: {  	v19 =	vmul.f32 v63, v61;
	v0 =	vadd.f32 v15, v0;
	v17 =	vadd.f32 v16, v2;
	_ =	sdelay $0x1  }
0x18c: {  	v0 =	vadd.f32 v18, v0;
	v1 =	vadd.f32 v19, v17;
	_ =	sdelay $0x1  }
0x18d: {  	v0 =	vadd.f32 v1, v0;
	_ =	sdelay $0x1  }
0x18e: {  	[tilespmem:s0+$0xFFFFFFE0] =	vst v0  }
0x18f: {  	v0 =	vld [tilespmem:s1+$0x7200]  }
0x190: {  	v20 =	vld [tilespmem:s1+$0x8200]  }
0x191: {  	v21 =	vld [tilespmem:s1+$0x7210]  }
0x192: {  	v22 =	vld [tilespmem:s1+$0x8210]  }
0x193: {  	v23 =	vld [tilespmem:s1+$0x7220]  }
0x194: {  	v24 =	vld [tilespmem:s1+$0x8220]  }
0x195: {  	v25 =	vld [tilespmem:s1+$0x7230]  }
0x196: {  	v26 =	vld [tilespmem:s1+$0x8230]  }
0x197: {  	v27 =	vld [tilespmem:s1+$0x7240]  }
0x198: {  	v28 =	vld [tilespmem:s1+$0x8240]  }
0x199: {  	v29 =	vld [tilespmem:s1+$0x7250]  }
0x19a: {  	v30 =	vld [tilespmem:s1+$0x8250]  }
0x19b: {  	v31 =	vld [tilespmem:s1+$0x7260]  }
0x19c: {  	v32 =	vld [tilespmem:s1+$0x8260]  }
0x19d: {  	v33 =	vld [tilespmem:s1+$0x7270]  }
0x19e: {  	v35 =	vld [tilespmem:s1+$0x8270];
	v0 =	vmul.f32 v20, v0;
	v34 =	vmul.f32 v24, v23  }
0x19f: {  	v2 =	vmul.f32 v22, v21;
	v36 =	vmul.f32 v26, v25  }
0x1a0: {  	v37 =	vmul.f32 v28, v27  }
0x1a1: {  	v38 =	vmul.f32 v30, v29;
	v0 =	vadd.f32 v34, v0;
	v2 =	vadd.f32 v36, v2  }
0x1a2: {  	v40 =	vmul.f32 v32, v31  }
0x1a3: {  	v41 =	vmul.f32 v35, v33;
	v0 =	vadd.f32 v37, v0;
	v39 =	vadd.f32 v38, v2;
	_ =	sdelay $0x1  }
0x1a4: {  	v0 =	vadd.f32 v40, v0;
	v1 =	vadd.f32 v41, v39;
	_ =	sdelay $0x1  }
0x1a5: {  	v0 =	vadd.f32 v1, v0;
	_ =	sdelay $0x1  }
0x1a6: {  	[tilespmem:s0+$0xFFFFFFF0] =	vst v0  }
0x1a7: {  	v0 =	vld [tilespmem:s1+$0x7280]  }
0x1a8: {  	v42 =	vld [tilespmem:s1+$0x8280]  }
0x1a9: {  	v43 =	vld [tilespmem:s1+$0x7290]  }
0x1aa: {  	v44 =	vld [tilespmem:s1+$0x8290]  }
0x1ab: {  	v45 =	vld [tilespmem:s1+$0x72A0]  }
0x1ac: {  	v46 =	vld [tilespmem:s1+$0x82A0]  }
0x1ad: {  	v47 =	vld [tilespmem:s1+$0x72B0]  }
0x1ae: {  	v48 =	vld [tilespmem:s1+$0x82B0]  }
0x1af: {  	v49 =	vld [tilespmem:s1+$0x72C0]  }
0x1b0: {  	v50 =	vld [tilespmem:s1+$0x82C0]  }
0x1b1: {  	v51 =	vld [tilespmem:s1+$0x72D0]  }
0x1b2: {  	v52 =	vld [tilespmem:s1+$0x82D0]  }
0x1b3: {  	v53 =	vld [tilespmem:s1+$0x72E0]  }
0x1b4: {  	v54 =	vld [tilespmem:s1+$0x82E0]  }
0x1b5: {  	v55 =	vld [tilespmem:s1+$0x72F0]  }
0x1b6: {  	v57 =	vld [tilespmem:s1+$0x82F0];
	v0 =	vmul.f32 v42, v0;
	v56 =	vmul.f32 v46, v45  }
0x1b7: {  	v2 =	vmul.f32 v44, v43;
	v58 =	vmul.f32 v48, v47  }
0x1b8: {  	v59 =	vmul.f32 v50, v49  }
0x1b9: {  	v60 =	vmul.f32 v52, v51;
	v0 =	vadd.f32 v56, v0;
	v2 =	vadd.f32 v58, v2  }
0x1ba: {  	v62 =	vmul.f32 v54, v53  }
0x1bb: {  	v63 =	vmul.f32 v57, v55;
	v0 =	vadd.f32 v59, v0;
	v61 =	vadd.f32 v60, v2  }
0x1bc: {  	p1 =	sne.s32 s30, $0x3000  }
.Ltmp1:
0x1bd: {  	v0 =	vadd.f32 v62, v0;
	v1 =	vadd.f32 v63, v61;
	(pc) =	sbr.rel @p1 .LBB2_5-.Ltmp1, $3  }
0x1be: {  	_ = 	snop  }
0x1bf: {  	v0 =	vadd.f32 v1, v0;
	_ =	sdelay $0x1  }
0x1c0: {  	s30 =	sadd.s32 $0x1000, s30;
	[tilespmem:s0+$0x0] =	vst v0;
	s0 =	sadd.s32 $0x80, s0  }
0x1c1: {  	s0 =	sadd.s32 s10, s29;
	s29 =	sadd.s32 $0x1, s29  }
0x1c2: {  	s0 =	sshll.u32 s0, $0x7;
	p1 =	sne.s32 s29, $0x9C  }
.Ltmp2:
0x1c3: {  	s0 =	sadd.s32 s4, s0;
	(pc) =	sbr.rel @p1 .LBB2_2-.Ltmp2, $4  }
0x1c4: {  	[hbm4b:s0+s3] =	stream.linear.scatter [tilespmem:s24], [sflag:$0x3], $0x400, $0x38;
	[tilespmem:$0x1CBC0] =	vst v63  }
0x1c5: {  	_ =	swait.ge [sflag:s14], $0x400  }
0x1c6: {  	[sflag:s14] =	ssyncset.done $0x0  }
0x1c7: {  	[sflag:s14] =	ssyncadd.s32 $0xFFFFFC00  }
0x1c8: {  	[tilespmem:s20], [sflag:$0x2] =	stream.indirect.gather [spmem:s2], $0x80, s25, s17, $0xb8;
	[tilespmem:$0x1CBC0] =	vst v63  }
0x1c9: {  	_ = 	snop  }
0x1ca: {  	[tilespmem:s21], [sflag:$0x2] =	stream.indirect.gather [spmem:s2], $0x80, s26, s17, $0xb8;
	[tilespmem:$0x1CBC0] =	vst v63  }
0x1cb: {  	_ =	swait.ge [sflag:s22], $0x1000  }
0x1cc: {  	[sflag:s22] =	ssyncset.done $0x0  }
0x1cd: {  	[sflag:s22] =	ssyncadd.s32 $0xFFFFF000  }
0x1ce: {  	_ =	swait.ge [sflag:s22], $0x1000  }
0x1cf: {  	[sflag:s22] =	ssyncset.done $0x0  }
0x1d0: {  	s29 =	simm.s32 $0x0;
	s0 =	simm.s32 $0x8F40;
	[sflag:s22] =	ssyncadd.s32 $0xFFFFF000  }
.LBB2_8:
0x1d1: {  	s1 =	sshra.s32 s29, $0x2  }
0x1d2: {  	v0 =	vld [tilespmem:s1+$0x4F00]  }
0x1d3: {  	v1 =	vld [tilespmem:s1+$0x5F00]  }
0x1d4: {  	v2 =	vld [tilespmem:s1+$0x4F10]  }
0x1d5: {  	v3 =	vld [tilespmem:s1+$0x5F10]  }
0x1d6: {  	v4 =	vld [tilespmem:s1+$0x4F20]  }
0x1d7: {  	v5 =	vld [tilespmem:s1+$0x5F20]  }
0x1d8: {  	v6 =	vld [tilespmem:s1+$0x4F30]  }
0x1d9: {  	v7 =	vld [tilespmem:s1+$0x5F30]  }
0x1da: {  	v8 =	vld [tilespmem:s1+$0x4F40]  }
0x1db: {  	v9 =	vld [tilespmem:s1+$0x5F40]  }
0x1dc: {  	v10 =	vld [tilespmem:s1+$0x4F50]  }
0x1dd: {  	v11 =	vld [tilespmem:s1+$0x5F50]  }
0x1de: {  	v12 =	vld [tilespmem:s1+$0x4F60]  }
0x1df: {  	v13 =	vld [tilespmem:s1+$0x5F60]  }
0x1e0: {  	v14 =	vld [tilespmem:s1+$0x4F70]  }
0x1e1: {  	v49 =	vld [tilespmem:s1+$0x5F70];
	v0 =	vmul.f32 v1, v0;
	v48 =	vmul.f32 v5, v4  }
0x1e2: {  	v2 =	vmul.f32 v3, v2;
	v50 =	vmul.f32 v7, v6  }
0x1e3: {  	v51 =	vmul.f32 v9, v8  }
0x1e4: {  	v52 =	vmul.f32 v11, v10;
	v0 =	vadd.f32 v48, v0;
	v2 =	vadd.f32 v50, v2  }
0x1e5: {  	v54 =	vmul.f32 v13, v12  }
0x1e6: {  	v55 =	vmul.f32 v49, v14;
	v0 =	vadd.f32 v51, v0;
	v53 =	vadd.f32 v52, v2;
	_ =	sdelay $0x1  }
0x1e7: {  	v0 =	vadd.f32 v54, v0;
	v1 =	vadd.f32 v55, v53;
	_ =	sdelay $0x1  }
0x1e8: {  	v0 =	vadd.f32 v1, v0;
	_ =	sdelay $0x1  }
0x1e9: {  	[tilespmem:s0+$0xFFFFFFC0] =	vst v0  }
0x1ea: {  	v0 =	vld [tilespmem:s1+$0x4F80]  }
0x1eb: {  	v56 =	vld [tilespmem:s1+$0x5F80]  }
0x1ec: {  	v57 =	vld [tilespmem:s1+$0x4F90]  }
0x1ed: {  	v58 =	vld [tilespmem:s1+$0x5F90]  }
0x1ee: {  	v59 =	vld [tilespmem:s1+$0x4FA0]  }
0x1ef: {  	v60 =	vld [tilespmem:s1+$0x5FA0]  }
0x1f0: {  	v61 =	vld [tilespmem:s1+$0x4FB0]  }
0x1f1: {  	v62 =	vld [tilespmem:s1+$0x5FB0]  }
0x1f2: {  	v63 =	vld [tilespmem:s1+$0x4FC0]  }
0x1f3: {  	v16 =	vld [tilespmem:s1+$0x5FC0]  }
0x1f4: {  	v17 =	vld [tilespmem:s1+$0x4FD0]  }
0x1f5: {  	v18 =	vld [tilespmem:s1+$0x5FD0]  }
0x1f6: {  	v19 =	vld [tilespmem:s1+$0x4FE0]  }
0x1f7: {  	v20 =	vld [tilespmem:s1+$0x5FE0]  }
0x1f8: {  	v21 =	vld [tilespmem:s1+$0x4FF0]  }
0x1f9: {  	v23 =	vld [tilespmem:s1+$0x5FF0];
	v0 =	vmul.f32 v56, v0;
	v22 =	vmul.f32 v60, v59  }
0x1fa: {  	v2 =	vmul.f32 v58, v57;
	v24 =	vmul.f32 v62, v61  }
0x1fb: {  	v25 =	vmul.f32 v16, v63  }
0x1fc: {  	v26 =	vmul.f32 v18, v17;
	v0 =	vadd.f32 v22, v0;
	v2 =	vadd.f32 v24, v2  }
0x1fd: {  	v28 =	vmul.f32 v20, v19  }
0x1fe: {  	v29 =	vmul.f32 v23, v21;
	v0 =	vadd.f32 v25, v0;
	v27 =	vadd.f32 v26, v2;
	_ =	sdelay $0x1  }
0x1ff: {  	v0 =	vadd.f32 v28, v0;
	v1 =	vadd.f32 v29, v27;
	_ =	sdelay $0x1  }
0x200: {  	v0 =	vadd.f32 v1, v0;
	_ =	sdelay $0x1  }
0x201: {  	[tilespmem:s0+$0xFFFFFFD0] =	vst v0  }
0x202: {  	v0 =	vld [tilespmem:s1+$0x5000]  }
0x203: {  	v30 =	vld [tilespmem:s1+$0x6000]  }
0x204: {  	v31 =	vld [tilespmem:s1+$0x5010]  }
0x205: {  	v32 =	vld [tilespmem:s1+$0x6010]  }
0x206: {  	v33 =	vld [tilespmem:s1+$0x5020]  }
0x207: {  	v34 =	vld [tilespmem:s1+$0x6020]  }
0x208: {  	v35 =	vld [tilespmem:s1+$0x5030]  }
0x209: {  	v36 =	vld [tilespmem:s1+$0x6030]  }
0x20a: {  	v37 =	vld [tilespmem:s1+$0x5040]  }
0x20b: {  	v38 =	vld [tilespmem:s1+$0x6040]  }
0x20c: {  	v39 =	vld [tilespmem:s1+$0x5050]  }
0x20d: {  	v40 =	vld [tilespmem:s1+$0x6050]  }
0x20e: {  	v41 =	vld [tilespmem:s1+$0x5060]  }
0x20f: {  	v42 =	vld [tilespmem:s1+$0x6060]  }
0x210: {  	v43 =	vld [tilespmem:s1+$0x5070]  }
0x211: {  	v45 =	vld [tilespmem:s1+$0x6070];
	v0 =	vmul.f32 v30, v0;
	v44 =	vmul.f32 v34, v33  }
0x212: {  	v2 =	vmul.f32 v32, v31;
	v46 =	vmul.f32 v36, v35  }
0x213: {  	v47 =	vmul.f32 v38, v37  }
0x214: {  	v48 =	vmul.f32 v40, v39;
	v0 =	vadd.f32 v44, v0;
	v2 =	vadd.f32 v46, v2  }
0x215: {  	v50 =	vmul.f32 v42, v41  }
0x216: {  	v51 =	vmul.f32 v45, v43;
	v0 =	vadd.f32 v47, v0;
	v49 =	vadd.f32 v48, v2;
	_ =	sdelay $0x1  }
0x217: {  	v0 =	vadd.f32 v50, v0;
	v1 =	vadd.f32 v51, v49;
	_ =	sdelay $0x1  }
0x218: {  	v0 =	vadd.f32 v1, v0;
	_ =	sdelay $0x1  }
0x219: {  	[tilespmem:s0+$0xFFFFFFE0] =	vst v0  }
0x21a: {  	v0 =	vld [tilespmem:s1+$0x5080]  }
0x21b: {  	v52 =	vld [tilespmem:s1+$0x6080]  }
0x21c: {  	v53 =	vld [tilespmem:s1+$0x5090]  }
0x21d: {  	v54 =	vld [tilespmem:s1+$0x6090]  }
0x21e: {  	v55 =	vld [tilespmem:s1+$0x50A0]  }
0x21f: {  	v56 =	vld [tilespmem:s1+$0x60A0]  }
0x220: {  	v57 =	vld [tilespmem:s1+$0x50B0]  }
0x221: {  	v58 =	vld [tilespmem:s1+$0x60B0]  }
0x222: {  	v59 =	vld [tilespmem:s1+$0x50C0]  }
0x223: {  	v60 =	vld [tilespmem:s1+$0x60C0]  }
0x224: {  	v61 =	vld [tilespmem:s1+$0x50D0]  }
0x225: {  	v62 =	vld [tilespmem:s1+$0x60D0]  }
0x226: {  	v63 =	vld [tilespmem:s1+$0x50E0]  }
0x227: {  	v16 =	vld [tilespmem:s1+$0x60E0]  }
0x228: {  	v17 =	vld [tilespmem:s1+$0x50F0]  }
0x229: {  	v19 =	vld [tilespmem:s1+$0x60F0];
	v0 =	vmul.f32 v52, v0;
	v18 =	vmul.f32 v56, v55  }
0x22a: {  	v2 =	vmul.f32 v54, v53;
	v20 =	vmul.f32 v58, v57  }
0x22b: {  	v21 =	vmul.f32 v60, v59  }
0x22c: {  	v22 =	vmul.f32 v62, v61;
	v0 =	vadd.f32 v18, v0;
	v2 =	vadd.f32 v20, v2  }
0x22d: {  	v24 =	vmul.f32 v16, v63  }
0x22e: {  	v25 =	vmul.f32 v19, v17;
	v0 =	vadd.f32 v21, v0;
	v23 =	vadd.f32 v22, v2;
	_ =	sdelay $0x1  }
0x22f: {  	v0 =	vadd.f32 v24, v0;
	v1 =	vadd.f32 v25, v23;
	_ =	sdelay $0x1  }
0x230: {  	v0 =	vadd.f32 v1, v0;
	_ =	sdelay $0x1  }
0x231: {  	[tilespmem:s0+$0xFFFFFFF0] =	vst v0  }
0x232: {  	v0 =	vld [tilespmem:s1+$0x5100]  }
0x233: {  	v26 =	vld [tilespmem:s1+$0x6100]  }
0x234: {  	v27 =	vld [tilespmem:s1+$0x5110]  }
0x235: {  	v28 =	vld [tilespmem:s1+$0x6110]  }
0x236: {  	v29 =	vld [tilespmem:s1+$0x5120]  }
0x237: {  	v30 =	vld [tilespmem:s1+$0x6120]  }
0x238: {  	v31 =	vld [tilespmem:s1+$0x5130]  }
0x239: {  	v32 =	vld [tilespmem:s1+$0x6130]  }
0x23a: {  	v33 =	vld [tilespmem:s1+$0x5140]  }
0x23b: {  	v34 =	vld [tilespmem:s1+$0x6140]  }
0x23c: {  	v35 =	vld [tilespmem:s1+$0x5150]  }
0x23d: {  	v36 =	vld [tilespmem:s1+$0x6150]  }
0x23e: {  	v37 =	vld [tilespmem:s1+$0x5160]  }
0x23f: {  	v38 =	vld [tilespmem:s1+$0x6160]  }
0x240: {  	v39 =	vld [tilespmem:s1+$0x5170]  }
0x241: {  	v41 =	vld [tilespmem:s1+$0x6170];
	v0 =	vmul.f32 v26, v0;
	v40 =	vmul.f32 v30, v29  }
0x242: {  	v2 =	vmul.f32 v28, v27;
	v42 =	vmul.f32 v32, v31  }
0x243: {  	v43 =	vmul.f32 v34, v33  }
0x244: {  	v44 =	vmul.f32 v36, v35;
	v0 =	vadd.f32 v40, v0;
	v2 =	vadd.f32 v42, v2  }
0x245: {  	v46 =	vmul.f32 v38, v37  }
0x246: {  	v47 =	vmul.f32 v41, v39;
	v0 =	vadd.f32 v43, v0;
	v45 =	vadd.f32 v44, v2;
	_ =	sdelay $0x1  }
0x247: {  	v0 =	vadd.f32 v46, v0;
	v1 =	vadd.f32 v47, v45;
	_ =	sdelay $0x1  }
0x248: {  	v0 =	vadd.f32 v1, v0;
	_ =	sdelay $0x1  }
0x249: {  	[tilespmem:s0+$0x0] =	vst v0  }
0x24a: {  	v0 =	vld [tilespmem:s1+$0x5180]  }
0x24b: {  	v48 =	vld [tilespmem:s1+$0x6180]  }
0x24c: {  	v49 =	vld [tilespmem:s1+$0x5190]  }
0x24d: {  	v50 =	vld [tilespmem:s1+$0x6190]  }
0x24e: {  	v51 =	vld [tilespmem:s1+$0x51A0]  }
0x24f: {  	v52 =	vld [tilespmem:s1+$0x61A0]  }
0x250: {  	v53 =	vld [tilespmem:s1+$0x51B0]  }
0x251: {  	v54 =	vld [tilespmem:s1+$0x61B0]  }
0x252: {  	v55 =	vld [tilespmem:s1+$0x51C0]  }
0x253: {  	v56 =	vld [tilespmem:s1+$0x61C0]  }
0x254: {  	v57 =	vld [tilespmem:s1+$0x51D0]  }
0x255: {  	v58 =	vld [tilespmem:s1+$0x61D0]  }
0x256: {  	v59 =	vld [tilespmem:s1+$0x51E0]  }
0x257: {  	v60 =	vld [tilespmem:s1+$0x61E0]  }
0x258: {  	v61 =	vld [tilespmem:s1+$0x51F0]  }
0x259: {  	v63 =	vld [tilespmem:s1+$0x61F0];
	v0 =	vmul.f32 v48, v0;
	v62 =	vmul.f32 v52, v51  }
0x25a: {  	v2 =	vmul.f32 v50, v49;
	v7 =	vmul.f32 v54, v53  }
0x25b: {  	v15 =	vmul.f32 v56, v55  }
0x25c: {  	v16 =	vmul.f32 v58, v57;
	v0 =	vadd.f32 v62, v0;
	v2 =	vadd.f32 v7, v2  }
0x25d: {  	v18 =	vmul.f32 v60, v59  }
0x25e: {  	v19 =	vmul.f32 v63, v61;
	v0 =	vadd.f32 v15, v0;
	v17 =	vadd.f32 v16, v2;
	_ =	sdelay $0x1  }
0x25f: {  	v0 =	vadd.f32 v18, v0;
	v1 =	vadd.f32 v19, v17;
	_ =	sdelay $0x1  }
0x260: {  	v0 =	vadd.f32 v1, v0;
	_ =	sdelay $0x1  }
0x261: {  	[tilespmem:s0+$0x10] =	vst v0  }
0x262: {  	v0 =	vld [tilespmem:s1+$0x5200]  }
0x263: {  	v20 =	vld [tilespmem:s1+$0x6200]  }
0x264: {  	v21 =	vld [tilespmem:s1+$0x5210]  }
0x265: {  	v22 =	vld [tilespmem:s1+$0x6210]  }
0x266: {  	v23 =	vld [tilespmem:s1+$0x5220]  }
0x267: {  	v24 =	vld [tilespmem:s1+$0x6220]  }
0x268: {  	v25 =	vld [tilespmem:s1+$0x5230]  }
0x269: {  	v26 =	vld [tilespmem:s1+$0x6230]  }
0x26a: {  	v27 =	vld [tilespmem:s1+$0x5240]  }
0x26b: {  	v28 =	vld [tilespmem:s1+$0x6240]  }
0x26c: {  	v29 =	vld [tilespmem:s1+$0x5250]  }
0x26d: {  	v30 =	vld [tilespmem:s1+$0x6250]  }
0x26e: {  	v31 =	vld [tilespmem:s1+$0x5260]  }
0x26f: {  	v32 =	vld [tilespmem:s1+$0x6260]  }
0x270: {  	v33 =	vld [tilespmem:s1+$0x5270]  }
0x271: {  	v35 =	vld [tilespmem:s1+$0x6270];
	v0 =	vmul.f32 v20, v0;
	v34 =	vmul.f32 v24, v23  }
0x272: {  	v2 =	vmul.f32 v22, v21;
	v36 =	vmul.f32 v26, v25  }
0x273: {  	v37 =	vmul.f32 v28, v27  }
0x274: {  	v38 =	vmul.f32 v30, v29;
	v0 =	vadd.f32 v34, v0;
	v2 =	vadd.f32 v36, v2  }
0x275: {  	v40 =	vmul.f32 v32, v31  }
0x276: {  	v41 =	vmul.f32 v35, v33;
	v0 =	vadd.f32 v37, v0;
	v39 =	vadd.f32 v38, v2;
	_ =	sdelay $0x1  }
0x277: {  	v0 =	vadd.f32 v40, v0;
	v1 =	vadd.f32 v41, v39;
	_ =	sdelay $0x1  }
0x278: {  	v0 =	vadd.f32 v1, v0;
	_ =	sdelay $0x1  }
0x279: {  	[tilespmem:s0+$0x20] =	vst v0  }
0x27a: {  	v0 =	vld [tilespmem:s1+$0x5280]  }
0x27b: {  	v42 =	vld [tilespmem:s1+$0x6280]  }
0x27c: {  	v43 =	vld [tilespmem:s1+$0x5290]  }
0x27d: {  	v44 =	vld [tilespmem:s1+$0x6290]  }
0x27e: {  	v45 =	vld [tilespmem:s1+$0x52A0]  }
0x27f: {  	v46 =	vld [tilespmem:s1+$0x62A0]  }
0x280: {  	v47 =	vld [tilespmem:s1+$0x52B0]  }
0x281: {  	v48 =	vld [tilespmem:s1+$0x62B0]  }
0x282: {  	v49 =	vld [tilespmem:s1+$0x52C0]  }
0x283: {  	v50 =	vld [tilespmem:s1+$0x62C0]  }
0x284: {  	v51 =	vld [tilespmem:s1+$0x52D0]  }
0x285: {  	v52 =	vld [tilespmem:s1+$0x62D0]  }
0x286: {  	v53 =	vld [tilespmem:s1+$0x52E0]  }
0x287: {  	v54 =	vld [tilespmem:s1+$0x62E0]  }
0x288: {  	v55 =	vld [tilespmem:s1+$0x52F0]  }
0x289: {  	v57 =	vld [tilespmem:s1+$0x62F0];
	v0 =	vmul.f32 v42, v0;
	v56 =	vmul.f32 v46, v45  }
0x28a: {  	v2 =	vmul.f32 v44, v43;
	v58 =	vmul.f32 v48, v47  }
0x28b: {  	v59 =	vmul.f32 v50, v49  }
0x28c: {  	v60 =	vmul.f32 v52, v51;
	v0 =	vadd.f32 v56, v0;
	v2 =	vadd.f32 v58, v2  }
0x28d: {  	v62 =	vmul.f32 v54, v53  }
0x28e: {  	v63 =	vmul.f32 v57, v55;
	v0 =	vadd.f32 v59, v0;
	v61 =	vadd.f32 v60, v2  }
0x28f: {  	p1 =	sne.s32 s29, $0x3000  }
.Ltmp3:
0x290: {  	v0 =	vadd.f32 v62, v0;
	v1 =	vadd.f32 v63, v61;
	(pc) =	sbr.rel @p1 .LBB2_8-.Ltmp3, $3  }
0x291: {  	_ = 	snop  }
0x292: {  	v0 =	vadd.f32 v1, v0;
	_ =	sdelay $0x1  }
0x293: {  	s29 =	sadd.s32 $0x1000, s29;
	[tilespmem:s0+$0x30] =	vst v0;
	s0 =	sadd.s32 $0x80, s0  }
0x294: {  	_ =	swait.ge [sflag:s23], $0x1000  }
0x295: {  	[sflag:s23] =	ssyncset.done $0x0  }
0x296: {  	[sflag:s23] =	ssyncadd.s32 $0xFFFFF000  }
0x297: {  	_ =	swait.ge [sflag:s23], $0x1000  }
0x298: {  	[sflag:s23] =	ssyncset.done $0x0  }
0x299: {  	s29 =	simm.s32 $0x0;
	s0 =	simm.s32 $0x9170;
	[sflag:s23] =	ssyncadd.s32 $0xFFFFF000  }
.LBB2_10:
0x29a: {  	s1 =	sshra.s32 s29, $0x2  }
0x29b: {  	v0 =	vld [tilespmem:s1+$0x6F00]  }
0x29c: {  	v1 =	vld [tilespmem:s1+$0x7F00]  }
0x29d: {  	v2 =	vld [tilespmem:s1+$0x6F10]  }
0x29e: {  	v3 =	vld [tilespmem:s1+$0x7F10]  }
0x29f: {  	v4 =	vld [tilespmem:s1+$0x6F20]  }
0x2a0: {  	v5 =	vld [tilespmem:s1+$0x7F20]  }
0x2a1: {  	v6 =	vld [tilespmem:s1+$0x6F30]  }
0x2a2: {  	v7 =	vld [tilespmem:s1+$0x7F30]  }
0x2a3: {  	v8 =	vld [tilespmem:s1+$0x6F40]  }
0x2a4: {  	v9 =	vld [tilespmem:s1+$0x7F40]  }
0x2a5: {  	v10 =	vld [tilespmem:s1+$0x6F50]  }
0x2a6: {  	v11 =	vld [tilespmem:s1+$0x7F50]  }
0x2a7: {  	v12 =	vld [tilespmem:s1+$0x6F60]  }
0x2a8: {  	v13 =	vld [tilespmem:s1+$0x7F60]  }
0x2a9: {  	v14 =	vld [tilespmem:s1+$0x6F70]  }
0x2aa: {  	v49 =	vld [tilespmem:s1+$0x7F70];
	v0 =	vmul.f32 v1, v0;
	v48 =	vmul.f32 v5, v4  }
0x2ab: {  	v2 =	vmul.f32 v3, v2;
	v50 =	vmul.f32 v7, v6  }
0x2ac: {  	v51 =	vmul.f32 v9, v8  }
0x2ad: {  	v52 =	vmul.f32 v11, v10;
	v0 =	vadd.f32 v48, v0;
	v2 =	vadd.f32 v50, v2  }
0x2ae: {  	v54 =	vmul.f32 v13, v12  }
0x2af: {  	v55 =	vmul.f32 v49, v14;
	v0 =	vadd.f32 v51, v0;
	v53 =	vadd.f32 v52, v2;
	_ =	sdelay $0x1  }
0x2b0: {  	v0 =	vadd.f32 v54, v0;
	v1 =	vadd.f32 v55, v53;
	_ =	sdelay $0x1  }
0x2b1: {  	v0 =	vadd.f32 v1, v0;
	_ =	sdelay $0x1  }
0x2b2: {  	[tilespmem:s0+$0xFFFFFF90] =	vst v0  }
0x2b3: {  	v0 =	vld [tilespmem:s1+$0x6F80]  }
0x2b4: {  	v56 =	vld [tilespmem:s1+$0x7F80]  }
0x2b5: {  	v57 =	vld [tilespmem:s1+$0x6F90]  }
0x2b6: {  	v58 =	vld [tilespmem:s1+$0x7F90]  }
0x2b7: {  	v59 =	vld [tilespmem:s1+$0x6FA0]  }
0x2b8: {  	v60 =	vld [tilespmem:s1+$0x7FA0]  }
0x2b9: {  	v61 =	vld [tilespmem:s1+$0x6FB0]  }
0x2ba: {  	v62 =	vld [tilespmem:s1+$0x7FB0]  }
0x2bb: {  	v63 =	vld [tilespmem:s1+$0x6FC0]  }
0x2bc: {  	v16 =	vld [tilespmem:s1+$0x7FC0]  }
0x2bd: {  	v17 =	vld [tilespmem:s1+$0x6FD0]  }
0x2be: {  	v18 =	vld [tilespmem:s1+$0x7FD0]  }
0x2bf: {  	v19 =	vld [tilespmem:s1+$0x6FE0]  }
0x2c0: {  	v20 =	vld [tilespmem:s1+$0x7FE0]  }
0x2c1: {  	v21 =	vld [tilespmem:s1+$0x6FF0]  }
0x2c2: {  	v23 =	vld [tilespmem:s1+$0x7FF0];
	v0 =	vmul.f32 v56, v0;
	v22 =	vmul.f32 v60, v59  }
0x2c3: {  	v2 =	vmul.f32 v58, v57;
	v24 =	vmul.f32 v62, v61  }
0x2c4: {  	v25 =	vmul.f32 v16, v63  }
0x2c5: {  	v26 =	vmul.f32 v18, v17;
	v0 =	vadd.f32 v22, v0;
	v2 =	vadd.f32 v24, v2  }
0x2c6: {  	v28 =	vmul.f32 v20, v19  }
0x2c7: {  	v29 =	vmul.f32 v23, v21;
	v0 =	vadd.f32 v25, v0;
	v27 =	vadd.f32 v26, v2;
	_ =	sdelay $0x1  }
0x2c8: {  	v0 =	vadd.f32 v28, v0;
	v1 =	vadd.f32 v29, v27;
	_ =	sdelay $0x1  }
0x2c9: {  	v0 =	vadd.f32 v1, v0;
	_ =	sdelay $0x1  }
0x2ca: {  	[tilespmem:s0+$0xFFFFFFA0] =	vst v0  }
0x2cb: {  	v0 =	vld [tilespmem:s1+$0x7000]  }
0x2cc: {  	v30 =	vld [tilespmem:s1+$0x8000]  }
0x2cd: {  	v31 =	vld [tilespmem:s1+$0x7010]  }
0x2ce: {  	v32 =	vld [tilespmem:s1+$0x8010]  }
0x2cf: {  	v33 =	vld [tilespmem:s1+$0x7020]  }
0x2d0: {  	v34 =	vld [tilespmem:s1+$0x8020]  }
0x2d1: {  	v35 =	vld [tilespmem:s1+$0x7030]  }
0x2d2: {  	v36 =	vld [tilespmem:s1+$0x8030]  }
0x2d3: {  	v37 =	vld [tilespmem:s1+$0x7040]  }
0x2d4: {  	v38 =	vld [tilespmem:s1+$0x8040]  }
0x2d5: {  	v39 =	vld [tilespmem:s1+$0x7050]  }
0x2d6: {  	v40 =	vld [tilespmem:s1+$0x8050]  }
0x2d7: {  	v41 =	vld [tilespmem:s1+$0x7060]  }
0x2d8: {  	v42 =	vld [tilespmem:s1+$0x8060]  }
0x2d9: {  	v43 =	vld [tilespmem:s1+$0x7070]  }
0x2da: {  	v45 =	vld [tilespmem:s1+$0x8070];
	v0 =	vmul.f32 v30, v0;
	v44 =	vmul.f32 v34, v33  }
0x2db: {  	v2 =	vmul.f32 v32, v31;
	v46 =	vmul.f32 v36, v35  }
0x2dc: {  	v47 =	vmul.f32 v38, v37  }
0x2dd: {  	v48 =	vmul.f32 v40, v39;
	v0 =	vadd.f32 v44, v0;
	v2 =	vadd.f32 v46, v2  }
0x2de: {  	v50 =	vmul.f32 v42, v41  }
0x2df: {  	v51 =	vmul.f32 v45, v43;
	v0 =	vadd.f32 v47, v0;
	v49 =	vadd.f32 v48, v2;
	_ =	sdelay $0x1  }
0x2e0: {  	v0 =	vadd.f32 v50, v0;
	v1 =	vadd.f32 v51, v49;
	_ =	sdelay $0x1  }
0x2e1: {  	v0 =	vadd.f32 v1, v0;
	_ =	sdelay $0x1  }
0x2e2: {  	[tilespmem:s0+$0xFFFFFFB0] =	vst v0  }
0x2e3: {  	v0 =	vld [tilespmem:s1+$0x7080]  }
0x2e4: {  	v52 =	vld [tilespmem:s1+$0x8080]  }
0x2e5: {  	v53 =	vld [tilespmem:s1+$0x7090]  }
0x2e6: {  	v54 =	vld [tilespmem:s1+$0x8090]  }
0x2e7: {  	v55 =	vld [tilespmem:s1+$0x70A0]  }
0x2e8: {  	v56 =	vld [tilespmem:s1+$0x80A0]  }
0x2e9: {  	v57 =	vld [tilespmem:s1+$0x70B0]  }
0x2ea: {  	v58 =	vld [tilespmem:s1+$0x80B0]  }
0x2eb: {  	v59 =	vld [tilespmem:s1+$0x70C0]  }
0x2ec: {  	v60 =	vld [tilespmem:s1+$0x80C0]  }
0x2ed: {  	v61 =	vld [tilespmem:s1+$0x70D0]  }
0x2ee: {  	v62 =	vld [tilespmem:s1+$0x80D0]  }
0x2ef: {  	v63 =	vld [tilespmem:s1+$0x70E0]  }
0x2f0: {  	v16 =	vld [tilespmem:s1+$0x80E0]  }
0x2f1: {  	v17 =	vld [tilespmem:s1+$0x70F0]  }
0x2f2: {  	v19 =	vld [tilespmem:s1+$0x80F0];
	v0 =	vmul.f32 v52, v0;
	v18 =	vmul.f32 v56, v55  }
0x2f3: {  	v2 =	vmul.f32 v54, v53;
	v20 =	vmul.f32 v58, v57  }
0x2f4: {  	v21 =	vmul.f32 v60, v59  }
0x2f5: {  	v22 =	vmul.f32 v62, v61;
	v0 =	vadd.f32 v18, v0;
	v2 =	vadd.f32 v20, v2  }
0x2f6: {  	v24 =	vmul.f32 v16, v63  }
0x2f7: {  	v25 =	vmul.f32 v19, v17;
	v0 =	vadd.f32 v21, v0;
	v23 =	vadd.f32 v22, v2;
	_ =	sdelay $0x1  }
0x2f8: {  	v0 =	vadd.f32 v24, v0;
	v1 =	vadd.f32 v25, v23;
	_ =	sdelay $0x1  }
0x2f9: {  	v0 =	vadd.f32 v1, v0;
	_ =	sdelay $0x1  }
0x2fa: {  	[tilespmem:s0+$0xFFFFFFC0] =	vst v0  }
0x2fb: {  	v0 =	vld [tilespmem:s1+$0x7100]  }
0x2fc: {  	v26 =	vld [tilespmem:s1+$0x8100]  }
0x2fd: {  	v27 =	vld [tilespmem:s1+$0x7110]  }
0x2fe: {  	v28 =	vld [tilespmem:s1+$0x8110]  }
0x2ff: {  	v29 =	vld [tilespmem:s1+$0x7120]  }
0x300: {  	v30 =	vld [tilespmem:s1+$0x8120]  }
0x301: {  	v31 =	vld [tilespmem:s1+$0x7130]  }
0x302: {  	v32 =	vld [tilespmem:s1+$0x8130]  }
0x303: {  	v33 =	vld [tilespmem:s1+$0x7140]  }
0x304: {  	v34 =	vld [tilespmem:s1+$0x8140]  }
0x305: {  	v35 =	vld [tilespmem:s1+$0x7150]  }
0x306: {  	v36 =	vld [tilespmem:s1+$0x8150]  }
0x307: {  	v37 =	vld [tilespmem:s1+$0x7160]  }
0x308: {  	v38 =	vld [tilespmem:s1+$0x8160]  }
0x309: {  	v39 =	vld [tilespmem:s1+$0x7170]  }
0x30a: {  	v41 =	vld [tilespmem:s1+$0x8170];
	v0 =	vmul.f32 v26, v0;
	v40 =	vmul.f32 v30, v29  }
0x30b: {  	v2 =	vmul.f32 v28, v27;
	v42 =	vmul.f32 v32, v31  }
0x30c: {  	v43 =	vmul.f32 v34, v33  }
0x30d: {  	v44 =	vmul.f32 v36, v35;
	v0 =	vadd.f32 v40, v0;
	v2 =	vadd.f32 v42, v2  }
0x30e: {  	v46 =	vmul.f32 v38, v37  }
0x30f: {  	v47 =	vmul.f32 v41, v39;
	v0 =	vadd.f32 v43, v0;
	v45 =	vadd.f32 v44, v2;
	_ =	sdelay $0x1  }
0x310: {  	v0 =	vadd.f32 v46, v0;
	v1 =	vadd.f32 v47, v45;
	_ =	sdelay $0x1  }
0x311: {  	v0 =	vadd.f32 v1, v0;
	_ =	sdelay $0x1  }
0x312: {  	[tilespmem:s0+$0xFFFFFFD0] =	vst v0  }
0x313: {  	v0 =	vld [tilespmem:s1+$0x7180]  }
0x314: {  	v48 =	vld [tilespmem:s1+$0x8180]  }
0x315: {  	v49 =	vld [tilespmem:s1+$0x7190]  }
0x316: {  	v50 =	vld [tilespmem:s1+$0x8190]  }
0x317: {  	v51 =	vld [tilespmem:s1+$0x71A0]  }
0x318: {  	v52 =	vld [tilespmem:s1+$0x81A0]  }
0x319: {  	v53 =	vld [tilespmem:s1+$0x71B0]  }
0x31a: {  	v54 =	vld [tilespmem:s1+$0x81B0]  }
0x31b: {  	v55 =	vld [tilespmem:s1+$0x71C0]  }
0x31c: {  	v56 =	vld [tilespmem:s1+$0x81C0]  }
0x31d: {  	v57 =	vld [tilespmem:s1+$0x71D0]  }
0x31e: {  	v58 =	vld [tilespmem:s1+$0x81D0]  }
0x31f: {  	v59 =	vld [tilespmem:s1+$0x71E0]  }
0x320: {  	v60 =	vld [tilespmem:s1+$0x81E0]  }
0x321: {  	v61 =	vld [tilespmem:s1+$0x71F0]  }
0x322: {  	v63 =	vld [tilespmem:s1+$0x81F0];
	v0 =	vmul.f32 v48, v0;
	v62 =	vmul.f32 v52, v51  }
0x323: {  	v2 =	vmul.f32 v50, v49;
	v7 =	vmul.f32 v54, v53  }
0x324: {  	v15 =	vmul.f32 v56, v55  }
0x325: {  	v16 =	vmul.f32 v58, v57;
	v0 =	vadd.f32 v62, v0;
	v2 =	vadd.f32 v7, v2  }
0x326: {  	v18 =	vmul.f32 v60, v59  }
0x327: {  	v19 =	vmul.f32 v63, v61;
	v0 =	vadd.f32 v15, v0;
	v17 =	vadd.f32 v16, v2;
	_ =	sdelay $0x1  }
0x328: {  	v0 =	vadd.f32 v18, v0;
	v1 =	vadd.f32 v19, v17;
	_ =	sdelay $0x1  }
0x329: {  	v0 =	vadd.f32 v1, v0;
	_ =	sdelay $0x1  }
0x32a: {  	[tilespmem:s0+$0xFFFFFFE0] =	vst v0  }
0x32b: {  	v0 =	vld [tilespmem:s1+$0x7200]  }
0x32c: {  	v20 =	vld [tilespmem:s1+$0x8200]  }
0x32d: {  	v21 =	vld [tilespmem:s1+$0x7210]  }
0x32e: {  	v22 =	vld [tilespmem:s1+$0x8210]  }
0x32f: {  	v23 =	vld [tilespmem:s1+$0x7220]  }
0x330: {  	v24 =	vld [tilespmem:s1+$0x8220]  }
0x331: {  	v25 =	vld [tilespmem:s1+$0x7230]  }
0x332: {  	v26 =	vld [tilespmem:s1+$0x8230]  }
0x333: {  	v27 =	vld [tilespmem:s1+$0x7240]  }
0x334: {  	v28 =	vld [tilespmem:s1+$0x8240]  }
0x335: {  	v29 =	vld [tilespmem:s1+$0x7250]  }
0x336: {  	v30 =	vld [tilespmem:s1+$0x8250]  }
0x337: {  	v31 =	vld [tilespmem:s1+$0x7260]  }
0x338: {  	v32 =	vld [tilespmem:s1+$0x8260]  }
0x339: {  	v33 =	vld [tilespmem:s1+$0x7270]  }
0x33a: {  	v35 =	vld [tilespmem:s1+$0x8270];
	v0 =	vmul.f32 v20, v0;
	v34 =	vmul.f32 v24, v23  }
0x33b: {  	v2 =	vmul.f32 v22, v21;
	v36 =	vmul.f32 v26, v25  }
0x33c: {  	v37 =	vmul.f32 v28, v27  }
0x33d: {  	v38 =	vmul.f32 v30, v29;
	v0 =	vadd.f32 v34, v0;
	v2 =	vadd.f32 v36, v2  }
0x33e: {  	v40 =	vmul.f32 v32, v31  }
0x33f: {  	v41 =	vmul.f32 v35, v33;
	v0 =	vadd.f32 v37, v0;
	v39 =	vadd.f32 v38, v2;
	_ =	sdelay $0x1  }
0x340: {  	v0 =	vadd.f32 v40, v0;
	v1 =	vadd.f32 v41, v39;
	_ =	sdelay $0x1  }
0x341: {  	v0 =	vadd.f32 v1, v0;
	_ =	sdelay $0x1  }
0x342: {  	[tilespmem:s0+$0xFFFFFFF0] =	vst v0  }
0x343: {  	v0 =	vld [tilespmem:s1+$0x7280]  }
0x344: {  	v42 =	vld [tilespmem:s1+$0x8280]  }
0x345: {  	v43 =	vld [tilespmem:s1+$0x7290]  }
0x346: {  	v44 =	vld [tilespmem:s1+$0x8290]  }
0x347: {  	v45 =	vld [tilespmem:s1+$0x72A0]  }
0x348: {  	v46 =	vld [tilespmem:s1+$0x82A0]  }
0x349: {  	v47 =	vld [tilespmem:s1+$0x72B0]  }
0x34a: {  	v48 =	vld [tilespmem:s1+$0x82B0]  }
0x34b: {  	v49 =	vld [tilespmem:s1+$0x72C0]  }
0x34c: {  	v50 =	vld [tilespmem:s1+$0x82C0]  }
0x34d: {  	v51 =	vld [tilespmem:s1+$0x72D0]  }
0x34e: {  	v52 =	vld [tilespmem:s1+$0x82D0]  }
0x34f: {  	v53 =	vld [tilespmem:s1+$0x72E0]  }
0x350: {  	v54 =	vld [tilespmem:s1+$0x82E0]  }
0x351: {  	v55 =	vld [tilespmem:s1+$0x72F0]  }
0x352: {  	v57 =	vld [tilespmem:s1+$0x82F0];
	v0 =	vmul.f32 v42, v0;
	v56 =	vmul.f32 v46, v45  }
0x353: {  	v2 =	vmul.f32 v44, v43;
	v58 =	vmul.f32 v48, v47  }
0x354: {  	v59 =	vmul.f32 v50, v49  }
0x355: {  	v60 =	vmul.f32 v52, v51;
	v0 =	vadd.f32 v56, v0;
	v2 =	vadd.f32 v58, v2  }
0x356: {  	v62 =	vmul.f32 v54, v53  }
0x357: {  	v63 =	vmul.f32 v57, v55;
	v0 =	vadd.f32 v59, v0;
	v61 =	vadd.f32 v60, v2  }
0x358: {  	p1 =	sne.s32 s29, $0x3000  }
.Ltmp4:
0x359: {  	v0 =	vadd.f32 v62, v0;
	v1 =	vadd.f32 v63, v61;
	(pc) =	sbr.rel @p1 .LBB2_10-.Ltmp4, $3  }
0x35a: {  	_ = 	snop  }
0x35b: {  	v0 =	vadd.f32 v1, v0;
	_ =	sdelay $0x1  }
0x35c: {  	s29 =	sadd.s32 $0x1000, s29;
	[tilespmem:s0+$0x0] =	vst v0;
	s0 =	sadd.s32 $0x80, s0  }
0x35d: {  	s28 =	sadd.s32 $0x1, s28  }
0x35e: {  	p1 =	sne.s32 s28, s12  }
.Ltmp5:
0x35f: {  	_ = 	snop;
	(pc) =	sbr.rel @p1 .LBB2_1-.Ltmp5, $4  }
0x360: {  	[hbm4b:s11+s3] =	stream.linear.scatter [tilespmem:s24], [sflag:$0x3], $0x400, $0x38;
	[tilespmem:$0x1CBC0] =	vst v63  }
0x361: {  	_ =	swait.ge [sflag:s14], $0x400  }
0x362: {  	[sflag:s14] =	ssyncset.done $0x0  }
0x363: {  	[sflag:s14] =	ssyncadd.s32 $0xFFFFFC00  }
0x364: {  	_ =	sfence.sel $0x180000  }
0x365: {  	[bflag:$0x0] =	sbarrier.arrive $0xFFFF  }
0x366: {  	_ =	strace $0x90000050  }
0x367: {  	s0 =	stileid.u32;
	[bflag:$0x2] =	sbarrier.arrive $0xFFFF  }
0x368: {  	p0 =	sne.s32 s0, $0x0;
	s0 =	rddreg [dreg:$0x2]  }
0x369: {  	s0 =	sadd.s32 @!p0 $0x100000, s0  }
0x36a: {  	[sflag:s0] =	ssyncadd.tile.s32 @!p0 $0x1;
	_ =	shalt  }
.Lfunc_end2:
_tile_overlayer_lowered:
.L_overlay_start_2:
0x36b: {  	(tag) =	ssettag $0x2  }
0x36c: {  	s0 =	rddreg [dreg:$0x0];
	s2 =	stileid.u32  }
0x36d: {  	s1 =	rddreg [dreg:$0x1];
	p0 =	sne.s32 s2, $0x0  }
0x36e: {  	s3 =	rddreg [dreg:$0x2];
	[bflag:$0x3] =	sbarrier.arrive $0xFFFF;
	s2 =	simm.s32 @!p0 $0x1C03  }
0x36f: {  	[timem:s3], [sflag:s2] =	dma.local @!p0 [hbm:s0], s1  }
0x370: {  	s0 =	simm.s32 @!p0 $0x3  }
0x371: {  	_ =	swait.ge @!p0 [sflag:s0], s1  }
0x372: {  	s1 =	ssub.s32 @!p0 $0x0, s1;
	[sflag:s0] =	ssyncset.done @!p0 $0x0  }
0x373: {  	[sflag:s0] =	ssyncadd.s32 @!p0 s1  }
0x374: {  	[bflag:$0x3] =	sbarrier.arrive $0xFFFF  }
0x375: {  	_ =	shalt  }

</sc_bundles>
